<compile_context>
chip_gen: v7x
topology: tpu7x:2x2x1
jax: 0.10.2.dev20260603
libtpu: 0.0.44.dev20260713+nightly
codegen_flags: <defaults>
</compile_context>

<pallas_src>
import functools

import jax
import jax.numpy as jnp
from jax import lax
from jax.experimental import pallas as pl
from jax.experimental.pallas import tpu as pltpu
from jax.experimental.pallas import tpu_sc as plsc

B = 4
H = 224
W = 224
D = 256
NUM_CLASSES = 1000
NUM_STEPS = 1000

HWPROD = H * W
ROWS_PER_PLANE = HWPROD // D
HCHUNK = ROWS_PER_PLANE // 2
IDXP = 112
HH = H // 2
NLANES = 16
WND = 8

_SC_INFO = plsc.get_sparse_core_info()
NW = _SC_INFO.num_cores * _SC_INFO.num_subcores
NPLANES = B * D
PPW = NPLANES // NW
CPW = 2 * PPW


def _cond2d_body(ts_ref, cl_ref, tt_ref, wp_ref, bp_ref, ct_ref, out_ref):
    t_rows = jnp.concatenate(
        [tt_ref[pl.ds(ts_ref[b], 1), :] for b in range(B)], axis=0)
    c_rows = jnp.concatenate(
        [ct_ref[pl.ds(cl_ref[b], 1), :] for b in range(B)], axis=0)
    t_emb = jnp.dot(t_rows, wp_ref[...], preferred_element_type=jnp.float32)
    out_ref[...] = t_emb + bp_ref[...] + c_rows


def _cond2d(time_step, class_label, time_table, W_proj, b_proj, class_table):
    return pl.pallas_call(
        _cond2d_body,
        out_shape=jax.ShapeDtypeStruct((B, D), jnp.float32),
        in_specs=[
            pl.BlockSpec(memory_space=pltpu.SMEM),
            pl.BlockSpec(memory_space=pltpu.SMEM),
            pl.BlockSpec(memory_space=pltpu.VMEM),
            pl.BlockSpec(memory_space=pltpu.VMEM),
            pl.BlockSpec(memory_space=pltpu.VMEM),
            pl.BlockSpec(memory_space=pltpu.VMEM),
        ],
    )(time_step, class_label, time_table, W_proj,
      b_proj.reshape(1, D), class_table)


def _sc_body(table_hbm, idx_hbm, scal_hbm, out_hbm, idx_v, scal_v,
             gb0, gb1, am0, am1, gsem0, gsem1, ssem0, ssem1):
    wid = lax.axis_index("s") * _SC_INFO.num_cores + lax.axis_index("c")
    pltpu.sync_copy(idx_hbm.at[pl.ds(wid * CPW, CPW)], idx_v)
    pltpu.sync_copy(scal_hbm.at[pl.ds(wid * PPW, PPW)], scal_v)
    gbufs = (gb0, gb1)
    ams = (am0, am1)
    gsems = (gsem0, gsem1)
    ssems = (ssem0, ssem1)

    pltpu.async_copy(table_hbm.at[idx_v.at[0]], gb0, gsem0)

    def pair_body(jj, carry):
        g = wid * PPW + jj
        b = g >> 8
        d = g & (D - 1)
        svec = scal_v[jj]
        for par in (0, 1):
            j = 2 * jj + par
            gb = gbufs[par]
            am = ams[par]
            pltpu.make_async_copy(table_hbm.at[idx_v.at[j]], gb,
                                  gsems[par]).wait()

            @pl.when(j + 1 < CPW)
            def _():
                pltpu.async_copy(table_hbm.at[idx_v.at[j + 1]],
                                 gbufs[1 - par], gsems[1 - par])

            @pl.when(jj > 0)
            def _():
                pltpu.make_async_copy(
                    out_hbm.at[0, 0, pl.ds(0, HH)], am, ssems[par]).wait()

            def block_body(bh, c2):
                r0 = 7 * bh
                h0 = 8 * bh
                vals = {}
                for k in range(112 + WND):
                    if k < 112:
                        vals[k] = gb[r0 + k // 16,
                                     pl.ds((16 * k) % D, NLANES)]
                    kk = k - WND
                    if kk >= 0:
                        am[h0 + kk // 14, pl.ds((16 * kk) % W, NLANES)] = (
                            vals.pop(kk) + svec)
                return c2

            lax.fori_loop(0, HH // 8, block_body, 0)
            pltpu.async_copy(am, out_hbm.at[b, d, pl.ds(par * HH, HH)],
                             ssems[par])
        return carry

    lax.fori_loop(0, PPW, pair_body, 0)
    pltpu.make_async_copy(out_hbm.at[0, 0, pl.ds(0, HH)], am0, ssem0).wait()
    pltpu.make_async_copy(out_hbm.at[0, 0, pl.ds(0, HH)], am1, ssem1).wait()


@functools.partial(
    pl.kernel,
    mesh=plsc.VectorSubcoreMesh(core_axis_name="c", subcore_axis_name="s"),
    out_type=jax.ShapeDtypeStruct((B, D, H, W), jnp.float32),
    scratch_types=[
        pltpu.VMEM((CPW, IDXP), jnp.int32),
        pltpu.VMEM((PPW, NLANES), jnp.float32),
        pltpu.VMEM((IDXP, D), jnp.float32),
        pltpu.VMEM((IDXP, D), jnp.float32),
        pltpu.VMEM((HH, W), jnp.float32),
        pltpu.VMEM((HH, W), jnp.float32),
        pltpu.SemaphoreType.DMA,
        pltpu.SemaphoreType.DMA,
        pltpu.SemaphoreType.DMA,
        pltpu.SemaphoreType.DMA,
    ],
)
def _sc_gather_add(table_hbm, idx_hbm, scal_hbm, out_hbm, idx_v, scal_v,
                   gb0, gb1, am0, am1, gsem0, gsem1, ssem0, ssem1):
    _sc_body(table_hbm, idx_hbm, scal_hbm, out_hbm, idx_v, scal_v,
             gb0, gb1, am0, am1, gsem0, gsem1, ssem0, ssem1)


def kernel(time_step, class_label, cond_3d, time_table, W_proj, b_proj,
           class_table):
    cond2d = _cond2d(time_step, class_label, time_table, W_proj, b_proj,
                     class_table)
    scal = jnp.broadcast_to(
        cond2d.reshape(B * D, 1), (B * D, NLANES))
    flat2 = cond_3d.reshape(2 * B * D, HCHUNK)
    idx = jnp.concatenate(
        [flat2, flat2[:, :IDXP - HCHUNK]], axis=1)
    return _sc_gather_add(class_table, idx, scal)

# --- scband reference (transcript-rebuilt; emitter-appended) ---
"""Pipeline reference for scband-conditions-processor-25718264168826 (READ-ONLY COPY).

The authoritative reference and input builder live on the scoring server;
editing this copy changes nothing except your own understanding.
"""

import jax, jax.numpy as jnp
import numpy as np

B = 4
H = 224
W = 224
D = 256
NUM_CLASSES = 1000
NUM_STEPS = 1000


def setup_inputs(seed: int = 0) -> dict:
    key = jax.random.key(seed)
    k1, k2, k3, k4, k5, k6 = jax.random.split(key, 6)
    time_step = jax.random.randint(k1, (B,), 0, NUM_STEPS, dtype=jnp.int32)
    class_label = jax.random.randint(k2, (B,), 0, NUM_CLASSES, dtype=jnp.int32)
    cond_3d = jax.random.randint(k3, (B, H, W), 0, NUM_CLASSES, dtype=jnp.int32)
    # learned params
    time_table = jax.random.normal(k4, (NUM_STEPS, D), dtype=jnp.float32) * 0.02
    W_proj = jax.random.normal(k5, (D, D), dtype=jnp.float32) * (1.0 / np.sqrt(D))
    b_proj = jnp.zeros((D,), dtype=jnp.float32)
    class_table = jax.random.normal(k6, (NUM_CLASSES, D), dtype=jnp.float32) * 0.02
    return {
        "time_step": time_step,
        "class_label": class_label,
        "cond_3d": cond_3d,
        "time_table": time_table,
        "W_proj": W_proj,
        "b_proj": b_proj,
        "class_table": class_table,
    }


def reference(time_step, class_label, cond_3d, time_table, W_proj, b_proj, class_table):
    # process_all path: class_embedding provided and condition_3d_shape provided,
    # condition_3d_label_map=True
    # embedding_encoding: nn.Embedding lookup on time_step
    t_emb = jnp.take(time_table, time_step, axis=0)  # [B, D]
    # embedding_2d_projection: Linear
    t_emb = t_emb @ W_proj + b_proj  # [B, D]
    # class_embedding on class label
    cls_emb = jnp.take(class_table, class_label, axis=0)  # [B, D]
    cond_2d_emb = t_emb + cls_emb  # [B, D]
    # _process_label_map: embed label map then RAW reshape (matches torch .reshape)
    bs, h, w = cond_3d.shape
    flat = cond_3d.reshape(bs, -1)  # [B, H*W]
    lm_emb = jnp.take(class_table, flat, axis=0)  # [B, H*W, D]
    cond_3d_emb = lm_emb.reshape(bs, D, h, w)  # faithful raw reshape, NOT transpose
    # broadcast-add time/class embedding over spatial dims (repeat in torch)
    out = cond_2d_emb[:, :, None, None] + cond_3d_emb  # [B, D, H, W]
    return out

if __name__ == "__main__":
    import jax
    _d = setup_inputs()
    print(jax.jit(kernel)(*tuple(_d.values())))

</pallas_src>

<mosaic_0001>
#map = affine_map<(d0, d1) -> (0, 0)>
#map1 = affine_map<(d0, d1) -> (0, 0, 0, 0)>
module attributes {stable_mosaic.version = 14 : i64} {
  func.func @_sc_gather_add(%arg0: i32, %arg1: i32, %arg2: memref<1000x256xf32, #tpu.memory_space<hbm>>, %arg3: memref<2048x112xi32, #tpu.memory_space<hbm>>, %arg4: memref<1024x16xf32, #tpu.memory_space<hbm>>, %arg5: memref<4x256x224x224xf32, #tpu.memory_space<hbm>>, %arg6: memref<64x112xi32, #tpu.memory_space<vmem>>, %arg7: memref<32x16xf32, #tpu.memory_space<vmem>>, %arg8: memref<112x256xf32, #tpu.memory_space<vmem>>, %arg9: memref<112x256xf32, #tpu.memory_space<vmem>>, %arg10: memref<112x224xf32, #tpu.memory_space<vmem>>, %arg11: memref<112x224xf32, #tpu.memory_space<vmem>>, %arg12: memref<!tpu.dma_semaphore, #tpu.memory_space<semaphore_mem>>, %arg13: memref<!tpu.dma_semaphore, #tpu.memory_space<semaphore_mem>>, %arg14: memref<!tpu.dma_semaphore, #tpu.memory_space<semaphore_mem>>, %arg15: memref<!tpu.dma_semaphore, #tpu.memory_space<semaphore_mem>>) attributes {dimension_semantics = [#tpu.dimension_semantics<core_parallel>, #tpu.dimension_semantics<subcore_parallel>], iteration_bounds = array<i64: 2, 16>, scalar_prefetch = 0 : i64, scratch_operands = 10 : i64, tpu.core_type = #tpu.core_type<sc_vector_subcore>, window_params = [{transform_indices = #map}, {transform_indices = #map}, {transform_indices = #map}, {transform_indices = #map1}]} {
    %mul3A = arith.constant 2 : i32
    %mul3A_0 = arith.muli %arg1, %mul3A : i32
    %add3A = arith.addi %mul3A_0, %arg0 : i32
    %mul3A_1 = arith.constant 64 : i32
    %mul3A_2 = arith.muli %add3A, %mul3A_1 : i32
    "tpu.region"() ({
      %run_scoped3A = tpu.sem_alloc : memref<!tpu.dma_semaphore, #tpu.memory_space<semaphore_mem>>
      %dma_start3A_35 = arith.constant 0 : i32
      %dma_start3A_36 = tpu.memref_slice %arg3[%mul3A_2, %dma_start3A_35] : memref<2048x112xi32, #tpu.memory_space<hbm>> -> memref<64x112xi32, #tpu.memory_space<hbm>>
      %dma_start3A_37 = arith.constant 0 : i32
      %dma_start3A_38 = tpu.memref_slice %arg3[%mul3A_2, %dma_start3A_37] : memref<2048x112xi32, #tpu.memory_space<hbm>> -> memref<64x112xi32, #tpu.memory_space<hbm>>
      tpu.enqueue_dma source(%dma_start3A_38 : memref<64x112xi32, #tpu.memory_space<hbm>>) target(%arg6 : memref<64x112xi32, #tpu.memory_space<vmem>>) target_semaphore(%run_scoped3A : memref<!tpu.dma_semaphore, #tpu.memory_space<semaphore_mem>>)
      %dma_wait3A_39 = arith.constant 0 : i32
      %dma_wait3A_40 = tpu.memref_slice %arg3[%mul3A_2, %dma_wait3A_39] : memref<2048x112xi32, #tpu.memory_space<hbm>> -> memref<64x112xi32, #tpu.memory_space<hbm>>
      %dma_wait3A_41 = arith.constant 0 : i32
      %dma_wait3A_42 = tpu.memref_slice %arg3[%mul3A_2, %dma_wait3A_41] : memref<2048x112xi32, #tpu.memory_space<hbm>> -> memref<64x112xi32, #tpu.memory_space<hbm>>
      tpu.wait_dma2 semaphore(%run_scoped3A : memref<!tpu.dma_semaphore, #tpu.memory_space<semaphore_mem>>) src(%dma_wait3A_42 : memref<64x112xi32, #tpu.memory_space<hbm>>) dst(%arg6 : memref<64x112xi32, #tpu.memory_space<vmem>>)
      tpu.yield
    }) : () -> ()
    %mul3A_3 = arith.constant 32 : i32
    %mul3A_4 = arith.muli %add3A, %mul3A_3 : i32
    "tpu.region"() ({
      %run_scoped3A = tpu.sem_alloc : memref<!tpu.dma_semaphore, #tpu.memory_space<semaphore_mem>>
      %dma_start3A_35 = arith.constant 0 : i32
      %dma_start3A_36 = tpu.memref_slice %arg4[%mul3A_4, %dma_start3A_35] : memref<1024x16xf32, #tpu.memory_space<hbm>> -> memref<32x16xf32, #tpu.memory_space<hbm>>
      %dma_start3A_37 = arith.constant 0 : i32
      %dma_start3A_38 = tpu.memref_slice %arg4[%mul3A_4, %dma_start3A_37] : memref<1024x16xf32, #tpu.memory_space<hbm>> -> memref<32x16xf32, #tpu.memory_space<hbm>>
      tpu.enqueue_dma source(%dma_start3A_38 : memref<32x16xf32, #tpu.memory_space<hbm>>) target(%arg7 : memref<32x16xf32, #tpu.memory_space<vmem>>) target_semaphore(%run_scoped3A : memref<!tpu.dma_semaphore, #tpu.memory_space<semaphore_mem>>)
      %dma_wait3A_39 = arith.constant 0 : i32
      %dma_wait3A_40 = tpu.memref_slice %arg4[%mul3A_4, %dma_wait3A_39] : memref<1024x16xf32, #tpu.memory_space<hbm>> -> memref<32x16xf32, #tpu.memory_space<hbm>>
      %dma_wait3A_41 = arith.constant 0 : i32
      %dma_wait3A_42 = tpu.memref_slice %arg4[%mul3A_4, %dma_wait3A_41] : memref<1024x16xf32, #tpu.memory_space<hbm>> -> memref<32x16xf32, #tpu.memory_space<hbm>>
      tpu.wait_dma2 semaphore(%run_scoped3A : memref<!tpu.dma_semaphore, #tpu.memory_space<semaphore_mem>>) src(%dma_wait3A_42 : memref<32x16xf32, #tpu.memory_space<hbm>>) dst(%arg7 : memref<32x16xf32, #tpu.memory_space<vmem>>)
      tpu.yield
    }) : () -> ()
    %dma_start3A = arith.constant 0 : i32
    %dma_start3A_5 = arith.constant 0 : i32
    %dma_start3A_6 = tpu.memref_slice %arg6[%dma_start3A, %dma_start3A_5] : memref<64x112xi32, #tpu.memory_space<vmem>> -> memref<1x112xi32, #tpu.memory_space<vmem>>
    %dma_start3A_7 = tpu.memref_squeeze %dma_start3A_6 : memref<1x112xi32, #tpu.memory_space<vmem>> -> memref<112xi32, #tpu.memory_space<vmem>>
    %dma_start3A_8 = arith.constant 0 : i32
    %dma_start3A_9 = arith.constant 0 : i32
    %dma_start3A_10 = tpu.memref_slice %arg2[%dma_start3A_8, %dma_start3A_9] : memref<1000x256xf32, #tpu.memory_space<hbm>> -> memref<1000x256xf32, #tpu.memory_space<hbm>>
    tpu.enqueue_indirect_dma source(%dma_start3A_10 : memref<1000x256xf32, #tpu.memory_space<hbm>>) target(%arg8 : memref<112x256xf32, #tpu.memory_space<vmem>>) offsets(%dma_start3A_7 : memref<112xi32, #tpu.memory_space<vmem>>) semaphore(%arg12 : memref<!tpu.dma_semaphore, #tpu.memory_space<semaphore_mem>>)
    %scan3A = arith.constant 0 : i32
    %scan3A_11 = arith.constant 0 : i32
    %scan3A_12 = arith.constant 32 : i32
    %scan3A_13 = arith.addi %scan3A_11, %scan3A_12 : i32
    %scan3A_14 = arith.constant 1 : i32
    scf.for %scan3A_35 = %scan3A_11 to %scan3A_13 step %scan3A_14  : i32 {
      %mul3A_36 = arith.constant 32 : i32
      %mul3A_37 = arith.muli %add3A, %mul3A_36 : i32
      %add3A_38 = arith.addi %mul3A_37, %scan3A_35 : i32
      %shift_right_arithmetic3A = arith.constant 8 : i32
      %shift_right_arithmetic3A_39 = arith.shrsi %add3A_38, %shift_right_arithmetic3A : i32
      %and3A = arith.constant 255 : i32
      %and3A_40 = arith.andi %add3A_38, %and3A : i32
      %get3A = arith.index_cast %scan3A_35 : i32 to index
      %get3A_41 = arith.constant 0 : index
      %get3A_42 = tpu.vector_load %arg7[%get3A, %get3A_41] {strides = array<i32>} : memref<32x16xf32, #tpu.memory_space<vmem>>, vector<1x16xf32>,
      %get3A_43 = vector.shape_cast %get3A_42 : vector<1x16xf32> to vector<16xf32>
      %mul3A_44 = arith.constant 2 : i32
      %mul3A_45 = arith.muli %mul3A_44, %scan3A_35 : i32
      %add3A_46 = arith.constant 0 : i32
      %add3A_47 = arith.addi %mul3A_45, %add3A_46 : i32
      %dma_wait3A_48 = arith.constant 0 : i32
      %dma_wait3A_49 = tpu.memref_slice %arg6[%add3A_47, %dma_wait3A_48] : memref<64x112xi32, #tpu.memory_space<vmem>> -> memref<1x112xi32, #tpu.memory_space<vmem>>
      %dma_wait3A_50 = tpu.memref_squeeze %dma_wait3A_49 : memref<1x112xi32, #tpu.memory_space<vmem>> -> memref<112xi32, #tpu.memory_space<vmem>>
      %dma_wait3A_51 = arith.constant 0 : i32
      %dma_wait3A_52 = arith.constant 0 : i32
      %dma_wait3A_53 = tpu.memref_slice %arg2[%dma_wait3A_51, %dma_wait3A_52] : memref<1000x256xf32, #tpu.memory_space<hbm>> -> memref<1000x256xf32, #tpu.memory_space<hbm>>
      tpu.wait_indirect_dma semaphore(%arg12 : memref<!tpu.dma_semaphore, #tpu.memory_space<semaphore_mem>>) src(%dma_wait3A_53 : memref<1000x256xf32, #tpu.memory_space<hbm>>) dst(%arg8 : memref<112x256xf32, #tpu.memory_space<vmem>>)
      %add3A_54 = arith.constant 1 : i32
      %add3A_55 = arith.addi %add3A_47, %add3A_54 : i32
      %lt3A = arith.constant 64 : i32
      %lt3A_56 = arith.cmpi slt, %add3A_55, %lt3A : i32
      %convert_element_type3A = arith.extui %lt3A_56 : i1 to i32
      %cond3A = arith.constant 0 : i32
      %cond3A_57 = arith.cmpi ne, %convert_element_type3A, %cond3A : i32
      scf.if %cond3A_57 {
        %add3A_112 = arith.constant 1 : i32
        %add3A_113 = arith.addi %add3A_47, %add3A_112 : i32
        %dma_start3A_114 = arith.constant 0 : i32
        %dma_start3A_115 = tpu.memref_slice %arg6[%add3A_113, %dma_start3A_114] : memref<64x112xi32, #tpu.memory_space<vmem>> -> memref<1x112xi32, #tpu.memory_space<vmem>>
        %dma_start3A_116 = tpu.memref_squeeze %dma_start3A_115 : memref<1x112xi32, #tpu.memory_space<vmem>> -> memref<112xi32, #tpu.memory_space<vmem>>
        %dma_start3A_117 = arith.constant 0 : i32
        %dma_start3A_118 = arith.constant 0 : i32
        %dma_start3A_119 = tpu.memref_slice %arg2[%dma_start3A_117, %dma_start3A_118] : memref<1000x256xf32, #tpu.memory_space<hbm>> -> memref<1000x256xf32, #tpu.memory_space<hbm>>
        tpu.enqueue_indirect_dma source(%dma_start3A_119 : memref<1000x256xf32, #tpu.memory_space<hbm>>) target(%arg9 : memref<112x256xf32, #tpu.memory_space<vmem>>) offsets(%dma_start3A_116 : memref<112xi32, #tpu.memory_space<vmem>>) semaphore(%arg13 : memref<!tpu.dma_semaphore, #tpu.memory_space<semaphore_mem>>)
      } else {
      }
      %gt3A = arith.constant 0 : i32
      %gt3A_58 = arith.cmpi sgt, %scan3A_35, %gt3A : i32
      %convert_element_type3A_59 = arith.extui %gt3A_58 : i1 to i32
      %cond3A_60 = arith.constant 0 : i32
      %cond3A_61 = arith.cmpi ne, %convert_element_type3A_59, %cond3A_60 : i32
      scf.if %cond3A_61 {
        %dma_wait3A_112 = arith.constant 0 : i32
        %dma_wait3A_113 = arith.constant 0 : i32
        %dma_wait3A_114 = arith.constant 0 : i32
        %dma_wait3A_115 = arith.constant 0 : i32
        %dma_wait3A_116 = tpu.memref_slice %arg5[%dma_wait3A_112, %dma_wait3A_113, %dma_wait3A_114, %dma_wait3A_115] : memref<4x256x224x224xf32, #tpu.memory_space<hbm>> -> memref<1x1x112x224xf32, #tpu.memory_space<hbm>>
        %dma_wait3A_117 = tpu.memref_squeeze %dma_wait3A_116 : memref<1x1x112x224xf32, #tpu.memory_space<hbm>> -> memref<112x224xf32, #tpu.memory_space<hbm>>
        %dma_wait3A_118 = arith.constant 0 : i32
        %dma_wait3A_119 = arith.constant 0 : i32
        %dma_wait3A_120 = tpu.memref_slice %arg5[%dma_wait3A_112, %dma_wait3A_113, %dma_wait3A_118, %dma_wait3A_119] : memref<4x256x224x224xf32, #tpu.memory_space<hbm>> -> memref<1x1x112x224xf32, #tpu.memory_space<hbm>>
        %dma_wait3A_121 = tpu.memref_squeeze %dma_wait3A_120 : memref<1x1x112x224xf32, #tpu.memory_space<hbm>> -> memref<112x224xf32, #tpu.memory_space<hbm>>
        tpu.wait_dma2 semaphore(%arg14 : memref<!tpu.dma_semaphore, #tpu.memory_space<semaphore_mem>>) src(%dma_wait3A_121 : memref<112x224xf32, #tpu.memory_space<hbm>>) dst(%arg10 : memref<112x224xf32, #tpu.memory_space<vmem>>)
      } else {
      }
      %scan3A_62 = arith.constant 0 : i32
      %scan3A_63 = arith.constant 0 : i32
      %scan3A_64 = arith.constant 14 : i32
      %scan3A_65 = arith.addi %scan3A_63, %scan3A_64 : i32
      %scan3A_66 = arith.constant 1 : i32
      scf.for %scan3A_112 = %scan3A_63 to %scan3A_65 step %scan3A_66  : i32 {
        %mul3A_113 = arith.constant 7 : i32
        %mul3A_114 = arith.muli %mul3A_113, %scan3A_112 : i32
        %mul3A_115 = arith.constant 8 : i32
        %mul3A_116 = arith.muli %mul3A_115, %scan3A_112 : i32
        %add3A_117 = arith.constant 0 : i32
        %add3A_118 = arith.addi %mul3A_114, %add3A_117 : i32
        %get3A_119 = arith.index_cast %add3A_118 : i32 to index
        %get3A_120 = arith.constant 0 : index
        %get3A_121 = tpu.vector_load %arg8[%get3A_119, %get3A_120] {strides = array<i32>} : memref<112x256xf32, #tpu.memory_space<vmem>>, vector<1x16xf32>,
        %get3A_122 = vector.shape_cast %get3A_121 : vector<1x16xf32> to vector<16xf32>
        %add3A_123 = arith.constant 0 : i32
        %add3A_124 = arith.addi %mul3A_114, %add3A_123 : i32
        %get3A_125 = arith.index_cast %add3A_124 : i32 to index
        %get3A_126 = arith.constant 16 : index
        %get3A_127 = tpu.vector_load %arg8[%get3A_125, %get3A_126] {strides = array<i32>} : memref<112x256xf32, #tpu.memory_space<vmem>>, vector<1x16xf32>,
        %get3A_128 = vector.shape_cast %get3A_127 : vector<1x16xf32> to vector<16xf32>
        %add3A_129 = arith.constant 0 : i32
        %add3A_130 = arith.addi %mul3A_114, %add3A_129 : i32
        %get3A_131 = arith.index_cast %add3A_130 : i32 to index
        %get3A_132 = arith.constant 32 : index
        %get3A_133 = tpu.vector_load %arg8[%get3A_131, %get3A_132] {strides = array<i32>} : memref<112x256xf32, #tpu.memory_space<vmem>>, vector<1x16xf32>,
        %get3A_134 = vector.shape_cast %get3A_133 : vector<1x16xf32> to vector<16xf32>
        %add3A_135 = arith.constant 0 : i32
        %add3A_136 = arith.addi %mul3A_114, %add3A_135 : i32
        %get3A_137 = arith.index_cast %add3A_136 : i32 to index
        %get3A_138 = arith.constant 48 : index
        %get3A_139 = tpu.vector_load %arg8[%get3A_137, %get3A_138] {strides = array<i32>} : memref<112x256xf32, #tpu.memory_space<vmem>>, vector<1x16xf32>,
        %get3A_140 = vector.shape_cast %get3A_139 : vector<1x16xf32> to vector<16xf32>
        %add3A_141 = arith.constant 0 : i32
        %add3A_142 = arith.addi %mul3A_114, %add3A_141 : i32
        %get3A_143 = arith.index_cast %add3A_142 : i32 to index
        %get3A_144 = arith.constant 64 : index
        %get3A_145 = tpu.vector_load %arg8[%get3A_143, %get3A_144] {strides = array<i32>} : memref<112x256xf32, #tpu.memory_space<vmem>>, vector<1x16xf32>,
        %get3A_146 = vector.shape_cast %get3A_145 : vector<1x16xf32> to vector<16xf32>
        %add3A_147 = arith.constant 0 : i32
        %add3A_148 = arith.addi %mul3A_114, %add3A_147 : i32
        %get3A_149 = arith.index_cast %add3A_148 : i32 to index
        %get3A_150 = arith.constant 80 : index
        %get3A_151 = tpu.vector_load %arg8[%get3A_149, %get3A_150] {strides = array<i32>} : memref<112x256xf32, #tpu.memory_space<vmem>>, vector<1x16xf32>,
        %get3A_152 = vector.shape_cast %get3A_151 : vector<1x16xf32> to vector<16xf32>
        %add3A_153 = arith.constant 0 : i32
        %add3A_154 = arith.addi %mul3A_114, %add3A_153 : i32
        %get3A_155 = arith.index_cast %add3A_154 : i32 to index
        %get3A_156 = arith.constant 96 : index
        %get3A_157 = tpu.vector_load %arg8[%get3A_155, %get3A_156] {strides = array<i32>} : memref<112x256xf32, #tpu.memory_space<vmem>>, vector<1x16xf32>,
        %get3A_158 = vector.shape_cast %get3A_157 : vector<1x16xf32> to vector<16xf32>
        %add3A_159 = arith.constant 0 : i32
        %add3A_160 = arith.addi %mul3A_114, %add3A_159 : i32
        %get3A_161 = arith.index_cast %add3A_160 : i32 to index
        %get3A_162 = arith.constant 112 : index
        %get3A_163 = tpu.vector_load %arg8[%get3A_161, %get3A_162] {strides = array<i32>} : memref<112x256xf32, #tpu.memory_space<vmem>>, vector<1x16xf32>,
        %get3A_164 = vector.shape_cast %get3A_163 : vector<1x16xf32> to vector<16xf32>
        %add3A_165 = arith.constant 0 : i32
        %add3A_166 = arith.addi %mul3A_114, %add3A_165 : i32
        %get3A_167 = arith.index_cast %add3A_166 : i32 to index
        %get3A_168 = arith.constant 128 : index
        %get3A_169 = tpu.vector_load %arg8[%get3A_167, %get3A_168] {strides = array<i32>} : memref<112x256xf32, #tpu.memory_space<vmem>>, vector<1x16xf32>,
        %get3A_170 = vector.shape_cast %get3A_169 : vector<1x16xf32> to vector<16xf32>
        %add3A_171 = arith.addf %get3A_122, %get3A_43 : vector<16xf32>
        %add3A_172 = arith.constant 0 : i32
        %add3A_173 = arith.addi %mul3A_116, %add3A_172 : i32
        %swap3A = arith.index_cast %add3A_173 : i32 to index
        %swap3A_174 = arith.constant 0 : index
        %swap3A_175 = tpu.vector_load %arg10[%swap3A, %swap3A_174] {strides = array<i32>} : memref<112x224xf32, #tpu.memory_space<vmem>>, vector<1x16xf32>,
        %swap3A_176 = vector.shape_cast %swap3A_175 : vector<1x16xf32> to vector<16xf32>
        %swap3A_177 = vector.shape_cast %add3A_171 : vector<16xf32> to vector<1x16xf32>
        tpu.vector_store %arg10[%swap3A, %swap3A_174], %swap3A_177 {strides = array<i32>} : memref<112x224xf32, #tpu.memory_space<vmem>>, vector<1x16xf32>,
        %add3A_178 = arith.constant 0 : i32
        %add3A_179 = arith.addi %mul3A_114, %add3A_178 : i32
        %get3A_180 = arith.index_cast %add3A_179 : i32 to index
        %get3A_181 = arith.constant 144 : index
        %get3A_182 = tpu.vector_load %arg8[%get3A_180, %get3A_181] {strides = array<i32>} : memref<112x256xf32, #tpu.memory_space<vmem>>, vector<1x16xf32>,
        %get3A_183 = vector.shape_cast %get3A_182 : vector<1x16xf32> to vector<16xf32>
        %add3A_184 = arith.addf %get3A_128, %get3A_43 : vector<16xf32>
        %add3A_185 = arith.constant 0 : i32
        %add3A_186 = arith.addi %mul3A_116, %add3A_185 : i32
        %swap3A_187 = arith.index_cast %add3A_186 : i32 to index
        %swap3A_188 = arith.constant 16 : index
        %swap3A_189 = tpu.vector_load %arg10[%swap3A_187, %swap3A_188] {strides = array<i32>} : memref<112x224xf32, #tpu.memory_space<vmem>>, vector<1x16xf32>,
        %swap3A_190 = vector.shape_cast %swap3A_189 : vector<1x16xf32> to vector<16xf32>
        %swap3A_191 = vector.shape_cast %add3A_184 : vector<16xf32> to vector<1x16xf32>
        tpu.vector_store %arg10[%swap3A_187, %swap3A_188], %swap3A_191 {strides = array<i32>} : memref<112x224xf32, #tpu.memory_space<vmem>>, vector<1x16xf32>,
        %add3A_192 = arith.constant 0 : i32
        %add3A_193 = arith.addi %mul3A_114, %add3A_192 : i32
        %get3A_194 = arith.index_cast %add3A_193 : i32 to index
        %get3A_195 = arith.constant 160 : index
        %get3A_196 = tpu.vector_load %arg8[%get3A_194, %get3A_195] {strides = array<i32>} : memref<112x256xf32, #tpu.memory_space<vmem>>, vector<1x16xf32>,
        %get3A_197 = vector.shape_cast %get3A_196 : vector<1x16xf32> to vector<16xf32>
        %add3A_198 = arith.addf %get3A_134, %get3A_43 : vector<16xf32>
        %add3A_199 = arith.constant 0 : i32
        %add3A_200 = arith.addi %mul3A_116, %add3A_199 : i32
        %swap3A_201 = arith.index_cast %add3A_200 : i32 to index
        %swap3A_202 = arith.constant 32 : index
        %swap3A_203 = tpu.vector_load %arg10[%swap3A_201, %swap3A_202] {strides = array<i32>} : memref<112x224xf32, #tpu.memory_space<vmem>>, vector<1x16xf32>,
        %swap3A_204 = vector.shape_cast %swap3A_203 : vector<1x16xf32> to vector<16xf32>
        %swap3A_205 = vector.shape_cast %add3A_198 : vector<16xf32> to vector<1x16xf32>
        tpu.vector_store %arg10[%swap3A_201, %swap3A_202], %swap3A_205 {strides = array<i32>} : memref<112x224xf32, #tpu.memory_space<vmem>>, vector<1x16xf32>,
        %add3A_206 = arith.constant 0 : i32
        %add3A_207 = arith.addi %mul3A_114, %add3A_206 : i32
        %get3A_208 = arith.index_cast %add3A_207 : i32 to index
        %get3A_209 = arith.constant 176 : index
        %get3A_210 = tpu.vector_load %arg8[%get3A_208, %get3A_209] {strides = array<i32>} : memref<112x256xf32, #tpu.memory_space<vmem>>, vector<1x16xf32>,
        %get3A_211 = vector.shape_cast %get3A_210 : vector<1x16xf32> to vector<16xf32>
        %add3A_212 = arith.addf %get3A_140, %get3A_43 : vector<16xf32>
        %add3A_213 = arith.constant 0 : i32
        %add3A_214 = arith.addi %mul3A_116, %add3A_213 : i32
        %swap3A_215 = arith.index_cast %add3A_214 : i32 to index
        %swap3A_216 = arith.constant 48 : index
        %swap3A_217 = tpu.vector_load %arg10[%swap3A_215, %swap3A_216] {strides = array<i32>} : memref<112x224xf32, #tpu.memory_space<vmem>>, vector<1x16xf32>,
        %swap3A_218 = vector.shape_cast %swap3A_217 : vector<1x16xf32> to vector<16xf32>
        %swap3A_219 = vector.shape_cast %add3A_212 : vector<16xf32> to vector<1x16xf32>
        tpu.vector_store %arg10[%swap3A_215, %swap3A_216], %swap3A_219 {strides = array<i32>} : memref<112x224xf32, #tpu.memory_space<vmem>>, vector<1x16xf32>,
        %add3A_220 = arith.constant 0 : i32
        %add3A_221 = arith.addi %mul3A_114, %add3A_220 : i32
        %get3A_222 = arith.index_cast %add3A_221 : i32 to index
        %get3A_223 = arith.constant 192 : index
        %get3A_224 = tpu.vector_load %arg8[%get3A_222, %get3A_223] {strides = array<i32>} : memref<112x256xf32, #tpu.memory_space<vmem>>, vector<1x16xf32>,
        %get3A_225 = vector.shape_cast %get3A_224 : vector<1x16xf32> to vector<16xf32>
        %add3A_226 = arith.addf %get3A_146, %get3A_43 : vector<16xf32>
        %add3A_227 = arith.constant 0 : i32
        %add3A_228 = arith.addi %mul3A_116, %add3A_227 : i32
        %swap3A_229 = arith.index_cast %add3A_228 : i32 to index
        %swap3A_230 = arith.constant 64 : index
        %swap3A_231 = tpu.vector_load %arg10[%swap3A_229, %swap3A_230] {strides = array<i32>} : memref<112x224xf32, #tpu.memory_space<vmem>>, vector<1x16xf32>,
        %swap3A_232 = vector.shape_cast %swap3A_231 : vector<1x16xf32> to vector<16xf32>
        %swap3A_233 = vector.shape_cast %add3A_226 : vector<16xf32> to vector<1x16xf32>
        tpu.vector_store %arg10[%swap3A_229, %swap3A_230], %swap3A_233 {strides = array<i32>} : memref<112x224xf32, #tpu.memory_space<vmem>>, vector<1x16xf32>,
        %add3A_234 = arith.constant 0 : i32
        %add3A_235 = arith.addi %mul3A_114, %add3A_234 : i32
        %get3A_236 = arith.index_cast %add3A_235 : i32 to index
        %get3A_237 = arith.constant 208 : index
        %get3A_238 = tpu.vector_load %arg8[%get3A_236, %get3A_237] {strides = array<i32>} : memref<112x256xf32, #tpu.memory_space<vmem>>, vector<1x16xf32>,
        %get3A_239 = vector.shape_cast %get3A_238 : vector<1x16xf32> to vector<16xf32>
        %add3A_240 = arith.addf %get3A_152, %get3A_43 : vector<16xf32>
        %add3A_241 = arith.constant 0 : i32
        %add3A_242 = arith.addi %mul3A_116, %add3A_241 : i32
        %swap3A_243 = arith.index_cast %add3A_242 : i32 to index
        %swap3A_244 = arith.constant 80 : index
        %swap3A_245 = tpu.vector_load %arg10[%swap3A_243, %swap3A_244] {strides = array<i32>} : memref<112x224xf32, #tpu.memory_space<vmem>>, vector<1x16xf32>,
        %swap3A_246 = vector.shape_cast %swap3A_245 : vector<1x16xf32> to vector<16xf32>
        %swap3A_247 = vector.shape_cast %add3A_240 : vector<16xf32> to vector<1x16xf32>
        tpu.vector_store %arg10[%swap3A_243, %swap3A_244], %swap3A_247 {strides = array<i32>} : memref<112x224xf32, #tpu.memory_space<vmem>>, vector<1x16xf32>,
        %add3A_248 = arith.constant 0 : i32
        %add3A_249 = arith.addi %mul3A_114, %add3A_248 : i32
        %get3A_250 = arith.index_cast %add3A_249 : i32 to index
        %get3A_251 = arith.constant 224 : index
        %get3A_252 = tpu.vector_load %arg8[%get3A_250, %get3A_251] {strides = array<i32>} : memref<112x256xf32, #tpu.memory_space<vmem>>, vector<1x16xf32>,
        %get3A_253 = vector.shape_cast %get3A_252 : vector<1x16xf32> to vector<16xf32>
        %add3A_254 = arith.addf %get3A_158, %get3A_43 : vector<16xf32>
        %add3A_255 = arith.constant 0 : i32
        %add3A_256 = arith.addi %mul3A_116, %add3A_255 : i32
        %swap3A_257 = arith.index_cast %add3A_256 : i32 to index
        %swap3A_258 = arith.constant 96 : index
        %swap3A_259 = tpu.vector_load %arg10[%swap3A_257, %swap3A_258] {strides = array<i32>} : memref<112x224xf32, #tpu.memory_space<vmem>>, vector<1x16xf32>,
        %swap3A_260 = vector.shape_cast %swap3A_259 : vector<1x16xf32> to vector<16xf32>
        %swap3A_261 = vector.shape_cast %add3A_254 : vector<16xf32> to vector<1x16xf32>
        tpu.vector_store %arg10[%swap3A_257, %swap3A_258], %swap3A_261 {strides = array<i32>} : memref<112x224xf32, #tpu.memory_space<vmem>>, vector<1x16xf32>,
        %add3A_262 = arith.constant 0 : i32
        %add3A_263 = arith.addi %mul3A_114, %add3A_262 : i32
        %get3A_264 = arith.index_cast %add3A_263 : i32 to index
        %get3A_265 = arith.constant 240 : index
        %get3A_266 = tpu.vector_load %arg8[%get3A_264, %get3A_265] {strides = array<i32>} : memref<112x256xf32, #tpu.memory_space<vmem>>, vector<1x16xf32>,
        %get3A_267 = vector.shape_cast %get3A_266 : vector<1x16xf32> to vector<16xf32>
        %add3A_268 = arith.addf %get3A_164, %get3A_43 : vector<16xf32>
        %add3A_269 = arith.constant 0 : i32
        %add3A_270 = arith.addi %mul3A_116, %add3A_269 : i32
        %swap3A_271 = arith.index_cast %add3A_270 : i32 to index
        %swap3A_272 = arith.constant 112 : index
        %swap3A_273 = tpu.vector_load %arg10[%swap3A_271, %swap3A_272] {strides = array<i32>} : memref<112x224xf32, #tpu.memory_space<vmem>>, vector<1x16xf32>,
        %swap3A_274 = vector.shape_cast %swap3A_273 : vector<1x16xf32> to vector<16xf32>
        %swap3A_275 = vector.shape_cast %add3A_268 : vector<16xf32> to vector<1x16xf32>
        tpu.vector_store %arg10[%swap3A_271, %swap3A_272], %swap3A_275 {strides = array<i32>} : memref<112x224xf32, #tpu.memory_space<vmem>>, vector<1x16xf32>,
        %add3A_276 = arith.constant 1 : i32
        %add3A_277 = arith.addi %mul3A_114, %add3A_276 : i32
        %get3A_278 = arith.index_cast %add3A_277 : i32 to index
        %get3A_279 = arith.constant 0 : index
        %get3A_280 = tpu.vector_load %arg8[%get3A_278, %get3A_279] {strides = array<i32>} : memref<112x256xf32, #tpu.memory_space<vmem>>, vector<1x16xf32>,
        %get3A_281 = vector.shape_cast %get3A_280 : vector<1x16xf32> to vector<16xf32>
        %add3A_282 = arith.addf %get3A_170, %get3A_43 : vector<16xf32>
        %add3A_283 = arith.constant 0 : i32
        %add3A_284 = arith.addi %mul3A_116, %add3A_283 : i32
        %swap3A_285 = arith.index_cast %add3A_284 : i32 to index
        %swap3A_286 = arith.constant 128 : index
        %swap3A_287 = tpu.vector_load %arg10[%swap3A_285, %swap3A_286] {strides = array<i32>} : memref<112x224xf32, #tpu.memory_space<vmem>>, vector<1x16xf32>,
        %swap3A_288 = vector.shape_cast %swap3A_287 : vector<1x16xf32> to vector<16xf32>
        %swap3A_289 = vector.shape_cast %add3A_282 : vector<16xf32> to vector<1x16xf32>
        tpu.vector_store %arg10[%swap3A_285, %swap3A_286], %swap3A_289 {strides = array<i32>} : memref<112x224xf32, #tpu.memory_space<vmem>>, vector<1x16xf32>,
        %add3A_290 = arith.constant 1 : i32
        %add3A_291 = arith.addi %mul3A_114, %add3A_290 : i32
        %get3A_292 = arith.index_cast %add3A_291 : i32 to index
        %get3A_293 = arith.constant 16 : index
        %get3A_294 = tpu.vector_load %arg8[%get3A_292, %get3A_293] {strides = array<i32>} : memref<112x256xf32, #tpu.memory_space<vmem>>, vector<1x16xf32>,
        %get3A_295 = vector.shape_cast %get3A_294 : vector<1x16xf32> to vector<16xf32>
        %add3A_296 = arith.addf %get3A_183, %get3A_43 : vector<16xf32>
        %add3A_297 = arith.constant 0 : i32
        %add3A_298 = arith.addi %mul3A_116, %add3A_297 : i32
        %swap3A_299 = arith.index_cast %add3A_298 : i32 to index
        %swap3A_300 = arith.constant 144 : index
        %swap3A_301 = tpu.vector_load %arg10[%swap3A_299, %swap3A_300] {strides = array<i32>} : memref<112x224xf32, #tpu.memory_space<vmem>>, vector<1x16xf32>,
        %swap3A_302 = vector.shape_cast %swap3A_301 : vector<1x16xf32> to vector<16xf32>
        %swap3A_303 = vector.shape_cast %add3A_296 : vector<16xf32> to vector<1x16xf32>
        tpu.vector_store %arg10[%swap3A_299, %swap3A_300], %swap3A_303 {strides = array<i32>} : memref<112x224xf32, #tpu.memory_space<vmem>>, vector<1x16xf32>,
        %add3A_304 = arith.constant 1 : i32
        %add3A_305 = arith.addi %mul3A_114, %add3A_304 : i32
        %get3A_306 = arith.index_cast %add3A_305 : i32 to index
        %get3A_307 = arith.constant 32 : index
        %get3A_308 = tpu.vector_load %arg8[%get3A_306, %get3A_307] {strides = array<i32>} : memref<112x256xf32, #tpu.memory_space<vmem>>, vector<1x16xf32>,
        %get3A_309 = vector.shape_cast %get3A_308 : vector<1x16xf32> to vector<16xf32>
        %add3A_310 = arith.addf %get3A_197, %get3A_43 : vector<16xf32>
        %add3A_311 = arith.constant 0 : i32
        %add3A_312 = arith.addi %mul3A_116, %add3A_311 : i32
        %swap3A_313 = arith.index_cast %add3A_312 : i32 to index
        %swap3A_314 = arith.constant 160 : index
        %swap3A_315 = tpu.vector_load %arg10[%swap3A_313, %swap3A_314] {strides = array<i32>} : memref<112x224xf32, #tpu.memory_space<vmem>>, vector<1x16xf32>,
        %swap3A_316 = vector.shape_cast %swap3A_315 : vector<1x16xf32> to vector<16xf32>
        %swap3A_317 = vector.shape_cast %add3A_310 : vector<16xf32> to vector<1x16xf32>
        tpu.vector_store %arg10[%swap3A_313, %swap3A_314], %swap3A_317 {strides = array<i32>} : memref<112x224xf32, #tpu.memory_space<vmem>>, vector<1x16xf32>,
        %add3A_318 = arith.constant 1 : i32
        %add3A_319 = arith.addi %mul3A_114, %add3A_318 : i32
        %get3A_320 = arith.index_cast %add3A_319 : i32 to index
        %get3A_321 = arith.constant 48 : index
        %get3A_322 = tpu.vector_load %arg8[%get3A_320, %get3A_321] {strides = array<i32>} : memref<112x256xf32, #tpu.memory_space<vmem>>, vector<1x16xf32>,
        %get3A_323 = vector.shape_cast %get3A_322 : vector<1x16xf32> to vector<16xf32>
        %add3A_324 = arith.addf %get3A_211, %get3A_43 : vector<16xf32>
        %add3A_325 = arith.constant 0 : i32
        %add3A_326 = arith.addi %mul3A_116, %add3A_325 : i32
        %swap3A_327 = arith.index_cast %add3A_326 : i32 to index
        %swap3A_328 = arith.constant 176 : index
        %swap3A_329 = tpu.vector_load %arg10[%swap3A_327, %swap3A_328] {strides = array<i32>} : memref<112x224xf32, #tpu.memory_space<vmem>>, vector<1x16xf32>,
        %swap3A_330 = vector.shape_cast %swap3A_329 : vector<1x16xf32> to vector<16xf32>
        %swap3A_331 = vector.shape_cast %add3A_324 : vector<16xf32> to vector<1x16xf32>
        tpu.vector_store %arg10[%swap3A_327, %swap3A_328], %swap3A_331 {strides = array<i32>} : memref<112x224xf32, #tpu.memory_space<vmem>>, vector<1x16xf32>,
        %add3A_332 = arith.constant 1 : i32
        %add3A_333 = arith.addi %mul3A_114, %add3A_332 : i32
        %get3A_334 = arith.index_cast %add3A_333 : i32 to index
        %get3A_335 = arith.constant 64 : index
        %get3A_336 = tpu.vector_load %arg8[%get3A_334, %get3A_335] {strides = array<i32>} : memref<112x256xf32, #tpu.memory_space<vmem>>, vector<1x16xf32>,
        %get3A_337 = vector.shape_cast %get3A_336 : vector<1x16xf32> to vector<16xf32>
        %add3A_338 = arith.addf %get3A_225, %get3A_43 : vector<16xf32>
        %add3A_339 = arith.constant 0 : i32
        %add3A_340 = arith.addi %mul3A_116, %add3A_339 : i32
        %swap3A_341 = arith.index_cast %add3A_340 : i32 to index
        %swap3A_342 = arith.constant 192 : index
        %swap3A_343 = tpu.vector_load %arg10[%swap3A_341, %swap3A_342] {strides = array<i32>} : memref<112x224xf32, #tpu.memory_space<vmem>>, vector<1x16xf32>,
        %swap3A_344 = vector.shape_cast %swap3A_343 : vector<1x16xf32> to vector<16xf32>
        %swap3A_345 = vector.shape_cast %add3A_338 : vector<16xf32> to vector<1x16xf32>
        tpu.vector_store %arg10[%swap3A_341, %swap3A_342], %swap3A_345 {strides = array<i32>} : memref<112x224xf32, #tpu.memory_space<vmem>>, vector<1x16xf32>,
        %add3A_346 = arith.constant 1 : i32
        %add3A_347 = arith.addi %mul3A_114, %add3A_346 : i32
        %get3A_348 = arith.index_cast %add3A_347 : i32 to index
        %get3A_349 = arith.constant 80 : index
        %get3A_350 = tpu.vector_load %arg8[%get3A_348, %get3A_349] {strides = array<i32>} : memref<112x256xf32, #tpu.memory_space<vmem>>, vector<1x16xf32>,
        %get3A_351 = vector.shape_cast %get3A_350 : vector<1x16xf32> to vector<16xf32>
        %add3A_352 = arith.addf %get3A_239, %get3A_43 : vector<16xf32>
        %add3A_353 = arith.constant 0 : i32
        %add3A_354 = arith.addi %mul3A_116, %add3A_353 : i32
        %swap3A_355 = arith.index_cast %add3A_354 : i32 to index
        %swap3A_356 = arith.constant 208 : index
        %swap3A_357 = tpu.vector_load %arg10[%swap3A_355, %swap3A_356] {strides = array<i32>} : memref<112x224xf32, #tpu.memory_space<vmem>>, vector<1x16xf32>,
        %swap3A_358 = vector.shape_cast %swap3A_357 : vector<1x16xf32> to vector<16xf32>
        %swap3A_359 = vector.shape_cast %add3A_352 : vector<16xf32> to vector<1x16xf32>
        tpu.vector_store %arg10[%swap3A_355, %swap3A_356], %swap3A_359 {strides = array<i32>} : memref<112x224xf32, #tpu.memory_space<vmem>>, vector<1x16xf32>,
        %add3A_360 = arith.constant 1 : i32
        %add3A_361 = arith.addi %mul3A_114, %add3A_360 : i32
        %get3A_362 = arith.index_cast %add3A_361 : i32 to index
        %get3A_363 = arith.constant 96 : index
        %get3A_364 = tpu.vector_load %arg8[%get3A_362, %get3A_363] {strides = array<i32>} : memref<112x256xf32, #tpu.memory_space<vmem>>, vector<1x16xf32>,
        %get3A_365 = vector.shape_cast %get3A_364 : vector<1x16xf32> to vector<16xf32>
        %add3A_366 = arith.addf %get3A_253, %get3A_43 : vector<16xf32>
        %add3A_367 = arith.constant 1 : i32
        %add3A_368 = arith.addi %mul3A_116, %add3A_367 : i32
        %swap3A_369 = arith.index_cast %add3A_368 : i32 to index
        %swap3A_370 = arith.constant 0 : index
        %swap3A_371 = tpu.vector_load %arg10[%swap3A_369, %swap3A_370] {strides = array<i32>} : memref<112x224xf32, #tpu.memory_space<vmem>>, vector<1x16xf32>,
        %swap3A_372 = vector.shape_cast %swap3A_371 : vector<1x16xf32> to vector<16xf32>
        %swap3A_373 = vector.shape_cast %add3A_366 : vector<16xf32> to vector<1x16xf32>
        tpu.vector_store %arg10[%swap3A_369, %swap3A_370], %swap3A_373 {strides = array<i32>} : memref<112x224xf32, #tpu.memory_space<vmem>>, vector<1x16xf32>,
        %add3A_374 = arith.constant 1 : i32
        %add3A_375 = arith.addi %mul3A_114, %add3A_374 : i32
        %get3A_376 = arith.index_cast %add3A_375 : i32 to index
        %get3A_377 = arith.constant 112 : index
        %get3A_378 = tpu.vector_load %arg8[%get3A_376, %get3A_377] {strides = array<i32>} : memref<112x256xf32, #tpu.memory_space<vmem>>, vector<1x16xf32>,
        %get3A_379 = vector.shape_cast %get3A_378 : vector<1x16xf32> to vector<16xf32>
        %add3A_380 = arith.addf %get3A_267, %get3A_43 : vector<16xf32>
        %add3A_381 = arith.constant 1 : i32
        %add3A_382 = arith.addi %mul3A_116, %add3A_381 : i32
        %swap3A_383 = arith.index_cast %add3A_382 : i32 to index
        %swap3A_384 = arith.constant 16 : index
        %swap3A_385 = tpu.vector_load %arg10[%swap3A_383, %swap3A_384] {strides = array<i32>} : memref<112x224xf32, #tpu.memory_space<vmem>>, vector<1x16xf32>,
        %swap3A_386 = vector.shape_cast %swap3A_385 : vector<1x16xf32> to vector<16xf32>
        %swap3A_387 = vector.shape_cast %add3A_380 : vector<16xf32> to vector<1x16xf32>
        tpu.vector_store %arg10[%swap3A_383, %swap3A_384], %swap3A_387 {strides = array<i32>} : memref<112x224xf32, #tpu.memory_space<vmem>>, vector<1x16xf32>,
        %add3A_388 = arith.constant 1 : i32
        %add3A_389 = arith.addi %mul3A_114, %add3A_388 : i32
        %get3A_390 = arith.index_cast %add3A_389 : i32 to index
        %get3A_391 = arith.constant 128 : index
        %get3A_392 = tpu.vector_load %arg8[%get3A_390, %get3A_391] {strides = array<i32>} : memref<112x256xf32, #tpu.memory_space<vmem>>, vector<1x16xf32>,
        %get3A_393 = vector.shape_cast %get3A_392 : vector<1x16xf32> to vector<16xf32>
        %add3A_394 = arith.addf %get3A_281, %get3A_43 : vector<16xf32>
        %add3A_395 = arith.constant 1 : i32
        %add3A_396 = arith.addi %mul3A_116, %add3A_395 : i32
        %swap3A_397 = arith.index_cast %add3A_396 : i32 to index
        %swap3A_398 = arith.constant 32 : index
        %swap3A_399 = tpu.vector_load %arg10[%swap3A_397, %swap3A_398] {strides = array<i32>} : memref<112x224xf32, #tpu.memory_space<vmem>>, vector<1x16xf32>,
        %swap3A_400 = vector.shape_cast %swap3A_399 : vector<1x16xf32> to vector<16xf32>
        %swap3A_401 = vector.shape_cast %add3A_394 : vector<16xf32> to vector<1x16xf32>
        tpu.vector_store %arg10[%swap3A_397, %swap3A_398], %swap3A_401 {strides = array<i32>} : memref<112x224xf32, #tpu.memory_space<vmem>>, vector<1x16xf32>,
        %add3A_402 = arith.constant 1 : i32
        %add3A_403 = arith.addi %mul3A_114, %add3A_402 : i32
        %get3A_404 = arith.index_cast %add3A_403 : i32 to index
        %get3A_405 = arith.constant 144 : index
        %get3A_406 = tpu.vector_load %arg8[%get3A_404, %get3A_405] {strides = array<i32>} : memref<112x256xf32, #tpu.memory_space<vmem>>, vector<1x16xf32>,
        %get3A_407 = vector.shape_cast %get3A_406 : vector<1x16xf32> to vector<16xf32>
        %add3A_408 = arith.addf %get3A_295, %get3A_43 : vector<16xf32>
        %add3A_409 = arith.constant 1 : i32
        %add3A_410 = arith.addi %mul3A_116, %add3A_409 : i32
        %swap3A_411 = arith.index_cast %add3A_410 : i32 to index
        %swap3A_412 = arith.constant 48 : index
        %swap3A_413 = tpu.vector_load %arg10[%swap3A_411, %swap3A_412] {strides = array<i32>} : memref<112x224xf32, #tpu.memory_space<vmem>>, vector<1x16xf32>,
        %swap3A_414 = vector.shape_cast %swap3A_413 : vector<1x16xf32> to vector<16xf32>
        %swap3A_415 = vector.shape_cast %add3A_408 : vector<16xf32> to vector<1x16xf32>
        tpu.vector_store %arg10[%swap3A_411, %swap3A_412], %swap3A_415 {strides = array<i32>} : memref<112x224xf32, #tpu.memory_space<vmem>>, vector<1x16xf32>,
        %add3A_416 = arith.constant 1 : i32
        %add3A_417 = arith.addi %mul3A_114, %add3A_416 : i32
        %get3A_418 = arith.index_cast %add3A_417 : i32 to index
        %get3A_419 = arith.constant 160 : index
        %get3A_420 = tpu.vector_load %arg8[%get3A_418, %get3A_419] {strides = array<i32>} : memref<112x256xf32, #tpu.memory_space<vmem>>, vector<1x16xf32>,
        %get3A_421 = vector.shape_cast %get3A_420 : vector<1x16xf32> to vector<16xf32>
        %add3A_422 = arith.addf %get3A_309, %get3A_43 : vector<16xf32>
        %add3A_423 = arith.constant 1 : i32
        %add3A_424 = arith.addi %mul3A_116, %add3A_423 : i32
        %swap3A_425 = arith.index_cast %add3A_424 : i32 to index
        %swap3A_426 = arith.constant 64 : index
        %swap3A_427 = tpu.vector_load %arg10[%swap3A_425, %swap3A_426] {strides = array<i32>} : memref<112x224xf32, #tpu.memory_space<vmem>>, vector<1x16xf32>,
        %swap3A_428 = vector.shape_cast %swap3A_427 : vector<1x16xf32> to vector<16xf32>
        %swap3A_429 = vector.shape_cast %add3A_422 : vector<16xf32> to vector<1x16xf32>
        tpu.vector_store %arg10[%swap3A_425, %swap3A_426], %swap3A_429 {strides = array<i32>} : memref<112x224xf32, #tpu.memory_space<vmem>>, vector<1x16xf32>,
        %add3A_430 = arith.constant 1 : i32
        %add3A_431 = arith.addi %mul3A_114, %add3A_430 : i32
        %get3A_432 = arith.index_cast %add3A_431 : i32 to index
        %get3A_433 = arith.constant 176 : index
        %get3A_434 = tpu.vector_load %arg8[%get3A_432, %get3A_433] {strides = array<i32>} : memref<112x256xf32, #tpu.memory_space<vmem>>, vector<1x16xf32>,
        %get3A_435 = vector.shape_cast %get3A_434 : vector<1x16xf32> to vector<16xf32>
        %add3A_436 = arith.addf %get3A_323, %get3A_43 : vector<16xf32>
        %add3A_437 = arith.constant 1 : i32
        %add3A_438 = arith.addi %mul3A_116, %add3A_437 : i32
        %swap3A_439 = arith.index_cast %add3A_438 : i32 to index
        %swap3A_440 = arith.constant 80 : index
        %swap3A_441 = tpu.vector_load %arg10[%swap3A_439, %swap3A_440] {strides = array<i32>} : memref<112x224xf32, #tpu.memory_space<vmem>>, vector<1x16xf32>,
        %swap3A_442 = vector.shape_cast %swap3A_441 : vector<1x16xf32> to vector<16xf32>
        %swap3A_443 = vector.shape_cast %add3A_436 : vector<16xf32> to vector<1x16xf32>
        tpu.vector_store %arg10[%swap3A_439, %swap3A_440], %swap3A_443 {strides = array<i32>} : memref<112x224xf32, #tpu.memory_space<vmem>>, vector<1x16xf32>,
        %add3A_444 = arith.constant 1 : i32
        %add3A_445 = arith.addi %mul3A_114, %add3A_444 : i32
        %get3A_446 = arith.index_cast %add3A_445 : i32 to index
        %get3A_447 = arith.constant 192 : index
        %get3A_448 = tpu.vector_load %arg8[%get3A_446, %get3A_447] {strides = array<i32>} : memref<112x256xf32, #tpu.memory_space<vmem>>, vector<1x16xf32>,
        %get3A_449 = vector.shape_cast %get3A_448 : vector<1x16xf32> to vector<16xf32>
        %add3A_450 = arith.addf %get3A_337, %get3A_43 : vector<16xf32>
        %add3A_451 = arith.constant 1 : i32
        %add3A_452 = arith.addi %mul3A_116, %add3A_451 : i32
        %swap3A_453 = arith.index_cast %add3A_452 : i32 to index
        %swap3A_454 = arith.constant 96 : index
        %swap3A_455 = tpu.vector_load %arg10[%swap3A_453, %swap3A_454] {strides = array<i32>} : memref<112x224xf32, #tpu.memory_space<vmem>>, vector<1x16xf32>,
        %swap3A_456 = vector.shape_cast %swap3A_455 : vector<1x16xf32> to vector<16xf32>
        %swap3A_457 = vector.shape_cast %add3A_450 : vector<16xf32> to vector<1x16xf32>
        tpu.vector_store %arg10[%swap3A_453, %swap3A_454], %swap3A_457 {strides = array<i32>} : memref<112x224xf32, #tpu.memory_space<vmem>>, vector<1x16xf32>,
        %add3A_458 = arith.constant 1 : i32
        %add3A_459 = arith.addi %mul3A_114, %add3A_458 : i32
        %get3A_460 = arith.index_cast %add3A_459 : i32 to index
        %get3A_461 = arith.constant 208 : index
        %get3A_462 = tpu.vector_load %arg8[%get3A_460, %get3A_461] {strides = array<i32>} : memref<112x256xf32, #tpu.memory_space<vmem>>, vector<1x16xf32>,
        %get3A_463 = vector.shape_cast %get3A_462 : vector<1x16xf32> to vector<16xf32>
        %add3A_464 = arith.addf %get3A_351, %get3A_43 : vector<16xf32>
        %add3A_465 = arith.constant 1 : i32
        %add3A_466 = arith.addi %mul3A_116, %add3A_465 : i32
        %swap3A_467 = arith.index_cast %add3A_466 : i32 to index
        %swap3A_468 = arith.constant 112 : index
        %swap3A_469 = tpu.vector_load %arg10[%swap3A_467, %swap3A_468] {strides = array<i32>} : memref<112x224xf32, #tpu.memory_space<vmem>>, vector<1x16xf32>,
        %swap3A_470 = vector.shape_cast %swap3A_469 : vector<1x16xf32> to vector<16xf32>
        %swap3A_471 = vector.shape_cast %add3A_464 : vector<16xf32> to vector<1x16xf32>
        tpu.vector_store %arg10[%swap3A_467, %swap3A_468], %swap3A_471 {strides = array<i32>} : memref<112x224xf32, #tpu.memory_space<vmem>>, vector<1x16xf32>,
        %add3A_472 = arith.constant 1 : i32
        %add3A_473 = arith.addi %mul3A_114, %add3A_472 : i32
        %get3A_474 = arith.index_cast %add3A_473 : i32 to index
        %get3A_475 = arith.constant 224 : index
        %get3A_476 = tpu.vector_load %arg8[%get3A_474, %get3A_475] {strides = array<i32>} : memref<112x256xf32, #tpu.memory_space<vmem>>, vector<1x16xf32>,
        %get3A_477 = vector.shape_cast %get3A_476 : vector<1x16xf32> to vector<16xf32>
        %add3A_478 = arith.addf %get3A_365, %get3A_43 : vector<16xf32>
        %add3A_479 = arith.constant 1 : i32
        %add3A_480 = arith.addi %mul3A_116, %add3A_479 : i32
        %swap3A_481 = arith.index_cast %add3A_480 : i32 to index
        %swap3A_482 = arith.constant 128 : index
        %swap3A_483 = tpu.vector_load %arg10[%swap3A_481, %swap3A_482] {strides = array<i32>} : memref<112x224xf32, #tpu.memory_space<vmem>>, vector<1x16xf32>,
        %swap3A_484 = vector.shape_cast %swap3A_483 : vector<1x16xf32> to vector<16xf32>
        %swap3A_485 = vector.shape_cast %add3A_478 : vector<16xf32> to vector<1x16xf32>
        tpu.vector_store %arg10[%swap3A_481, %swap3A_482], %swap3A_485 {strides = array<i32>} : memref<112x224xf32, #tpu.memory_space<vmem>>, vector<1x16xf32>,
        %add3A_486 = arith.constant 1 : i32
        %add3A_487 = arith.addi %mul3A_114, %add3A_486 : i32
        %get3A_488 = arith.index_cast %add3A_487 : i32 to index
        %get3A_489 = arith.constant 240 : index
        %get3A_490 = tpu.vector_load %arg8[%get3A_488, %get3A_489] {strides = array<i32>} : memref<112x256xf32, #tpu.memory_space<vmem>>, vector<1x16xf32>,
        %get3A_491 = vector.shape_cast %get3A_490 : vector<1x16xf32> to vector<16xf32>
        %add3A_492 = arith.addf %get3A_379, %get3A_43 : vector<16xf32>
        %add3A_493 = arith.constant 1 : i32
        %add3A_494 = arith.addi %mul3A_116, %add3A_493 : i32
        %swap3A_495 = arith.index_cast %add3A_494 : i32 to index
        %swap3A_496 = arith.constant 144 : index
        %swap3A_497 = tpu.vector_load %arg10[%swap3A_495, %swap3A_496] {strides = array<i32>} : memref<112x224xf32, #tpu.memory_space<vmem>>, vector<1x16xf32>,
        %swap3A_498 = vector.shape_cast %swap3A_497 : vector<1x16xf32> to vector<16xf32>
        %swap3A_499 = vector.shape_cast %add3A_492 : vector<16xf32> to vector<1x16xf32>
        tpu.vector_store %arg10[%swap3A_495, %swap3A_496], %swap3A_499 {strides = array<i32>} : memref<112x224xf32, #tpu.memory_space<vmem>>, vector<1x16xf32>,
        %add3A_500 = arith.constant 2 : i32
        %add3A_501 = arith.addi %mul3A_114, %add3A_500 : i32
        %get3A_502 = arith.index_cast %add3A_501 : i32 to index
        %get3A_503 = arith.constant 0 : index
        %get3A_504 = tpu.vector_load %arg8[%get3A_502, %get3A_503] {strides = array<i32>} : memref<112x256xf32, #tpu.memory_space<vmem>>, vector<1x16xf32>,
        %get3A_505 = vector.shape_cast %get3A_504 : vector<1x16xf32> to vector<16xf32>
        %add3A_506 = arith.addf %get3A_393, %get3A_43 : vector<16xf32>
        %add3A_507 = arith.constant 1 : i32
        %add3A_508 = arith.addi %mul3A_116, %add3A_507 : i32
        %swap3A_509 = arith.index_cast %add3A_508 : i32 to index
        %swap3A_510 = arith.constant 160 : index
        %swap3A_511 = tpu.vector_load %arg10[%swap3A_509, %swap3A_510] {strides = array<i32>} : memref<112x224xf32, #tpu.memory_space<vmem>>, vector<1x16xf32>,
        %swap3A_512 = vector.shape_cast %swap3A_511 : vector<1x16xf32> to vector<16xf32>
        %swap3A_513 = vector.shape_cast %add3A_506 : vector<16xf32> to vector<1x16xf32>
        tpu.vector_store %arg10[%swap3A_509, %swap3A_510], %swap3A_513 {strides = array<i32>} : memref<112x224xf32, #tpu.memory_space<vmem>>, vector<1x16xf32>,
        %add3A_514 = arith.constant 2 : i32
        %add3A_515 = arith.addi %mul3A_114, %add3A_514 : i32
        %get3A_516 = arith.index_cast %add3A_515 : i32 to index
        %get3A_517 = arith.constant 16 : index
        %get3A_518 = tpu.vector_load %arg8[%get3A_516, %get3A_517] {strides = array<i32>} : memref<112x256xf32, #tpu.memory_space<vmem>>, vector<1x16xf32>,
        %get3A_519 = vector.shape_cast %get3A_518 : vector<1x16xf32> to vector<16xf32>
        %add3A_520 = arith.addf %get3A_407, %get3A_43 : vector<16xf32>
        %add3A_521 = arith.constant 1 : i32
        %add3A_522 = arith.addi %mul3A_116, %add3A_521 : i32
        %swap3A_523 = arith.index_cast %add3A_522 : i32 to index
        %swap3A_524 = arith.constant 176 : index
        %swap3A_525 = tpu.vector_load %arg10[%swap3A_523, %swap3A_524] {strides = array<i32>} : memref<112x224xf32, #tpu.memory_space<vmem>>, vector<1x16xf32>,
        %swap3A_526 = vector.shape_cast %swap3A_525 : vector<1x16xf32> to vector<16xf32>
        %swap3A_527 = vector.shape_cast %add3A_520 : vector<16xf32> to vector<1x16xf32>
        tpu.vector_store %arg10[%swap3A_523, %swap3A_524], %swap3A_527 {strides = array<i32>} : memref<112x224xf32, #tpu.memory_space<vmem>>, vector<1x16xf32>,
        %add3A_528 = arith.constant 2 : i32
        %add3A_529 = arith.addi %mul3A_114, %add3A_528 : i32
        %get3A_530 = arith.index_cast %add3A_529 : i32 to index
        %get3A_531 = arith.constant 32 : index
        %get3A_532 = tpu.vector_load %arg8[%get3A_530, %get3A_531] {strides = array<i32>} : memref<112x256xf32, #tpu.memory_space<vmem>>, vector<1x16xf32>,
        %get3A_533 = vector.shape_cast %get3A_532 : vector<1x16xf32> to vector<16xf32>
        %add3A_534 = arith.addf %get3A_421, %get3A_43 : vector<16xf32>
        %add3A_535 = arith.constant 1 : i32
        %add3A_536 = arith.addi %mul3A_116, %add3A_535 : i32
        %swap3A_537 = arith.index_cast %add3A_536 : i32 to index
        %swap3A_538 = arith.constant 192 : index
        %swap3A_539 = tpu.vector_load %arg10[%swap3A_537, %swap3A_538] {strides = array<i32>} : memref<112x224xf32, #tpu.memory_space<vmem>>, vector<1x16xf32>,
        %swap3A_540 = vector.shape_cast %swap3A_539 : vector<1x16xf32> to vector<16xf32>
        %swap3A_541 = vector.shape_cast %add3A_534 : vector<16xf32> to vector<1x16xf32>
        tpu.vector_store %arg10[%swap3A_537, %swap3A_538], %swap3A_541 {strides = array<i32>} : memref<112x224xf32, #tpu.memory_space<vmem>>, vector<1x16xf32>,
        %add3A_542 = arith.constant 2 : i32
        %add3A_543 = arith.addi %mul3A_114, %add3A_542 : i32
        %get3A_544 = arith.index_cast %add3A_543 : i32 to index
        %get3A_545 = arith.constant 48 : index
        %get3A_546 = tpu.vector_load %arg8[%get3A_544, %get3A_545] {strides = array<i32>} : memref<112x256xf32, #tpu.memory_space<vmem>>, vector<1x16xf32>,
        %get3A_547 = vector.shape_cast %get3A_546 : vector<1x16xf32> to vector<16xf32>
        %add3A_548 = arith.addf %get3A_435, %get3A_43 : vector<16xf32>
        %add3A_549 = arith.constant 1 : i32
        %add3A_550 = arith.addi %mul3A_116, %add3A_549 : i32
        %swap3A_551 = arith.index_cast %add3A_550 : i32 to index
        %swap3A_552 = arith.constant 208 : index
        %swap3A_553 = tpu.vector_load %arg10[%swap3A_551, %swap3A_552] {strides = array<i32>} : memref<112x224xf32, #tpu.memory_space<vmem>>, vector<1x16xf32>,
        %swap3A_554 = vector.shape_cast %swap3A_553 : vector<1x16xf32> to vector<16xf32>
        %swap3A_555 = vector.shape_cast %add3A_548 : vector<16xf32> to vector<1x16xf32>
        tpu.vector_store %arg10[%swap3A_551, %swap3A_552], %swap3A_555 {strides = array<i32>} : memref<112x224xf32, #tpu.memory_space<vmem>>, vector<1x16xf32>,
        %add3A_556 = arith.constant 2 : i32
        %add3A_557 = arith.addi %mul3A_114, %add3A_556 : i32
        %get3A_558 = arith.index_cast %add3A_557 : i32 to index
        %get3A_559 = arith.constant 64 : index
        %get3A_560 = tpu.vector_load %arg8[%get3A_558, %get3A_559] {strides = array<i32>} : memref<112x256xf32, #tpu.memory_space<vmem>>, vector<1x16xf32>,
        %get3A_561 = vector.shape_cast %get3A_560 : vector<1x16xf32> to vector<16xf32>
        %add3A_562 = arith.addf %get3A_449, %get3A_43 : vector<16xf32>
        %add3A_563 = arith.constant 2 : i32
        %add3A_564 = arith.addi %mul3A_116, %add3A_563 : i32
        %swap3A_565 = arith.index_cast %add3A_564 : i32 to index
        %swap3A_566 = arith.constant 0 : index
        %swap3A_567 = tpu.vector_load %arg10[%swap3A_565, %swap3A_566] {strides = array<i32>} : memref<112x224xf32, #tpu.memory_space<vmem>>, vector<1x16xf32>,
        %swap3A_568 = vector.shape_cast %swap3A_567 : vector<1x16xf32> to vector<16xf32>
        %swap3A_569 = vector.shape_cast %add3A_562 : vector<16xf32> to vector<1x16xf32>
        tpu.vector_store %arg10[%swap3A_565, %swap3A_566], %swap3A_569 {strides = array<i32>} : memref<112x224xf32, #tpu.memory_space<vmem>>, vector<1x16xf32>,
        %add3A_570 = arith.constant 2 : i32
        %add3A_571 = arith.addi %mul3A_114, %add3A_570 : i32
        %get3A_572 = arith.index_cast %add3A_571 : i32 to index
        %get3A_573 = arith.constant 80 : index
        %get3A_574 = tpu.vector_load %arg8[%get3A_572, %get3A_573] {strides = array<i32>} : memref<112x256xf32, #tpu.memory_space<vmem>>, vector<1x16xf32>,
        %get3A_575 = vector.shape_cast %get3A_574 : vector<1x16xf32> to vector<16xf32>
        %add3A_576 = arith.addf %get3A_463, %get3A_43 : vector<16xf32>
        %add3A_577 = arith.constant 2 : i32
        %add3A_578 = arith.addi %mul3A_116, %add3A_577 : i32
        %swap3A_579 = arith.index_cast %add3A_578 : i32 to index
        %swap3A_580 = arith.constant 16 : index
        %swap3A_581 = tpu.vector_load %arg10[%swap3A_579, %swap3A_580] {strides = array<i32>} : memref<112x224xf32, #tpu.memory_space<vmem>>, vector<1x16xf32>,
        %swap3A_582 = vector.shape_cast %swap3A_581 : vector<1x16xf32> to vector<16xf32>
        %swap3A_583 = vector.shape_cast %add3A_576 : vector<16xf32> to vector<1x16xf32>
        tpu.vector_store %arg10[%swap3A_579, %swap3A_580], %swap3A_583 {strides = array<i32>} : memref<112x224xf32, #tpu.memory_space<vmem>>, vector<1x16xf32>,
        %add3A_584 = arith.constant 2 : i32
        %add3A_585 = arith.addi %mul3A_114, %add3A_584 : i32
        %get3A_586 = arith.index_cast %add3A_585 : i32 to index
        %get3A_587 = arith.constant 96 : index
        %get3A_588 = tpu.vector_load %arg8[%get3A_586, %get3A_587] {strides = array<i32>} : memref<112x256xf32, #tpu.memory_space<vmem>>, vector<1x16xf32>,
        %get3A_589 = vector.shape_cast %get3A_588 : vector<1x16xf32> to vector<16xf32>
        %add3A_590 = arith.addf %get3A_477, %get3A_43 : vector<16xf32>
        %add3A_591 = arith.constant 2 : i32
        %add3A_592 = arith.addi %mul3A_116, %add3A_591 : i32
        %swap3A_593 = arith.index_cast %add3A_592 : i32 to index
        %swap3A_594 = arith.constant 32 : index
        %swap3A_595 = tpu.vector_load %arg10[%swap3A_593, %swap3A_594] {strides = array<i32>} : memref<112x224xf32, #tpu.memory_space<vmem>>, vector<1x16xf32>,
        %swap3A_596 = vector.shape_cast %swap3A_595 : vector<1x16xf32> to vector<16xf32>
        %swap3A_597 = vector.shape_cast %add3A_590 : vector<16xf32> to vector<1x16xf32>
        tpu.vector_store %arg10[%swap3A_593, %swap3A_594], %swap3A_597 {strides = array<i32>} : memref<112x224xf32, #tpu.memory_space<vmem>>, vector<1x16xf32>,
        %add3A_598 = arith.constant 2 : i32
        %add3A_599 = arith.addi %mul3A_114, %add3A_598 : i32
        %get3A_600 = arith.index_cast %add3A_599 : i32 to index
        %get3A_601 = arith.constant 112 : index
        %get3A_602 = tpu.vector_load %arg8[%get3A_600, %get3A_601] {strides = array<i32>} : memref<112x256xf32, #tpu.memory_space<vmem>>, vector<1x16xf32>,
        %get3A_603 = vector.shape_cast %get3A_602 : vector<1x16xf32> to vector<16xf32>
        %add3A_604 = arith.addf %get3A_491, %get3A_43 : vector<16xf32>
        %add3A_605 = arith.constant 2 : i32
        %add3A_606 = arith.addi %mul3A_116, %add3A_605 : i32
        %swap3A_607 = arith.index_cast %add3A_606 : i32 to index
        %swap3A_608 = arith.constant 48 : index
        %swap3A_609 = tpu.vector_load %arg10[%swap3A_607, %swap3A_608] {strides = array<i32>} : memref<112x224xf32, #tpu.memory_space<vmem>>, vector<1x16xf32>,
        %swap3A_610 = vector.shape_cast %swap3A_609 : vector<1x16xf32> to vector<16xf32>
        %swap3A_611 = vector.shape_cast %add3A_604 : vector<16xf32> to vector<1x16xf32>
        tpu.vector_store %arg10[%swap3A_607, %swap3A_608], %swap3A_611 {strides = array<i32>} : memref<112x224xf32, #tpu.memory_space<vmem>>, vector<1x16xf32>,
        %add3A_612 = arith.constant 2 : i32
        %add3A_613 = arith.addi %mul3A_114, %add3A_612 : i32
        %get3A_614 = arith.index_cast %add3A_613 : i32 to index
        %get3A_615 = arith.constant 128 : index
        %get3A_616 = tpu.vector_load %arg8[%get3A_614, %get3A_615] {strides = array<i32>} : memref<112x256xf32, #tpu.memory_space<vmem>>, vector<1x16xf32>,
        %get3A_617 = vector.shape_cast %get3A_616 : vector<1x16xf32> to vector<16xf32>
        %add3A_618 = arith.addf %get3A_505, %get3A_43 : vector<16xf32>
        %add3A_619 = arith.constant 2 : i32
        %add3A_620 = arith.addi %mul3A_116, %add3A_619 : i32
        %swap3A_621 = arith.index_cast %add3A_620 : i32 to index
        %swap3A_622 = arith.constant 64 : index
        %swap3A_623 = tpu.vector_load %arg10[%swap3A_621, %swap3A_622] {strides = array<i32>} : memref<112x224xf32, #tpu.memory_space<vmem>>, vector<1x16xf32>,
        %swap3A_624 = vector.shape_cast %swap3A_623 : vector<1x16xf32> to vector<16xf32>
        %swap3A_625 = vector.shape_cast %add3A_618 : vector<16xf32> to vector<1x16xf32>
        tpu.vector_store %arg10[%swap3A_621, %swap3A_622], %swap3A_625 {strides = array<i32>} : memref<112x224xf32, #tpu.memory_space<vmem>>, vector<1x16xf32>,
        %add3A_626 = arith.constant 2 : i32
        %add3A_627 = arith.addi %mul3A_114, %add3A_626 : i32
        %get3A_628 = arith.index_cast %add3A_627 : i32 to index
        %get3A_629 = arith.constant 144 : index
        %get3A_630 = tpu.vector_load %arg8[%get3A_628, %get3A_629] {strides = array<i32>} : memref<112x256xf32, #tpu.memory_space<vmem>>, vector<1x16xf32>,
        %get3A_631 = vector.shape_cast %get3A_630 : vector<1x16xf32> to vector<16xf32>
        %add3A_632 = arith.addf %get3A_519, %get3A_43 : vector<16xf32>
        %add3A_633 = arith.constant 2 : i32
        %add3A_634 = arith.addi %mul3A_116, %add3A_633 : i32
        %swap3A_635 = arith.index_cast %add3A_634 : i32 to index
        %swap3A_636 = arith.constant 80 : index
        %swap3A_637 = tpu.vector_load %arg10[%swap3A_635, %swap3A_636] {strides = array<i32>} : memref<112x224xf32, #tpu.memory_space<vmem>>, vector<1x16xf32>,
        %swap3A_638 = vector.shape_cast %swap3A_637 : vector<1x16xf32> to vector<16xf32>
        %swap3A_639 = vector.shape_cast %add3A_632 : vector<16xf32> to vector<1x16xf32>
        tpu.vector_store %arg10[%swap3A_635, %swap3A_636], %swap3A_639 {strides = array<i32>} : memref<112x224xf32, #tpu.memory_space<vmem>>, vector<1x16xf32>,
        %add3A_640 = arith.constant 2 : i32
        %add3A_641 = arith.addi %mul3A_114, %add3A_640 : i32
        %get3A_642 = arith.index_cast %add3A_641 : i32 to index
        %get3A_643 = arith.constant 160 : index
        %get3A_644 = tpu.vector_load %arg8[%get3A_642, %get3A_643] {strides = array<i32>} : memref<112x256xf32, #tpu.memory_space<vmem>>, vector<1x16xf32>,
        %get3A_645 = vector.shape_cast %get3A_644 : vector<1x16xf32> to vector<16xf32>
        %add3A_646 = arith.addf %get3A_533, %get3A_43 : vector<16xf32>
        %add3A_647 = arith.constant 2 : i32
        %add3A_648 = arith.addi %mul3A_116, %add3A_647 : i32
        %swap3A_649 = arith.index_cast %add3A_648 : i32 to index
        %swap3A_650 = arith.constant 96 : index
        %swap3A_651 = tpu.vector_load %arg10[%swap3A_649, %swap3A_650] {strides = array<i32>} : memref<112x224xf32, #tpu.memory_space<vmem>>, vector<1x16xf32>,
        %swap3A_652 = vector.shape_cast %swap3A_651 : vector<1x16xf32> to vector<16xf32>
        %swap3A_653 = vector.shape_cast %add3A_646 : vector<16xf32> to vector<1x16xf32>
        tpu.vector_store %arg10[%swap3A_649, %swap3A_650], %swap3A_653 {strides = array<i32>} : memref<112x224xf32, #tpu.memory_space<vmem>>, vector<1x16xf32>,
        %add3A_654 = arith.constant 2 : i32
        %add3A_655 = arith.addi %mul3A_114, %add3A_654 : i32
        %get3A_656 = arith.index_cast %add3A_655 : i32 to index
        %get3A_657 = arith.constant 176 : index
        %get3A_658 = tpu.vector_load %arg8[%get3A_656, %get3A_657] {strides = array<i32>} : memref<112x256xf32, #tpu.memory_space<vmem>>, vector<1x16xf32>,
        %get3A_659 = vector.shape_cast %get3A_658 : vector<1x16xf32> to vector<16xf32>
        %add3A_660 = arith.addf %get3A_547, %get3A_43 : vector<16xf32>
        %add3A_661 = arith.constant 2 : i32
        %add3A_662 = arith.addi %mul3A_116, %add3A_661 : i32
        %swap3A_663 = arith.index_cast %add3A_662 : i32 to index
        %swap3A_664 = arith.constant 112 : index
        %swap3A_665 = tpu.vector_load %arg10[%swap3A_663, %swap3A_664] {strides = array<i32>} : memref<112x224xf32, #tpu.memory_space<vmem>>, vector<1x16xf32>,
        %swap3A_666 = vector.shape_cast %swap3A_665 : vector<1x16xf32> to vector<16xf32>
        %swap3A_667 = vector.shape_cast %add3A_660 : vector<16xf32> to vector<1x16xf32>
        tpu.vector_store %arg10[%swap3A_663, %swap3A_664], %swap3A_667 {strides = array<i32>} : memref<112x224xf32, #tpu.memory_space<vmem>>, vector<1x16xf32>,
        %add3A_668 = arith.constant 2 : i32
        %add3A_669 = arith.addi %mul3A_114, %add3A_668 : i32
        %get3A_670 = arith.index_cast %add3A_669 : i32 to index
        %get3A_671 = arith.constant 192 : index
        %get3A_672 = tpu.vector_load %arg8[%get3A_670, %get3A_671] {strides = array<i32>} : memref<112x256xf32, #tpu.memory_space<vmem>>, vector<1x16xf32>,
        %get3A_673 = vector.shape_cast %get3A_672 : vector<1x16xf32> to vector<16xf32>
        %add3A_674 = arith.addf %get3A_561, %get3A_43 : vector<16xf32>
        %add3A_675 = arith.constant 2 : i32
        %add3A_676 = arith.addi %mul3A_116, %add3A_675 : i32
        %swap3A_677 = arith.index_cast %add3A_676 : i32 to index
        %swap3A_678 = arith.constant 128 : index
        %swap3A_679 = tpu.vector_load %arg10[%swap3A_677, %swap3A_678] {strides = array<i32>} : memref<112x224xf32, #tpu.memory_space<vmem>>, vector<1x16xf32>,
        %swap3A_680 = vector.shape_cast %swap3A_679 : vector<1x16xf32> to vector<16xf32>
        %swap3A_681 = vector.shape_cast %add3A_674 : vector<16xf32> to vector<1x16xf32>
        tpu.vector_store %arg10[%swap3A_677, %swap3A_678], %swap3A_681 {strides = array<i32>} : memref<112x224xf32, #tpu.memory_space<vmem>>, vector<1x16xf32>,
        %add3A_682 = arith.constant 2 : i32
        %add3A_683 = arith.addi %mul3A_114, %add3A_682 : i32
        %get3A_684 = arith.index_cast %add3A_683 : i32 to index
        %get3A_685 = arith.constant 208 : index
        %get3A_686 = tpu.vector_load %arg8[%get3A_684, %get3A_685] {strides = array<i32>} : memref<112x256xf32, #tpu.memory_space<vmem>>, vector<1x16xf32>,
        %get3A_687 = vector.shape_cast %get3A_686 : vector<1x16xf32> to vector<16xf32>
        %add3A_688 = arith.addf %get3A_575, %get3A_43 : vector<16xf32>
        %add3A_689 = arith.constant 2 : i32
        %add3A_690 = arith.addi %mul3A_116, %add3A_689 : i32
        %swap3A_691 = arith.index_cast %add3A_690 : i32 to index
        %swap3A_692 = arith.constant 144 : index
        %swap3A_693 = tpu.vector_load %arg10[%swap3A_691, %swap3A_692] {strides = array<i32>} : memref<112x224xf32, #tpu.memory_space<vmem>>, vector<1x16xf32>,
        %swap3A_694 = vector.shape_cast %swap3A_693 : vector<1x16xf32> to vector<16xf32>
        %swap3A_695 = vector.shape_cast %add3A_688 : vector<16xf32> to vector<1x16xf32>
        tpu.vector_store %arg10[%swap3A_691, %swap3A_692], %swap3A_695 {strides = array<i32>} : memref<112x224xf32, #tpu.memory_space<vmem>>, vector<1x16xf32>,
        %add3A_696 = arith.constant 2 : i32
        %add3A_697 = arith.addi %mul3A_114, %add3A_696 : i32
        %get3A_698 = arith.index_cast %add3A_697 : i32 to index
        %get3A_699 = arith.constant 224 : index
        %get3A_700 = tpu.vector_load %arg8[%get3A_698, %get3A_699] {strides = array<i32>} : memref<112x256xf32, #tpu.memory_space<vmem>>, vector<1x16xf32>,
        %get3A_701 = vector.shape_cast %get3A_700 : vector<1x16xf32> to vector<16xf32>
        %add3A_702 = arith.addf %get3A_589, %get3A_43 : vector<16xf32>
        %add3A_703 = arith.constant 2 : i32
        %add3A_704 = arith.addi %mul3A_116, %add3A_703 : i32
        %swap3A_705 = arith.index_cast %add3A_704 : i32 to index
        %swap3A_706 = arith.constant 160 : index
        %swap3A_707 = tpu.vector_load %arg10[%swap3A_705, %swap3A_706] {strides = array<i32>} : memref<112x224xf32, #tpu.memory_space<vmem>>, vector<1x16xf32>,
        %swap3A_708 = vector.shape_cast %swap3A_707 : vector<1x16xf32> to vector<16xf32>
        %swap3A_709 = vector.shape_cast %add3A_702 : vector<16xf32> to vector<1x16xf32>
        tpu.vector_store %arg10[%swap3A_705, %swap3A_706], %swap3A_709 {strides = array<i32>} : memref<112x224xf32, #tpu.memory_space<vmem>>, vector<1x16xf32>,
        %add3A_710 = arith.constant 2 : i32
        %add3A_711 = arith.addi %mul3A_114, %add3A_710 : i32
        %get3A_712 = arith.index_cast %add3A_711 : i32 to index
        %get3A_713 = arith.constant 240 : index
        %get3A_714 = tpu.vector_load %arg8[%get3A_712, %get3A_713] {strides = array<i32>} : memref<112x256xf32, #tpu.memory_space<vmem>>, vector<1x16xf32>,
        %get3A_715 = vector.shape_cast %get3A_714 : vector<1x16xf32> to vector<16xf32>
        %add3A_716 = arith.addf %get3A_603, %get3A_43 : vector<16xf32>
        %add3A_717 = arith.constant 2 : i32
        %add3A_718 = arith.addi %mul3A_116, %add3A_717 : i32
        %swap3A_719 = arith.index_cast %add3A_718 : i32 to index
        %swap3A_720 = arith.constant 176 : index
        %swap3A_721 = tpu.vector_load %arg10[%swap3A_719, %swap3A_720] {strides = array<i32>} : memref<112x224xf32, #tpu.memory_space<vmem>>, vector<1x16xf32>,
        %swap3A_722 = vector.shape_cast %swap3A_721 : vector<1x16xf32> to vector<16xf32>
        %swap3A_723 = vector.shape_cast %add3A_716 : vector<16xf32> to vector<1x16xf32>
        tpu.vector_store %arg10[%swap3A_719, %swap3A_720], %swap3A_723 {strides = array<i32>} : memref<112x224xf32, #tpu.memory_space<vmem>>, vector<1x16xf32>,
        %add3A_724 = arith.constant 3 : i32
        %add3A_725 = arith.addi %mul3A_114, %add3A_724 : i32
        %get3A_726 = arith.index_cast %add3A_725 : i32 to index
        %get3A_727 = arith.constant 0 : index
        %get3A_728 = tpu.vector_load %arg8[%get3A_726, %get3A_727] {strides = array<i32>} : memref<112x256xf32, #tpu.memory_space<vmem>>, vector<1x16xf32>,
        %get3A_729 = vector.shape_cast %get3A_728 : vector<1x16xf32> to vector<16xf32>
        %add3A_730 = arith.addf %get3A_617, %get3A_43 : vector<16xf32>
        %add3A_731 = arith.constant 2 : i32
        %add3A_732 = arith.addi %mul3A_116, %add3A_731 : i32
        %swap3A_733 = arith.index_cast %add3A_732 : i32 to index
        %swap3A_734 = arith.constant 192 : index
        %swap3A_735 = tpu.vector_load %arg10[%swap3A_733, %swap3A_734] {strides = array<i32>} : memref<112x224xf32, #tpu.memory_space<vmem>>, vector<1x16xf32>,
        %swap3A_736 = vector.shape_cast %swap3A_735 : vector<1x16xf32> to vector<16xf32>
        %swap3A_737 = vector.shape_cast %add3A_730 : vector<16xf32> to vector<1x16xf32>
        tpu.vector_store %arg10[%swap3A_733, %swap3A_734], %swap3A_737 {strides = array<i32>} : memref<112x224xf32, #tpu.memory_space<vmem>>, vector<1x16xf32>,
        %add3A_738 = arith.constant 3 : i32
        %add3A_739 = arith.addi %mul3A_114, %add3A_738 : i32
        %get3A_740 = arith.index_cast %add3A_739 : i32 to index
        %get3A_741 = arith.constant 16 : index
        %get3A_742 = tpu.vector_load %arg8[%get3A_740, %get3A_741] {strides = array<i32>} : memref<112x256xf32, #tpu.memory_space<vmem>>, vector<1x16xf32>,
        %get3A_743 = vector.shape_cast %get3A_742 : vector<1x16xf32> to vector<16xf32>
        %add3A_744 = arith.addf %get3A_631, %get3A_43 : vector<16xf32>
        %add3A_745 = arith.constant 2 : i32
        %add3A_746 = arith.addi %mul3A_116, %add3A_745 : i32
        %swap3A_747 = arith.index_cast %add3A_746 : i32 to index
        %swap3A_748 = arith.constant 208 : index
        %swap3A_749 = tpu.vector_load %arg10[%swap3A_747, %swap3A_748] {strides = array<i32>} : memref<112x224xf32, #tpu.memory_space<vmem>>, vector<1x16xf32>,
        %swap3A_750 = vector.shape_cast %swap3A_749 : vector<1x16xf32> to vector<16xf32>
        %swap3A_751 = vector.shape_cast %add3A_744 : vector<16xf32> to vector<1x16xf32>
        tpu.vector_store %arg10[%swap3A_747, %swap3A_748], %swap3A_751 {strides = array<i32>} : memref<112x224xf32, #tpu.memory_space<vmem>>, vector<1x16xf32>,
        %add3A_752 = arith.constant 3 : i32
        %add3A_753 = arith.addi %mul3A_114, %add3A_752 : i32
        %get3A_754 = arith.index_cast %add3A_753 : i32 to index
        %get3A_755 = arith.constant 32 : index
        %get3A_756 = tpu.vector_load %arg8[%get3A_754, %get3A_755] {strides = array<i32>} : memref<112x256xf32, #tpu.memory_space<vmem>>, vector<1x16xf32>,
        %get3A_757 = vector.shape_cast %get3A_756 : vector<1x16xf32> to vector<16xf32>
        %add3A_758 = arith.addf %get3A_645, %get3A_43 : vector<16xf32>
        %add3A_759 = arith.constant 3 : i32
        %add3A_760 = arith.addi %mul3A_116, %add3A_759 : i32
        %swap3A_761 = arith.index_cast %add3A_760 : i32 to index
        %swap3A_762 = arith.constant 0 : index
        %swap3A_763 = tpu.vector_load %arg10[%swap3A_761, %swap3A_762] {strides = array<i32>} : memref<112x224xf32, #tpu.memory_space<vmem>>, vector<1x16xf32>,
        %swap3A_764 = vector.shape_cast %swap3A_763 : vector<1x16xf32> to vector<16xf32>
        %swap3A_765 = vector.shape_cast %add3A_758 : vector<16xf32> to vector<1x16xf32>
        tpu.vector_store %arg10[%swap3A_761, %swap3A_762], %swap3A_765 {strides = array<i32>} : memref<112x224xf32, #tpu.memory_space<vmem>>, vector<1x16xf32>,
        %add3A_766 = arith.constant 3 : i32
        %add3A_767 = arith.addi %mul3A_114, %add3A_766 : i32
        %get3A_768 = arith.index_cast %add3A_767 : i32 to index
        %get3A_769 = arith.constant 48 : index
        %get3A_770 = tpu.vector_load %arg8[%get3A_768, %get3A_769] {strides = array<i32>} : memref<112x256xf32, #tpu.memory_space<vmem>>, vector<1x16xf32>,
        %get3A_771 = vector.shape_cast %get3A_770 : vector<1x16xf32> to vector<16xf32>
        %add3A_772 = arith.addf %get3A_659, %get3A_43 : vector<16xf32>
        %add3A_773 = arith.constant 3 : i32
        %add3A_774 = arith.addi %mul3A_116, %add3A_773 : i32
        %swap3A_775 = arith.index_cast %add3A_774 : i32 to index
        %swap3A_776 = arith.constant 16 : index
        %swap3A_777 = tpu.vector_load %arg10[%swap3A_775, %swap3A_776] {strides = array<i32>} : memref<112x224xf32, #tpu.memory_space<vmem>>, vector<1x16xf32>,
        %swap3A_778 = vector.shape_cast %swap3A_777 : vector<1x16xf32> to vector<16xf32>
        %swap3A_779 = vector.shape_cast %add3A_772 : vector<16xf32> to vector<1x16xf32>
        tpu.vector_store %arg10[%swap3A_775, %swap3A_776], %swap3A_779 {strides = array<i32>} : memref<112x224xf32, #tpu.memory_space<vmem>>, vector<1x16xf32>,
        %add3A_780 = arith.constant 3 : i32
        %add3A_781 = arith.addi %mul3A_114, %add3A_780 : i32
        %get3A_782 = arith.index_cast %add3A_781 : i32 to index
        %get3A_783 = arith.constant 64 : index
        %get3A_784 = tpu.vector_load %arg8[%get3A_782, %get3A_783] {strides = array<i32>} : memref<112x256xf32, #tpu.memory_space<vmem>>, vector<1x16xf32>,
        %get3A_785 = vector.shape_cast %get3A_784 : vector<1x16xf32> to vector<16xf32>
        %add3A_786 = arith.addf %get3A_673, %get3A_43 : vector<16xf32>
        %add3A_787 = arith.constant 3 : i32
        %add3A_788 = arith.addi %mul3A_116, %add3A_787 : i32
        %swap3A_789 = arith.index_cast %add3A_788 : i32 to index
        %swap3A_790 = arith.constant 32 : index
        %swap3A_791 = tpu.vector_load %arg10[%swap3A_789, %swap3A_790] {strides = array<i32>} : memref<112x224xf32, #tpu.memory_space<vmem>>, vector<1x16xf32>,
        %swap3A_792 = vector.shape_cast %swap3A_791 : vector<1x16xf32> to vector<16xf32>
        %swap3A_793 = vector.shape_cast %add3A_786 : vector<16xf32> to vector<1x16xf32>
        tpu.vector_store %arg10[%swap3A_789, %swap3A_790], %swap3A_793 {strides = array<i32>} : memref<112x224xf32, #tpu.memory_space<vmem>>, vector<1x16xf32>,
        %add3A_794 = arith.constant 3 : i32
        %add3A_795 = arith.addi %mul3A_114, %add3A_794 : i32
        %get3A_796 = arith.index_cast %add3A_795 : i32 to index
        %get3A_797 = arith.constant 80 : index
        %get3A_798 = tpu.vector_load %arg8[%get3A_796, %get3A_797] {strides = array<i32>} : memref<112x256xf32, #tpu.memory_space<vmem>>, vector<1x16xf32>,
        %get3A_799 = vector.shape_cast %get3A_798 : vector<1x16xf32> to vector<16xf32>
        %add3A_800 = arith.addf %get3A_687, %get3A_43 : vector<16xf32>
        %add3A_801 = arith.constant 3 : i32
        %add3A_802 = arith.addi %mul3A_116, %add3A_801 : i32
        %swap3A_803 = arith.index_cast %add3A_802 : i32 to index
        %swap3A_804 = arith.constant 48 : index
        %swap3A_805 = tpu.vector_load %arg10[%swap3A_803, %swap3A_804] {strides = array<i32>} : memref<112x224xf32, #tpu.memory_space<vmem>>, vector<1x16xf32>,
        %swap3A_806 = vector.shape_cast %swap3A_805 : vector<1x16xf32> to vector<16xf32>
        %swap3A_807 = vector.shape_cast %add3A_800 : vector<16xf32> to vector<1x16xf32>
        tpu.vector_store %arg10[%swap3A_803, %swap3A_804], %swap3A_807 {strides = array<i32>} : memref<112x224xf32, #tpu.memory_space<vmem>>, vector<1x16xf32>,
        %add3A_808 = arith.constant 3 : i32
        %add3A_809 = arith.addi %mul3A_114, %add3A_808 : i32
        %get3A_810 = arith.index_cast %add3A_809 : i32 to index
        %get3A_811 = arith.constant 96 : index
        %get3A_812 = tpu.vector_load %arg8[%get3A_810, %get3A_811] {strides = array<i32>} : memref<112x256xf32, #tpu.memory_space<vmem>>, vector<1x16xf32>,
        %get3A_813 = vector.shape_cast %get3A_812 : vector<1x16xf32> to vector<16xf32>
        %add3A_814 = arith.addf %get3A_701, %get3A_43 : vector<16xf32>
        %add3A_815 = arith.constant 3 : i32
        %add3A_816 = arith.addi %mul3A_116, %add3A_815 : i32
        %swap3A_817 = arith.index_cast %add3A_816 : i32 to index
        %swap3A_818 = arith.constant 64 : index
        %swap3A_819 = tpu.vector_load %arg10[%swap3A_817, %swap3A_818] {strides = array<i32>} : memref<112x224xf32, #tpu.memory_space<vmem>>, vector<1x16xf32>,
        %swap3A_820 = vector.shape_cast %swap3A_819 : vector<1x16xf32> to vector<16xf32>
        %swap3A_821 = vector.shape_cast %add3A_814 : vector<16xf32> to vector<1x16xf32>
        tpu.vector_store %arg10[%swap3A_817, %swap3A_818], %swap3A_821 {strides = array<i32>} : memref<112x224xf32, #tpu.memory_space<vmem>>, vector<1x16xf32>,
        %add3A_822 = arith.constant 3 : i32
        %add3A_823 = arith.addi %mul3A_114, %add3A_822 : i32
        %get3A_824 = arith.index_cast %add3A_823 : i32 to index
        %get3A_825 = arith.constant 112 : index
        %get3A_826 = tpu.vector_load %arg8[%get3A_824, %get3A_825] {strides = array<i32>} : memref<112x256xf32, #tpu.memory_space<vmem>>, vector<1x16xf32>,
        %get3A_827 = vector.shape_cast %get3A_826 : vector<1x16xf32> to vector<16xf32>
        %add3A_828 = arith.addf %get3A_715, %get3A_43 : vector<16xf32>
        %add3A_829 = arith.constant 3 : i32
        %add3A_830 = arith.addi %mul3A_116, %add3A_829 : i32
        %swap3A_831 = arith.index_cast %add3A_830 : i32 to index
        %swap3A_832 = arith.constant 80 : index
        %swap3A_833 = tpu.vector_load %arg10[%swap3A_831, %swap3A_832] {strides = array<i32>} : memref<112x224xf32, #tpu.memory_space<vmem>>, vector<1x16xf32>,
        %swap3A_834 = vector.shape_cast %swap3A_833 : vector<1x16xf32> to vector<16xf32>
        %swap3A_835 = vector.shape_cast %add3A_828 : vector<16xf32> to vector<1x16xf32>
        tpu.vector_store %arg10[%swap3A_831, %swap3A_832], %swap3A_835 {strides = array<i32>} : memref<112x224xf32, #tpu.memory_space<vmem>>, vector<1x16xf32>,
        %add3A_836 = arith.constant 3 : i32
        %add3A_837 = arith.addi %mul3A_114, %add3A_836 : i32
        %get3A_838 = arith.index_cast %add3A_837 : i32 to index
        %get3A_839 = arith.constant 128 : index
        %get3A_840 = tpu.vector_load %arg8[%get3A_838, %get3A_839] {strides = array<i32>} : memref<112x256xf32, #tpu.memory_space<vmem>>, vector<1x16xf32>,
        %get3A_841 = vector.shape_cast %get3A_840 : vector<1x16xf32> to vector<16xf32>
        %add3A_842 = arith.addf %get3A_729, %get3A_43 : vector<16xf32>
        %add3A_843 = arith.constant 3 : i32
        %add3A_844 = arith.addi %mul3A_116, %add3A_843 : i32
        %swap3A_845 = arith.index_cast %add3A_844 : i32 to index
        %swap3A_846 = arith.constant 96 : index
        %swap3A_847 = tpu.vector_load %arg10[%swap3A_845, %swap3A_846] {strides = array<i32>} : memref<112x224xf32, #tpu.memory_space<vmem>>, vector<1x16xf32>,
        %swap3A_848 = vector.shape_cast %swap3A_847 : vector<1x16xf32> to vector<16xf32>
        %swap3A_849 = vector.shape_cast %add3A_842 : vector<16xf32> to vector<1x16xf32>
        tpu.vector_store %arg10[%swap3A_845, %swap3A_846], %swap3A_849 {strides = array<i32>} : memref<112x224xf32, #tpu.memory_space<vmem>>, vector<1x16xf32>,
        %add3A_850 = arith.constant 3 : i32
        %add3A_851 = arith.addi %mul3A_114, %add3A_850 : i32
        %get3A_852 = arith.index_cast %add3A_851 : i32 to index
        %get3A_853 = arith.constant 144 : index
        %get3A_854 = tpu.vector_load %arg8[%get3A_852, %get3A_853] {strides = array<i32>} : memref<112x256xf32, #tpu.memory_space<vmem>>, vector<1x16xf32>,
        %get3A_855 = vector.shape_cast %get3A_854 : vector<1x16xf32> to vector<16xf32>
        %add3A_856 = arith.addf %get3A_743, %get3A_43 : vector<16xf32>
        %add3A_857 = arith.constant 3 : i32
        %add3A_858 = arith.addi %mul3A_116, %add3A_857 : i32
        %swap3A_859 = arith.index_cast %add3A_858 : i32 to index
        %swap3A_860 = arith.constant 112 : index
        %swap3A_861 = tpu.vector_load %arg10[%swap3A_859, %swap3A_860] {strides = array<i32>} : memref<112x224xf32, #tpu.memory_space<vmem>>, vector<1x16xf32>,
        %swap3A_862 = vector.shape_cast %swap3A_861 : vector<1x16xf32> to vector<16xf32>
        %swap3A_863 = vector.shape_cast %add3A_856 : vector<16xf32> to vector<1x16xf32>
        tpu.vector_store %arg10[%swap3A_859, %swap3A_860], %swap3A_863 {strides = array<i32>} : memref<112x224xf32, #tpu.memory_space<vmem>>, vector<1x16xf32>,
        %add3A_864 = arith.constant 3 : i32
        %add3A_865 = arith.addi %mul3A_114, %add3A_864 : i32
        %get3A_866 = arith.index_cast %add3A_865 : i32 to index
        %get3A_867 = arith.constant 160 : index
        %get3A_868 = tpu.vector_load %arg8[%get3A_866, %get3A_867] {strides = array<i32>} : memref<112x256xf32, #tpu.memory_space<vmem>>, vector<1x16xf32>,
        %get3A_869 = vector.shape_cast %get3A_868 : vector<1x16xf32> to vector<16xf32>
        %add3A_870 = arith.addf %get3A_757, %get3A_43 : vector<16xf32>
        %add3A_871 = arith.constant 3 : i32
        %add3A_872 = arith.addi %mul3A_116, %add3A_871 : i32
        %swap3A_873 = arith.index_cast %add3A_872 : i32 to index
        %swap3A_874 = arith.constant 128 : index
        %swap3A_875 = tpu.vector_load %arg10[%swap3A_873, %swap3A_874] {strides = array<i32>} : memref<112x224xf32, #tpu.memory_space<vmem>>, vector<1x16xf32>,
        %swap3A_876 = vector.shape_cast %swap3A_875 : vector<1x16xf32> to vector<16xf32>
        %swap3A_877 = vector.shape_cast %add3A_870 : vector<16xf32> to vector<1x16xf32>
        tpu.vector_store %arg10[%swap3A_873, %swap3A_874], %swap3A_877 {strides = array<i32>} : memref<112x224xf32, #tpu.memory_space<vmem>>, vector<1x16xf32>,
        %add3A_878 = arith.constant 3 : i32
        %add3A_879 = arith.addi %mul3A_114, %add3A_878 : i32
        %get3A_880 = arith.index_cast %add3A_879 : i32 to index
        %get3A_881 = arith.constant 176 : index
        %get3A_882 = tpu.vector_load %arg8[%get3A_880, %get3A_881] {strides = array<i32>} : memref<112x256xf32, #tpu.memory_space<vmem>>, vector<1x16xf32>,
        %get3A_883 = vector.shape_cast %get3A_882 : vector<1x16xf32> to vector<16xf32>
        %add3A_884 = arith.addf %get3A_771, %get3A_43 : vector<16xf32>
        %add3A_885 = arith.constant 3 : i32
        %add3A_886 = arith.addi %mul3A_116, %add3A_885 : i32
        %swap3A_887 = arith.index_cast %add3A_886 : i32 to index
        %swap3A_888 = arith.constant 144 : index
        %swap3A_889 = tpu.vector_load %arg10[%swap3A_887, %swap3A_888] {strides = array<i32>} : memref<112x224xf32, #tpu.memory_space<vmem>>, vector<1x16xf32>,
        %swap3A_890 = vector.shape_cast %swap3A_889 : vector<1x16xf32> to vector<16xf32>
        %swap3A_891 = vector.shape_cast %add3A_884 : vector<16xf32> to vector<1x16xf32>
        tpu.vector_store %arg10[%swap3A_887, %swap3A_888], %swap3A_891 {strides = array<i32>} : memref<112x224xf32, #tpu.memory_space<vmem>>, vector<1x16xf32>,
        %add3A_892 = arith.constant 3 : i32
        %add3A_893 = arith.addi %mul3A_114, %add3A_892 : i32
        %get3A_894 = arith.index_cast %add3A_893 : i32 to index
        %get3A_895 = arith.constant 192 : index
        %get3A_896 = tpu.vector_load %arg8[%get3A_894, %get3A_895] {strides = array<i32>} : memref<112x256xf32, #tpu.memory_space<vmem>>, vector<1x16xf32>,
        %get3A_897 = vector.shape_cast %get3A_896 : vector<1x16xf32> to vector<16xf32>
        %add3A_898 = arith.addf %get3A_785, %get3A_43 : vector<16xf32>
        %add3A_899 = arith.constant 3 : i32
        %add3A_900 = arith.addi %mul3A_116, %add3A_899 : i32
        %swap3A_901 = arith.index_cast %add3A_900 : i32 to index
        %swap3A_902 = arith.constant 160 : index
        %swap3A_903 = tpu.vector_load %arg10[%swap3A_901, %swap3A_902] {strides = array<i32>} : memref<112x224xf32, #tpu.memory_space<vmem>>, vector<1x16xf32>,
        %swap3A_904 = vector.shape_cast %swap3A_903 : vector<1x16xf32> to vector<16xf32>
        %swap3A_905 = vector.shape_cast %add3A_898 : vector<16xf32> to vector<1x16xf32>
        tpu.vector_store %arg10[%swap3A_901, %swap3A_902], %swap3A_905 {strides = array<i32>} : memref<112x224xf32, #tpu.memory_space<vmem>>, vector<1x16xf32>,
        %add3A_906 = arith.constant 3 : i32
        %add3A_907 = arith.addi %mul3A_114, %add3A_906 : i32
        %get3A_908 = arith.index_cast %add3A_907 : i32 to index
        %get3A_909 = arith.constant 208 : index
        %get3A_910 = tpu.vector_load %arg8[%get3A_908, %get3A_909] {strides = array<i32>} : memref<112x256xf32, #tpu.memory_space<vmem>>, vector<1x16xf32>,
        %get3A_911 = vector.shape_cast %get3A_910 : vector<1x16xf32> to vector<16xf32>
        %add3A_912 = arith.addf %get3A_799, %get3A_43 : vector<16xf32>
        %add3A_913 = arith.constant 3 : i32
        %add3A_914 = arith.addi %mul3A_116, %add3A_913 : i32
        %swap3A_915 = arith.index_cast %add3A_914 : i32 to index
        %swap3A_916 = arith.constant 176 : index
        %swap3A_917 = tpu.vector_load %arg10[%swap3A_915, %swap3A_916] {strides = array<i32>} : memref<112x224xf32, #tpu.memory_space<vmem>>, vector<1x16xf32>,
        %swap3A_918 = vector.shape_cast %swap3A_917 : vector<1x16xf32> to vector<16xf32>
        %swap3A_919 = vector.shape_cast %add3A_912 : vector<16xf32> to vector<1x16xf32>
        tpu.vector_store %arg10[%swap3A_915, %swap3A_916], %swap3A_919 {strides = array<i32>} : memref<112x224xf32, #tpu.memory_space<vmem>>, vector<1x16xf32>,
        %add3A_920 = arith.constant 3 : i32
        %add3A_921 = arith.addi %mul3A_114, %add3A_920 : i32
        %get3A_922 = arith.index_cast %add3A_921 : i32 to index
        %get3A_923 = arith.constant 224 : index
        %get3A_924 = tpu.vector_load %arg8[%get3A_922, %get3A_923] {strides = array<i32>} : memref<112x256xf32, #tpu.memory_space<vmem>>, vector<1x16xf32>,
        %get3A_925 = vector.shape_cast %get3A_924 : vector<1x16xf32> to vector<16xf32>
        %add3A_926 = arith.addf %get3A_813, %get3A_43 : vector<16xf32>
        %add3A_927 = arith.constant 3 : i32
        %add3A_928 = arith.addi %mul3A_116, %add3A_927 : i32
        %swap3A_929 = arith.index_cast %add3A_928 : i32 to index
        %swap3A_930 = arith.constant 192 : index
        %swap3A_931 = tpu.vector_load %arg10[%swap3A_929, %swap3A_930] {strides = array<i32>} : memref<112x224xf32, #tpu.memory_space<vmem>>, vector<1x16xf32>,
        %swap3A_932 = vector.shape_cast %swap3A_931 : vector<1x16xf32> to vector<16xf32>
        %swap3A_933 = vector.shape_cast %add3A_926 : vector<16xf32> to vector<1x16xf32>
        tpu.vector_store %arg10[%swap3A_929, %swap3A_930], %swap3A_933 {strides = array<i32>} : memref<112x224xf32, #tpu.memory_space<vmem>>, vector<1x16xf32>,
        %add3A_934 = arith.constant 3 : i32
        %add3A_935 = arith.addi %mul3A_114, %add3A_934 : i32
        %get3A_936 = arith.index_cast %add3A_935 : i32 to index
        %get3A_937 = arith.constant 240 : index
        %get3A_938 = tpu.vector_load %arg8[%get3A_936, %get3A_937] {strides = array<i32>} : memref<112x256xf32, #tpu.memory_space<vmem>>, vector<1x16xf32>,
        %get3A_939 = vector.shape_cast %get3A_938 : vector<1x16xf32> to vector<16xf32>
        %add3A_940 = arith.addf %get3A_827, %get3A_43 : vector<16xf32>
        %add3A_941 = arith.constant 3 : i32
        %add3A_942 = arith.addi %mul3A_116, %add3A_941 : i32
        %swap3A_943 = arith.index_cast %add3A_942 : i32 to index
        %swap3A_944 = arith.constant 208 : index
        %swap3A_945 = tpu.vector_load %arg10[%swap3A_943, %swap3A_944] {strides = array<i32>} : memref<112x224xf32, #tpu.memory_space<vmem>>, vector<1x16xf32>,
        %swap3A_946 = vector.shape_cast %swap3A_945 : vector<1x16xf32> to vector<16xf32>
        %swap3A_947 = vector.shape_cast %add3A_940 : vector<16xf32> to vector<1x16xf32>
        tpu.vector_store %arg10[%swap3A_943, %swap3A_944], %swap3A_947 {strides = array<i32>} : memref<112x224xf32, #tpu.memory_space<vmem>>, vector<1x16xf32>,
        %add3A_948 = arith.constant 4 : i32
        %add3A_949 = arith.addi %mul3A_114, %add3A_948 : i32
        %get3A_950 = arith.index_cast %add3A_949 : i32 to index
        %get3A_951 = arith.constant 0 : index
        %get3A_952 = tpu.vector_load %arg8[%get3A_950, %get3A_951] {strides = array<i32>} : memref<112x256xf32, #tpu.memory_space<vmem>>, vector<1x16xf32>,
        %get3A_953 = vector.shape_cast %get3A_952 : vector<1x16xf32> to vector<16xf32>
        %add3A_954 = arith.addf %get3A_841, %get3A_43 : vector<16xf32>
        %add3A_955 = arith.constant 4 : i32
        %add3A_956 = arith.addi %mul3A_116, %add3A_955 : i32
        %swap3A_957 = arith.index_cast %add3A_956 : i32 to index
        %swap3A_958 = arith.constant 0 : index
        %swap3A_959 = tpu.vector_load %arg10[%swap3A_957, %swap3A_958] {strides = array<i32>} : memref<112x224xf32, #tpu.memory_space<vmem>>, vector<1x16xf32>,
        %swap3A_960 = vector.shape_cast %swap3A_959 : vector<1x16xf32> to vector<16xf32>
        %swap3A_961 = vector.shape_cast %add3A_954 : vector<16xf32> to vector<1x16xf32>
        tpu.vector_store %arg10[%swap3A_957, %swap3A_958], %swap3A_961 {strides = array<i32>} : memref<112x224xf32, #tpu.memory_space<vmem>>, vector<1x16xf32>,
        %add3A_962 = arith.constant 4 : i32
        %add3A_963 = arith.addi %mul3A_114, %add3A_962 : i32
        %get3A_964 = arith.index_cast %add3A_963 : i32 to index
        %get3A_965 = arith.constant 16 : index
        %get3A_966 = tpu.vector_load %arg8[%get3A_964, %get3A_965] {strides = array<i32>} : memref<112x256xf32, #tpu.memory_space<vmem>>, vector<1x16xf32>,
        %get3A_967 = vector.shape_cast %get3A_966 : vector<1x16xf32> to vector<16xf32>
        %add3A_968 = arith.addf %get3A_855, %get3A_43 : vector<16xf32>
        %add3A_969 = arith.constant 4 : i32
        %add3A_970 = arith.addi %mul3A_116, %add3A_969 : i32
        %swap3A_971 = arith.index_cast %add3A_970 : i32 to index
        %swap3A_972 = arith.constant 16 : index
        %swap3A_973 = tpu.vector_load %arg10[%swap3A_971, %swap3A_972] {strides = array<i32>} : memref<112x224xf32, #tpu.memory_space<vmem>>, vector<1x16xf32>,
        %swap3A_974 = vector.shape_cast %swap3A_973 : vector<1x16xf32> to vector<16xf32>
        %swap3A_975 = vector.shape_cast %add3A_968 : vector<16xf32> to vector<1x16xf32>
        tpu.vector_store %arg10[%swap3A_971, %swap3A_972], %swap3A_975 {strides = array<i32>} : memref<112x224xf32, #tpu.memory_space<vmem>>, vector<1x16xf32>,
        %add3A_976 = arith.constant 4 : i32
        %add3A_977 = arith.addi %mul3A_114, %add3A_976 : i32
        %get3A_978 = arith.index_cast %add3A_977 : i32 to index
        %get3A_979 = arith.constant 32 : index
        %get3A_980 = tpu.vector_load %arg8[%get3A_978, %get3A_979] {strides = array<i32>} : memref<112x256xf32, #tpu.memory_space<vmem>>, vector<1x16xf32>,
        %get3A_981 = vector.shape_cast %get3A_980 : vector<1x16xf32> to vector<16xf32>
        %add3A_982 = arith.addf %get3A_869, %get3A_43 : vector<16xf32>
        %add3A_983 = arith.constant 4 : i32
        %add3A_984 = arith.addi %mul3A_116, %add3A_983 : i32
        %swap3A_985 = arith.index_cast %add3A_984 : i32 to index
        %swap3A_986 = arith.constant 32 : index
        %swap3A_987 = tpu.vector_load %arg10[%swap3A_985, %swap3A_986] {strides = array<i32>} : memref<112x224xf32, #tpu.memory_space<vmem>>, vector<1x16xf32>,
        %swap3A_988 = vector.shape_cast %swap3A_987 : vector<1x16xf32> to vector<16xf32>
        %swap3A_989 = vector.shape_cast %add3A_982 : vector<16xf32> to vector<1x16xf32>
        tpu.vector_store %arg10[%swap3A_985, %swap3A_986], %swap3A_989 {strides = array<i32>} : memref<112x224xf32, #tpu.memory_space<vmem>>, vector<1x16xf32>,
        %add3A_990 = arith.constant 4 : i32
        %add3A_991 = arith.addi %mul3A_114, %add3A_990 : i32
        %get3A_992 = arith.index_cast %add3A_991 : i32 to index
        %get3A_993 = arith.constant 48 : index
        %get3A_994 = tpu.vector_load %arg8[%get3A_992, %get3A_993] {strides = array<i32>} : memref<112x256xf32, #tpu.memory_space<vmem>>, vector<1x16xf32>,
        %get3A_995 = vector.shape_cast %get3A_994 : vector<1x16xf32> to vector<16xf32>
        %add3A_996 = arith.addf %get3A_883, %get3A_43 : vector<16xf32>
        %add3A_997 = arith.constant 4 : i32
        %add3A_998 = arith.addi %mul3A_116, %add3A_997 : i32
        %swap3A_999 = arith.index_cast %add3A_998 : i32 to index
        %swap3A_1000 = arith.constant 48 : index
        %swap3A_1001 = tpu.vector_load %arg10[%swap3A_999, %swap3A_1000] {strides = array<i32>} : memref<112x224xf32, #tpu.memory_space<vmem>>, vector<1x16xf32>,
        %swap3A_1002 = vector.shape_cast %swap3A_1001 : vector<1x16xf32> to vector<16xf32>
        %swap3A_1003 = vector.shape_cast %add3A_996 : vector<16xf32> to vector<1x16xf32>
        tpu.vector_store %arg10[%swap3A_999, %swap3A_1000], %swap3A_1003 {strides = array<i32>} : memref<112x224xf32, #tpu.memory_space<vmem>>, vector<1x16xf32>,
        %add3A_1004 = arith.constant 4 : i32
        %add3A_1005 = arith.addi %mul3A_114, %add3A_1004 : i32
        %get3A_1006 = arith.index_cast %add3A_1005 : i32 to index
        %get3A_1007 = arith.constant 64 : index
        %get3A_1008 = tpu.vector_load %arg8[%get3A_1006, %get3A_1007] {strides = array<i32>} : memref<112x256xf32, #tpu.memory_space<vmem>>, vector<1x16xf32>,
        %get3A_1009 = vector.shape_cast %get3A_1008 : vector<1x16xf32> to vector<16xf32>
        %add3A_1010 = arith.addf %get3A_897, %get3A_43 : vector<16xf32>
        %add3A_1011 = arith.constant 4 : i32
        %add3A_1012 = arith.addi %mul3A_116, %add3A_1011 : i32
        %swap3A_1013 = arith.index_cast %add3A_1012 : i32 to index
        %swap3A_1014 = arith.constant 64 : index
        %swap3A_1015 = tpu.vector_load %arg10[%swap3A_1013, %swap3A_1014] {strides = array<i32>} : memref<112x224xf32, #tpu.memory_space<vmem>>, vector<1x16xf32>,
        %swap3A_1016 = vector.shape_cast %swap3A_1015 : vector<1x16xf32> to vector<16xf32>
        %swap3A_1017 = vector.shape_cast %add3A_1010 : vector<16xf32> to vector<1x16xf32>
        tpu.vector_store %arg10[%swap3A_1013, %swap3A_1014], %swap3A_1017 {strides = array<i32>} : memref<112x224xf32, #tpu.memory_space<vmem>>, vector<1x16xf32>,
        %add3A_1018 = arith.constant 4 : i32
        %add3A_1019 = arith.addi %mul3A_114, %add3A_1018 : i32
        %get3A_1020 = arith.index_cast %add3A_1019 : i32 to index
        %get3A_1021 = arith.constant 80 : index
        %get3A_1022 = tpu.vector_load %arg8[%get3A_1020, %get3A_1021] {strides = array<i32>} : memref<112x256xf32, #tpu.memory_space<vmem>>, vector<1x16xf32>,
        %get3A_1023 = vector.shape_cast %get3A_1022 : vector<1x16xf32> to vector<16xf32>
        %add3A_1024 = arith.addf %get3A_911, %get3A_43 : vector<16xf32>
        %add3A_1025 = arith.constant 4 : i32
        %add3A_1026 = arith.addi %mul3A_116, %add3A_1025 : i32
        %swap3A_1027 = arith.index_cast %add3A_1026 : i32 to index
        %swap3A_1028 = arith.constant 80 : index
        %swap3A_1029 = tpu.vector_load %arg10[%swap3A_1027, %swap3A_1028] {strides = array<i32>} : memref<112x224xf32, #tpu.memory_space<vmem>>, vector<1x16xf32>,
        %swap3A_1030 = vector.shape_cast %swap3A_1029 : vector<1x16xf32> to vector<16xf32>
        %swap3A_1031 = vector.shape_cast %add3A_1024 : vector<16xf32> to vector<1x16xf32>
        tpu.vector_store %arg10[%swap3A_1027, %swap3A_1028], %swap3A_1031 {strides = array<i32>} : memref<112x224xf32, #tpu.memory_space<vmem>>, vector<1x16xf32>,
        %add3A_1032 = arith.constant 4 : i32
        %add3A_1033 = arith.addi %mul3A_114, %add3A_1032 : i32
        %get3A_1034 = arith.index_cast %add3A_1033 : i32 to index
        %get3A_1035 = arith.constant 96 : index
        %get3A_1036 = tpu.vector_load %arg8[%get3A_1034, %get3A_1035] {strides = array<i32>} : memref<112x256xf32, #tpu.memory_space<vmem>>, vector<1x16xf32>,
        %get3A_1037 = vector.shape_cast %get3A_1036 : vector<1x16xf32> to vector<16xf32>
        %add3A_1038 = arith.addf %get3A_925, %get3A_43 : vector<16xf32>
        %add3A_1039 = arith.constant 4 : i32
        %add3A_1040 = arith.addi %mul3A_116, %add3A_1039 : i32
        %swap3A_1041 = arith.index_cast %add3A_1040 : i32 to index
        %swap3A_1042 = arith.constant 96 : index
        %swap3A_1043 = tpu.vector_load %arg10[%swap3A_1041, %swap3A_1042] {strides = array<i32>} : memref<112x224xf32, #tpu.memory_space<vmem>>, vector<1x16xf32>,
        %swap3A_1044 = vector.shape_cast %swap3A_1043 : vector<1x16xf32> to vector<16xf32>
        %swap3A_1045 = vector.shape_cast %add3A_1038 : vector<16xf32> to vector<1x16xf32>
        tpu.vector_store %arg10[%swap3A_1041, %swap3A_1042], %swap3A_1045 {strides = array<i32>} : memref<112x224xf32, #tpu.memory_space<vmem>>, vector<1x16xf32>,
        %add3A_1046 = arith.constant 4 : i32
        %add3A_1047 = arith.addi %mul3A_114, %add3A_1046 : i32
        %get3A_1048 = arith.index_cast %add3A_1047 : i32 to index
        %get3A_1049 = arith.constant 112 : index
        %get3A_1050 = tpu.vector_load %arg8[%get3A_1048, %get3A_1049] {strides = array<i32>} : memref<112x256xf32, #tpu.memory_space<vmem>>, vector<1x16xf32>,
        %get3A_1051 = vector.shape_cast %get3A_1050 : vector<1x16xf32> to vector<16xf32>
        %add3A_1052 = arith.addf %get3A_939, %get3A_43 : vector<16xf32>
        %add3A_1053 = arith.constant 4 : i32
        %add3A_1054 = arith.addi %mul3A_116, %add3A_1053 : i32
        %swap3A_1055 = arith.index_cast %add3A_1054 : i32 to index
        %swap3A_1056 = arith.constant 112 : index
        %swap3A_1057 = tpu.vector_load %arg10[%swap3A_1055, %swap3A_1056] {strides = array<i32>} : memref<112x224xf32, #tpu.memory_space<vmem>>, vector<1x16xf32>,
        %swap3A_1058 = vector.shape_cast %swap3A_1057 : vector<1x16xf32> to vector<16xf32>
        %swap3A_1059 = vector.shape_cast %add3A_1052 : vector<16xf32> to vector<1x16xf32>
        tpu.vector_store %arg10[%swap3A_1055, %swap3A_1056], %swap3A_1059 {strides = array<i32>} : memref<112x224xf32, #tpu.memory_space<vmem>>, vector<1x16xf32>,
        %add3A_1060 = arith.constant 4 : i32
        %add3A_1061 = arith.addi %mul3A_114, %add3A_1060 : i32
        %get3A_1062 = arith.index_cast %add3A_1061 : i32 to index
        %get3A_1063 = arith.constant 128 : index
        %get3A_1064 = tpu.vector_load %arg8[%get3A_1062, %get3A_1063] {strides = array<i32>} : memref<112x256xf32, #tpu.memory_space<vmem>>, vector<1x16xf32>,
        %get3A_1065 = vector.shape_cast %get3A_1064 : vector<1x16xf32> to vector<16xf32>
        %add3A_1066 = arith.addf %get3A_953, %get3A_43 : vector<16xf32>
        %add3A_1067 = arith.constant 4 : i32
        %add3A_1068 = arith.addi %mul3A_116, %add3A_1067 : i32
        %swap3A_1069 = arith.index_cast %add3A_1068 : i32 to index
        %swap3A_1070 = arith.constant 128 : index
        %swap3A_1071 = tpu.vector_load %arg10[%swap3A_1069, %swap3A_1070] {strides = array<i32>} : memref<112x224xf32, #tpu.memory_space<vmem>>, vector<1x16xf32>,
        %swap3A_1072 = vector.shape_cast %swap3A_1071 : vector<1x16xf32> to vector<16xf32>
        %swap3A_1073 = vector.shape_cast %add3A_1066 : vector<16xf32> to vector<1x16xf32>
        tpu.vector_store %arg10[%swap3A_1069, %swap3A_1070], %swap3A_1073 {strides = array<i32>} : memref<112x224xf32, #tpu.memory_space<vmem>>, vector<1x16xf32>,
        %add3A_1074 = arith.constant 4 : i32
        %add3A_1075 = arith.addi %mul3A_114, %add3A_1074 : i32
        %get3A_1076 = arith.index_cast %add3A_1075 : i32 to index
        %get3A_1077 = arith.constant 144 : index
        %get3A_1078 = tpu.vector_load %arg8[%get3A_1076, %get3A_1077] {strides = array<i32>} : memref<112x256xf32, #tpu.memory_space<vmem>>, vector<1x16xf32>,
        %get3A_1079 = vector.shape_cast %get3A_1078 : vector<1x16xf32> to vector<16xf32>
        %add3A_1080 = arith.addf %get3A_967, %get3A_43 : vector<16xf32>
        %add3A_1081 = arith.constant 4 : i32
        %add3A_1082 = arith.addi %mul3A_116, %add3A_1081 : i32
        %swap3A_1083 = arith.index_cast %add3A_1082 : i32 to index
        %swap3A_1084 = arith.constant 144 : index
        %swap3A_1085 = tpu.vector_load %arg10[%swap3A_1083, %swap3A_1084] {strides = array<i32>} : memref<112x224xf32, #tpu.memory_space<vmem>>, vector<1x16xf32>,
        %swap3A_1086 = vector.shape_cast %swap3A_1085 : vector<1x16xf32> to vector<16xf32>
        %swap3A_1087 = vector.shape_cast %add3A_1080 : vector<16xf32> to vector<1x16xf32>
        tpu.vector_store %arg10[%swap3A_1083, %swap3A_1084], %swap3A_1087 {strides = array<i32>} : memref<112x224xf32, #tpu.memory_space<vmem>>, vector<1x16xf32>,
        %add3A_1088 = arith.constant 4 : i32
        %add3A_1089 = arith.addi %mul3A_114, %add3A_1088 : i32
        %get3A_1090 = arith.index_cast %add3A_1089 : i32 to index
        %get3A_1091 = arith.constant 160 : index
        %get3A_1092 = tpu.vector_load %arg8[%get3A_1090, %get3A_1091] {strides = array<i32>} : memref<112x256xf32, #tpu.memory_space<vmem>>, vector<1x16xf32>,
        %get3A_1093 = vector.shape_cast %get3A_1092 : vector<1x16xf32> to vector<16xf32>
        %add3A_1094 = arith.addf %get3A_981, %get3A_43 : vector<16xf32>
        %add3A_1095 = arith.constant 4 : i32
        %add3A_1096 = arith.addi %mul3A_116, %add3A_1095 : i32
        %swap3A_1097 = arith.index_cast %add3A_1096 : i32 to index
        %swap3A_1098 = arith.constant 160 : index
        %swap3A_1099 = tpu.vector_load %arg10[%swap3A_1097, %swap3A_1098] {strides = array<i32>} : memref<112x224xf32, #tpu.memory_space<vmem>>, vector<1x16xf32>,
        %swap3A_1100 = vector.shape_cast %swap3A_1099 : vector<1x16xf32> to vector<16xf32>
        %swap3A_1101 = vector.shape_cast %add3A_1094 : vector<16xf32> to vector<1x16xf32>
        tpu.vector_store %arg10[%swap3A_1097, %swap3A_1098], %swap3A_1101 {strides = array<i32>} : memref<112x224xf32, #tpu.memory_space<vmem>>, vector<1x16xf32>,
        %add3A_1102 = arith.constant 4 : i32
        %add3A_1103 = arith.addi %mul3A_114, %add3A_1102 : i32
        %get3A_1104 = arith.index_cast %add3A_1103 : i32 to index
        %get3A_1105 = arith.constant 176 : index
        %get3A_1106 = tpu.vector_load %arg8[%get3A_1104, %get3A_1105] {strides = array<i32>} : memref<112x256xf32, #tpu.memory_space<vmem>>, vector<1x16xf32>,
        %get3A_1107 = vector.shape_cast %get3A_1106 : vector<1x16xf32> to vector<16xf32>
        %add3A_1108 = arith.addf %get3A_995, %get3A_43 : vector<16xf32>
        %add3A_1109 = arith.constant 4 : i32
        %add3A_1110 = arith.addi %mul3A_116, %add3A_1109 : i32
        %swap3A_1111 = arith.index_cast %add3A_1110 : i32 to index
        %swap3A_1112 = arith.constant 176 : index
        %swap3A_1113 = tpu.vector_load %arg10[%swap3A_1111, %swap3A_1112] {strides = array<i32>} : memref<112x224xf32, #tpu.memory_space<vmem>>, vector<1x16xf32>,
        %swap3A_1114 = vector.shape_cast %swap3A_1113 : vector<1x16xf32> to vector<16xf32>
        %swap3A_1115 = vector.shape_cast %add3A_1108 : vector<16xf32> to vector<1x16xf32>
        tpu.vector_store %arg10[%swap3A_1111, %swap3A_1112], %swap3A_1115 {strides = array<i32>} : memref<112x224xf32, #tpu.memory_space<vmem>>, vector<1x16xf32>,
        %add3A_1116 = arith.constant 4 : i32
        %add3A_1117 = arith.addi %mul3A_114, %add3A_1116 : i32
        %get3A_1118 = arith.index_cast %add3A_1117 : i32 to index
        %get3A_1119 = arith.constant 192 : index
        %get3A_1120 = tpu.vector_load %arg8[%get3A_1118, %get3A_1119] {strides = array<i32>} : memref<112x256xf32, #tpu.memory_space<vmem>>, vector<1x16xf32>,
        %get3A_1121 = vector.shape_cast %get3A_1120 : vector<1x16xf32> to vector<16xf32>
        %add3A_1122 = arith.addf %get3A_1009, %get3A_43 : vector<16xf32>
        %add3A_1123 = arith.constant 4 : i32
        %add3A_1124 = arith.addi %mul3A_116, %add3A_1123 : i32
        %swap3A_1125 = arith.index_cast %add3A_1124 : i32 to index
        %swap3A_1126 = arith.constant 192 : index
        %swap3A_1127 = tpu.vector_load %arg10[%swap3A_1125, %swap3A_1126] {strides = array<i32>} : memref<112x224xf32, #tpu.memory_space<vmem>>, vector<1x16xf32>,
        %swap3A_1128 = vector.shape_cast %swap3A_1127 : vector<1x16xf32> to vector<16xf32>
        %swap3A_1129 = vector.shape_cast %add3A_1122 : vector<16xf32> to vector<1x16xf32>
        tpu.vector_store %arg10[%swap3A_1125, %swap3A_1126], %swap3A_1129 {strides = array<i32>} : memref<112x224xf32, #tpu.memory_space<vmem>>, vector<1x16xf32>,
        %add3A_1130 = arith.constant 4 : i32
        %add3A_1131 = arith.addi %mul3A_114, %add3A_1130 : i32
        %get3A_1132 = arith.index_cast %add3A_1131 : i32 to index
        %get3A_1133 = arith.constant 208 : index
        %get3A_1134 = tpu.vector_load %arg8[%get3A_1132, %get3A_1133] {strides = array<i32>} : memref<112x256xf32, #tpu.memory_space<vmem>>, vector<1x16xf32>,
        %get3A_1135 = vector.shape_cast %get3A_1134 : vector<1x16xf32> to vector<16xf32>
        %add3A_1136 = arith.addf %get3A_1023, %get3A_43 : vector<16xf32>
        %add3A_1137 = arith.constant 4 : i32
        %add3A_1138 = arith.addi %mul3A_116, %add3A_1137 : i32
        %swap3A_1139 = arith.index_cast %add3A_1138 : i32 to index
        %swap3A_1140 = arith.constant 208 : index
        %swap3A_1141 = tpu.vector_load %arg10[%swap3A_1139, %swap3A_1140] {strides = array<i32>} : memref<112x224xf32, #tpu.memory_space<vmem>>, vector<1x16xf32>,
        %swap3A_1142 = vector.shape_cast %swap3A_1141 : vector<1x16xf32> to vector<16xf32>
        %swap3A_1143 = vector.shape_cast %add3A_1136 : vector<16xf32> to vector<1x16xf32>
        tpu.vector_store %arg10[%swap3A_1139, %swap3A_1140], %swap3A_1143 {strides = array<i32>} : memref<112x224xf32, #tpu.memory_space<vmem>>, vector<1x16xf32>,
        %add3A_1144 = arith.constant 4 : i32
        %add3A_1145 = arith.addi %mul3A_114, %add3A_1144 : i32
        %get3A_1146 = arith.index_cast %add3A_1145 : i32 to index
        %get3A_1147 = arith.constant 224 : index
        %get3A_1148 = tpu.vector_load %arg8[%get3A_1146, %get3A_1147] {strides = array<i32>} : memref<112x256xf32, #tpu.memory_space<vmem>>, vector<1x16xf32>,
        %get3A_1149 = vector.shape_cast %get3A_1148 : vector<1x16xf32> to vector<16xf32>
        %add3A_1150 = arith.addf %get3A_1037, %get3A_43 : vector<16xf32>
        %add3A_1151 = arith.constant 5 : i32
        %add3A_1152 = arith.addi %mul3A_116, %add3A_1151 : i32
        %swap3A_1153 = arith.index_cast %add3A_1152 : i32 to index
        %swap3A_1154 = arith.constant 0 : index
        %swap3A_1155 = tpu.vector_load %arg10[%swap3A_1153, %swap3A_1154] {strides = array<i32>} : memref<112x224xf32, #tpu.memory_space<vmem>>, vector<1x16xf32>,
        %swap3A_1156 = vector.shape_cast %swap3A_1155 : vector<1x16xf32> to vector<16xf32>
        %swap3A_1157 = vector.shape_cast %add3A_1150 : vector<16xf32> to vector<1x16xf32>
        tpu.vector_store %arg10[%swap3A_1153, %swap3A_1154], %swap3A_1157 {strides = array<i32>} : memref<112x224xf32, #tpu.memory_space<vmem>>, vector<1x16xf32>,
        %add3A_1158 = arith.constant 4 : i32
        %add3A_1159 = arith.addi %mul3A_114, %add3A_1158 : i32
        %get3A_1160 = arith.index_cast %add3A_1159 : i32 to index
        %get3A_1161 = arith.constant 240 : index
        %get3A_1162 = tpu.vector_load %arg8[%get3A_1160, %get3A_1161] {strides = array<i32>} : memref<112x256xf32, #tpu.memory_space<vmem>>, vector<1x16xf32>,
        %get3A_1163 = vector.shape_cast %get3A_1162 : vector<1x16xf32> to vector<16xf32>
        %add3A_1164 = arith.addf %get3A_1051, %get3A_43 : vector<16xf32>
        %add3A_1165 = arith.constant 5 : i32
        %add3A_1166 = arith.addi %mul3A_116, %add3A_1165 : i32
        %swap3A_1167 = arith.index_cast %add3A_1166 : i32 to index
        %swap3A_1168 = arith.constant 16 : index
        %swap3A_1169 = tpu.vector_load %arg10[%swap3A_1167, %swap3A_1168] {strides = array<i32>} : memref<112x224xf32, #tpu.memory_space<vmem>>, vector<1x16xf32>,
        %swap3A_1170 = vector.shape_cast %swap3A_1169 : vector<1x16xf32> to vector<16xf32>
        %swap3A_1171 = vector.shape_cast %add3A_1164 : vector<16xf32> to vector<1x16xf32>
        tpu.vector_store %arg10[%swap3A_1167, %swap3A_1168], %swap3A_1171 {strides = array<i32>} : memref<112x224xf32, #tpu.memory_space<vmem>>, vector<1x16xf32>,
        %add3A_1172 = arith.constant 5 : i32
        %add3A_1173 = arith.addi %mul3A_114, %add3A_1172 : i32
        %get3A_1174 = arith.index_cast %add3A_1173 : i32 to index
        %get3A_1175 = arith.constant 0 : index
        %get3A_1176 = tpu.vector_load %arg8[%get3A_1174, %get3A_1175] {strides = array<i32>} : memref<112x256xf32, #tpu.memory_space<vmem>>, vector<1x16xf32>,
        %get3A_1177 = vector.shape_cast %get3A_1176 : vector<1x16xf32> to vector<16xf32>
        %add3A_1178 = arith.addf %get3A_1065, %get3A_43 : vector<16xf32>
        %add3A_1179 = arith.constant 5 : i32
        %add3A_1180 = arith.addi %mul3A_116, %add3A_1179 : i32
        %swap3A_1181 = arith.index_cast %add3A_1180 : i32 to index
        %swap3A_1182 = arith.constant 32 : index
        %swap3A_1183 = tpu.vector_load %arg10[%swap3A_1181, %swap3A_1182] {strides = array<i32>} : memref<112x224xf32, #tpu.memory_space<vmem>>, vector<1x16xf32>,
        %swap3A_1184 = vector.shape_cast %swap3A_1183 : vector<1x16xf32> to vector<16xf32>
        %swap3A_1185 = vector.shape_cast %add3A_1178 : vector<16xf32> to vector<1x16xf32>
        tpu.vector_store %arg10[%swap3A_1181, %swap3A_1182], %swap3A_1185 {strides = array<i32>} : memref<112x224xf32, #tpu.memory_space<vmem>>, vector<1x16xf32>,
        %add3A_1186 = arith.constant 5 : i32
        %add3A_1187 = arith.addi %mul3A_114, %add3A_1186 : i32
        %get3A_1188 = arith.index_cast %add3A_1187 : i32 to index
        %get3A_1189 = arith.constant 16 : index
        %get3A_1190 = tpu.vector_load %arg8[%get3A_1188, %get3A_1189] {strides = array<i32>} : memref<112x256xf32, #tpu.memory_space<vmem>>, vector<1x16xf32>,
        %get3A_1191 = vector.shape_cast %get3A_1190 : vector<1x16xf32> to vector<16xf32>
        %add3A_1192 = arith.addf %get3A_1079, %get3A_43 : vector<16xf32>
        %add3A_1193 = arith.constant 5 : i32
        %add3A_1194 = arith.addi %mul3A_116, %add3A_1193 : i32
        %swap3A_1195 = arith.index_cast %add3A_1194 : i32 to index
        %swap3A_1196 = arith.constant 48 : index
        %swap3A_1197 = tpu.vector_load %arg10[%swap3A_1195, %swap3A_1196] {strides = array<i32>} : memref<112x224xf32, #tpu.memory_space<vmem>>, vector<1x16xf32>,
        %swap3A_1198 = vector.shape_cast %swap3A_1197 : vector<1x16xf32> to vector<16xf32>
        %swap3A_1199 = vector.shape_cast %add3A_1192 : vector<16xf32> to vector<1x16xf32>
        tpu.vector_store %arg10[%swap3A_1195, %swap3A_1196], %swap3A_1199 {strides = array<i32>} : memref<112x224xf32, #tpu.memory_space<vmem>>, vector<1x16xf32>,
        %add3A_1200 = arith.constant 5 : i32
        %add3A_1201 = arith.addi %mul3A_114, %add3A_1200 : i32
        %get3A_1202 = arith.index_cast %add3A_1201 : i32 to index
        %get3A_1203 = arith.constant 32 : index
        %get3A_1204 = tpu.vector_load %arg8[%get3A_1202, %get3A_1203] {strides = array<i32>} : memref<112x256xf32, #tpu.memory_space<vmem>>, vector<1x16xf32>,
        %get3A_1205 = vector.shape_cast %get3A_1204 : vector<1x16xf32> to vector<16xf32>
        %add3A_1206 = arith.addf %get3A_1093, %get3A_43 : vector<16xf32>
        %add3A_1207 = arith.constant 5 : i32
        %add3A_1208 = arith.addi %mul3A_116, %add3A_1207 : i32
        %swap3A_1209 = arith.index_cast %add3A_1208 : i32 to index
        %swap3A_1210 = arith.constant 64 : index
        %swap3A_1211 = tpu.vector_load %arg10[%swap3A_1209, %swap3A_1210] {strides = array<i32>} : memref<112x224xf32, #tpu.memory_space<vmem>>, vector<1x16xf32>,
        %swap3A_1212 = vector.shape_cast %swap3A_1211 : vector<1x16xf32> to vector<16xf32>
        %swap3A_1213 = vector.shape_cast %add3A_1206 : vector<16xf32> to vector<1x16xf32>
        tpu.vector_store %arg10[%swap3A_1209, %swap3A_1210], %swap3A_1213 {strides = array<i32>} : memref<112x224xf32, #tpu.memory_space<vmem>>, vector<1x16xf32>,
        %add3A_1214 = arith.constant 5 : i32
        %add3A_1215 = arith.addi %mul3A_114, %add3A_1214 : i32
        %get3A_1216 = arith.index_cast %add3A_1215 : i32 to index
        %get3A_1217 = arith.constant 48 : index
        %get3A_1218 = tpu.vector_load %arg8[%get3A_1216, %get3A_1217] {strides = array<i32>} : memref<112x256xf32, #tpu.memory_space<vmem>>, vector<1x16xf32>,
        %get3A_1219 = vector.shape_cast %get3A_1218 : vector<1x16xf32> to vector<16xf32>
        %add3A_1220 = arith.addf %get3A_1107, %get3A_43 : vector<16xf32>
        %add3A_1221 = arith.constant 5 : i32
        %add3A_1222 = arith.addi %mul3A_116, %add3A_1221 : i32
        %swap3A_1223 = arith.index_cast %add3A_1222 : i32 to index
        %swap3A_1224 = arith.constant 80 : index
        %swap3A_1225 = tpu.vector_load %arg10[%swap3A_1223, %swap3A_1224] {strides = array<i32>} : memref<112x224xf32, #tpu.memory_space<vmem>>, vector<1x16xf32>,
        %swap3A_1226 = vector.shape_cast %swap3A_1225 : vector<1x16xf32> to vector<16xf32>
        %swap3A_1227 = vector.shape_cast %add3A_1220 : vector<16xf32> to vector<1x16xf32>
        tpu.vector_store %arg10[%swap3A_1223, %swap3A_1224], %swap3A_1227 {strides = array<i32>} : memref<112x224xf32, #tpu.memory_space<vmem>>, vector<1x16xf32>,
        %add3A_1228 = arith.constant 5 : i32
        %add3A_1229 = arith.addi %mul3A_114, %add3A_1228 : i32
        %get3A_1230 = arith.index_cast %add3A_1229 : i32 to index
        %get3A_1231 = arith.constant 64 : index
        %get3A_1232 = tpu.vector_load %arg8[%get3A_1230, %get3A_1231] {strides = array<i32>} : memref<112x256xf32, #tpu.memory_space<vmem>>, vector<1x16xf32>,
        %get3A_1233 = vector.shape_cast %get3A_1232 : vector<1x16xf32> to vector<16xf32>
        %add3A_1234 = arith.addf %get3A_1121, %get3A_43 : vector<16xf32>
        %add3A_1235 = arith.constant 5 : i32
        %add3A_1236 = arith.addi %mul3A_116, %add3A_1235 : i32
        %swap3A_1237 = arith.index_cast %add3A_1236 : i32 to index
        %swap3A_1238 = arith.constant 96 : index
        %swap3A_1239 = tpu.vector_load %arg10[%swap3A_1237, %swap3A_1238] {strides = array<i32>} : memref<112x224xf32, #tpu.memory_space<vmem>>, vector<1x16xf32>,
        %swap3A_1240 = vector.shape_cast %swap3A_1239 : vector<1x16xf32> to vector<16xf32>
        %swap3A_1241 = vector.shape_cast %add3A_1234 : vector<16xf32> to vector<1x16xf32>
        tpu.vector_store %arg10[%swap3A_1237, %swap3A_1238], %swap3A_1241 {strides = array<i32>} : memref<112x224xf32, #tpu.memory_space<vmem>>, vector<1x16xf32>,
        %add3A_1242 = arith.constant 5 : i32
        %add3A_1243 = arith.addi %mul3A_114, %add3A_1242 : i32
        %get3A_1244 = arith.index_cast %add3A_1243 : i32 to index
        %get3A_1245 = arith.constant 80 : index
        %get3A_1246 = tpu.vector_load %arg8[%get3A_1244, %get3A_1245] {strides = array<i32>} : memref<112x256xf32, #tpu.memory_space<vmem>>, vector<1x16xf32>,
        %get3A_1247 = vector.shape_cast %get3A_1246 : vector<1x16xf32> to vector<16xf32>
        %add3A_1248 = arith.addf %get3A_1135, %get3A_43 : vector<16xf32>
        %add3A_1249 = arith.constant 5 : i32
        %add3A_1250 = arith.addi %mul3A_116, %add3A_1249 : i32
        %swap3A_1251 = arith.index_cast %add3A_1250 : i32 to index
        %swap3A_1252 = arith.constant 112 : index
        %swap3A_1253 = tpu.vector_load %arg10[%swap3A_1251, %swap3A_1252] {strides = array<i32>} : memref<112x224xf32, #tpu.memory_space<vmem>>, vector<1x16xf32>,
        %swap3A_1254 = vector.shape_cast %swap3A_1253 : vector<1x16xf32> to vector<16xf32>
        %swap3A_1255 = vector.shape_cast %add3A_1248 : vector<16xf32> to vector<1x16xf32>
        tpu.vector_store %arg10[%swap3A_1251, %swap3A_1252], %swap3A_1255 {strides = array<i32>} : memref<112x224xf32, #tpu.memory_space<vmem>>, vector<1x16xf32>,
        %add3A_1256 = arith.constant 5 : i32
        %add3A_1257 = arith.addi %mul3A_114, %add3A_1256 : i32
        %get3A_1258 = arith.index_cast %add3A_1257 : i32 to index
        %get3A_1259 = arith.constant 96 : index
        %get3A_1260 = tpu.vector_load %arg8[%get3A_1258, %get3A_1259] {strides = array<i32>} : memref<112x256xf32, #tpu.memory_space<vmem>>, vector<1x16xf32>,
        %get3A_1261 = vector.shape_cast %get3A_1260 : vector<1x16xf32> to vector<16xf32>
        %add3A_1262 = arith.addf %get3A_1149, %get3A_43 : vector<16xf32>
        %add3A_1263 = arith.constant 5 : i32
        %add3A_1264 = arith.addi %mul3A_116, %add3A_1263 : i32
        %swap3A_1265 = arith.index_cast %add3A_1264 : i32 to index
        %swap3A_1266 = arith.constant 128 : index
        %swap3A_1267 = tpu.vector_load %arg10[%swap3A_1265, %swap3A_1266] {strides = array<i32>} : memref<112x224xf32, #tpu.memory_space<vmem>>, vector<1x16xf32>,
        %swap3A_1268 = vector.shape_cast %swap3A_1267 : vector<1x16xf32> to vector<16xf32>
        %swap3A_1269 = vector.shape_cast %add3A_1262 : vector<16xf32> to vector<1x16xf32>
        tpu.vector_store %arg10[%swap3A_1265, %swap3A_1266], %swap3A_1269 {strides = array<i32>} : memref<112x224xf32, #tpu.memory_space<vmem>>, vector<1x16xf32>,
        %add3A_1270 = arith.constant 5 : i32
        %add3A_1271 = arith.addi %mul3A_114, %add3A_1270 : i32
        %get3A_1272 = arith.index_cast %add3A_1271 : i32 to index
        %get3A_1273 = arith.constant 112 : index
        %get3A_1274 = tpu.vector_load %arg8[%get3A_1272, %get3A_1273] {strides = array<i32>} : memref<112x256xf32, #tpu.memory_space<vmem>>, vector<1x16xf32>,
        %get3A_1275 = vector.shape_cast %get3A_1274 : vector<1x16xf32> to vector<16xf32>
        %add3A_1276 = arith.addf %get3A_1163, %get3A_43 : vector<16xf32>
        %add3A_1277 = arith.constant 5 : i32
        %add3A_1278 = arith.addi %mul3A_116, %add3A_1277 : i32
        %swap3A_1279 = arith.index_cast %add3A_1278 : i32 to index
        %swap3A_1280 = arith.constant 144 : index
        %swap3A_1281 = tpu.vector_load %arg10[%swap3A_1279, %swap3A_1280] {strides = array<i32>} : memref<112x224xf32, #tpu.memory_space<vmem>>, vector<1x16xf32>,
        %swap3A_1282 = vector.shape_cast %swap3A_1281 : vector<1x16xf32> to vector<16xf32>
        %swap3A_1283 = vector.shape_cast %add3A_1276 : vector<16xf32> to vector<1x16xf32>
        tpu.vector_store %arg10[%swap3A_1279, %swap3A_1280], %swap3A_1283 {strides = array<i32>} : memref<112x224xf32, #tpu.memory_space<vmem>>, vector<1x16xf32>,
        %add3A_1284 = arith.constant 5 : i32
        %add3A_1285 = arith.addi %mul3A_114, %add3A_1284 : i32
        %get3A_1286 = arith.index_cast %add3A_1285 : i32 to index
        %get3A_1287 = arith.constant 128 : index
        %get3A_1288 = tpu.vector_load %arg8[%get3A_1286, %get3A_1287] {strides = array<i32>} : memref<112x256xf32, #tpu.memory_space<vmem>>, vector<1x16xf32>,
        %get3A_1289 = vector.shape_cast %get3A_1288 : vector<1x16xf32> to vector<16xf32>
        %add3A_1290 = arith.addf %get3A_1177, %get3A_43 : vector<16xf32>
        %add3A_1291 = arith.constant 5 : i32
        %add3A_1292 = arith.addi %mul3A_116, %add3A_1291 : i32
        %swap3A_1293 = arith.index_cast %add3A_1292 : i32 to index
        %swap3A_1294 = arith.constant 160 : index
        %swap3A_1295 = tpu.vector_load %arg10[%swap3A_1293, %swap3A_1294] {strides = array<i32>} : memref<112x224xf32, #tpu.memory_space<vmem>>, vector<1x16xf32>,
        %swap3A_1296 = vector.shape_cast %swap3A_1295 : vector<1x16xf32> to vector<16xf32>
        %swap3A_1297 = vector.shape_cast %add3A_1290 : vector<16xf32> to vector<1x16xf32>
        tpu.vector_store %arg10[%swap3A_1293, %swap3A_1294], %swap3A_1297 {strides = array<i32>} : memref<112x224xf32, #tpu.memory_space<vmem>>, vector<1x16xf32>,
        %add3A_1298 = arith.constant 5 : i32
        %add3A_1299 = arith.addi %mul3A_114, %add3A_1298 : i32
        %get3A_1300 = arith.index_cast %add3A_1299 : i32 to index
        %get3A_1301 = arith.constant 144 : index
        %get3A_1302 = tpu.vector_load %arg8[%get3A_1300, %get3A_1301] {strides = array<i32>} : memref<112x256xf32, #tpu.memory_space<vmem>>, vector<1x16xf32>,
        %get3A_1303 = vector.shape_cast %get3A_1302 : vector<1x16xf32> to vector<16xf32>
        %add3A_1304 = arith.addf %get3A_1191, %get3A_43 : vector<16xf32>
        %add3A_1305 = arith.constant 5 : i32
        %add3A_1306 = arith.addi %mul3A_116, %add3A_1305 : i32
        %swap3A_1307 = arith.index_cast %add3A_1306 : i32 to index
        %swap3A_1308 = arith.constant 176 : index
        %swap3A_1309 = tpu.vector_load %arg10[%swap3A_1307, %swap3A_1308] {strides = array<i32>} : memref<112x224xf32, #tpu.memory_space<vmem>>, vector<1x16xf32>,
        %swap3A_1310 = vector.shape_cast %swap3A_1309 : vector<1x16xf32> to vector<16xf32>
        %swap3A_1311 = vector.shape_cast %add3A_1304 : vector<16xf32> to vector<1x16xf32>
        tpu.vector_store %arg10[%swap3A_1307, %swap3A_1308], %swap3A_1311 {strides = array<i32>} : memref<112x224xf32, #tpu.memory_space<vmem>>, vector<1x16xf32>,
        %add3A_1312 = arith.constant 5 : i32
        %add3A_1313 = arith.addi %mul3A_114, %add3A_1312 : i32
        %get3A_1314 = arith.index_cast %add3A_1313 : i32 to index
        %get3A_1315 = arith.constant 160 : index
        %get3A_1316 = tpu.vector_load %arg8[%get3A_1314, %get3A_1315] {strides = array<i32>} : memref<112x256xf32, #tpu.memory_space<vmem>>, vector<1x16xf32>,
        %get3A_1317 = vector.shape_cast %get3A_1316 : vector<1x16xf32> to vector<16xf32>
        %add3A_1318 = arith.addf %get3A_1205, %get3A_43 : vector<16xf32>
        %add3A_1319 = arith.constant 5 : i32
        %add3A_1320 = arith.addi %mul3A_116, %add3A_1319 : i32
        %swap3A_1321 = arith.index_cast %add3A_1320 : i32 to index
        %swap3A_1322 = arith.constant 192 : index
        %swap3A_1323 = tpu.vector_load %arg10[%swap3A_1321, %swap3A_1322] {strides = array<i32>} : memref<112x224xf32, #tpu.memory_space<vmem>>, vector<1x16xf32>,
        %swap3A_1324 = vector.shape_cast %swap3A_1323 : vector<1x16xf32> to vector<16xf32>
        %swap3A_1325 = vector.shape_cast %add3A_1318 : vector<16xf32> to vector<1x16xf32>
        tpu.vector_store %arg10[%swap3A_1321, %swap3A_1322], %swap3A_1325 {strides = array<i32>} : memref<112x224xf32, #tpu.memory_space<vmem>>, vector<1x16xf32>,
        %add3A_1326 = arith.constant 5 : i32
        %add3A_1327 = arith.addi %mul3A_114, %add3A_1326 : i32
        %get3A_1328 = arith.index_cast %add3A_1327 : i32 to index
        %get3A_1329 = arith.constant 176 : index
        %get3A_1330 = tpu.vector_load %arg8[%get3A_1328, %get3A_1329] {strides = array<i32>} : memref<112x256xf32, #tpu.memory_space<vmem>>, vector<1x16xf32>,
        %get3A_1331 = vector.shape_cast %get3A_1330 : vector<1x16xf32> to vector<16xf32>
        %add3A_1332 = arith.addf %get3A_1219, %get3A_43 : vector<16xf32>
        %add3A_1333 = arith.constant 5 : i32
        %add3A_1334 = arith.addi %mul3A_116, %add3A_1333 : i32
        %swap3A_1335 = arith.index_cast %add3A_1334 : i32 to index
        %swap3A_1336 = arith.constant 208 : index
        %swap3A_1337 = tpu.vector_load %arg10[%swap3A_1335, %swap3A_1336] {strides = array<i32>} : memref<112x224xf32, #tpu.memory_space<vmem>>, vector<1x16xf32>,
        %swap3A_1338 = vector.shape_cast %swap3A_1337 : vector<1x16xf32> to vector<16xf32>
        %swap3A_1339 = vector.shape_cast %add3A_1332 : vector<16xf32> to vector<1x16xf32>
        tpu.vector_store %arg10[%swap3A_1335, %swap3A_1336], %swap3A_1339 {strides = array<i32>} : memref<112x224xf32, #tpu.memory_space<vmem>>, vector<1x16xf32>,
        %add3A_1340 = arith.constant 5 : i32
        %add3A_1341 = arith.addi %mul3A_114, %add3A_1340 : i32
        %get3A_1342 = arith.index_cast %add3A_1341 : i32 to index
        %get3A_1343 = arith.constant 192 : index
        %get3A_1344 = tpu.vector_load %arg8[%get3A_1342, %get3A_1343] {strides = array<i32>} : memref<112x256xf32, #tpu.memory_space<vmem>>, vector<1x16xf32>,
        %get3A_1345 = vector.shape_cast %get3A_1344 : vector<1x16xf32> to vector<16xf32>
        %add3A_1346 = arith.addf %get3A_1233, %get3A_43 : vector<16xf32>
        %add3A_1347 = arith.constant 6 : i32
        %add3A_1348 = arith.addi %mul3A_116, %add3A_1347 : i32
        %swap3A_1349 = arith.index_cast %add3A_1348 : i32 to index
        %swap3A_1350 = arith.constant 0 : index
        %swap3A_1351 = tpu.vector_load %arg10[%swap3A_1349, %swap3A_1350] {strides = array<i32>} : memref<112x224xf32, #tpu.memory_space<vmem>>, vector<1x16xf32>,
        %swap3A_1352 = vector.shape_cast %swap3A_1351 : vector<1x16xf32> to vector<16xf32>
        %swap3A_1353 = vector.shape_cast %add3A_1346 : vector<16xf32> to vector<1x16xf32>
        tpu.vector_store %arg10[%swap3A_1349, %swap3A_1350], %swap3A_1353 {strides = array<i32>} : memref<112x224xf32, #tpu.memory_space<vmem>>, vector<1x16xf32>,
        %add3A_1354 = arith.constant 5 : i32
        %add3A_1355 = arith.addi %mul3A_114, %add3A_1354 : i32
        %get3A_1356 = arith.index_cast %add3A_1355 : i32 to index
        %get3A_1357 = arith.constant 208 : index
        %get3A_1358 = tpu.vector_load %arg8[%get3A_1356, %get3A_1357] {strides = array<i32>} : memref<112x256xf32, #tpu.memory_space<vmem>>, vector<1x16xf32>,
        %get3A_1359 = vector.shape_cast %get3A_1358 : vector<1x16xf32> to vector<16xf32>
        %add3A_1360 = arith.addf %get3A_1247, %get3A_43 : vector<16xf32>
        %add3A_1361 = arith.constant 6 : i32
        %add3A_1362 = arith.addi %mul3A_116, %add3A_1361 : i32
        %swap3A_1363 = arith.index_cast %add3A_1362 : i32 to index
        %swap3A_1364 = arith.constant 16 : index
        %swap3A_1365 = tpu.vector_load %arg10[%swap3A_1363, %swap3A_1364] {strides = array<i32>} : memref<112x224xf32, #tpu.memory_space<vmem>>, vector<1x16xf32>,
        %swap3A_1366 = vector.shape_cast %swap3A_1365 : vector<1x16xf32> to vector<16xf32>
        %swap3A_1367 = vector.shape_cast %add3A_1360 : vector<16xf32> to vector<1x16xf32>
        tpu.vector_store %arg10[%swap3A_1363, %swap3A_1364], %swap3A_1367 {strides = array<i32>} : memref<112x224xf32, #tpu.memory_space<vmem>>, vector<1x16xf32>,
        %add3A_1368 = arith.constant 5 : i32
        %add3A_1369 = arith.addi %mul3A_114, %add3A_1368 : i32
        %get3A_1370 = arith.index_cast %add3A_1369 : i32 to index
        %get3A_1371 = arith.constant 224 : index
        %get3A_1372 = tpu.vector_load %arg8[%get3A_1370, %get3A_1371] {strides = array<i32>} : memref<112x256xf32, #tpu.memory_space<vmem>>, vector<1x16xf32>,
        %get3A_1373 = vector.shape_cast %get3A_1372 : vector<1x16xf32> to vector<16xf32>
        %add3A_1374 = arith.addf %get3A_1261, %get3A_43 : vector<16xf32>
        %add3A_1375 = arith.constant 6 : i32
        %add3A_1376 = arith.addi %mul3A_116, %add3A_1375 : i32
        %swap3A_1377 = arith.index_cast %add3A_1376 : i32 to index
        %swap3A_1378 = arith.constant 32 : index
        %swap3A_1379 = tpu.vector_load %arg10[%swap3A_1377, %swap3A_1378] {strides = array<i32>} : memref<112x224xf32, #tpu.memory_space<vmem>>, vector<1x16xf32>,
        %swap3A_1380 = vector.shape_cast %swap3A_1379 : vector<1x16xf32> to vector<16xf32>
        %swap3A_1381 = vector.shape_cast %add3A_1374 : vector<16xf32> to vector<1x16xf32>
        tpu.vector_store %arg10[%swap3A_1377, %swap3A_1378], %swap3A_1381 {strides = array<i32>} : memref<112x224xf32, #tpu.memory_space<vmem>>, vector<1x16xf32>,
        %add3A_1382 = arith.constant 5 : i32
        %add3A_1383 = arith.addi %mul3A_114, %add3A_1382 : i32
        %get3A_1384 = arith.index_cast %add3A_1383 : i32 to index
        %get3A_1385 = arith.constant 240 : index
        %get3A_1386 = tpu.vector_load %arg8[%get3A_1384, %get3A_1385] {strides = array<i32>} : memref<112x256xf32, #tpu.memory_space<vmem>>, vector<1x16xf32>,
        %get3A_1387 = vector.shape_cast %get3A_1386 : vector<1x16xf32> to vector<16xf32>
        %add3A_1388 = arith.addf %get3A_1275, %get3A_43 : vector<16xf32>
        %add3A_1389 = arith.constant 6 : i32
        %add3A_1390 = arith.addi %mul3A_116, %add3A_1389 : i32
        %swap3A_1391 = arith.index_cast %add3A_1390 : i32 to index
        %swap3A_1392 = arith.constant 48 : index
        %swap3A_1393 = tpu.vector_load %arg10[%swap3A_1391, %swap3A_1392] {strides = array<i32>} : memref<112x224xf32, #tpu.memory_space<vmem>>, vector<1x16xf32>,
        %swap3A_1394 = vector.shape_cast %swap3A_1393 : vector<1x16xf32> to vector<16xf32>
        %swap3A_1395 = vector.shape_cast %add3A_1388 : vector<16xf32> to vector<1x16xf32>
        tpu.vector_store %arg10[%swap3A_1391, %swap3A_1392], %swap3A_1395 {strides = array<i32>} : memref<112x224xf32, #tpu.memory_space<vmem>>, vector<1x16xf32>,
        %add3A_1396 = arith.constant 6 : i32
        %add3A_1397 = arith.addi %mul3A_114, %add3A_1396 : i32
        %get3A_1398 = arith.index_cast %add3A_1397 : i32 to index
        %get3A_1399 = arith.constant 0 : index
        %get3A_1400 = tpu.vector_load %arg8[%get3A_1398, %get3A_1399] {strides = array<i32>} : memref<112x256xf32, #tpu.memory_space<vmem>>, vector<1x16xf32>,
        %get3A_1401 = vector.shape_cast %get3A_1400 : vector<1x16xf32> to vector<16xf32>
        %add3A_1402 = arith.addf %get3A_1289, %get3A_43 : vector<16xf32>
        %add3A_1403 = arith.constant 6 : i32
        %add3A_1404 = arith.addi %mul3A_116, %add3A_1403 : i32
        %swap3A_1405 = arith.index_cast %add3A_1404 : i32 to index
        %swap3A_1406 = arith.constant 64 : index
        %swap3A_1407 = tpu.vector_load %arg10[%swap3A_1405, %swap3A_1406] {strides = array<i32>} : memref<112x224xf32, #tpu.memory_space<vmem>>, vector<1x16xf32>,
        %swap3A_1408 = vector.shape_cast %swap3A_1407 : vector<1x16xf32> to vector<16xf32>
        %swap3A_1409 = vector.shape_cast %add3A_1402 : vector<16xf32> to vector<1x16xf32>
        tpu.vector_store %arg10[%swap3A_1405, %swap3A_1406], %swap3A_1409 {strides = array<i32>} : memref<112x224xf32, #tpu.memory_space<vmem>>, vector<1x16xf32>,
        %add3A_1410 = arith.constant 6 : i32
        %add3A_1411 = arith.addi %mul3A_114, %add3A_1410 : i32
        %get3A_1412 = arith.index_cast %add3A_1411 : i32 to index
        %get3A_1413 = arith.constant 16 : index
        %get3A_1414 = tpu.vector_load %arg8[%get3A_1412, %get3A_1413] {strides = array<i32>} : memref<112x256xf32, #tpu.memory_space<vmem>>, vector<1x16xf32>,
        %get3A_1415 = vector.shape_cast %get3A_1414 : vector<1x16xf32> to vector<16xf32>
        %add3A_1416 = arith.addf %get3A_1303, %get3A_43 : vector<16xf32>
        %add3A_1417 = arith.constant 6 : i32
        %add3A_1418 = arith.addi %mul3A_116, %add3A_1417 : i32
        %swap3A_1419 = arith.index_cast %add3A_1418 : i32 to index
        %swap3A_1420 = arith.constant 80 : index
        %swap3A_1421 = tpu.vector_load %arg10[%swap3A_1419, %swap3A_1420] {strides = array<i32>} : memref<112x224xf32, #tpu.memory_space<vmem>>, vector<1x16xf32>,
        %swap3A_1422 = vector.shape_cast %swap3A_1421 : vector<1x16xf32> to vector<16xf32>
        %swap3A_1423 = vector.shape_cast %add3A_1416 : vector<16xf32> to vector<1x16xf32>
        tpu.vector_store %arg10[%swap3A_1419, %swap3A_1420], %swap3A_1423 {strides = array<i32>} : memref<112x224xf32, #tpu.memory_space<vmem>>, vector<1x16xf32>,
        %add3A_1424 = arith.constant 6 : i32
        %add3A_1425 = arith.addi %mul3A_114, %add3A_1424 : i32
        %get3A_1426 = arith.index_cast %add3A_1425 : i32 to index
        %get3A_1427 = arith.constant 32 : index
        %get3A_1428 = tpu.vector_load %arg8[%get3A_1426, %get3A_1427] {strides = array<i32>} : memref<112x256xf32, #tpu.memory_space<vmem>>, vector<1x16xf32>,
        %get3A_1429 = vector.shape_cast %get3A_1428 : vector<1x16xf32> to vector<16xf32>
        %add3A_1430 = arith.addf %get3A_1317, %get3A_43 : vector<16xf32>
        %add3A_1431 = arith.constant 6 : i32
        %add3A_1432 = arith.addi %mul3A_116, %add3A_1431 : i32
        %swap3A_1433 = arith.index_cast %add3A_1432 : i32 to index
        %swap3A_1434 = arith.constant 96 : index
        %swap3A_1435 = tpu.vector_load %arg10[%swap3A_1433, %swap3A_1434] {strides = array<i32>} : memref<112x224xf32, #tpu.memory_space<vmem>>, vector<1x16xf32>,
        %swap3A_1436 = vector.shape_cast %swap3A_1435 : vector<1x16xf32> to vector<16xf32>
        %swap3A_1437 = vector.shape_cast %add3A_1430 : vector<16xf32> to vector<1x16xf32>
        tpu.vector_store %arg10[%swap3A_1433, %swap3A_1434], %swap3A_1437 {strides = array<i32>} : memref<112x224xf32, #tpu.memory_space<vmem>>, vector<1x16xf32>,
        %add3A_1438 = arith.constant 6 : i32
        %add3A_1439 = arith.addi %mul3A_114, %add3A_1438 : i32
        %get3A_1440 = arith.index_cast %add3A_1439 : i32 to index
        %get3A_1441 = arith.constant 48 : index
        %get3A_1442 = tpu.vector_load %arg8[%get3A_1440, %get3A_1441] {strides = array<i32>} : memref<112x256xf32, #tpu.memory_space<vmem>>, vector<1x16xf32>,
        %get3A_1443 = vector.shape_cast %get3A_1442 : vector<1x16xf32> to vector<16xf32>
        %add3A_1444 = arith.addf %get3A_1331, %get3A_43 : vector<16xf32>
        %add3A_1445 = arith.constant 6 : i32
        %add3A_1446 = arith.addi %mul3A_116, %add3A_1445 : i32
        %swap3A_1447 = arith.index_cast %add3A_1446 : i32 to index
        %swap3A_1448 = arith.constant 112 : index
        %swap3A_1449 = tpu.vector_load %arg10[%swap3A_1447, %swap3A_1448] {strides = array<i32>} : memref<112x224xf32, #tpu.memory_space<vmem>>, vector<1x16xf32>,
        %swap3A_1450 = vector.shape_cast %swap3A_1449 : vector<1x16xf32> to vector<16xf32>
        %swap3A_1451 = vector.shape_cast %add3A_1444 : vector<16xf32> to vector<1x16xf32>
        tpu.vector_store %arg10[%swap3A_1447, %swap3A_1448], %swap3A_1451 {strides = array<i32>} : memref<112x224xf32, #tpu.memory_space<vmem>>, vector<1x16xf32>,
        %add3A_1452 = arith.constant 6 : i32
        %add3A_1453 = arith.addi %mul3A_114, %add3A_1452 : i32
        %get3A_1454 = arith.index_cast %add3A_1453 : i32 to index
        %get3A_1455 = arith.constant 64 : index
        %get3A_1456 = tpu.vector_load %arg8[%get3A_1454, %get3A_1455] {strides = array<i32>} : memref<112x256xf32, #tpu.memory_space<vmem>>, vector<1x16xf32>,
        %get3A_1457 = vector.shape_cast %get3A_1456 : vector<1x16xf32> to vector<16xf32>
        %add3A_1458 = arith.addf %get3A_1345, %get3A_43 : vector<16xf32>
        %add3A_1459 = arith.constant 6 : i32
        %add3A_1460 = arith.addi %mul3A_116, %add3A_1459 : i32
        %swap3A_1461 = arith.index_cast %add3A_1460 : i32 to index
        %swap3A_1462 = arith.constant 128 : index
        %swap3A_1463 = tpu.vector_load %arg10[%swap3A_1461, %swap3A_1462] {strides = array<i32>} : memref<112x224xf32, #tpu.memory_space<vmem>>, vector<1x16xf32>,
        %swap3A_1464 = vector.shape_cast %swap3A_1463 : vector<1x16xf32> to vector<16xf32>
        %swap3A_1465 = vector.shape_cast %add3A_1458 : vector<16xf32> to vector<1x16xf32>
        tpu.vector_store %arg10[%swap3A_1461, %swap3A_1462], %swap3A_1465 {strides = array<i32>} : memref<112x224xf32, #tpu.memory_space<vmem>>, vector<1x16xf32>,
        %add3A_1466 = arith.constant 6 : i32
        %add3A_1467 = arith.addi %mul3A_114, %add3A_1466 : i32
        %get3A_1468 = arith.index_cast %add3A_1467 : i32 to index
        %get3A_1469 = arith.constant 80 : index
        %get3A_1470 = tpu.vector_load %arg8[%get3A_1468, %get3A_1469] {strides = array<i32>} : memref<112x256xf32, #tpu.memory_space<vmem>>, vector<1x16xf32>,
        %get3A_1471 = vector.shape_cast %get3A_1470 : vector<1x16xf32> to vector<16xf32>
        %add3A_1472 = arith.addf %get3A_1359, %get3A_43 : vector<16xf32>
        %add3A_1473 = arith.constant 6 : i32
        %add3A_1474 = arith.addi %mul3A_116, %add3A_1473 : i32
        %swap3A_1475 = arith.index_cast %add3A_1474 : i32 to index
        %swap3A_1476 = arith.constant 144 : index
        %swap3A_1477 = tpu.vector_load %arg10[%swap3A_1475, %swap3A_1476] {strides = array<i32>} : memref<112x224xf32, #tpu.memory_space<vmem>>, vector<1x16xf32>,
        %swap3A_1478 = vector.shape_cast %swap3A_1477 : vector<1x16xf32> to vector<16xf32>
        %swap3A_1479 = vector.shape_cast %add3A_1472 : vector<16xf32> to vector<1x16xf32>
        tpu.vector_store %arg10[%swap3A_1475, %swap3A_1476], %swap3A_1479 {strides = array<i32>} : memref<112x224xf32, #tpu.memory_space<vmem>>, vector<1x16xf32>,
        %add3A_1480 = arith.constant 6 : i32
        %add3A_1481 = arith.addi %mul3A_114, %add3A_1480 : i32
        %get3A_1482 = arith.index_cast %add3A_1481 : i32 to index
        %get3A_1483 = arith.constant 96 : index
        %get3A_1484 = tpu.vector_load %arg8[%get3A_1482, %get3A_1483] {strides = array<i32>} : memref<112x256xf32, #tpu.memory_space<vmem>>, vector<1x16xf32>,
        %get3A_1485 = vector.shape_cast %get3A_1484 : vector<1x16xf32> to vector<16xf32>
        %add3A_1486 = arith.addf %get3A_1373, %get3A_43 : vector<16xf32>
        %add3A_1487 = arith.constant 6 : i32
        %add3A_1488 = arith.addi %mul3A_116, %add3A_1487 : i32
        %swap3A_1489 = arith.index_cast %add3A_1488 : i32 to index
        %swap3A_1490 = arith.constant 160 : index
        %swap3A_1491 = tpu.vector_load %arg10[%swap3A_1489, %swap3A_1490] {strides = array<i32>} : memref<112x224xf32, #tpu.memory_space<vmem>>, vector<1x16xf32>,
        %swap3A_1492 = vector.shape_cast %swap3A_1491 : vector<1x16xf32> to vector<16xf32>
        %swap3A_1493 = vector.shape_cast %add3A_1486 : vector<16xf32> to vector<1x16xf32>
        tpu.vector_store %arg10[%swap3A_1489, %swap3A_1490], %swap3A_1493 {strides = array<i32>} : memref<112x224xf32, #tpu.memory_space<vmem>>, vector<1x16xf32>,
        %add3A_1494 = arith.constant 6 : i32
        %add3A_1495 = arith.addi %mul3A_114, %add3A_1494 : i32
        %get3A_1496 = arith.index_cast %add3A_1495 : i32 to index
        %get3A_1497 = arith.constant 112 : index
        %get3A_1498 = tpu.vector_load %arg8[%get3A_1496, %get3A_1497] {strides = array<i32>} : memref<112x256xf32, #tpu.memory_space<vmem>>, vector<1x16xf32>,
        %get3A_1499 = vector.shape_cast %get3A_1498 : vector<1x16xf32> to vector<16xf32>
        %add3A_1500 = arith.addf %get3A_1387, %get3A_43 : vector<16xf32>
        %add3A_1501 = arith.constant 6 : i32
        %add3A_1502 = arith.addi %mul3A_116, %add3A_1501 : i32
        %swap3A_1503 = arith.index_cast %add3A_1502 : i32 to index
        %swap3A_1504 = arith.constant 176 : index
        %swap3A_1505 = tpu.vector_load %arg10[%swap3A_1503, %swap3A_1504] {strides = array<i32>} : memref<112x224xf32, #tpu.memory_space<vmem>>, vector<1x16xf32>,
        %swap3A_1506 = vector.shape_cast %swap3A_1505 : vector<1x16xf32> to vector<16xf32>
        %swap3A_1507 = vector.shape_cast %add3A_1500 : vector<16xf32> to vector<1x16xf32>
        tpu.vector_store %arg10[%swap3A_1503, %swap3A_1504], %swap3A_1507 {strides = array<i32>} : memref<112x224xf32, #tpu.memory_space<vmem>>, vector<1x16xf32>,
        %add3A_1508 = arith.constant 6 : i32
        %add3A_1509 = arith.addi %mul3A_114, %add3A_1508 : i32
        %get3A_1510 = arith.index_cast %add3A_1509 : i32 to index
        %get3A_1511 = arith.constant 128 : index
        %get3A_1512 = tpu.vector_load %arg8[%get3A_1510, %get3A_1511] {strides = array<i32>} : memref<112x256xf32, #tpu.memory_space<vmem>>, vector<1x16xf32>,
        %get3A_1513 = vector.shape_cast %get3A_1512 : vector<1x16xf32> to vector<16xf32>
        %add3A_1514 = arith.addf %get3A_1401, %get3A_43 : vector<16xf32>
        %add3A_1515 = arith.constant 6 : i32
        %add3A_1516 = arith.addi %mul3A_116, %add3A_1515 : i32
        %swap3A_1517 = arith.index_cast %add3A_1516 : i32 to index
        %swap3A_1518 = arith.constant 192 : index
        %swap3A_1519 = tpu.vector_load %arg10[%swap3A_1517, %swap3A_1518] {strides = array<i32>} : memref<112x224xf32, #tpu.memory_space<vmem>>, vector<1x16xf32>,
        %swap3A_1520 = vector.shape_cast %swap3A_1519 : vector<1x16xf32> to vector<16xf32>
        %swap3A_1521 = vector.shape_cast %add3A_1514 : vector<16xf32> to vector<1x16xf32>
        tpu.vector_store %arg10[%swap3A_1517, %swap3A_1518], %swap3A_1521 {strides = array<i32>} : memref<112x224xf32, #tpu.memory_space<vmem>>, vector<1x16xf32>,
        %add3A_1522 = arith.constant 6 : i32
        %add3A_1523 = arith.addi %mul3A_114, %add3A_1522 : i32
        %get3A_1524 = arith.index_cast %add3A_1523 : i32 to index
        %get3A_1525 = arith.constant 144 : index
        %get3A_1526 = tpu.vector_load %arg8[%get3A_1524, %get3A_1525] {strides = array<i32>} : memref<112x256xf32, #tpu.memory_space<vmem>>, vector<1x16xf32>,
        %get3A_1527 = vector.shape_cast %get3A_1526 : vector<1x16xf32> to vector<16xf32>
        %add3A_1528 = arith.addf %get3A_1415, %get3A_43 : vector<16xf32>
        %add3A_1529 = arith.constant 6 : i32
        %add3A_1530 = arith.addi %mul3A_116, %add3A_1529 : i32
        %swap3A_1531 = arith.index_cast %add3A_1530 : i32 to index
        %swap3A_1532 = arith.constant 208 : index
        %swap3A_1533 = tpu.vector_load %arg10[%swap3A_1531, %swap3A_1532] {strides = array<i32>} : memref<112x224xf32, #tpu.memory_space<vmem>>, vector<1x16xf32>,
        %swap3A_1534 = vector.shape_cast %swap3A_1533 : vector<1x16xf32> to vector<16xf32>
        %swap3A_1535 = vector.shape_cast %add3A_1528 : vector<16xf32> to vector<1x16xf32>
        tpu.vector_store %arg10[%swap3A_1531, %swap3A_1532], %swap3A_1535 {strides = array<i32>} : memref<112x224xf32, #tpu.memory_space<vmem>>, vector<1x16xf32>,
        %add3A_1536 = arith.constant 6 : i32
        %add3A_1537 = arith.addi %mul3A_114, %add3A_1536 : i32
        %get3A_1538 = arith.index_cast %add3A_1537 : i32 to index
        %get3A_1539 = arith.constant 160 : index
        %get3A_1540 = tpu.vector_load %arg8[%get3A_1538, %get3A_1539] {strides = array<i32>} : memref<112x256xf32, #tpu.memory_space<vmem>>, vector<1x16xf32>,
        %get3A_1541 = vector.shape_cast %get3A_1540 : vector<1x16xf32> to vector<16xf32>
        %add3A_1542 = arith.addf %get3A_1429, %get3A_43 : vector<16xf32>
        %add3A_1543 = arith.constant 7 : i32
        %add3A_1544 = arith.addi %mul3A_116, %add3A_1543 : i32
        %swap3A_1545 = arith.index_cast %add3A_1544 : i32 to index
        %swap3A_1546 = arith.constant 0 : index
        %swap3A_1547 = tpu.vector_load %arg10[%swap3A_1545, %swap3A_1546] {strides = array<i32>} : memref<112x224xf32, #tpu.memory_space<vmem>>, vector<1x16xf32>,
        %swap3A_1548 = vector.shape_cast %swap3A_1547 : vector<1x16xf32> to vector<16xf32>
        %swap3A_1549 = vector.shape_cast %add3A_1542 : vector<16xf32> to vector<1x16xf32>
        tpu.vector_store %arg10[%swap3A_1545, %swap3A_1546], %swap3A_1549 {strides = array<i32>} : memref<112x224xf32, #tpu.memory_space<vmem>>, vector<1x16xf32>,
        %add3A_1550 = arith.constant 6 : i32
        %add3A_1551 = arith.addi %mul3A_114, %add3A_1550 : i32
        %get3A_1552 = arith.index_cast %add3A_1551 : i32 to index
        %get3A_1553 = arith.constant 176 : index
        %get3A_1554 = tpu.vector_load %arg8[%get3A_1552, %get3A_1553] {strides = array<i32>} : memref<112x256xf32, #tpu.memory_space<vmem>>, vector<1x16xf32>,
        %get3A_1555 = vector.shape_cast %get3A_1554 : vector<1x16xf32> to vector<16xf32>
        %add3A_1556 = arith.addf %get3A_1443, %get3A_43 : vector<16xf32>
        %add3A_1557 = arith.constant 7 : i32
        %add3A_1558 = arith.addi %mul3A_116, %add3A_1557 : i32
        %swap3A_1559 = arith.index_cast %add3A_1558 : i32 to index
        %swap3A_1560 = arith.constant 16 : index
        %swap3A_1561 = tpu.vector_load %arg10[%swap3A_1559, %swap3A_1560] {strides = array<i32>} : memref<112x224xf32, #tpu.memory_space<vmem>>, vector<1x16xf32>,
        %swap3A_1562 = vector.shape_cast %swap3A_1561 : vector<1x16xf32> to vector<16xf32>
        %swap3A_1563 = vector.shape_cast %add3A_1556 : vector<16xf32> to vector<1x16xf32>
        tpu.vector_store %arg10[%swap3A_1559, %swap3A_1560], %swap3A_1563 {strides = array<i32>} : memref<112x224xf32, #tpu.memory_space<vmem>>, vector<1x16xf32>,
        %add3A_1564 = arith.constant 6 : i32
        %add3A_1565 = arith.addi %mul3A_114, %add3A_1564 : i32
        %get3A_1566 = arith.index_cast %add3A_1565 : i32 to index
        %get3A_1567 = arith.constant 192 : index
        %get3A_1568 = tpu.vector_load %arg8[%get3A_1566, %get3A_1567] {strides = array<i32>} : memref<112x256xf32, #tpu.memory_space<vmem>>, vector<1x16xf32>,
        %get3A_1569 = vector.shape_cast %get3A_1568 : vector<1x16xf32> to vector<16xf32>
        %add3A_1570 = arith.addf %get3A_1457, %get3A_43 : vector<16xf32>
        %add3A_1571 = arith.constant 7 : i32
        %add3A_1572 = arith.addi %mul3A_116, %add3A_1571 : i32
        %swap3A_1573 = arith.index_cast %add3A_1572 : i32 to index
        %swap3A_1574 = arith.constant 32 : index
        %swap3A_1575 = tpu.vector_load %arg10[%swap3A_1573, %swap3A_1574] {strides = array<i32>} : memref<112x224xf32, #tpu.memory_space<vmem>>, vector<1x16xf32>,
        %swap3A_1576 = vector.shape_cast %swap3A_1575 : vector<1x16xf32> to vector<16xf32>
        %swap3A_1577 = vector.shape_cast %add3A_1570 : vector<16xf32> to vector<1x16xf32>
        tpu.vector_store %arg10[%swap3A_1573, %swap3A_1574], %swap3A_1577 {strides = array<i32>} : memref<112x224xf32, #tpu.memory_space<vmem>>, vector<1x16xf32>,
        %add3A_1578 = arith.constant 6 : i32
        %add3A_1579 = arith.addi %mul3A_114, %add3A_1578 : i32
        %get3A_1580 = arith.index_cast %add3A_1579 : i32 to index
        %get3A_1581 = arith.constant 208 : index
        %get3A_1582 = tpu.vector_load %arg8[%get3A_1580, %get3A_1581] {strides = array<i32>} : memref<112x256xf32, #tpu.memory_space<vmem>>, vector<1x16xf32>,
        %get3A_1583 = vector.shape_cast %get3A_1582 : vector<1x16xf32> to vector<16xf32>
        %add3A_1584 = arith.addf %get3A_1471, %get3A_43 : vector<16xf32>
        %add3A_1585 = arith.constant 7 : i32
        %add3A_1586 = arith.addi %mul3A_116, %add3A_1585 : i32
        %swap3A_1587 = arith.index_cast %add3A_1586 : i32 to index
        %swap3A_1588 = arith.constant 48 : index
        %swap3A_1589 = tpu.vector_load %arg10[%swap3A_1587, %swap3A_1588] {strides = array<i32>} : memref<112x224xf32, #tpu.memory_space<vmem>>, vector<1x16xf32>,
        %swap3A_1590 = vector.shape_cast %swap3A_1589 : vector<1x16xf32> to vector<16xf32>
        %swap3A_1591 = vector.shape_cast %add3A_1584 : vector<16xf32> to vector<1x16xf32>
        tpu.vector_store %arg10[%swap3A_1587, %swap3A_1588], %swap3A_1591 {strides = array<i32>} : memref<112x224xf32, #tpu.memory_space<vmem>>, vector<1x16xf32>,
        %add3A_1592 = arith.constant 6 : i32
        %add3A_1593 = arith.addi %mul3A_114, %add3A_1592 : i32
        %get3A_1594 = arith.index_cast %add3A_1593 : i32 to index
        %get3A_1595 = arith.constant 224 : index
        %get3A_1596 = tpu.vector_load %arg8[%get3A_1594, %get3A_1595] {strides = array<i32>} : memref<112x256xf32, #tpu.memory_space<vmem>>, vector<1x16xf32>,
        %get3A_1597 = vector.shape_cast %get3A_1596 : vector<1x16xf32> to vector<16xf32>
        %add3A_1598 = arith.addf %get3A_1485, %get3A_43 : vector<16xf32>
        %add3A_1599 = arith.constant 7 : i32
        %add3A_1600 = arith.addi %mul3A_116, %add3A_1599 : i32
        %swap3A_1601 = arith.index_cast %add3A_1600 : i32 to index
        %swap3A_1602 = arith.constant 64 : index
        %swap3A_1603 = tpu.vector_load %arg10[%swap3A_1601, %swap3A_1602] {strides = array<i32>} : memref<112x224xf32, #tpu.memory_space<vmem>>, vector<1x16xf32>,
        %swap3A_1604 = vector.shape_cast %swap3A_1603 : vector<1x16xf32> to vector<16xf32>
        %swap3A_1605 = vector.shape_cast %add3A_1598 : vector<16xf32> to vector<1x16xf32>
        tpu.vector_store %arg10[%swap3A_1601, %swap3A_1602], %swap3A_1605 {strides = array<i32>} : memref<112x224xf32, #tpu.memory_space<vmem>>, vector<1x16xf32>,
        %add3A_1606 = arith.constant 6 : i32
        %add3A_1607 = arith.addi %mul3A_114, %add3A_1606 : i32
        %get3A_1608 = arith.index_cast %add3A_1607 : i32 to index
        %get3A_1609 = arith.constant 240 : index
        %get3A_1610 = tpu.vector_load %arg8[%get3A_1608, %get3A_1609] {strides = array<i32>} : memref<112x256xf32, #tpu.memory_space<vmem>>, vector<1x16xf32>,
        %get3A_1611 = vector.shape_cast %get3A_1610 : vector<1x16xf32> to vector<16xf32>
        %add3A_1612 = arith.addf %get3A_1499, %get3A_43 : vector<16xf32>
        %add3A_1613 = arith.constant 7 : i32
        %add3A_1614 = arith.addi %mul3A_116, %add3A_1613 : i32
        %swap3A_1615 = arith.index_cast %add3A_1614 : i32 to index
        %swap3A_1616 = arith.constant 80 : index
        %swap3A_1617 = tpu.vector_load %arg10[%swap3A_1615, %swap3A_1616] {strides = array<i32>} : memref<112x224xf32, #tpu.memory_space<vmem>>, vector<1x16xf32>,
        %swap3A_1618 = vector.shape_cast %swap3A_1617 : vector<1x16xf32> to vector<16xf32>
        %swap3A_1619 = vector.shape_cast %add3A_1612 : vector<16xf32> to vector<1x16xf32>
        tpu.vector_store %arg10[%swap3A_1615, %swap3A_1616], %swap3A_1619 {strides = array<i32>} : memref<112x224xf32, #tpu.memory_space<vmem>>, vector<1x16xf32>,
        %add3A_1620 = arith.addf %get3A_1513, %get3A_43 : vector<16xf32>
        %add3A_1621 = arith.constant 7 : i32
        %add3A_1622 = arith.addi %mul3A_116, %add3A_1621 : i32
        %swap3A_1623 = arith.index_cast %add3A_1622 : i32 to index
        %swap3A_1624 = arith.constant 96 : index
        %swap3A_1625 = tpu.vector_load %arg10[%swap3A_1623, %swap3A_1624] {strides = array<i32>} : memref<112x224xf32, #tpu.memory_space<vmem>>, vector<1x16xf32>,
        %swap3A_1626 = vector.shape_cast %swap3A_1625 : vector<1x16xf32> to vector<16xf32>
        %swap3A_1627 = vector.shape_cast %add3A_1620 : vector<16xf32> to vector<1x16xf32>
        tpu.vector_store %arg10[%swap3A_1623, %swap3A_1624], %swap3A_1627 {strides = array<i32>} : memref<112x224xf32, #tpu.memory_space<vmem>>, vector<1x16xf32>,
        %add3A_1628 = arith.addf %get3A_1527, %get3A_43 : vector<16xf32>
        %add3A_1629 = arith.constant 7 : i32
        %add3A_1630 = arith.addi %mul3A_116, %add3A_1629 : i32
        %swap3A_1631 = arith.index_cast %add3A_1630 : i32 to index
        %swap3A_1632 = arith.constant 112 : index
        %swap3A_1633 = tpu.vector_load %arg10[%swap3A_1631, %swap3A_1632] {strides = array<i32>} : memref<112x224xf32, #tpu.memory_space<vmem>>, vector<1x16xf32>,
        %swap3A_1634 = vector.shape_cast %swap3A_1633 : vector<1x16xf32> to vector<16xf32>
        %swap3A_1635 = vector.shape_cast %add3A_1628 : vector<16xf32> to vector<1x16xf32>
        tpu.vector_store %arg10[%swap3A_1631, %swap3A_1632], %swap3A_1635 {strides = array<i32>} : memref<112x224xf32, #tpu.memory_space<vmem>>, vector<1x16xf32>,
        %add3A_1636 = arith.addf %get3A_1541, %get3A_43 : vector<16xf32>
        %add3A_1637 = arith.constant 7 : i32
        %add3A_1638 = arith.addi %mul3A_116, %add3A_1637 : i32
        %swap3A_1639 = arith.index_cast %add3A_1638 : i32 to index
        %swap3A_1640 = arith.constant 128 : index
        %swap3A_1641 = tpu.vector_load %arg10[%swap3A_1639, %swap3A_1640] {strides = array<i32>} : memref<112x224xf32, #tpu.memory_space<vmem>>, vector<1x16xf32>,
        %swap3A_1642 = vector.shape_cast %swap3A_1641 : vector<1x16xf32> to vector<16xf32>
        %swap3A_1643 = vector.shape_cast %add3A_1636 : vector<16xf32> to vector<1x16xf32>
        tpu.vector_store %arg10[%swap3A_1639, %swap3A_1640], %swap3A_1643 {strides = array<i32>} : memref<112x224xf32, #tpu.memory_space<vmem>>, vector<1x16xf32>,
        %add3A_1644 = arith.addf %get3A_1555, %get3A_43 : vector<16xf32>
        %add3A_1645 = arith.constant 7 : i32
        %add3A_1646 = arith.addi %mul3A_116, %add3A_1645 : i32
        %swap3A_1647 = arith.index_cast %add3A_1646 : i32 to index
        %swap3A_1648 = arith.constant 144 : index
        %swap3A_1649 = tpu.vector_load %arg10[%swap3A_1647, %swap3A_1648] {strides = array<i32>} : memref<112x224xf32, #tpu.memory_space<vmem>>, vector<1x16xf32>,
        %swap3A_1650 = vector.shape_cast %swap3A_1649 : vector<1x16xf32> to vector<16xf32>
        %swap3A_1651 = vector.shape_cast %add3A_1644 : vector<16xf32> to vector<1x16xf32>
        tpu.vector_store %arg10[%swap3A_1647, %swap3A_1648], %swap3A_1651 {strides = array<i32>} : memref<112x224xf32, #tpu.memory_space<vmem>>, vector<1x16xf32>,
        %add3A_1652 = arith.addf %get3A_1569, %get3A_43 : vector<16xf32>
        %add3A_1653 = arith.constant 7 : i32
        %add3A_1654 = arith.addi %mul3A_116, %add3A_1653 : i32
        %swap3A_1655 = arith.index_cast %add3A_1654 : i32 to index
        %swap3A_1656 = arith.constant 160 : index
        %swap3A_1657 = tpu.vector_load %arg10[%swap3A_1655, %swap3A_1656] {strides = array<i32>} : memref<112x224xf32, #tpu.memory_space<vmem>>, vector<1x16xf32>,
        %swap3A_1658 = vector.shape_cast %swap3A_1657 : vector<1x16xf32> to vector<16xf32>
        %swap3A_1659 = vector.shape_cast %add3A_1652 : vector<16xf32> to vector<1x16xf32>
        tpu.vector_store %arg10[%swap3A_1655, %swap3A_1656], %swap3A_1659 {strides = array<i32>} : memref<112x224xf32, #tpu.memory_space<vmem>>, vector<1x16xf32>,
        %add3A_1660 = arith.addf %get3A_1583, %get3A_43 : vector<16xf32>
        %add3A_1661 = arith.constant 7 : i32
        %add3A_1662 = arith.addi %mul3A_116, %add3A_1661 : i32
        %swap3A_1663 = arith.index_cast %add3A_1662 : i32 to index
        %swap3A_1664 = arith.constant 176 : index
        %swap3A_1665 = tpu.vector_load %arg10[%swap3A_1663, %swap3A_1664] {strides = array<i32>} : memref<112x224xf32, #tpu.memory_space<vmem>>, vector<1x16xf32>,
        %swap3A_1666 = vector.shape_cast %swap3A_1665 : vector<1x16xf32> to vector<16xf32>
        %swap3A_1667 = vector.shape_cast %add3A_1660 : vector<16xf32> to vector<1x16xf32>
        tpu.vector_store %arg10[%swap3A_1663, %swap3A_1664], %swap3A_1667 {strides = array<i32>} : memref<112x224xf32, #tpu.memory_space<vmem>>, vector<1x16xf32>,
        %add3A_1668 = arith.addf %get3A_1597, %get3A_43 : vector<16xf32>
        %add3A_1669 = arith.constant 7 : i32
        %add3A_1670 = arith.addi %mul3A_116, %add3A_1669 : i32
        %swap3A_1671 = arith.index_cast %add3A_1670 : i32 to index
        %swap3A_1672 = arith.constant 192 : index
        %swap3A_1673 = tpu.vector_load %arg10[%swap3A_1671, %swap3A_1672] {strides = array<i32>} : memref<112x224xf32, #tpu.memory_space<vmem>>, vector<1x16xf32>,
        %swap3A_1674 = vector.shape_cast %swap3A_1673 : vector<1x16xf32> to vector<16xf32>
        %swap3A_1675 = vector.shape_cast %add3A_1668 : vector<16xf32> to vector<1x16xf32>
        tpu.vector_store %arg10[%swap3A_1671, %swap3A_1672], %swap3A_1675 {strides = array<i32>} : memref<112x224xf32, #tpu.memory_space<vmem>>, vector<1x16xf32>,
        %add3A_1676 = arith.addf %get3A_1611, %get3A_43 : vector<16xf32>
        %add3A_1677 = arith.constant 7 : i32
        %add3A_1678 = arith.addi %mul3A_116, %add3A_1677 : i32
        %swap3A_1679 = arith.index_cast %add3A_1678 : i32 to index
        %swap3A_1680 = arith.constant 208 : index
        %swap3A_1681 = tpu.vector_load %arg10[%swap3A_1679, %swap3A_1680] {strides = array<i32>} : memref<112x224xf32, #tpu.memory_space<vmem>>, vector<1x16xf32>,
        %swap3A_1682 = vector.shape_cast %swap3A_1681 : vector<1x16xf32> to vector<16xf32>
        %swap3A_1683 = vector.shape_cast %add3A_1676 : vector<16xf32> to vector<1x16xf32>
        tpu.vector_store %arg10[%swap3A_1679, %swap3A_1680], %swap3A_1683 {strides = array<i32>} : memref<112x224xf32, #tpu.memory_space<vmem>>, vector<1x16xf32>,
      }
      %scan3A_67 = arith.constant 14 : i32
      %dma_start3A_68 = arith.constant 0 : i32
      %dma_start3A_69 = arith.constant 0 : i32
      %dma_start3A_70 = tpu.memref_slice %arg5[%shift_right_arithmetic3A_39, %and3A_40, %dma_start3A_68, %dma_start3A_69] : memref<4x256x224x224xf32, #tpu.memory_space<hbm>> -> memref<1x1x112x224xf32, #tpu.memory_space<hbm>>
      %dma_start3A_71 = tpu.memref_squeeze %dma_start3A_70 : memref<1x1x112x224xf32, #tpu.memory_space<hbm>> -> memref<112x224xf32, #tpu.memory_space<hbm>>
      %dma_start3A_72 = arith.constant 0 : i32
      %dma_start3A_73 = arith.constant 0 : i32
      %dma_start3A_74 = tpu.memref_slice %arg5[%shift_right_arithmetic3A_39, %and3A_40, %dma_start3A_72, %dma_start3A_73] : memref<4x256x224x224xf32, #tpu.memory_space<hbm>> -> memref<1x1x112x224xf32, #tpu.memory_space<hbm>>
      %dma_start3A_75 = tpu.memref_squeeze %dma_start3A_74 : memref<1x1x112x224xf32, #tpu.memory_space<hbm>> -> memref<112x224xf32, #tpu.memory_space<hbm>>
      tpu.enqueue_dma source(%arg10 : memref<112x224xf32, #tpu.memory_space<vmem>>) target(%dma_start3A_75 : memref<112x224xf32, #tpu.memory_space<hbm>>) target_semaphore(%arg14 : memref<!tpu.dma_semaphore, #tpu.memory_space<semaphore_mem>>)
      %mul3A_76 = arith.constant 2 : i32
      %mul3A_77 = arith.muli %mul3A_76, %scan3A_35 : i32
      %add3A_78 = arith.constant 1 : i32
      %add3A_79 = arith.addi %mul3A_77, %add3A_78 : i32
      %dma_wait3A_80 = arith.constant 0 : i32
      %dma_wait3A_81 = tpu.memref_slice %arg6[%add3A_79, %dma_wait3A_80] : memref<64x112xi32, #tpu.memory_space<vmem>> -> memref<1x112xi32, #tpu.memory_space<vmem>>
      %dma_wait3A_82 = tpu.memref_squeeze %dma_wait3A_81 : memref<1x112xi32, #tpu.memory_space<vmem>> -> memref<112xi32, #tpu.memory_space<vmem>>
      %dma_wait3A_83 = arith.constant 0 : i32
      %dma_wait3A_84 = arith.constant 0 : i32
      %dma_wait3A_85 = tpu.memref_slice %arg2[%dma_wait3A_83, %dma_wait3A_84] : memref<1000x256xf32, #tpu.memory_space<hbm>> -> memref<1000x256xf32, #tpu.memory_space<hbm>>
      tpu.wait_indirect_dma semaphore(%arg13 : memref<!tpu.dma_semaphore, #tpu.memory_space<semaphore_mem>>) src(%dma_wait3A_85 : memref<1000x256xf32, #tpu.memory_space<hbm>>) dst(%arg9 : memref<112x256xf32, #tpu.memory_space<vmem>>)
      %add3A_86 = arith.constant 1 : i32
      %add3A_87 = arith.addi %add3A_79, %add3A_86 : i32
      %lt3A_88 = arith.constant 64 : i32
      %lt3A_89 = arith.cmpi slt, %add3A_87, %lt3A_88 : i32
      %convert_element_type3A_90 = arith.extui %lt3A_89 : i1 to i32
      %cond3A_91 = arith.constant 0 : i32
      %cond3A_92 = arith.cmpi ne, %convert_element_type3A_90, %cond3A_91 : i32
      scf.if %cond3A_92 {
        %add3A_112 = arith.constant 1 : i32
        %add3A_113 = arith.addi %add3A_79, %add3A_112 : i32
        %dma_start3A_114 = arith.constant 0 : i32
        %dma_start3A_115 = tpu.memref_slice %arg6[%add3A_113, %dma_start3A_114] : memref<64x112xi32, #tpu.memory_space<vmem>> -> memref<1x112xi32, #tpu.memory_space<vmem>>
        %dma_start3A_116 = tpu.memref_squeeze %dma_start3A_115 : memref<1x112xi32, #tpu.memory_space<vmem>> -> memref<112xi32, #tpu.memory_space<vmem>>
        %dma_start3A_117 = arith.constant 0 : i32
        %dma_start3A_118 = arith.constant 0 : i32
        %dma_start3A_119 = tpu.memref_slice %arg2[%dma_start3A_117, %dma_start3A_118] : memref<1000x256xf32, #tpu.memory_space<hbm>> -> memref<1000x256xf32, #tpu.memory_space<hbm>>
        tpu.enqueue_indirect_dma source(%dma_start3A_119 : memref<1000x256xf32, #tpu.memory_space<hbm>>) target(%arg8 : memref<112x256xf32, #tpu.memory_space<vmem>>) offsets(%dma_start3A_116 : memref<112xi32, #tpu.memory_space<vmem>>) semaphore(%arg12 : memref<!tpu.dma_semaphore, #tpu.memory_space<semaphore_mem>>)
      } else {
      }
      %gt3A_93 = arith.constant 0 : i32
      %gt3A_94 = arith.cmpi sgt, %scan3A_35, %gt3A_93 : i32
      %convert_element_type3A_95 = arith.extui %gt3A_94 : i1 to i32
      %cond3A_96 = arith.constant 0 : i32
      %cond3A_97 = arith.cmpi ne, %convert_element_type3A_95, %cond3A_96 : i32
      scf.if %cond3A_97 {
        %dma_wait3A_112 = arith.constant 0 : i32
        %dma_wait3A_113 = arith.constant 0 : i32
        %dma_wait3A_114 = arith.constant 0 : i32
        %dma_wait3A_115 = arith.constant 0 : i32
        %dma_wait3A_116 = tpu.memref_slice %arg5[%dma_wait3A_112, %dma_wait3A_113, %dma_wait3A_114, %dma_wait3A_115] : memref<4x256x224x224xf32, #tpu.memory_space<hbm>> -> memref<1x1x112x224xf32, #tpu.memory_space<hbm>>
        %dma_wait3A_117 = tpu.memref_squeeze %dma_wait3A_116 : memref<1x1x112x224xf32, #tpu.memory_space<hbm>> -> memref<112x224xf32, #tpu.memory_space<hbm>>
        %dma_wait3A_118 = arith.constant 0 : i32
        %dma_wait3A_119 = arith.constant 0 : i32
        %dma_wait3A_120 = tpu.memref_slice %arg5[%dma_wait3A_112, %dma_wait3A_113, %dma_wait3A_118, %dma_wait3A_119] : memref<4x256x224x224xf32, #tpu.memory_space<hbm>> -> memref<1x1x112x224xf32, #tpu.memory_space<hbm>>
        %dma_wait3A_121 = tpu.memref_squeeze %dma_wait3A_120 : memref<1x1x112x224xf32, #tpu.memory_space<hbm>> -> memref<112x224xf32, #tpu.memory_space<hbm>>
        tpu.wait_dma2 semaphore(%arg15 : memref<!tpu.dma_semaphore, #tpu.memory_space<semaphore_mem>>) src(%dma_wait3A_121 : memref<112x224xf32, #tpu.memory_space<hbm>>) dst(%arg11 : memref<112x224xf32, #tpu.memory_space<vmem>>)
      } else {
      }
      %scan3A_98 = arith.constant 0 : i32
      %scan3A_99 = arith.constant 0 : i32
      %scan3A_100 = arith.constant 14 : i32
      %scan3A_101 = arith.addi %scan3A_99, %scan3A_100 : i32
      %scan3A_102 = arith.constant 1 : i32
      scf.for %scan3A_112 = %scan3A_99 to %scan3A_101 step %scan3A_102  : i32 {
        %mul3A_113 = arith.constant 7 : i32
        %mul3A_114 = arith.muli %mul3A_113, %scan3A_112 : i32
        %mul3A_115 = arith.constant 8 : i32
        %mul3A_116 = arith.muli %mul3A_115, %scan3A_112 : i32
        %add3A_117 = arith.constant 0 : i32
        %add3A_118 = arith.addi %mul3A_114, %add3A_117 : i32
        %get3A_119 = arith.index_cast %add3A_118 : i32 to index
        %get3A_120 = arith.constant 0 : index
        %get3A_121 = tpu.vector_load %arg9[%get3A_119, %get3A_120] {strides = array<i32>} : memref<112x256xf32, #tpu.memory_space<vmem>>, vector<1x16xf32>,
        %get3A_122 = vector.shape_cast %get3A_121 : vector<1x16xf32> to vector<16xf32>
        %add3A_123 = arith.constant 0 : i32
        %add3A_124 = arith.addi %mul3A_114, %add3A_123 : i32
        %get3A_125 = arith.index_cast %add3A_124 : i32 to index
        %get3A_126 = arith.constant 16 : index
        %get3A_127 = tpu.vector_load %arg9[%get3A_125, %get3A_126] {strides = array<i32>} : memref<112x256xf32, #tpu.memory_space<vmem>>, vector<1x16xf32>,
        %get3A_128 = vector.shape_cast %get3A_127 : vector<1x16xf32> to vector<16xf32>
        %add3A_129 = arith.constant 0 : i32
        %add3A_130 = arith.addi %mul3A_114, %add3A_129 : i32
        %get3A_131 = arith.index_cast %add3A_130 : i32 to index
        %get3A_132 = arith.constant 32 : index
        %get3A_133 = tpu.vector_load %arg9[%get3A_131, %get3A_132] {strides = array<i32>} : memref<112x256xf32, #tpu.memory_space<vmem>>, vector<1x16xf32>,
        %get3A_134 = vector.shape_cast %get3A_133 : vector<1x16xf32> to vector<16xf32>
        %add3A_135 = arith.constant 0 : i32
        %add3A_136 = arith.addi %mul3A_114, %add3A_135 : i32
        %get3A_137 = arith.index_cast %add3A_136 : i32 to index
        %get3A_138 = arith.constant 48 : index
        %get3A_139 = tpu.vector_load %arg9[%get3A_137, %get3A_138] {strides = array<i32>} : memref<112x256xf32, #tpu.memory_space<vmem>>, vector<1x16xf32>,
        %get3A_140 = vector.shape_cast %get3A_139 : vector<1x16xf32> to vector<16xf32>
        %add3A_141 = arith.constant 0 : i32
        %add3A_142 = arith.addi %mul3A_114, %add3A_141 : i32
        %get3A_143 = arith.index_cast %add3A_142 : i32 to index
        %get3A_144 = arith.constant 64 : index
        %get3A_145 = tpu.vector_load %arg9[%get3A_143, %get3A_144] {strides = array<i32>} : memref<112x256xf32, #tpu.memory_space<vmem>>, vector<1x16xf32>,
        %get3A_146 = vector.shape_cast %get3A_145 : vector<1x16xf32> to vector<16xf32>
        %add3A_147 = arith.constant 0 : i32
        %add3A_148 = arith.addi %mul3A_114, %add3A_147 : i32
        %get3A_149 = arith.index_cast %add3A_148 : i32 to index
        %get3A_150 = arith.constant 80 : index
        %get3A_151 = tpu.vector_load %arg9[%get3A_149, %get3A_150] {strides = array<i32>} : memref<112x256xf32, #tpu.memory_space<vmem>>, vector<1x16xf32>,
        %get3A_152 = vector.shape_cast %get3A_151 : vector<1x16xf32> to vector<16xf32>
        %add3A_153 = arith.constant 0 : i32
        %add3A_154 = arith.addi %mul3A_114, %add3A_153 : i32
        %get3A_155 = arith.index_cast %add3A_154 : i32 to index
        %get3A_156 = arith.constant 96 : index
        %get3A_157 = tpu.vector_load %arg9[%get3A_155, %get3A_156] {strides = array<i32>} : memref<112x256xf32, #tpu.memory_space<vmem>>, vector<1x16xf32>,
        %get3A_158 = vector.shape_cast %get3A_157 : vector<1x16xf32> to vector<16xf32>
        %add3A_159 = arith.constant 0 : i32
        %add3A_160 = arith.addi %mul3A_114, %add3A_159 : i32
        %get3A_161 = arith.index_cast %add3A_160 : i32 to index
        %get3A_162 = arith.constant 112 : index
        %get3A_163 = tpu.vector_load %arg9[%get3A_161, %get3A_162] {strides = array<i32>} : memref<112x256xf32, #tpu.memory_space<vmem>>, vector<1x16xf32>,
        %get3A_164 = vector.shape_cast %get3A_163 : vector<1x16xf32> to vector<16xf32>
        %add3A_165 = arith.constant 0 : i32
        %add3A_166 = arith.addi %mul3A_114, %add3A_165 : i32
        %get3A_167 = arith.index_cast %add3A_166 : i32 to index
        %get3A_168 = arith.constant 128 : index
        %get3A_169 = tpu.vector_load %arg9[%get3A_167, %get3A_168] {strides = array<i32>} : memref<112x256xf32, #tpu.memory_space<vmem>>, vector<1x16xf32>,
        %get3A_170 = vector.shape_cast %get3A_169 : vector<1x16xf32> to vector<16xf32>
        %add3A_171 = arith.addf %get3A_122, %get3A_43 : vector<16xf32>
        %add3A_172 = arith.constant 0 : i32
        %add3A_173 = arith.addi %mul3A_116, %add3A_172 : i32
        %swap3A = arith.index_cast %add3A_173 : i32 to index
        %swap3A_174 = arith.constant 0 : index
        %swap3A_175 = tpu.vector_load %arg11[%swap3A, %swap3A_174] {strides = array<i32>} : memref<112x224xf32, #tpu.memory_space<vmem>>, vector<1x16xf32>,
        %swap3A_176 = vector.shape_cast %swap3A_175 : vector<1x16xf32> to vector<16xf32>
        %swap3A_177 = vector.shape_cast %add3A_171 : vector<16xf32> to vector<1x16xf32>
        tpu.vector_store %arg11[%swap3A, %swap3A_174], %swap3A_177 {strides = array<i32>} : memref<112x224xf32, #tpu.memory_space<vmem>>, vector<1x16xf32>,
        %add3A_178 = arith.constant 0 : i32
        %add3A_179 = arith.addi %mul3A_114, %add3A_178 : i32
        %get3A_180 = arith.index_cast %add3A_179 : i32 to index
        %get3A_181 = arith.constant 144 : index
        %get3A_182 = tpu.vector_load %arg9[%get3A_180, %get3A_181] {strides = array<i32>} : memref<112x256xf32, #tpu.memory_space<vmem>>, vector<1x16xf32>,
        %get3A_183 = vector.shape_cast %get3A_182 : vector<1x16xf32> to vector<16xf32>
        %add3A_184 = arith.addf %get3A_128, %get3A_43 : vector<16xf32>
        %add3A_185 = arith.constant 0 : i32
        %add3A_186 = arith.addi %mul3A_116, %add3A_185 : i32
        %swap3A_187 = arith.index_cast %add3A_186 : i32 to index
        %swap3A_188 = arith.constant 16 : index
        %swap3A_189 = tpu.vector_load %arg11[%swap3A_187, %swap3A_188] {strides = array<i32>} : memref<112x224xf32, #tpu.memory_space<vmem>>, vector<1x16xf32>,
        %swap3A_190 = vector.shape_cast %swap3A_189 : vector<1x16xf32> to vector<16xf32>
        %swap3A_191 = vector.shape_cast %add3A_184 : vector<16xf32> to vector<1x16xf32>
        tpu.vector_store %arg11[%swap3A_187, %swap3A_188], %swap3A_191 {strides = array<i32>} : memref<112x224xf32, #tpu.memory_space<vmem>>, vector<1x16xf32>,
        %add3A_192 = arith.constant 0 : i32
        %add3A_193 = arith.addi %mul3A_114, %add3A_192 : i32
        %get3A_194 = arith.index_cast %add3A_193 : i32 to index
        %get3A_195 = arith.constant 160 : index
        %get3A_196 = tpu.vector_load %arg9[%get3A_194, %get3A_195] {strides = array<i32>} : memref<112x256xf32, #tpu.memory_space<vmem>>, vector<1x16xf32>,
        %get3A_197 = vector.shape_cast %get3A_196 : vector<1x16xf32> to vector<16xf32>
        %add3A_198 = arith.addf %get3A_134, %get3A_43 : vector<16xf32>
        %add3A_199 = arith.constant 0 : i32
        %add3A_200 = arith.addi %mul3A_116, %add3A_199 : i32
        %swap3A_201 = arith.index_cast %add3A_200 : i32 to index
        %swap3A_202 = arith.constant 32 : index
        %swap3A_203 = tpu.vector_load %arg11[%swap3A_201, %swap3A_202] {strides = array<i32>} : memref<112x224xf32, #tpu.memory_space<vmem>>, vector<1x16xf32>,
        %swap3A_204 = vector.shape_cast %swap3A_203 : vector<1x16xf32> to vector<16xf32>
        %swap3A_205 = vector.shape_cast %add3A_198 : vector<16xf32> to vector<1x16xf32>
        tpu.vector_store %arg11[%swap3A_201, %swap3A_202], %swap3A_205 {strides = array<i32>} : memref<112x224xf32, #tpu.memory_space<vmem>>, vector<1x16xf32>,
        %add3A_206 = arith.constant 0 : i32
        %add3A_207 = arith.addi %mul3A_114, %add3A_206 : i32
        %get3A_208 = arith.index_cast %add3A_207 : i32 to index
        %get3A_209 = arith.constant 176 : index
        %get3A_210 = tpu.vector_load %arg9[%get3A_208, %get3A_209] {strides = array<i32>} : memref<112x256xf32, #tpu.memory_space<vmem>>, vector<1x16xf32>,
        %get3A_211 = vector.shape_cast %get3A_210 : vector<1x16xf32> to vector<16xf32>
        %add3A_212 = arith.addf %get3A_140, %get3A_43 : vector<16xf32>
        %add3A_213 = arith.constant 0 : i32
        %add3A_214 = arith.addi %mul3A_116, %add3A_213 : i32
        %swap3A_215 = arith.index_cast %add3A_214 : i32 to index
        %swap3A_216 = arith.constant 48 : index
        %swap3A_217 = tpu.vector_load %arg11[%swap3A_215, %swap3A_216] {strides = array<i32>} : memref<112x224xf32, #tpu.memory_space<vmem>>, vector<1x16xf32>,
        %swap3A_218 = vector.shape_cast %swap3A_217 : vector<1x16xf32> to vector<16xf32>
        %swap3A_219 = vector.shape_cast %add3A_212 : vector<16xf32> to vector<1x16xf32>
        tpu.vector_store %arg11[%swap3A_215, %swap3A_216], %swap3A_219 {strides = array<i32>} : memref<112x224xf32, #tpu.memory_space<vmem>>, vector<1x16xf32>,
        %add3A_220 = arith.constant 0 : i32
        %add3A_221 = arith.addi %mul3A_114, %add3A_220 : i32
        %get3A_222 = arith.index_cast %add3A_221 : i32 to index
        %get3A_223 = arith.constant 192 : index
        %get3A_224 = tpu.vector_load %arg9[%get3A_222, %get3A_223] {strides = array<i32>} : memref<112x256xf32, #tpu.memory_space<vmem>>, vector<1x16xf32>,
        %get3A_225 = vector.shape_cast %get3A_224 : vector<1x16xf32> to vector<16xf32>
        %add3A_226 = arith.addf %get3A_146, %get3A_43 : vector<16xf32>
        %add3A_227 = arith.constant 0 : i32
        %add3A_228 = arith.addi %mul3A_116, %add3A_227 : i32
        %swap3A_229 = arith.index_cast %add3A_228 : i32 to index
        %swap3A_230 = arith.constant 64 : index
        %swap3A_231 = tpu.vector_load %arg11[%swap3A_229, %swap3A_230] {strides = array<i32>} : memref<112x224xf32, #tpu.memory_space<vmem>>, vector<1x16xf32>,
        %swap3A_232 = vector.shape_cast %swap3A_231 : vector<1x16xf32> to vector<16xf32>
        %swap3A_233 = vector.shape_cast %add3A_226 : vector<16xf32> to vector<1x16xf32>
        tpu.vector_store %arg11[%swap3A_229, %swap3A_230], %swap3A_233 {strides = array<i32>} : memref<112x224xf32, #tpu.memory_space<vmem>>, vector<1x16xf32>,
        %add3A_234 = arith.constant 0 : i32
        %add3A_235 = arith.addi %mul3A_114, %add3A_234 : i32
        %get3A_236 = arith.index_cast %add3A_235 : i32 to index
        %get3A_237 = arith.constant 208 : index
        %get3A_238 = tpu.vector_load %arg9[%get3A_236, %get3A_237] {strides = array<i32>} : memref<112x256xf32, #tpu.memory_space<vmem>>, vector<1x16xf32>,
        %get3A_239 = vector.shape_cast %get3A_238 : vector<1x16xf32> to vector<16xf32>
        %add3A_240 = arith.addf %get3A_152, %get3A_43 : vector<16xf32>
        %add3A_241 = arith.constant 0 : i32
        %add3A_242 = arith.addi %mul3A_116, %add3A_241 : i32
        %swap3A_243 = arith.index_cast %add3A_242 : i32 to index
        %swap3A_244 = arith.constant 80 : index
        %swap3A_245 = tpu.vector_load %arg11[%swap3A_243, %swap3A_244] {strides = array<i32>} : memref<112x224xf32, #tpu.memory_space<vmem>>, vector<1x16xf32>,
        %swap3A_246 = vector.shape_cast %swap3A_245 : vector<1x16xf32> to vector<16xf32>
        %swap3A_247 = vector.shape_cast %add3A_240 : vector<16xf32> to vector<1x16xf32>
        tpu.vector_store %arg11[%swap3A_243, %swap3A_244], %swap3A_247 {strides = array<i32>} : memref<112x224xf32, #tpu.memory_space<vmem>>, vector<1x16xf32>,
        %add3A_248 = arith.constant 0 : i32
        %add3A_249 = arith.addi %mul3A_114, %add3A_248 : i32
        %get3A_250 = arith.index_cast %add3A_249 : i32 to index
        %get3A_251 = arith.constant 224 : index
        %get3A_252 = tpu.vector_load %arg9[%get3A_250, %get3A_251] {strides = array<i32>} : memref<112x256xf32, #tpu.memory_space<vmem>>, vector<1x16xf32>,
        %get3A_253 = vector.shape_cast %get3A_252 : vector<1x16xf32> to vector<16xf32>
        %add3A_254 = arith.addf %get3A_158, %get3A_43 : vector<16xf32>
        %add3A_255 = arith.constant 0 : i32
        %add3A_256 = arith.addi %mul3A_116, %add3A_255 : i32
        %swap3A_257 = arith.index_cast %add3A_256 : i32 to index
        %swap3A_258 = arith.constant 96 : index
        %swap3A_259 = tpu.vector_load %arg11[%swap3A_257, %swap3A_258] {strides = array<i32>} : memref<112x224xf32, #tpu.memory_space<vmem>>, vector<1x16xf32>,
        %swap3A_260 = vector.shape_cast %swap3A_259 : vector<1x16xf32> to vector<16xf32>
        %swap3A_261 = vector.shape_cast %add3A_254 : vector<16xf32> to vector<1x16xf32>
        tpu.vector_store %arg11[%swap3A_257, %swap3A_258], %swap3A_261 {strides = array<i32>} : memref<112x224xf32, #tpu.memory_space<vmem>>, vector<1x16xf32>,
        %add3A_262 = arith.constant 0 : i32
        %add3A_263 = arith.addi %mul3A_114, %add3A_262 : i32
        %get3A_264 = arith.index_cast %add3A_263 : i32 to index
        %get3A_265 = arith.constant 240 : index
        %get3A_266 = tpu.vector_load %arg9[%get3A_264, %get3A_265] {strides = array<i32>} : memref<112x256xf32, #tpu.memory_space<vmem>>, vector<1x16xf32>,
        %get3A_267 = vector.shape_cast %get3A_266 : vector<1x16xf32> to vector<16xf32>
        %add3A_268 = arith.addf %get3A_164, %get3A_43 : vector<16xf32>
        %add3A_269 = arith.constant 0 : i32
        %add3A_270 = arith.addi %mul3A_116, %add3A_269 : i32
        %swap3A_271 = arith.index_cast %add3A_270 : i32 to index
        %swap3A_272 = arith.constant 112 : index
        %swap3A_273 = tpu.vector_load %arg11[%swap3A_271, %swap3A_272] {strides = array<i32>} : memref<112x224xf32, #tpu.memory_space<vmem>>, vector<1x16xf32>,
        %swap3A_274 = vector.shape_cast %swap3A_273 : vector<1x16xf32> to vector<16xf32>
        %swap3A_275 = vector.shape_cast %add3A_268 : vector<16xf32> to vector<1x16xf32>
        tpu.vector_store %arg11[%swap3A_271, %swap3A_272], %swap3A_275 {strides = array<i32>} : memref<112x224xf32, #tpu.memory_space<vmem>>, vector<1x16xf32>,
        %add3A_276 = arith.constant 1 : i32
        %add3A_277 = arith.addi %mul3A_114, %add3A_276 : i32
        %get3A_278 = arith.index_cast %add3A_277 : i32 to index
        %get3A_279 = arith.constant 0 : index
        %get3A_280 = tpu.vector_load %arg9[%get3A_278, %get3A_279] {strides = array<i32>} : memref<112x256xf32, #tpu.memory_space<vmem>>, vector<1x16xf32>,
        %get3A_281 = vector.shape_cast %get3A_280 : vector<1x16xf32> to vector<16xf32>
        %add3A_282 = arith.addf %get3A_170, %get3A_43 : vector<16xf32>
        %add3A_283 = arith.constant 0 : i32
        %add3A_284 = arith.addi %mul3A_116, %add3A_283 : i32
        %swap3A_285 = arith.index_cast %add3A_284 : i32 to index
        %swap3A_286 = arith.constant 128 : index
        %swap3A_287 = tpu.vector_load %arg11[%swap3A_285, %swap3A_286] {strides = array<i32>} : memref<112x224xf32, #tpu.memory_space<vmem>>, vector<1x16xf32>,
        %swap3A_288 = vector.shape_cast %swap3A_287 : vector<1x16xf32> to vector<16xf32>
        %swap3A_289 = vector.shape_cast %add3A_282 : vector<16xf32> to vector<1x16xf32>
        tpu.vector_store %arg11[%swap3A_285, %swap3A_286], %swap3A_289 {strides = array<i32>} : memref<112x224xf32, #tpu.memory_space<vmem>>, vector<1x16xf32>,
        %add3A_290 = arith.constant 1 : i32
        %add3A_291 = arith.addi %mul3A_114, %add3A_290 : i32
        %get3A_292 = arith.index_cast %add3A_291 : i32 to index
        %get3A_293 = arith.constant 16 : index
        %get3A_294 = tpu.vector_load %arg9[%get3A_292, %get3A_293] {strides = array<i32>} : memref<112x256xf32, #tpu.memory_space<vmem>>, vector<1x16xf32>,
        %get3A_295 = vector.shape_cast %get3A_294 : vector<1x16xf32> to vector<16xf32>
        %add3A_296 = arith.addf %get3A_183, %get3A_43 : vector<16xf32>
        %add3A_297 = arith.constant 0 : i32
        %add3A_298 = arith.addi %mul3A_116, %add3A_297 : i32
        %swap3A_299 = arith.index_cast %add3A_298 : i32 to index
        %swap3A_300 = arith.constant 144 : index
        %swap3A_301 = tpu.vector_load %arg11[%swap3A_299, %swap3A_300] {strides = array<i32>} : memref<112x224xf32, #tpu.memory_space<vmem>>, vector<1x16xf32>,
        %swap3A_302 = vector.shape_cast %swap3A_301 : vector<1x16xf32> to vector<16xf32>
        %swap3A_303 = vector.shape_cast %add3A_296 : vector<16xf32> to vector<1x16xf32>
        tpu.vector_store %arg11[%swap3A_299, %swap3A_300], %swap3A_303 {strides = array<i32>} : memref<112x224xf32, #tpu.memory_space<vmem>>, vector<1x16xf32>,
        %add3A_304 = arith.constant 1 : i32
        %add3A_305 = arith.addi %mul3A_114, %add3A_304 : i32
        %get3A_306 = arith.index_cast %add3A_305 : i32 to index
        %get3A_307 = arith.constant 32 : index
        %get3A_308 = tpu.vector_load %arg9[%get3A_306, %get3A_307] {strides = array<i32>} : memref<112x256xf32, #tpu.memory_space<vmem>>, vector<1x16xf32>,
        %get3A_309 = vector.shape_cast %get3A_308 : vector<1x16xf32> to vector<16xf32>
        %add3A_310 = arith.addf %get3A_197, %get3A_43 : vector<16xf32>
        %add3A_311 = arith.constant 0 : i32
        %add3A_312 = arith.addi %mul3A_116, %add3A_311 : i32
        %swap3A_313 = arith.index_cast %add3A_312 : i32 to index
        %swap3A_314 = arith.constant 160 : index
        %swap3A_315 = tpu.vector_load %arg11[%swap3A_313, %swap3A_314] {strides = array<i32>} : memref<112x224xf32, #tpu.memory_space<vmem>>, vector<1x16xf32>,
        %swap3A_316 = vector.shape_cast %swap3A_315 : vector<1x16xf32> to vector<16xf32>
        %swap3A_317 = vector.shape_cast %add3A_310 : vector<16xf32> to vector<1x16xf32>
        tpu.vector_store %arg11[%swap3A_313, %swap3A_314], %swap3A_317 {strides = array<i32>} : memref<112x224xf32, #tpu.memory_space<vmem>>, vector<1x16xf32>,
        %add3A_318 = arith.constant 1 : i32
        %add3A_319 = arith.addi %mul3A_114, %add3A_318 : i32
        %get3A_320 = arith.index_cast %add3A_319 : i32 to index
        %get3A_321 = arith.constant 48 : index
        %get3A_322 = tpu.vector_load %arg9[%get3A_320, %get3A_321] {strides = array<i32>} : memref<112x256xf32, #tpu.memory_space<vmem>>, vector<1x16xf32>,
        %get3A_323 = vector.shape_cast %get3A_322 : vector<1x16xf32> to vector<16xf32>
        %add3A_324 = arith.addf %get3A_211, %get3A_43 : vector<16xf32>
        %add3A_325 = arith.constant 0 : i32
        %add3A_326 = arith.addi %mul3A_116, %add3A_325 : i32
        %swap3A_327 = arith.index_cast %add3A_326 : i32 to index
        %swap3A_328 = arith.constant 176 : index
        %swap3A_329 = tpu.vector_load %arg11[%swap3A_327, %swap3A_328] {strides = array<i32>} : memref<112x224xf32, #tpu.memory_space<vmem>>, vector<1x16xf32>,
        %swap3A_330 = vector.shape_cast %swap3A_329 : vector<1x16xf32> to vector<16xf32>
        %swap3A_331 = vector.shape_cast %add3A_324 : vector<16xf32> to vector<1x16xf32>
        tpu.vector_store %arg11[%swap3A_327, %swap3A_328], %swap3A_331 {strides = array<i32>} : memref<112x224xf32, #tpu.memory_space<vmem>>, vector<1x16xf32>,
        %add3A_332 = arith.constant 1 : i32
        %add3A_333 = arith.addi %mul3A_114, %add3A_332 : i32
        %get3A_334 = arith.index_cast %add3A_333 : i32 to index
        %get3A_335 = arith.constant 64 : index
        %get3A_336 = tpu.vector_load %arg9[%get3A_334, %get3A_335] {strides = array<i32>} : memref<112x256xf32, #tpu.memory_space<vmem>>, vector<1x16xf32>,
        %get3A_337 = vector.shape_cast %get3A_336 : vector<1x16xf32> to vector<16xf32>
        %add3A_338 = arith.addf %get3A_225, %get3A_43 : vector<16xf32>
        %add3A_339 = arith.constant 0 : i32
        %add3A_340 = arith.addi %mul3A_116, %add3A_339 : i32
        %swap3A_341 = arith.index_cast %add3A_340 : i32 to index
        %swap3A_342 = arith.constant 192 : index
        %swap3A_343 = tpu.vector_load %arg11[%swap3A_341, %swap3A_342] {strides = array<i32>} : memref<112x224xf32, #tpu.memory_space<vmem>>, vector<1x16xf32>,
        %swap3A_344 = vector.shape_cast %swap3A_343 : vector<1x16xf32> to vector<16xf32>
        %swap3A_345 = vector.shape_cast %add3A_338 : vector<16xf32> to vector<1x16xf32>
        tpu.vector_store %arg11[%swap3A_341, %swap3A_342], %swap3A_345 {strides = array<i32>} : memref<112x224xf32, #tpu.memory_space<vmem>>, vector<1x16xf32>,
        %add3A_346 = arith.constant 1 : i32
        %add3A_347 = arith.addi %mul3A_114, %add3A_346 : i32
        %get3A_348 = arith.index_cast %add3A_347 : i32 to index
        %get3A_349 = arith.constant 80 : index
        %get3A_350 = tpu.vector_load %arg9[%get3A_348, %get3A_349] {strides = array<i32>} : memref<112x256xf32, #tpu.memory_space<vmem>>, vector<1x16xf32>,
        %get3A_351 = vector.shape_cast %get3A_350 : vector<1x16xf32> to vector<16xf32>
        %add3A_352 = arith.addf %get3A_239, %get3A_43 : vector<16xf32>
        %add3A_353 = arith.constant 0 : i32
        %add3A_354 = arith.addi %mul3A_116, %add3A_353 : i32
        %swap3A_355 = arith.index_cast %add3A_354 : i32 to index
        %swap3A_356 = arith.constant 208 : index
        %swap3A_357 = tpu.vector_load %arg11[%swap3A_355, %swap3A_356] {strides = array<i32>} : memref<112x224xf32, #tpu.memory_space<vmem>>, vector<1x16xf32>,
        %swap3A_358 = vector.shape_cast %swap3A_357 : vector<1x16xf32> to vector<16xf32>
        %swap3A_359 = vector.shape_cast %add3A_352 : vector<16xf32> to vector<1x16xf32>
        tpu.vector_store %arg11[%swap3A_355, %swap3A_356], %swap3A_359 {strides = array<i32>} : memref<112x224xf32, #tpu.memory_space<vmem>>, vector<1x16xf32>,
        %add3A_360 = arith.constant 1 : i32
        %add3A_361 = arith.addi %mul3A_114, %add3A_360 : i32
        %get3A_362 = arith.index_cast %add3A_361 : i32 to index
        %get3A_363 = arith.constant 96 : index
        %get3A_364 = tpu.vector_load %arg9[%get3A_362, %get3A_363] {strides = array<i32>} : memref<112x256xf32, #tpu.memory_space<vmem>>, vector<1x16xf32>,
        %get3A_365 = vector.shape_cast %get3A_364 : vector<1x16xf32> to vector<16xf32>
        %add3A_366 = arith.addf %get3A_253, %get3A_43 : vector<16xf32>
        %add3A_367 = arith.constant 1 : i32
        %add3A_368 = arith.addi %mul3A_116, %add3A_367 : i32
        %swap3A_369 = arith.index_cast %add3A_368 : i32 to index
        %swap3A_370 = arith.constant 0 : index
        %swap3A_371 = tpu.vector_load %arg11[%swap3A_369, %swap3A_370] {strides = array<i32>} : memref<112x224xf32, #tpu.memory_space<vmem>>, vector<1x16xf32>,
        %swap3A_372 = vector.shape_cast %swap3A_371 : vector<1x16xf32> to vector<16xf32>
        %swap3A_373 = vector.shape_cast %add3A_366 : vector<16xf32> to vector<1x16xf32>
        tpu.vector_store %arg11[%swap3A_369, %swap3A_370], %swap3A_373 {strides = array<i32>} : memref<112x224xf32, #tpu.memory_space<vmem>>, vector<1x16xf32>,
        %add3A_374 = arith.constant 1 : i32
        %add3A_375 = arith.addi %mul3A_114, %add3A_374 : i32
        %get3A_376 = arith.index_cast %add3A_375 : i32 to index
        %get3A_377 = arith.constant 112 : index
        %get3A_378 = tpu.vector_load %arg9[%get3A_376, %get3A_377] {strides = array<i32>} : memref<112x256xf32, #tpu.memory_space<vmem>>, vector<1x16xf32>,
        %get3A_379 = vector.shape_cast %get3A_378 : vector<1x16xf32> to vector<16xf32>
        %add3A_380 = arith.addf %get3A_267, %get3A_43 : vector<16xf32>
        %add3A_381 = arith.constant 1 : i32
        %add3A_382 = arith.addi %mul3A_116, %add3A_381 : i32
        %swap3A_383 = arith.index_cast %add3A_382 : i32 to index
        %swap3A_384 = arith.constant 16 : index
        %swap3A_385 = tpu.vector_load %arg11[%swap3A_383, %swap3A_384] {strides = array<i32>} : memref<112x224xf32, #tpu.memory_space<vmem>>, vector<1x16xf32>,
        %swap3A_386 = vector.shape_cast %swap3A_385 : vector<1x16xf32> to vector<16xf32>
        %swap3A_387 = vector.shape_cast %add3A_380 : vector<16xf32> to vector<1x16xf32>
        tpu.vector_store %arg11[%swap3A_383, %swap3A_384], %swap3A_387 {strides = array<i32>} : memref<112x224xf32, #tpu.memory_space<vmem>>, vector<1x16xf32>,
        %add3A_388 = arith.constant 1 : i32
        %add3A_389 = arith.addi %mul3A_114, %add3A_388 : i32
        %get3A_390 = arith.index_cast %add3A_389 : i32 to index
        %get3A_391 = arith.constant 128 : index
        %get3A_392 = tpu.vector_load %arg9[%get3A_390, %get3A_391] {strides = array<i32>} : memref<112x256xf32, #tpu.memory_space<vmem>>, vector<1x16xf32>,
        %get3A_393 = vector.shape_cast %get3A_392 : vector<1x16xf32> to vector<16xf32>
        %add3A_394 = arith.addf %get3A_281, %get3A_43 : vector<16xf32>
        %add3A_395 = arith.constant 1 : i32
        %add3A_396 = arith.addi %mul3A_116, %add3A_395 : i32
        %swap3A_397 = arith.index_cast %add3A_396 : i32 to index
        %swap3A_398 = arith.constant 32 : index
        %swap3A_399 = tpu.vector_load %arg11[%swap3A_397, %swap3A_398] {strides = array<i32>} : memref<112x224xf32, #tpu.memory_space<vmem>>, vector<1x16xf32>,
        %swap3A_400 = vector.shape_cast %swap3A_399 : vector<1x16xf32> to vector<16xf32>
        %swap3A_401 = vector.shape_cast %add3A_394 : vector<16xf32> to vector<1x16xf32>
        tpu.vector_store %arg11[%swap3A_397, %swap3A_398], %swap3A_401 {strides = array<i32>} : memref<112x224xf32, #tpu.memory_space<vmem>>, vector<1x16xf32>,
        %add3A_402 = arith.constant 1 : i32
        %add3A_403 = arith.addi %mul3A_114, %add3A_402 : i32
        %get3A_404 = arith.index_cast %add3A_403 : i32 to index
        %get3A_405 = arith.constant 144 : index
        %get3A_406 = tpu.vector_load %arg9[%get3A_404, %get3A_405] {strides = array<i32>} : memref<112x256xf32, #tpu.memory_space<vmem>>, vector<1x16xf32>,
        %get3A_407 = vector.shape_cast %get3A_406 : vector<1x16xf32> to vector<16xf32>
        %add3A_408 = arith.addf %get3A_295, %get3A_43 : vector<16xf32>
        %add3A_409 = arith.constant 1 : i32
        %add3A_410 = arith.addi %mul3A_116, %add3A_409 : i32
        %swap3A_411 = arith.index_cast %add3A_410 : i32 to index
        %swap3A_412 = arith.constant 48 : index
        %swap3A_413 = tpu.vector_load %arg11[%swap3A_411, %swap3A_412] {strides = array<i32>} : memref<112x224xf32, #tpu.memory_space<vmem>>, vector<1x16xf32>,
        %swap3A_414 = vector.shape_cast %swap3A_413 : vector<1x16xf32> to vector<16xf32>
        %swap3A_415 = vector.shape_cast %add3A_408 : vector<16xf32> to vector<1x16xf32>
        tpu.vector_store %arg11[%swap3A_411, %swap3A_412], %swap3A_415 {strides = array<i32>} : memref<112x224xf32, #tpu.memory_space<vmem>>, vector<1x16xf32>,
        %add3A_416 = arith.constant 1 : i32
        %add3A_417 = arith.addi %mul3A_114, %add3A_416 : i32
        %get3A_418 = arith.index_cast %add3A_417 : i32 to index
        %get3A_419 = arith.constant 160 : index
        %get3A_420 = tpu.vector_load %arg9[%get3A_418, %get3A_419] {strides = array<i32>} : memref<112x256xf32, #tpu.memory_space<vmem>>, vector<1x16xf32>,
        %get3A_421 = vector.shape_cast %get3A_420 : vector<1x16xf32> to vector<16xf32>
        %add3A_422 = arith.addf %get3A_309, %get3A_43 : vector<16xf32>
        %add3A_423 = arith.constant 1 : i32
        %add3A_424 = arith.addi %mul3A_116, %add3A_423 : i32
        %swap3A_425 = arith.index_cast %add3A_424 : i32 to index
        %swap3A_426 = arith.constant 64 : index
        %swap3A_427 = tpu.vector_load %arg11[%swap3A_425, %swap3A_426] {strides = array<i32>} : memref<112x224xf32, #tpu.memory_space<vmem>>, vector<1x16xf32>,
        %swap3A_428 = vector.shape_cast %swap3A_427 : vector<1x16xf32> to vector<16xf32>
        %swap3A_429 = vector.shape_cast %add3A_422 : vector<16xf32> to vector<1x16xf32>
        tpu.vector_store %arg11[%swap3A_425, %swap3A_426], %swap3A_429 {strides = array<i32>} : memref<112x224xf32, #tpu.memory_space<vmem>>, vector<1x16xf32>,
        %add3A_430 = arith.constant 1 : i32
        %add3A_431 = arith.addi %mul3A_114, %add3A_430 : i32
        %get3A_432 = arith.index_cast %add3A_431 : i32 to index
        %get3A_433 = arith.constant 176 : index
        %get3A_434 = tpu.vector_load %arg9[%get3A_432, %get3A_433] {strides = array<i32>} : memref<112x256xf32, #tpu.memory_space<vmem>>, vector<1x16xf32>,
        %get3A_435 = vector.shape_cast %get3A_434 : vector<1x16xf32> to vector<16xf32>
        %add3A_436 = arith.addf %get3A_323, %get3A_43 : vector<16xf32>
        %add3A_437 = arith.constant 1 : i32
        %add3A_438 = arith.addi %mul3A_116, %add3A_437 : i32
        %swap3A_439 = arith.index_cast %add3A_438 : i32 to index
        %swap3A_440 = arith.constant 80 : index
        %swap3A_441 = tpu.vector_load %arg11[%swap3A_439, %swap3A_440] {strides = array<i32>} : memref<112x224xf32, #tpu.memory_space<vmem>>, vector<1x16xf32>,
        %swap3A_442 = vector.shape_cast %swap3A_441 : vector<1x16xf32> to vector<16xf32>
        %swap3A_443 = vector.shape_cast %add3A_436 : vector<16xf32> to vector<1x16xf32>
        tpu.vector_store %arg11[%swap3A_439, %swap3A_440], %swap3A_443 {strides = array<i32>} : memref<112x224xf32, #tpu.memory_space<vmem>>, vector<1x16xf32>,
        %add3A_444 = arith.constant 1 : i32
        %add3A_445 = arith.addi %mul3A_114, %add3A_444 : i32
        %get3A_446 = arith.index_cast %add3A_445 : i32 to index
        %get3A_447 = arith.constant 192 : index
        %get3A_448 = tpu.vector_load %arg9[%get3A_446, %get3A_447] {strides = array<i32>} : memref<112x256xf32, #tpu.memory_space<vmem>>, vector<1x16xf32>,
        %get3A_449 = vector.shape_cast %get3A_448 : vector<1x16xf32> to vector<16xf32>
        %add3A_450 = arith.addf %get3A_337, %get3A_43 : vector<16xf32>
        %add3A_451 = arith.constant 1 : i32
        %add3A_452 = arith.addi %mul3A_116, %add3A_451 : i32
        %swap3A_453 = arith.index_cast %add3A_452 : i32 to index
        %swap3A_454 = arith.constant 96 : index
        %swap3A_455 = tpu.vector_load %arg11[%swap3A_453, %swap3A_454] {strides = array<i32>} : memref<112x224xf32, #tpu.memory_space<vmem>>, vector<1x16xf32>,
        %swap3A_456 = vector.shape_cast %swap3A_455 : vector<1x16xf32> to vector<16xf32>
        %swap3A_457 = vector.shape_cast %add3A_450 : vector<16xf32> to vector<1x16xf32>
        tpu.vector_store %arg11[%swap3A_453, %swap3A_454], %swap3A_457 {strides = array<i32>} : memref<112x224xf32, #tpu.memory_space<vmem>>, vector<1x16xf32>,
        %add3A_458 = arith.constant 1 : i32
        %add3A_459 = arith.addi %mul3A_114, %add3A_458 : i32
        %get3A_460 = arith.index_cast %add3A_459 : i32 to index
        %get3A_461 = arith.constant 208 : index
        %get3A_462 = tpu.vector_load %arg9[%get3A_460, %get3A_461] {strides = array<i32>} : memref<112x256xf32, #tpu.memory_space<vmem>>, vector<1x16xf32>,
        %get3A_463 = vector.shape_cast %get3A_462 : vector<1x16xf32> to vector<16xf32>
        %add3A_464 = arith.addf %get3A_351, %get3A_43 : vector<16xf32>
        %add3A_465 = arith.constant 1 : i32
        %add3A_466 = arith.addi %mul3A_116, %add3A_465 : i32
        %swap3A_467 = arith.index_cast %add3A_466 : i32 to index
        %swap3A_468 = arith.constant 112 : index
        %swap3A_469 = tpu.vector_load %arg11[%swap3A_467, %swap3A_468] {strides = array<i32>} : memref<112x224xf32, #tpu.memory_space<vmem>>, vector<1x16xf32>,
        %swap3A_470 = vector.shape_cast %swap3A_469 : vector<1x16xf32> to vector<16xf32>
        %swap3A_471 = vector.shape_cast %add3A_464 : vector<16xf32> to vector<1x16xf32>
        tpu.vector_store %arg11[%swap3A_467, %swap3A_468], %swap3A_471 {strides = array<i32>} : memref<112x224xf32, #tpu.memory_space<vmem>>, vector<1x16xf32>,
        %add3A_472 = arith.constant 1 : i32
        %add3A_473 = arith.addi %mul3A_114, %add3A_472 : i32
        %get3A_474 = arith.index_cast %add3A_473 : i32 to index
        %get3A_475 = arith.constant 224 : index
        %get3A_476 = tpu.vector_load %arg9[%get3A_474, %get3A_475] {strides = array<i32>} : memref<112x256xf32, #tpu.memory_space<vmem>>, vector<1x16xf32>,
        %get3A_477 = vector.shape_cast %get3A_476 : vector<1x16xf32> to vector<16xf32>
        %add3A_478 = arith.addf %get3A_365, %get3A_43 : vector<16xf32>
        %add3A_479 = arith.constant 1 : i32
        %add3A_480 = arith.addi %mul3A_116, %add3A_479 : i32
        %swap3A_481 = arith.index_cast %add3A_480 : i32 to index
        %swap3A_482 = arith.constant 128 : index
        %swap3A_483 = tpu.vector_load %arg11[%swap3A_481, %swap3A_482] {strides = array<i32>} : memref<112x224xf32, #tpu.memory_space<vmem>>, vector<1x16xf32>,
        %swap3A_484 = vector.shape_cast %swap3A_483 : vector<1x16xf32> to vector<16xf32>
        %swap3A_485 = vector.shape_cast %add3A_478 : vector<16xf32> to vector<1x16xf32>
        tpu.vector_store %arg11[%swap3A_481, %swap3A_482], %swap3A_485 {strides = array<i32>} : memref<112x224xf32, #tpu.memory_space<vmem>>, vector<1x16xf32>,
        %add3A_486 = arith.constant 1 : i32
        %add3A_487 = arith.addi %mul3A_114, %add3A_486 : i32
        %get3A_488 = arith.index_cast %add3A_487 : i32 to index
        %get3A_489 = arith.constant 240 : index
        %get3A_490 = tpu.vector_load %arg9[%get3A_488, %get3A_489] {strides = array<i32>} : memref<112x256xf32, #tpu.memory_space<vmem>>, vector<1x16xf32>,
        %get3A_491 = vector.shape_cast %get3A_490 : vector<1x16xf32> to vector<16xf32>
        %add3A_492 = arith.addf %get3A_379, %get3A_43 : vector<16xf32>
        %add3A_493 = arith.constant 1 : i32
        %add3A_494 = arith.addi %mul3A_116, %add3A_493 : i32
        %swap3A_495 = arith.index_cast %add3A_494 : i32 to index
        %swap3A_496 = arith.constant 144 : index
        %swap3A_497 = tpu.vector_load %arg11[%swap3A_495, %swap3A_496] {strides = array<i32>} : memref<112x224xf32, #tpu.memory_space<vmem>>, vector<1x16xf32>,
        %swap3A_498 = vector.shape_cast %swap3A_497 : vector<1x16xf32> to vector<16xf32>
        %swap3A_499 = vector.shape_cast %add3A_492 : vector<16xf32> to vector<1x16xf32>
        tpu.vector_store %arg11[%swap3A_495, %swap3A_496], %swap3A_499 {strides = array<i32>} : memref<112x224xf32, #tpu.memory_space<vmem>>, vector<1x16xf32>,
        %add3A_500 = arith.constant 2 : i32
        %add3A_501 = arith.addi %mul3A_114, %add3A_500 : i32
        %get3A_502 = arith.index_cast %add3A_501 : i32 to index
        %get3A_503 = arith.constant 0 : index
        %get3A_504 = tpu.vector_load %arg9[%get3A_502, %get3A_503] {strides = array<i32>} : memref<112x256xf32, #tpu.memory_space<vmem>>, vector<1x16xf32>,
        %get3A_505 = vector.shape_cast %get3A_504 : vector<1x16xf32> to vector<16xf32>
        %add3A_506 = arith.addf %get3A_393, %get3A_43 : vector<16xf32>
        %add3A_507 = arith.constant 1 : i32
        %add3A_508 = arith.addi %mul3A_116, %add3A_507 : i32
        %swap3A_509 = arith.index_cast %add3A_508 : i32 to index
        %swap3A_510 = arith.constant 160 : index
        %swap3A_511 = tpu.vector_load %arg11[%swap3A_509, %swap3A_510] {strides = array<i32>} : memref<112x224xf32, #tpu.memory_space<vmem>>, vector<1x16xf32>,
        %swap3A_512 = vector.shape_cast %swap3A_511 : vector<1x16xf32> to vector<16xf32>
        %swap3A_513 = vector.shape_cast %add3A_506 : vector<16xf32> to vector<1x16xf32>
        tpu.vector_store %arg11[%swap3A_509, %swap3A_510], %swap3A_513 {strides = array<i32>} : memref<112x224xf32, #tpu.memory_space<vmem>>, vector<1x16xf32>,
        %add3A_514 = arith.constant 2 : i32
        %add3A_515 = arith.addi %mul3A_114, %add3A_514 : i32
        %get3A_516 = arith.index_cast %add3A_515 : i32 to index
        %get3A_517 = arith.constant 16 : index
        %get3A_518 = tpu.vector_load %arg9[%get3A_516, %get3A_517] {strides = array<i32>} : memref<112x256xf32, #tpu.memory_space<vmem>>, vector<1x16xf32>,
        %get3A_519 = vector.shape_cast %get3A_518 : vector<1x16xf32> to vector<16xf32>
        %add3A_520 = arith.addf %get3A_407, %get3A_43 : vector<16xf32>
        %add3A_521 = arith.constant 1 : i32
        %add3A_522 = arith.addi %mul3A_116, %add3A_521 : i32
        %swap3A_523 = arith.index_cast %add3A_522 : i32 to index
        %swap3A_524 = arith.constant 176 : index
        %swap3A_525 = tpu.vector_load %arg11[%swap3A_523, %swap3A_524] {strides = array<i32>} : memref<112x224xf32, #tpu.memory_space<vmem>>, vector<1x16xf32>,
        %swap3A_526 = vector.shape_cast %swap3A_525 : vector<1x16xf32> to vector<16xf32>
        %swap3A_527 = vector.shape_cast %add3A_520 : vector<16xf32> to vector<1x16xf32>
        tpu.vector_store %arg11[%swap3A_523, %swap3A_524], %swap3A_527 {strides = array<i32>} : memref<112x224xf32, #tpu.memory_space<vmem>>, vector<1x16xf32>,
        %add3A_528 = arith.constant 2 : i32
        %add3A_529 = arith.addi %mul3A_114, %add3A_528 : i32
        %get3A_530 = arith.index_cast %add3A_529 : i32 to index
        %get3A_531 = arith.constant 32 : index
        %get3A_532 = tpu.vector_load %arg9[%get3A_530, %get3A_531] {strides = array<i32>} : memref<112x256xf32, #tpu.memory_space<vmem>>, vector<1x16xf32>,
        %get3A_533 = vector.shape_cast %get3A_532 : vector<1x16xf32> to vector<16xf32>
        %add3A_534 = arith.addf %get3A_421, %get3A_43 : vector<16xf32>
        %add3A_535 = arith.constant 1 : i32
        %add3A_536 = arith.addi %mul3A_116, %add3A_535 : i32
        %swap3A_537 = arith.index_cast %add3A_536 : i32 to index
        %swap3A_538 = arith.constant 192 : index
        %swap3A_539 = tpu.vector_load %arg11[%swap3A_537, %swap3A_538] {strides = array<i32>} : memref<112x224xf32, #tpu.memory_space<vmem>>, vector<1x16xf32>,
        %swap3A_540 = vector.shape_cast %swap3A_539 : vector<1x16xf32> to vector<16xf32>
        %swap3A_541 = vector.shape_cast %add3A_534 : vector<16xf32> to vector<1x16xf32>
        tpu.vector_store %arg11[%swap3A_537, %swap3A_538], %swap3A_541 {strides = array<i32>} : memref<112x224xf32, #tpu.memory_space<vmem>>, vector<1x16xf32>,
        %add3A_542 = arith.constant 2 : i32
        %add3A_543 = arith.addi %mul3A_114, %add3A_542 : i32
        %get3A_544 = arith.index_cast %add3A_543 : i32 to index
        %get3A_545 = arith.constant 48 : index
        %get3A_546 = tpu.vector_load %arg9[%get3A_544, %get3A_545] {strides = array<i32>} : memref<112x256xf32, #tpu.memory_space<vmem>>, vector<1x16xf32>,
        %get3A_547 = vector.shape_cast %get3A_546 : vector<1x16xf32> to vector<16xf32>
        %add3A_548 = arith.addf %get3A_435, %get3A_43 : vector<16xf32>
        %add3A_549 = arith.constant 1 : i32
        %add3A_550 = arith.addi %mul3A_116, %add3A_549 : i32
        %swap3A_551 = arith.index_cast %add3A_550 : i32 to index
        %swap3A_552 = arith.constant 208 : index
        %swap3A_553 = tpu.vector_load %arg11[%swap3A_551, %swap3A_552] {strides = array<i32>} : memref<112x224xf32, #tpu.memory_space<vmem>>, vector<1x16xf32>,
        %swap3A_554 = vector.shape_cast %swap3A_553 : vector<1x16xf32> to vector<16xf32>
        %swap3A_555 = vector.shape_cast %add3A_548 : vector<16xf32> to vector<1x16xf32>
        tpu.vector_store %arg11[%swap3A_551, %swap3A_552], %swap3A_555 {strides = array<i32>} : memref<112x224xf32, #tpu.memory_space<vmem>>, vector<1x16xf32>,
        %add3A_556 = arith.constant 2 : i32
        %add3A_557 = arith.addi %mul3A_114, %add3A_556 : i32
        %get3A_558 = arith.index_cast %add3A_557 : i32 to index
        %get3A_559 = arith.constant 64 : index
        %get3A_560 = tpu.vector_load %arg9[%get3A_558, %get3A_559] {strides = array<i32>} : memref<112x256xf32, #tpu.memory_space<vmem>>, vector<1x16xf32>,
        %get3A_561 = vector.shape_cast %get3A_560 : vector<1x16xf32> to vector<16xf32>
        %add3A_562 = arith.addf %get3A_449, %get3A_43 : vector<16xf32>
        %add3A_563 = arith.constant 2 : i32
        %add3A_564 = arith.addi %mul3A_116, %add3A_563 : i32
        %swap3A_565 = arith.index_cast %add3A_564 : i32 to index
        %swap3A_566 = arith.constant 0 : index
        %swap3A_567 = tpu.vector_load %arg11[%swap3A_565, %swap3A_566] {strides = array<i32>} : memref<112x224xf32, #tpu.memory_space<vmem>>, vector<1x16xf32>,
        %swap3A_568 = vector.shape_cast %swap3A_567 : vector<1x16xf32> to vector<16xf32>
        %swap3A_569 = vector.shape_cast %add3A_562 : vector<16xf32> to vector<1x16xf32>
        tpu.vector_store %arg11[%swap3A_565, %swap3A_566], %swap3A_569 {strides = array<i32>} : memref<112x224xf32, #tpu.memory_space<vmem>>, vector<1x16xf32>,
        %add3A_570 = arith.constant 2 : i32
        %add3A_571 = arith.addi %mul3A_114, %add3A_570 : i32
        %get3A_572 = arith.index_cast %add3A_571 : i32 to index
        %get3A_573 = arith.constant 80 : index
        %get3A_574 = tpu.vector_load %arg9[%get3A_572, %get3A_573] {strides = array<i32>} : memref<112x256xf32, #tpu.memory_space<vmem>>, vector<1x16xf32>,
        %get3A_575 = vector.shape_cast %get3A_574 : vector<1x16xf32> to vector<16xf32>
        %add3A_576 = arith.addf %get3A_463, %get3A_43 : vector<16xf32>
        %add3A_577 = arith.constant 2 : i32
        %add3A_578 = arith.addi %mul3A_116, %add3A_577 : i32
        %swap3A_579 = arith.index_cast %add3A_578 : i32 to index
        %swap3A_580 = arith.constant 16 : index
        %swap3A_581 = tpu.vector_load %arg11[%swap3A_579, %swap3A_580] {strides = array<i32>} : memref<112x224xf32, #tpu.memory_space<vmem>>, vector<1x16xf32>,
        %swap3A_582 = vector.shape_cast %swap3A_581 : vector<1x16xf32> to vector<16xf32>
        %swap3A_583 = vector.shape_cast %add3A_576 : vector<16xf32> to vector<1x16xf32>
        tpu.vector_store %arg11[%swap3A_579, %swap3A_580], %swap3A_583 {strides = array<i32>} : memref<112x224xf32, #tpu.memory_space<vmem>>, vector<1x16xf32>,
        %add3A_584 = arith.constant 2 : i32
        %add3A_585 = arith.addi %mul3A_114, %add3A_584 : i32
        %get3A_586 = arith.index_cast %add3A_585 : i32 to index
        %get3A_587 = arith.constant 96 : index
        %get3A_588 = tpu.vector_load %arg9[%get3A_586, %get3A_587] {strides = array<i32>} : memref<112x256xf32, #tpu.memory_space<vmem>>, vector<1x16xf32>,
        %get3A_589 = vector.shape_cast %get3A_588 : vector<1x16xf32> to vector<16xf32>
        %add3A_590 = arith.addf %get3A_477, %get3A_43 : vector<16xf32>
        %add3A_591 = arith.constant 2 : i32
        %add3A_592 = arith.addi %mul3A_116, %add3A_591 : i32
        %swap3A_593 = arith.index_cast %add3A_592 : i32 to index
        %swap3A_594 = arith.constant 32 : index
        %swap3A_595 = tpu.vector_load %arg11[%swap3A_593, %swap3A_594] {strides = array<i32>} : memref<112x224xf32, #tpu.memory_space<vmem>>, vector<1x16xf32>,
        %swap3A_596 = vector.shape_cast %swap3A_595 : vector<1x16xf32> to vector<16xf32>
        %swap3A_597 = vector.shape_cast %add3A_590 : vector<16xf32> to vector<1x16xf32>
        tpu.vector_store %arg11[%swap3A_593, %swap3A_594], %swap3A_597 {strides = array<i32>} : memref<112x224xf32, #tpu.memory_space<vmem>>, vector<1x16xf32>,
        %add3A_598 = arith.constant 2 : i32
        %add3A_599 = arith.addi %mul3A_114, %add3A_598 : i32
        %get3A_600 = arith.index_cast %add3A_599 : i32 to index
        %get3A_601 = arith.constant 112 : index
        %get3A_602 = tpu.vector_load %arg9[%get3A_600, %get3A_601] {strides = array<i32>} : memref<112x256xf32, #tpu.memory_space<vmem>>, vector<1x16xf32>,
        %get3A_603 = vector.shape_cast %get3A_602 : vector<1x16xf32> to vector<16xf32>
        %add3A_604 = arith.addf %get3A_491, %get3A_43 : vector<16xf32>
        %add3A_605 = arith.constant 2 : i32
        %add3A_606 = arith.addi %mul3A_116, %add3A_605 : i32
        %swap3A_607 = arith.index_cast %add3A_606 : i32 to index
        %swap3A_608 = arith.constant 48 : index
        %swap3A_609 = tpu.vector_load %arg11[%swap3A_607, %swap3A_608] {strides = array<i32>} : memref<112x224xf32, #tpu.memory_space<vmem>>, vector<1x16xf32>,
        %swap3A_610 = vector.shape_cast %swap3A_609 : vector<1x16xf32> to vector<16xf32>
        %swap3A_611 = vector.shape_cast %add3A_604 : vector<16xf32> to vector<1x16xf32>
        tpu.vector_store %arg11[%swap3A_607, %swap3A_608], %swap3A_611 {strides = array<i32>} : memref<112x224xf32, #tpu.memory_space<vmem>>, vector<1x16xf32>,
        %add3A_612 = arith.constant 2 : i32
        %add3A_613 = arith.addi %mul3A_114, %add3A_612 : i32
        %get3A_614 = arith.index_cast %add3A_613 : i32 to index
        %get3A_615 = arith.constant 128 : index
        %get3A_616 = tpu.vector_load %arg9[%get3A_614, %get3A_615] {strides = array<i32>} : memref<112x256xf32, #tpu.memory_space<vmem>>, vector<1x16xf32>,
        %get3A_617 = vector.shape_cast %get3A_616 : vector<1x16xf32> to vector<16xf32>
        %add3A_618 = arith.addf %get3A_505, %get3A_43 : vector<16xf32>
        %add3A_619 = arith.constant 2 : i32
        %add3A_620 = arith.addi %mul3A_116, %add3A_619 : i32
        %swap3A_621 = arith.index_cast %add3A_620 : i32 to index
        %swap3A_622 = arith.constant 64 : index
        %swap3A_623 = tpu.vector_load %arg11[%swap3A_621, %swap3A_622] {strides = array<i32>} : memref<112x224xf32, #tpu.memory_space<vmem>>, vector<1x16xf32>,
        %swap3A_624 = vector.shape_cast %swap3A_623 : vector<1x16xf32> to vector<16xf32>
        %swap3A_625 = vector.shape_cast %add3A_618 : vector<16xf32> to vector<1x16xf32>
        tpu.vector_store %arg11[%swap3A_621, %swap3A_622], %swap3A_625 {strides = array<i32>} : memref<112x224xf32, #tpu.memory_space<vmem>>, vector<1x16xf32>,
        %add3A_626 = arith.constant 2 : i32
        %add3A_627 = arith.addi %mul3A_114, %add3A_626 : i32
        %get3A_628 = arith.index_cast %add3A_627 : i32 to index
        %get3A_629 = arith.constant 144 : index
        %get3A_630 = tpu.vector_load %arg9[%get3A_628, %get3A_629] {strides = array<i32>} : memref<112x256xf32, #tpu.memory_space<vmem>>, vector<1x16xf32>,
        %get3A_631 = vector.shape_cast %get3A_630 : vector<1x16xf32> to vector<16xf32>
        %add3A_632 = arith.addf %get3A_519, %get3A_43 : vector<16xf32>
        %add3A_633 = arith.constant 2 : i32
        %add3A_634 = arith.addi %mul3A_116, %add3A_633 : i32
        %swap3A_635 = arith.index_cast %add3A_634 : i32 to index
        %swap3A_636 = arith.constant 80 : index
        %swap3A_637 = tpu.vector_load %arg11[%swap3A_635, %swap3A_636] {strides = array<i32>} : memref<112x224xf32, #tpu.memory_space<vmem>>, vector<1x16xf32>,
        %swap3A_638 = vector.shape_cast %swap3A_637 : vector<1x16xf32> to vector<16xf32>
        %swap3A_639 = vector.shape_cast %add3A_632 : vector<16xf32> to vector<1x16xf32>
        tpu.vector_store %arg11[%swap3A_635, %swap3A_636], %swap3A_639 {strides = array<i32>} : memref<112x224xf32, #tpu.memory_space<vmem>>, vector<1x16xf32>,
        %add3A_640 = arith.constant 2 : i32
        %add3A_641 = arith.addi %mul3A_114, %add3A_640 : i32
        %get3A_642 = arith.index_cast %add3A_641 : i32 to index
        %get3A_643 = arith.constant 160 : index
        %get3A_644 = tpu.vector_load %arg9[%get3A_642, %get3A_643] {strides = array<i32>} : memref<112x256xf32, #tpu.memory_space<vmem>>, vector<1x16xf32>,
        %get3A_645 = vector.shape_cast %get3A_644 : vector<1x16xf32> to vector<16xf32>
        %add3A_646 = arith.addf %get3A_533, %get3A_43 : vector<16xf32>
        %add3A_647 = arith.constant 2 : i32
        %add3A_648 = arith.addi %mul3A_116, %add3A_647 : i32
        %swap3A_649 = arith.index_cast %add3A_648 : i32 to index
        %swap3A_650 = arith.constant 96 : index
        %swap3A_651 = tpu.vector_load %arg11[%swap3A_649, %swap3A_650] {strides = array<i32>} : memref<112x224xf32, #tpu.memory_space<vmem>>, vector<1x16xf32>,
        %swap3A_652 = vector.shape_cast %swap3A_651 : vector<1x16xf32> to vector<16xf32>
        %swap3A_653 = vector.shape_cast %add3A_646 : vector<16xf32> to vector<1x16xf32>
        tpu.vector_store %arg11[%swap3A_649, %swap3A_650], %swap3A_653 {strides = array<i32>} : memref<112x224xf32, #tpu.memory_space<vmem>>, vector<1x16xf32>,
        %add3A_654 = arith.constant 2 : i32
        %add3A_655 = arith.addi %mul3A_114, %add3A_654 : i32
        %get3A_656 = arith.index_cast %add3A_655 : i32 to index
        %get3A_657 = arith.constant 176 : index
        %get3A_658 = tpu.vector_load %arg9[%get3A_656, %get3A_657] {strides = array<i32>} : memref<112x256xf32, #tpu.memory_space<vmem>>, vector<1x16xf32>,
        %get3A_659 = vector.shape_cast %get3A_658 : vector<1x16xf32> to vector<16xf32>
        %add3A_660 = arith.addf %get3A_547, %get3A_43 : vector<16xf32>
        %add3A_661 = arith.constant 2 : i32
        %add3A_662 = arith.addi %mul3A_116, %add3A_661 : i32
        %swap3A_663 = arith.index_cast %add3A_662 : i32 to index
        %swap3A_664 = arith.constant 112 : index
        %swap3A_665 = tpu.vector_load %arg11[%swap3A_663, %swap3A_664] {strides = array<i32>} : memref<112x224xf32, #tpu.memory_space<vmem>>, vector<1x16xf32>,
        %swap3A_666 = vector.shape_cast %swap3A_665 : vector<1x16xf32> to vector<16xf32>
        %swap3A_667 = vector.shape_cast %add3A_660 : vector<16xf32> to vector<1x16xf32>
        tpu.vector_store %arg11[%swap3A_663, %swap3A_664], %swap3A_667 {strides = array<i32>} : memref<112x224xf32, #tpu.memory_space<vmem>>, vector<1x16xf32>,
        %add3A_668 = arith.constant 2 : i32
        %add3A_669 = arith.addi %mul3A_114, %add3A_668 : i32
        %get3A_670 = arith.index_cast %add3A_669 : i32 to index
        %get3A_671 = arith.constant 192 : index
        %get3A_672 = tpu.vector_load %arg9[%get3A_670, %get3A_671] {strides = array<i32>} : memref<112x256xf32, #tpu.memory_space<vmem>>, vector<1x16xf32>,
        %get3A_673 = vector.shape_cast %get3A_672 : vector<1x16xf32> to vector<16xf32>
        %add3A_674 = arith.addf %get3A_561, %get3A_43 : vector<16xf32>
        %add3A_675 = arith.constant 2 : i32
        %add3A_676 = arith.addi %mul3A_116, %add3A_675 : i32
        %swap3A_677 = arith.index_cast %add3A_676 : i32 to index
        %swap3A_678 = arith.constant 128 : index
        %swap3A_679 = tpu.vector_load %arg11[%swap3A_677, %swap3A_678] {strides = array<i32>} : memref<112x224xf32, #tpu.memory_space<vmem>>, vector<1x16xf32>,
        %swap3A_680 = vector.shape_cast %swap3A_679 : vector<1x16xf32> to vector<16xf32>
        %swap3A_681 = vector.shape_cast %add3A_674 : vector<16xf32> to vector<1x16xf32>
        tpu.vector_store %arg11[%swap3A_677, %swap3A_678], %swap3A_681 {strides = array<i32>} : memref<112x224xf32, #tpu.memory_space<vmem>>, vector<1x16xf32>,
        %add3A_682 = arith.constant 2 : i32
        %add3A_683 = arith.addi %mul3A_114, %add3A_682 : i32
        %get3A_684 = arith.index_cast %add3A_683 : i32 to index
        %get3A_685 = arith.constant 208 : index
        %get3A_686 = tpu.vector_load %arg9[%get3A_684, %get3A_685] {strides = array<i32>} : memref<112x256xf32, #tpu.memory_space<vmem>>, vector<1x16xf32>,
        %get3A_687 = vector.shape_cast %get3A_686 : vector<1x16xf32> to vector<16xf32>
        %add3A_688 = arith.addf %get3A_575, %get3A_43 : vector<16xf32>
        %add3A_689 = arith.constant 2 : i32
        %add3A_690 = arith.addi %mul3A_116, %add3A_689 : i32
        %swap3A_691 = arith.index_cast %add3A_690 : i32 to index
        %swap3A_692 = arith.constant 144 : index
        %swap3A_693 = tpu.vector_load %arg11[%swap3A_691, %swap3A_692] {strides = array<i32>} : memref<112x224xf32, #tpu.memory_space<vmem>>, vector<1x16xf32>,
        %swap3A_694 = vector.shape_cast %swap3A_693 : vector<1x16xf32> to vector<16xf32>
        %swap3A_695 = vector.shape_cast %add3A_688 : vector<16xf32> to vector<1x16xf32>
        tpu.vector_store %arg11[%swap3A_691, %swap3A_692], %swap3A_695 {strides = array<i32>} : memref<112x224xf32, #tpu.memory_space<vmem>>, vector<1x16xf32>,
        %add3A_696 = arith.constant 2 : i32
        %add3A_697 = arith.addi %mul3A_114, %add3A_696 : i32
        %get3A_698 = arith.index_cast %add3A_697 : i32 to index
        %get3A_699 = arith.constant 224 : index
        %get3A_700 = tpu.vector_load %arg9[%get3A_698, %get3A_699] {strides = array<i32>} : memref<112x256xf32, #tpu.memory_space<vmem>>, vector<1x16xf32>,
        %get3A_701 = vector.shape_cast %get3A_700 : vector<1x16xf32> to vector<16xf32>
        %add3A_702 = arith.addf %get3A_589, %get3A_43 : vector<16xf32>
        %add3A_703 = arith.constant 2 : i32
        %add3A_704 = arith.addi %mul3A_116, %add3A_703 : i32
        %swap3A_705 = arith.index_cast %add3A_704 : i32 to index
        %swap3A_706 = arith.constant 160 : index
        %swap3A_707 = tpu.vector_load %arg11[%swap3A_705, %swap3A_706] {strides = array<i32>} : memref<112x224xf32, #tpu.memory_space<vmem>>, vector<1x16xf32>,
        %swap3A_708 = vector.shape_cast %swap3A_707 : vector<1x16xf32> to vector<16xf32>
        %swap3A_709 = vector.shape_cast %add3A_702 : vector<16xf32> to vector<1x16xf32>
        tpu.vector_store %arg11[%swap3A_705, %swap3A_706], %swap3A_709 {strides = array<i32>} : memref<112x224xf32, #tpu.memory_space<vmem>>, vector<1x16xf32>,
        %add3A_710 = arith.constant 2 : i32
        %add3A_711 = arith.addi %mul3A_114, %add3A_710 : i32
        %get3A_712 = arith.index_cast %add3A_711 : i32 to index
        %get3A_713 = arith.constant 240 : index
        %get3A_714 = tpu.vector_load %arg9[%get3A_712, %get3A_713] {strides = array<i32>} : memref<112x256xf32, #tpu.memory_space<vmem>>, vector<1x16xf32>,
        %get3A_715 = vector.shape_cast %get3A_714 : vector<1x16xf32> to vector<16xf32>
        %add3A_716 = arith.addf %get3A_603, %get3A_43 : vector<16xf32>
        %add3A_717 = arith.constant 2 : i32
        %add3A_718 = arith.addi %mul3A_116, %add3A_717 : i32
        %swap3A_719 = arith.index_cast %add3A_718 : i32 to index
        %swap3A_720 = arith.constant 176 : index
        %swap3A_721 = tpu.vector_load %arg11[%swap3A_719, %swap3A_720] {strides = array<i32>} : memref<112x224xf32, #tpu.memory_space<vmem>>, vector<1x16xf32>,
        %swap3A_722 = vector.shape_cast %swap3A_721 : vector<1x16xf32> to vector<16xf32>
        %swap3A_723 = vector.shape_cast %add3A_716 : vector<16xf32> to vector<1x16xf32>
        tpu.vector_store %arg11[%swap3A_719, %swap3A_720], %swap3A_723 {strides = array<i32>} : memref<112x224xf32, #tpu.memory_space<vmem>>, vector<1x16xf32>,
        %add3A_724 = arith.constant 3 : i32
        %add3A_725 = arith.addi %mul3A_114, %add3A_724 : i32
        %get3A_726 = arith.index_cast %add3A_725 : i32 to index
        %get3A_727 = arith.constant 0 : index
        %get3A_728 = tpu.vector_load %arg9[%get3A_726, %get3A_727] {strides = array<i32>} : memref<112x256xf32, #tpu.memory_space<vmem>>, vector<1x16xf32>,
        %get3A_729 = vector.shape_cast %get3A_728 : vector<1x16xf32> to vector<16xf32>
        %add3A_730 = arith.addf %get3A_617, %get3A_43 : vector<16xf32>
        %add3A_731 = arith.constant 2 : i32
        %add3A_732 = arith.addi %mul3A_116, %add3A_731 : i32
        %swap3A_733 = arith.index_cast %add3A_732 : i32 to index
        %swap3A_734 = arith.constant 192 : index
        %swap3A_735 = tpu.vector_load %arg11[%swap3A_733, %swap3A_734] {strides = array<i32>} : memref<112x224xf32, #tpu.memory_space<vmem>>, vector<1x16xf32>,
        %swap3A_736 = vector.shape_cast %swap3A_735 : vector<1x16xf32> to vector<16xf32>
        %swap3A_737 = vector.shape_cast %add3A_730 : vector<16xf32> to vector<1x16xf32>
        tpu.vector_store %arg11[%swap3A_733, %swap3A_734], %swap3A_737 {strides = array<i32>} : memref<112x224xf32, #tpu.memory_space<vmem>>, vector<1x16xf32>,
        %add3A_738 = arith.constant 3 : i32
        %add3A_739 = arith.addi %mul3A_114, %add3A_738 : i32
        %get3A_740 = arith.index_cast %add3A_739 : i32 to index
        %get3A_741 = arith.constant 16 : index
        %get3A_742 = tpu.vector_load %arg9[%get3A_740, %get3A_741] {strides = array<i32>} : memref<112x256xf32, #tpu.memory_space<vmem>>, vector<1x16xf32>,
        %get3A_743 = vector.shape_cast %get3A_742 : vector<1x16xf32> to vector<16xf32>
        %add3A_744 = arith.addf %get3A_631, %get3A_43 : vector<16xf32>
        %add3A_745 = arith.constant 2 : i32
        %add3A_746 = arith.addi %mul3A_116, %add3A_745 : i32
        %swap3A_747 = arith.index_cast %add3A_746 : i32 to index
        %swap3A_748 = arith.constant 208 : index
        %swap3A_749 = tpu.vector_load %arg11[%swap3A_747, %swap3A_748] {strides = array<i32>} : memref<112x224xf32, #tpu.memory_space<vmem>>, vector<1x16xf32>,
        %swap3A_750 = vector.shape_cast %swap3A_749 : vector<1x16xf32> to vector<16xf32>
        %swap3A_751 = vector.shape_cast %add3A_744 : vector<16xf32> to vector<1x16xf32>
        tpu.vector_store %arg11[%swap3A_747, %swap3A_748], %swap3A_751 {strides = array<i32>} : memref<112x224xf32, #tpu.memory_space<vmem>>, vector<1x16xf32>,
        %add3A_752 = arith.constant 3 : i32
        %add3A_753 = arith.addi %mul3A_114, %add3A_752 : i32
        %get3A_754 = arith.index_cast %add3A_753 : i32 to index
        %get3A_755 = arith.constant 32 : index
        %get3A_756 = tpu.vector_load %arg9[%get3A_754, %get3A_755] {strides = array<i32>} : memref<112x256xf32, #tpu.memory_space<vmem>>, vector<1x16xf32>,
        %get3A_757 = vector.shape_cast %get3A_756 : vector<1x16xf32> to vector<16xf32>
        %add3A_758 = arith.addf %get3A_645, %get3A_43 : vector<16xf32>
        %add3A_759 = arith.constant 3 : i32
        %add3A_760 = arith.addi %mul3A_116, %add3A_759 : i32
        %swap3A_761 = arith.index_cast %add3A_760 : i32 to index
        %swap3A_762 = arith.constant 0 : index
        %swap3A_763 = tpu.vector_load %arg11[%swap3A_761, %swap3A_762] {strides = array<i32>} : memref<112x224xf32, #tpu.memory_space<vmem>>, vector<1x16xf32>,
        %swap3A_764 = vector.shape_cast %swap3A_763 : vector<1x16xf32> to vector<16xf32>
        %swap3A_765 = vector.shape_cast %add3A_758 : vector<16xf32> to vector<1x16xf32>
        tpu.vector_store %arg11[%swap3A_761, %swap3A_762], %swap3A_765 {strides = array<i32>} : memref<112x224xf32, #tpu.memory_space<vmem>>, vector<1x16xf32>,
        %add3A_766 = arith.constant 3 : i32
        %add3A_767 = arith.addi %mul3A_114, %add3A_766 : i32
        %get3A_768 = arith.index_cast %add3A_767 : i32 to index
        %get3A_769 = arith.constant 48 : index
        %get3A_770 = tpu.vector_load %arg9[%get3A_768, %get3A_769] {strides = array<i32>} : memref<112x256xf32, #tpu.memory_space<vmem>>, vector<1x16xf32>,
        %get3A_771 = vector.shape_cast %get3A_770 : vector<1x16xf32> to vector<16xf32>
        %add3A_772 = arith.addf %get3A_659, %get3A_43 : vector<16xf32>
        %add3A_773 = arith.constant 3 : i32
        %add3A_774 = arith.addi %mul3A_116, %add3A_773 : i32
        %swap3A_775 = arith.index_cast %add3A_774 : i32 to index
        %swap3A_776 = arith.constant 16 : index
        %swap3A_777 = tpu.vector_load %arg11[%swap3A_775, %swap3A_776] {strides = array<i32>} : memref<112x224xf32, #tpu.memory_space<vmem>>, vector<1x16xf32>,
        %swap3A_778 = vector.shape_cast %swap3A_777 : vector<1x16xf32> to vector<16xf32>
        %swap3A_779 = vector.shape_cast %add3A_772 : vector<16xf32> to vector<1x16xf32>
        tpu.vector_store %arg11[%swap3A_775, %swap3A_776], %swap3A_779 {strides = array<i32>} : memref<112x224xf32, #tpu.memory_space<vmem>>, vector<1x16xf32>,
        %add3A_780 = arith.constant 3 : i32
        %add3A_781 = arith.addi %mul3A_114, %add3A_780 : i32
        %get3A_782 = arith.index_cast %add3A_781 : i32 to index
        %get3A_783 = arith.constant 64 : index
        %get3A_784 = tpu.vector_load %arg9[%get3A_782, %get3A_783] {strides = array<i32>} : memref<112x256xf32, #tpu.memory_space<vmem>>, vector<1x16xf32>,
        %get3A_785 = vector.shape_cast %get3A_784 : vector<1x16xf32> to vector<16xf32>
        %add3A_786 = arith.addf %get3A_673, %get3A_43 : vector<16xf32>
        %add3A_787 = arith.constant 3 : i32
        %add3A_788 = arith.addi %mul3A_116, %add3A_787 : i32
        %swap3A_789 = arith.index_cast %add3A_788 : i32 to index
        %swap3A_790 = arith.constant 32 : index
        %swap3A_791 = tpu.vector_load %arg11[%swap3A_789, %swap3A_790] {strides = array<i32>} : memref<112x224xf32, #tpu.memory_space<vmem>>, vector<1x16xf32>,
        %swap3A_792 = vector.shape_cast %swap3A_791 : vector<1x16xf32> to vector<16xf32>
        %swap3A_793 = vector.shape_cast %add3A_786 : vector<16xf32> to vector<1x16xf32>
        tpu.vector_store %arg11[%swap3A_789, %swap3A_790], %swap3A_793 {strides = array<i32>} : memref<112x224xf32, #tpu.memory_space<vmem>>, vector<1x16xf32>,
        %add3A_794 = arith.constant 3 : i32
        %add3A_795 = arith.addi %mul3A_114, %add3A_794 : i32
        %get3A_796 = arith.index_cast %add3A_795 : i32 to index
        %get3A_797 = arith.constant 80 : index
        %get3A_798 = tpu.vector_load %arg9[%get3A_796, %get3A_797] {strides = array<i32>} : memref<112x256xf32, #tpu.memory_space<vmem>>, vector<1x16xf32>,
        %get3A_799 = vector.shape_cast %get3A_798 : vector<1x16xf32> to vector<16xf32>
        %add3A_800 = arith.addf %get3A_687, %get3A_43 : vector<16xf32>
        %add3A_801 = arith.constant 3 : i32
        %add3A_802 = arith.addi %mul3A_116, %add3A_801 : i32
        %swap3A_803 = arith.index_cast %add3A_802 : i32 to index
        %swap3A_804 = arith.constant 48 : index
        %swap3A_805 = tpu.vector_load %arg11[%swap3A_803, %swap3A_804] {strides = array<i32>} : memref<112x224xf32, #tpu.memory_space<vmem>>, vector<1x16xf32>,
        %swap3A_806 = vector.shape_cast %swap3A_805 : vector<1x16xf32> to vector<16xf32>
        %swap3A_807 = vector.shape_cast %add3A_800 : vector<16xf32> to vector<1x16xf32>
        tpu.vector_store %arg11[%swap3A_803, %swap3A_804], %swap3A_807 {strides = array<i32>} : memref<112x224xf32, #tpu.memory_space<vmem>>, vector<1x16xf32>,
        %add3A_808 = arith.constant 3 : i32
        %add3A_809 = arith.addi %mul3A_114, %add3A_808 : i32
        %get3A_810 = arith.index_cast %add3A_809 : i32 to index
        %get3A_811 = arith.constant 96 : index
        %get3A_812 = tpu.vector_load %arg9[%get3A_810, %get3A_811] {strides = array<i32>} : memref<112x256xf32, #tpu.memory_space<vmem>>, vector<1x16xf32>,
        %get3A_813 = vector.shape_cast %get3A_812 : vector<1x16xf32> to vector<16xf32>
        %add3A_814 = arith.addf %get3A_701, %get3A_43 : vector<16xf32>
        %add3A_815 = arith.constant 3 : i32
        %add3A_816 = arith.addi %mul3A_116, %add3A_815 : i32
        %swap3A_817 = arith.index_cast %add3A_816 : i32 to index
        %swap3A_818 = arith.constant 64 : index
        %swap3A_819 = tpu.vector_load %arg11[%swap3A_817, %swap3A_818] {strides = array<i32>} : memref<112x224xf32, #tpu.memory_space<vmem>>, vector<1x16xf32>,
        %swap3A_820 = vector.shape_cast %swap3A_819 : vector<1x16xf32> to vector<16xf32>
        %swap3A_821 = vector.shape_cast %add3A_814 : vector<16xf32> to vector<1x16xf32>
        tpu.vector_store %arg11[%swap3A_817, %swap3A_818], %swap3A_821 {strides = array<i32>} : memref<112x224xf32, #tpu.memory_space<vmem>>, vector<1x16xf32>,
        %add3A_822 = arith.constant 3 : i32
        %add3A_823 = arith.addi %mul3A_114, %add3A_822 : i32
        %get3A_824 = arith.index_cast %add3A_823 : i32 to index
        %get3A_825 = arith.constant 112 : index
        %get3A_826 = tpu.vector_load %arg9[%get3A_824, %get3A_825] {strides = array<i32>} : memref<112x256xf32, #tpu.memory_space<vmem>>, vector<1x16xf32>,
        %get3A_827 = vector.shape_cast %get3A_826 : vector<1x16xf32> to vector<16xf32>
        %add3A_828 = arith.addf %get3A_715, %get3A_43 : vector<16xf32>
        %add3A_829 = arith.constant 3 : i32
        %add3A_830 = arith.addi %mul3A_116, %add3A_829 : i32
        %swap3A_831 = arith.index_cast %add3A_830 : i32 to index
        %swap3A_832 = arith.constant 80 : index
        %swap3A_833 = tpu.vector_load %arg11[%swap3A_831, %swap3A_832] {strides = array<i32>} : memref<112x224xf32, #tpu.memory_space<vmem>>, vector<1x16xf32>,
        %swap3A_834 = vector.shape_cast %swap3A_833 : vector<1x16xf32> to vector<16xf32>
        %swap3A_835 = vector.shape_cast %add3A_828 : vector<16xf32> to vector<1x16xf32>
        tpu.vector_store %arg11[%swap3A_831, %swap3A_832], %swap3A_835 {strides = array<i32>} : memref<112x224xf32, #tpu.memory_space<vmem>>, vector<1x16xf32>,
        %add3A_836 = arith.constant 3 : i32
        %add3A_837 = arith.addi %mul3A_114, %add3A_836 : i32
        %get3A_838 = arith.index_cast %add3A_837 : i32 to index
        %get3A_839 = arith.constant 128 : index
        %get3A_840 = tpu.vector_load %arg9[%get3A_838, %get3A_839] {strides = array<i32>} : memref<112x256xf32, #tpu.memory_space<vmem>>, vector<1x16xf32>,
        %get3A_841 = vector.shape_cast %get3A_840 : vector<1x16xf32> to vector<16xf32>
        %add3A_842 = arith.addf %get3A_729, %get3A_43 : vector<16xf32>
        %add3A_843 = arith.constant 3 : i32
        %add3A_844 = arith.addi %mul3A_116, %add3A_843 : i32
        %swap3A_845 = arith.index_cast %add3A_844 : i32 to index
        %swap3A_846 = arith.constant 96 : index
        %swap3A_847 = tpu.vector_load %arg11[%swap3A_845, %swap3A_846] {strides = array<i32>} : memref<112x224xf32, #tpu.memory_space<vmem>>, vector<1x16xf32>,
        %swap3A_848 = vector.shape_cast %swap3A_847 : vector<1x16xf32> to vector<16xf32>
        %swap3A_849 = vector.shape_cast %add3A_842 : vector<16xf32> to vector<1x16xf32>
        tpu.vector_store %arg11[%swap3A_845, %swap3A_846], %swap3A_849 {strides = array<i32>} : memref<112x224xf32, #tpu.memory_space<vmem>>, vector<1x16xf32>,
        %add3A_850 = arith.constant 3 : i32
        %add3A_851 = arith.addi %mul3A_114, %add3A_850 : i32
        %get3A_852 = arith.index_cast %add3A_851 : i32 to index
        %get3A_853 = arith.constant 144 : index
        %get3A_854 = tpu.vector_load %arg9[%get3A_852, %get3A_853] {strides = array<i32>} : memref<112x256xf32, #tpu.memory_space<vmem>>, vector<1x16xf32>,
        %get3A_855 = vector.shape_cast %get3A_854 : vector<1x16xf32> to vector<16xf32>
        %add3A_856 = arith.addf %get3A_743, %get3A_43 : vector<16xf32>
        %add3A_857 = arith.constant 3 : i32
        %add3A_858 = arith.addi %mul3A_116, %add3A_857 : i32
        %swap3A_859 = arith.index_cast %add3A_858 : i32 to index
        %swap3A_860 = arith.constant 112 : index
        %swap3A_861 = tpu.vector_load %arg11[%swap3A_859, %swap3A_860] {strides = array<i32>} : memref<112x224xf32, #tpu.memory_space<vmem>>, vector<1x16xf32>,
        %swap3A_862 = vector.shape_cast %swap3A_861 : vector<1x16xf32> to vector<16xf32>
        %swap3A_863 = vector.shape_cast %add3A_856 : vector<16xf32> to vector<1x16xf32>
        tpu.vector_store %arg11[%swap3A_859, %swap3A_860], %swap3A_863 {strides = array<i32>} : memref<112x224xf32, #tpu.memory_space<vmem>>, vector<1x16xf32>,
        %add3A_864 = arith.constant 3 : i32
        %add3A_865 = arith.addi %mul3A_114, %add3A_864 : i32
        %get3A_866 = arith.index_cast %add3A_865 : i32 to index
        %get3A_867 = arith.constant 160 : index
        %get3A_868 = tpu.vector_load %arg9[%get3A_866, %get3A_867] {strides = array<i32>} : memref<112x256xf32, #tpu.memory_space<vmem>>, vector<1x16xf32>,
        %get3A_869 = vector.shape_cast %get3A_868 : vector<1x16xf32> to vector<16xf32>
        %add3A_870 = arith.addf %get3A_757, %get3A_43 : vector<16xf32>
        %add3A_871 = arith.constant 3 : i32
        %add3A_872 = arith.addi %mul3A_116, %add3A_871 : i32
        %swap3A_873 = arith.index_cast %add3A_872 : i32 to index
        %swap3A_874 = arith.constant 128 : index
        %swap3A_875 = tpu.vector_load %arg11[%swap3A_873, %swap3A_874] {strides = array<i32>} : memref<112x224xf32, #tpu.memory_space<vmem>>, vector<1x16xf32>,
        %swap3A_876 = vector.shape_cast %swap3A_875 : vector<1x16xf32> to vector<16xf32>
        %swap3A_877 = vector.shape_cast %add3A_870 : vector<16xf32> to vector<1x16xf32>
        tpu.vector_store %arg11[%swap3A_873, %swap3A_874], %swap3A_877 {strides = array<i32>} : memref<112x224xf32, #tpu.memory_space<vmem>>, vector<1x16xf32>,
        %add3A_878 = arith.constant 3 : i32
        %add3A_879 = arith.addi %mul3A_114, %add3A_878 : i32
        %get3A_880 = arith.index_cast %add3A_879 : i32 to index
        %get3A_881 = arith.constant 176 : index
        %get3A_882 = tpu.vector_load %arg9[%get3A_880, %get3A_881] {strides = array<i32>} : memref<112x256xf32, #tpu.memory_space<vmem>>, vector<1x16xf32>,
        %get3A_883 = vector.shape_cast %get3A_882 : vector<1x16xf32> to vector<16xf32>
        %add3A_884 = arith.addf %get3A_771, %get3A_43 : vector<16xf32>
        %add3A_885 = arith.constant 3 : i32
        %add3A_886 = arith.addi %mul3A_116, %add3A_885 : i32
        %swap3A_887 = arith.index_cast %add3A_886 : i32 to index
        %swap3A_888 = arith.constant 144 : index
        %swap3A_889 = tpu.vector_load %arg11[%swap3A_887, %swap3A_888] {strides = array<i32>} : memref<112x224xf32, #tpu.memory_space<vmem>>, vector<1x16xf32>,
        %swap3A_890 = vector.shape_cast %swap3A_889 : vector<1x16xf32> to vector<16xf32>
        %swap3A_891 = vector.shape_cast %add3A_884 : vector<16xf32> to vector<1x16xf32>
        tpu.vector_store %arg11[%swap3A_887, %swap3A_888], %swap3A_891 {strides = array<i32>} : memref<112x224xf32, #tpu.memory_space<vmem>>, vector<1x16xf32>,
        %add3A_892 = arith.constant 3 : i32
        %add3A_893 = arith.addi %mul3A_114, %add3A_892 : i32
        %get3A_894 = arith.index_cast %add3A_893 : i32 to index
        %get3A_895 = arith.constant 192 : index
        %get3A_896 = tpu.vector_load %arg9[%get3A_894, %get3A_895] {strides = array<i32>} : memref<112x256xf32, #tpu.memory_space<vmem>>, vector<1x16xf32>,
        %get3A_897 = vector.shape_cast %get3A_896 : vector<1x16xf32> to vector<16xf32>
        %add3A_898 = arith.addf %get3A_785, %get3A_43 : vector<16xf32>
        %add3A_899 = arith.constant 3 : i32
        %add3A_900 = arith.addi %mul3A_116, %add3A_899 : i32
        %swap3A_901 = arith.index_cast %add3A_900 : i32 to index
        %swap3A_902 = arith.constant 160 : index
        %swap3A_903 = tpu.vector_load %arg11[%swap3A_901, %swap3A_902] {strides = array<i32>} : memref<112x224xf32, #tpu.memory_space<vmem>>, vector<1x16xf32>,
        %swap3A_904 = vector.shape_cast %swap3A_903 : vector<1x16xf32> to vector<16xf32>
        %swap3A_905 = vector.shape_cast %add3A_898 : vector<16xf32> to vector<1x16xf32>
        tpu.vector_store %arg11[%swap3A_901, %swap3A_902], %swap3A_905 {strides = array<i32>} : memref<112x224xf32, #tpu.memory_space<vmem>>, vector<1x16xf32>,
        %add3A_906 = arith.constant 3 : i32
        %add3A_907 = arith.addi %mul3A_114, %add3A_906 : i32
        %get3A_908 = arith.index_cast %add3A_907 : i32 to index
        %get3A_909 = arith.constant 208 : index
        %get3A_910 = tpu.vector_load %arg9[%get3A_908, %get3A_909] {strides = array<i32>} : memref<112x256xf32, #tpu.memory_space<vmem>>, vector<1x16xf32>,
        %get3A_911 = vector.shape_cast %get3A_910 : vector<1x16xf32> to vector<16xf32>
        %add3A_912 = arith.addf %get3A_799, %get3A_43 : vector<16xf32>
        %add3A_913 = arith.constant 3 : i32
        %add3A_914 = arith.addi %mul3A_116, %add3A_913 : i32
        %swap3A_915 = arith.index_cast %add3A_914 : i32 to index
        %swap3A_916 = arith.constant 176 : index
        %swap3A_917 = tpu.vector_load %arg11[%swap3A_915, %swap3A_916] {strides = array<i32>} : memref<112x224xf32, #tpu.memory_space<vmem>>, vector<1x16xf32>,
        %swap3A_918 = vector.shape_cast %swap3A_917 : vector<1x16xf32> to vector<16xf32>
        %swap3A_919 = vector.shape_cast %add3A_912 : vector<16xf32> to vector<1x16xf32>
        tpu.vector_store %arg11[%swap3A_915, %swap3A_916], %swap3A_919 {strides = array<i32>} : memref<112x224xf32, #tpu.memory_space<vmem>>, vector<1x16xf32>,
        %add3A_920 = arith.constant 3 : i32
        %add3A_921 = arith.addi %mul3A_114, %add3A_920 : i32
        %get3A_922 = arith.index_cast %add3A_921 : i32 to index
        %get3A_923 = arith.constant 224 : index
        %get3A_924 = tpu.vector_load %arg9[%get3A_922, %get3A_923] {strides = array<i32>} : memref<112x256xf32, #tpu.memory_space<vmem>>, vector<1x16xf32>,
        %get3A_925 = vector.shape_cast %get3A_924 : vector<1x16xf32> to vector<16xf32>
        %add3A_926 = arith.addf %get3A_813, %get3A_43 : vector<16xf32>
        %add3A_927 = arith.constant 3 : i32
        %add3A_928 = arith.addi %mul3A_116, %add3A_927 : i32
        %swap3A_929 = arith.index_cast %add3A_928 : i32 to index
        %swap3A_930 = arith.constant 192 : index
        %swap3A_931 = tpu.vector_load %arg11[%swap3A_929, %swap3A_930] {strides = array<i32>} : memref<112x224xf32, #tpu.memory_space<vmem>>, vector<1x16xf32>,
        %swap3A_932 = vector.shape_cast %swap3A_931 : vector<1x16xf32> to vector<16xf32>
        %swap3A_933 = vector.shape_cast %add3A_926 : vector<16xf32> to vector<1x16xf32>
        tpu.vector_store %arg11[%swap3A_929, %swap3A_930], %swap3A_933 {strides = array<i32>} : memref<112x224xf32, #tpu.memory_space<vmem>>, vector<1x16xf32>,
        %add3A_934 = arith.constant 3 : i32
        %add3A_935 = arith.addi %mul3A_114, %add3A_934 : i32
        %get3A_936 = arith.index_cast %add3A_935 : i32 to index
        %get3A_937 = arith.constant 240 : index
        %get3A_938 = tpu.vector_load %arg9[%get3A_936, %get3A_937] {strides = array<i32>} : memref<112x256xf32, #tpu.memory_space<vmem>>, vector<1x16xf32>,
        %get3A_939 = vector.shape_cast %get3A_938 : vector<1x16xf32> to vector<16xf32>
        %add3A_940 = arith.addf %get3A_827, %get3A_43 : vector<16xf32>
        %add3A_941 = arith.constant 3 : i32
        %add3A_942 = arith.addi %mul3A_116, %add3A_941 : i32
        %swap3A_943 = arith.index_cast %add3A_942 : i32 to index
        %swap3A_944 = arith.constant 208 : index
        %swap3A_945 = tpu.vector_load %arg11[%swap3A_943, %swap3A_944] {strides = array<i32>} : memref<112x224xf32, #tpu.memory_space<vmem>>, vector<1x16xf32>,
        %swap3A_946 = vector.shape_cast %swap3A_945 : vector<1x16xf32> to vector<16xf32>
        %swap3A_947 = vector.shape_cast %add3A_940 : vector<16xf32> to vector<1x16xf32>
        tpu.vector_store %arg11[%swap3A_943, %swap3A_944], %swap3A_947 {strides = array<i32>} : memref<112x224xf32, #tpu.memory_space<vmem>>, vector<1x16xf32>,
        %add3A_948 = arith.constant 4 : i32
        %add3A_949 = arith.addi %mul3A_114, %add3A_948 : i32
        %get3A_950 = arith.index_cast %add3A_949 : i32 to index
        %get3A_951 = arith.constant 0 : index
        %get3A_952 = tpu.vector_load %arg9[%get3A_950, %get3A_951] {strides = array<i32>} : memref<112x256xf32, #tpu.memory_space<vmem>>, vector<1x16xf32>,
        %get3A_953 = vector.shape_cast %get3A_952 : vector<1x16xf32> to vector<16xf32>
        %add3A_954 = arith.addf %get3A_841, %get3A_43 : vector<16xf32>
        %add3A_955 = arith.constant 4 : i32
        %add3A_956 = arith.addi %mul3A_116, %add3A_955 : i32
        %swap3A_957 = arith.index_cast %add3A_956 : i32 to index
        %swap3A_958 = arith.constant 0 : index
        %swap3A_959 = tpu.vector_load %arg11[%swap3A_957, %swap3A_958] {strides = array<i32>} : memref<112x224xf32, #tpu.memory_space<vmem>>, vector<1x16xf32>,
        %swap3A_960 = vector.shape_cast %swap3A_959 : vector<1x16xf32> to vector<16xf32>
        %swap3A_961 = vector.shape_cast %add3A_954 : vector<16xf32> to vector<1x16xf32>
        tpu.vector_store %arg11[%swap3A_957, %swap3A_958], %swap3A_961 {strides = array<i32>} : memref<112x224xf32, #tpu.memory_space<vmem>>, vector<1x16xf32>,
        %add3A_962 = arith.constant 4 : i32
        %add3A_963 = arith.addi %mul3A_114, %add3A_962 : i32
        %get3A_964 = arith.index_cast %add3A_963 : i32 to index
        %get3A_965 = arith.constant 16 : index
        %get3A_966 = tpu.vector_load %arg9[%get3A_964, %get3A_965] {strides = array<i32>} : memref<112x256xf32, #tpu.memory_space<vmem>>, vector<1x16xf32>,
        %get3A_967 = vector.shape_cast %get3A_966 : vector<1x16xf32> to vector<16xf32>
        %add3A_968 = arith.addf %get3A_855, %get3A_43 : vector<16xf32>
        %add3A_969 = arith.constant 4 : i32
        %add3A_970 = arith.addi %mul3A_116, %add3A_969 : i32
        %swap3A_971 = arith.index_cast %add3A_970 : i32 to index
        %swap3A_972 = arith.constant 16 : index
        %swap3A_973 = tpu.vector_load %arg11[%swap3A_971, %swap3A_972] {strides = array<i32>} : memref<112x224xf32, #tpu.memory_space<vmem>>, vector<1x16xf32>,
        %swap3A_974 = vector.shape_cast %swap3A_973 : vector<1x16xf32> to vector<16xf32>
        %swap3A_975 = vector.shape_cast %add3A_968 : vector<16xf32> to vector<1x16xf32>
        tpu.vector_store %arg11[%swap3A_971, %swap3A_972], %swap3A_975 {strides = array<i32>} : memref<112x224xf32, #tpu.memory_space<vmem>>, vector<1x16xf32>,
        %add3A_976 = arith.constant 4 : i32
        %add3A_977 = arith.addi %mul3A_114, %add3A_976 : i32
        %get3A_978 = arith.index_cast %add3A_977 : i32 to index
        %get3A_979 = arith.constant 32 : index
        %get3A_980 = tpu.vector_load %arg9[%get3A_978, %get3A_979] {strides = array<i32>} : memref<112x256xf32, #tpu.memory_space<vmem>>, vector<1x16xf32>,
        %get3A_981 = vector.shape_cast %get3A_980 : vector<1x16xf32> to vector<16xf32>
        %add3A_982 = arith.addf %get3A_869, %get3A_43 : vector<16xf32>
        %add3A_983 = arith.constant 4 : i32
        %add3A_984 = arith.addi %mul3A_116, %add3A_983 : i32
        %swap3A_985 = arith.index_cast %add3A_984 : i32 to index
        %swap3A_986 = arith.constant 32 : index
        %swap3A_987 = tpu.vector_load %arg11[%swap3A_985, %swap3A_986] {strides = array<i32>} : memref<112x224xf32, #tpu.memory_space<vmem>>, vector<1x16xf32>,
        %swap3A_988 = vector.shape_cast %swap3A_987 : vector<1x16xf32> to vector<16xf32>
        %swap3A_989 = vector.shape_cast %add3A_982 : vector<16xf32> to vector<1x16xf32>
        tpu.vector_store %arg11[%swap3A_985, %swap3A_986], %swap3A_989 {strides = array<i32>} : memref<112x224xf32, #tpu.memory_space<vmem>>, vector<1x16xf32>,
        %add3A_990 = arith.constant 4 : i32
        %add3A_991 = arith.addi %mul3A_114, %add3A_990 : i32
        %get3A_992 = arith.index_cast %add3A_991 : i32 to index
        %get3A_993 = arith.constant 48 : index
        %get3A_994 = tpu.vector_load %arg9[%get3A_992, %get3A_993] {strides = array<i32>} : memref<112x256xf32, #tpu.memory_space<vmem>>, vector<1x16xf32>,
        %get3A_995 = vector.shape_cast %get3A_994 : vector<1x16xf32> to vector<16xf32>
        %add3A_996 = arith.addf %get3A_883, %get3A_43 : vector<16xf32>
        %add3A_997 = arith.constant 4 : i32
        %add3A_998 = arith.addi %mul3A_116, %add3A_997 : i32
        %swap3A_999 = arith.index_cast %add3A_998 : i32 to index
        %swap3A_1000 = arith.constant 48 : index
        %swap3A_1001 = tpu.vector_load %arg11[%swap3A_999, %swap3A_1000] {strides = array<i32>} : memref<112x224xf32, #tpu.memory_space<vmem>>, vector<1x16xf32>,
        %swap3A_1002 = vector.shape_cast %swap3A_1001 : vector<1x16xf32> to vector<16xf32>
        %swap3A_1003 = vector.shape_cast %add3A_996 : vector<16xf32> to vector<1x16xf32>
        tpu.vector_store %arg11[%swap3A_999, %swap3A_1000], %swap3A_1003 {strides = array<i32>} : memref<112x224xf32, #tpu.memory_space<vmem>>, vector<1x16xf32>,
        %add3A_1004 = arith.constant 4 : i32
        %add3A_1005 = arith.addi %mul3A_114, %add3A_1004 : i32
        %get3A_1006 = arith.index_cast %add3A_1005 : i32 to index
        %get3A_1007 = arith.constant 64 : index
        %get3A_1008 = tpu.vector_load %arg9[%get3A_1006, %get3A_1007] {strides = array<i32>} : memref<112x256xf32, #tpu.memory_space<vmem>>, vector<1x16xf32>,
        %get3A_1009 = vector.shape_cast %get3A_1008 : vector<1x16xf32> to vector<16xf32>
        %add3A_1010 = arith.addf %get3A_897, %get3A_43 : vector<16xf32>
        %add3A_1011 = arith.constant 4 : i32
        %add3A_1012 = arith.addi %mul3A_116, %add3A_1011 : i32
        %swap3A_1013 = arith.index_cast %add3A_1012 : i32 to index
        %swap3A_1014 = arith.constant 64 : index
        %swap3A_1015 = tpu.vector_load %arg11[%swap3A_1013, %swap3A_1014] {strides = array<i32>} : memref<112x224xf32, #tpu.memory_space<vmem>>, vector<1x16xf32>,
        %swap3A_1016 = vector.shape_cast %swap3A_1015 : vector<1x16xf32> to vector<16xf32>
        %swap3A_1017 = vector.shape_cast %add3A_1010 : vector<16xf32> to vector<1x16xf32>
        tpu.vector_store %arg11[%swap3A_1013, %swap3A_1014], %swap3A_1017 {strides = array<i32>} : memref<112x224xf32, #tpu.memory_space<vmem>>, vector<1x16xf32>,
        %add3A_1018 = arith.constant 4 : i32
        %add3A_1019 = arith.addi %mul3A_114, %add3A_1018 : i32
        %get3A_1020 = arith.index_cast %add3A_1019 : i32 to index
        %get3A_1021 = arith.constant 80 : index
        %get3A_1022 = tpu.vector_load %arg9[%get3A_1020, %get3A_1021] {strides = array<i32>} : memref<112x256xf32, #tpu.memory_space<vmem>>, vector<1x16xf32>,
        %get3A_1023 = vector.shape_cast %get3A_1022 : vector<1x16xf32> to vector<16xf32>
        %add3A_1024 = arith.addf %get3A_911, %get3A_43 : vector<16xf32>
        %add3A_1025 = arith.constant 4 : i32
        %add3A_1026 = arith.addi %mul3A_116, %add3A_1025 : i32
        %swap3A_1027 = arith.index_cast %add3A_1026 : i32 to index
        %swap3A_1028 = arith.constant 80 : index
        %swap3A_1029 = tpu.vector_load %arg11[%swap3A_1027, %swap3A_1028] {strides = array<i32>} : memref<112x224xf32, #tpu.memory_space<vmem>>, vector<1x16xf32>,
        %swap3A_1030 = vector.shape_cast %swap3A_1029 : vector<1x16xf32> to vector<16xf32>
        %swap3A_1031 = vector.shape_cast %add3A_1024 : vector<16xf32> to vector<1x16xf32>
        tpu.vector_store %arg11[%swap3A_1027, %swap3A_1028], %swap3A_1031 {strides = array<i32>} : memref<112x224xf32, #tpu.memory_space<vmem>>, vector<1x16xf32>,
        %add3A_1032 = arith.constant 4 : i32
        %add3A_1033 = arith.addi %mul3A_114, %add3A_1032 : i32
        %get3A_1034 = arith.index_cast %add3A_1033 : i32 to index
        %get3A_1035 = arith.constant 96 : index
        %get3A_1036 = tpu.vector_load %arg9[%get3A_1034, %get3A_1035] {strides = array<i32>} : memref<112x256xf32, #tpu.memory_space<vmem>>, vector<1x16xf32>,
        %get3A_1037 = vector.shape_cast %get3A_1036 : vector<1x16xf32> to vector<16xf32>
        %add3A_1038 = arith.addf %get3A_925, %get3A_43 : vector<16xf32>
        %add3A_1039 = arith.constant 4 : i32
        %add3A_1040 = arith.addi %mul3A_116, %add3A_1039 : i32
        %swap3A_1041 = arith.index_cast %add3A_1040 : i32 to index
        %swap3A_1042 = arith.constant 96 : index
        %swap3A_1043 = tpu.vector_load %arg11[%swap3A_1041, %swap3A_1042] {strides = array<i32>} : memref<112x224xf32, #tpu.memory_space<vmem>>, vector<1x16xf32>,
        %swap3A_1044 = vector.shape_cast %swap3A_1043 : vector<1x16xf32> to vector<16xf32>
        %swap3A_1045 = vector.shape_cast %add3A_1038 : vector<16xf32> to vector<1x16xf32>
        tpu.vector_store %arg11[%swap3A_1041, %swap3A_1042], %swap3A_1045 {strides = array<i32>} : memref<112x224xf32, #tpu.memory_space<vmem>>, vector<1x16xf32>,
        %add3A_1046 = arith.constant 4 : i32
        %add3A_1047 = arith.addi %mul3A_114, %add3A_1046 : i32
        %get3A_1048 = arith.index_cast %add3A_1047 : i32 to index
        %get3A_1049 = arith.constant 112 : index
        %get3A_1050 = tpu.vector_load %arg9[%get3A_1048, %get3A_1049] {strides = array<i32>} : memref<112x256xf32, #tpu.memory_space<vmem>>, vector<1x16xf32>,
        %get3A_1051 = vector.shape_cast %get3A_1050 : vector<1x16xf32> to vector<16xf32>
        %add3A_1052 = arith.addf %get3A_939, %get3A_43 : vector<16xf32>
        %add3A_1053 = arith.constant 4 : i32
        %add3A_1054 = arith.addi %mul3A_116, %add3A_1053 : i32
        %swap3A_1055 = arith.index_cast %add3A_1054 : i32 to index
        %swap3A_1056 = arith.constant 112 : index
        %swap3A_1057 = tpu.vector_load %arg11[%swap3A_1055, %swap3A_1056] {strides = array<i32>} : memref<112x224xf32, #tpu.memory_space<vmem>>, vector<1x16xf32>,
        %swap3A_1058 = vector.shape_cast %swap3A_1057 : vector<1x16xf32> to vector<16xf32>
        %swap3A_1059 = vector.shape_cast %add3A_1052 : vector<16xf32> to vector<1x16xf32>
        tpu.vector_store %arg11[%swap3A_1055, %swap3A_1056], %swap3A_1059 {strides = array<i32>} : memref<112x224xf32, #tpu.memory_space<vmem>>, vector<1x16xf32>,
        %add3A_1060 = arith.constant 4 : i32
        %add3A_1061 = arith.addi %mul3A_114, %add3A_1060 : i32
        %get3A_1062 = arith.index_cast %add3A_1061 : i32 to index
        %get3A_1063 = arith.constant 128 : index
        %get3A_1064 = tpu.vector_load %arg9[%get3A_1062, %get3A_1063] {strides = array<i32>} : memref<112x256xf32, #tpu.memory_space<vmem>>, vector<1x16xf32>,
        %get3A_1065 = vector.shape_cast %get3A_1064 : vector<1x16xf32> to vector<16xf32>
        %add3A_1066 = arith.addf %get3A_953, %get3A_43 : vector<16xf32>
        %add3A_1067 = arith.constant 4 : i32
        %add3A_1068 = arith.addi %mul3A_116, %add3A_1067 : i32
        %swap3A_1069 = arith.index_cast %add3A_1068 : i32 to index
        %swap3A_1070 = arith.constant 128 : index
        %swap3A_1071 = tpu.vector_load %arg11[%swap3A_1069, %swap3A_1070] {strides = array<i32>} : memref<112x224xf32, #tpu.memory_space<vmem>>, vector<1x16xf32>,
        %swap3A_1072 = vector.shape_cast %swap3A_1071 : vector<1x16xf32> to vector<16xf32>
        %swap3A_1073 = vector.shape_cast %add3A_1066 : vector<16xf32> to vector<1x16xf32>
        tpu.vector_store %arg11[%swap3A_1069, %swap3A_1070], %swap3A_1073 {strides = array<i32>} : memref<112x224xf32, #tpu.memory_space<vmem>>, vector<1x16xf32>,
        %add3A_1074 = arith.constant 4 : i32
        %add3A_1075 = arith.addi %mul3A_114, %add3A_1074 : i32
        %get3A_1076 = arith.index_cast %add3A_1075 : i32 to index
        %get3A_1077 = arith.constant 144 : index
        %get3A_1078 = tpu.vector_load %arg9[%get3A_1076, %get3A_1077] {strides = array<i32>} : memref<112x256xf32, #tpu.memory_space<vmem>>, vector<1x16xf32>,
        %get3A_1079 = vector.shape_cast %get3A_1078 : vector<1x16xf32> to vector<16xf32>
        %add3A_1080 = arith.addf %get3A_967, %get3A_43 : vector<16xf32>
        %add3A_1081 = arith.constant 4 : i32
        %add3A_1082 = arith.addi %mul3A_116, %add3A_1081 : i32
        %swap3A_1083 = arith.index_cast %add3A_1082 : i32 to index
        %swap3A_1084 = arith.constant 144 : index
        %swap3A_1085 = tpu.vector_load %arg11[%swap3A_1083, %swap3A_1084] {strides = array<i32>} : memref<112x224xf32, #tpu.memory_space<vmem>>, vector<1x16xf32>,
        %swap3A_1086 = vector.shape_cast %swap3A_1085 : vector<1x16xf32> to vector<16xf32>
        %swap3A_1087 = vector.shape_cast %add3A_1080 : vector<16xf32> to vector<1x16xf32>
        tpu.vector_store %arg11[%swap3A_1083, %swap3A_1084], %swap3A_1087 {strides = array<i32>} : memref<112x224xf32, #tpu.memory_space<vmem>>, vector<1x16xf32>,
        %add3A_1088 = arith.constant 4 : i32
        %add3A_1089 = arith.addi %mul3A_114, %add3A_1088 : i32
        %get3A_1090 = arith.index_cast %add3A_1089 : i32 to index
        %get3A_1091 = arith.constant 160 : index
        %get3A_1092 = tpu.vector_load %arg9[%get3A_1090, %get3A_1091] {strides = array<i32>} : memref<112x256xf32, #tpu.memory_space<vmem>>, vector<1x16xf32>,
        %get3A_1093 = vector.shape_cast %get3A_1092 : vector<1x16xf32> to vector<16xf32>
        %add3A_1094 = arith.addf %get3A_981, %get3A_43 : vector<16xf32>
        %add3A_1095 = arith.constant 4 : i32
        %add3A_1096 = arith.addi %mul3A_116, %add3A_1095 : i32
        %swap3A_1097 = arith.index_cast %add3A_1096 : i32 to index
        %swap3A_1098 = arith.constant 160 : index
        %swap3A_1099 = tpu.vector_load %arg11[%swap3A_1097, %swap3A_1098] {strides = array<i32>} : memref<112x224xf32, #tpu.memory_space<vmem>>, vector<1x16xf32>,
        %swap3A_1100 = vector.shape_cast %swap3A_1099 : vector<1x16xf32> to vector<16xf32>
        %swap3A_1101 = vector.shape_cast %add3A_1094 : vector<16xf32> to vector<1x16xf32>
        tpu.vector_store %arg11[%swap3A_1097, %swap3A_1098], %swap3A_1101 {strides = array<i32>} : memref<112x224xf32, #tpu.memory_space<vmem>>, vector<1x16xf32>,
        %add3A_1102 = arith.constant 4 : i32
        %add3A_1103 = arith.addi %mul3A_114, %add3A_1102 : i32
        %get3A_1104 = arith.index_cast %add3A_1103 : i32 to index
        %get3A_1105 = arith.constant 176 : index
        %get3A_1106 = tpu.vector_load %arg9[%get3A_1104, %get3A_1105] {strides = array<i32>} : memref<112x256xf32, #tpu.memory_space<vmem>>, vector<1x16xf32>,
        %get3A_1107 = vector.shape_cast %get3A_1106 : vector<1x16xf32> to vector<16xf32>
        %add3A_1108 = arith.addf %get3A_995, %get3A_43 : vector<16xf32>
        %add3A_1109 = arith.constant 4 : i32
        %add3A_1110 = arith.addi %mul3A_116, %add3A_1109 : i32
        %swap3A_1111 = arith.index_cast %add3A_1110 : i32 to index
        %swap3A_1112 = arith.constant 176 : index
        %swap3A_1113 = tpu.vector_load %arg11[%swap3A_1111, %swap3A_1112] {strides = array<i32>} : memref<112x224xf32, #tpu.memory_space<vmem>>, vector<1x16xf32>,
        %swap3A_1114 = vector.shape_cast %swap3A_1113 : vector<1x16xf32> to vector<16xf32>
        %swap3A_1115 = vector.shape_cast %add3A_1108 : vector<16xf32> to vector<1x16xf32>
        tpu.vector_store %arg11[%swap3A_1111, %swap3A_1112], %swap3A_1115 {strides = array<i32>} : memref<112x224xf32, #tpu.memory_space<vmem>>, vector<1x16xf32>,
        %add3A_1116 = arith.constant 4 : i32
        %add3A_1117 = arith.addi %mul3A_114, %add3A_1116 : i32
        %get3A_1118 = arith.index_cast %add3A_1117 : i32 to index
        %get3A_1119 = arith.constant 192 : index
        %get3A_1120 = tpu.vector_load %arg9[%get3A_1118, %get3A_1119] {strides = array<i32>} : memref<112x256xf32, #tpu.memory_space<vmem>>, vector<1x16xf32>,
        %get3A_1121 = vector.shape_cast %get3A_1120 : vector<1x16xf32> to vector<16xf32>
        %add3A_1122 = arith.addf %get3A_1009, %get3A_43 : vector<16xf32>
        %add3A_1123 = arith.constant 4 : i32
        %add3A_1124 = arith.addi %mul3A_116, %add3A_1123 : i32
        %swap3A_1125 = arith.index_cast %add3A_1124 : i32 to index
        %swap3A_1126 = arith.constant 192 : index
        %swap3A_1127 = tpu.vector_load %arg11[%swap3A_1125, %swap3A_1126] {strides = array<i32>} : memref<112x224xf32, #tpu.memory_space<vmem>>, vector<1x16xf32>,
        %swap3A_1128 = vector.shape_cast %swap3A_1127 : vector<1x16xf32> to vector<16xf32>
        %swap3A_1129 = vector.shape_cast %add3A_1122 : vector<16xf32> to vector<1x16xf32>
        tpu.vector_store %arg11[%swap3A_1125, %swap3A_1126], %swap3A_1129 {strides = array<i32>} : memref<112x224xf32, #tpu.memory_space<vmem>>, vector<1x16xf32>,
        %add3A_1130 = arith.constant 4 : i32
        %add3A_1131 = arith.addi %mul3A_114, %add3A_1130 : i32
        %get3A_1132 = arith.index_cast %add3A_1131 : i32 to index
        %get3A_1133 = arith.constant 208 : index
        %get3A_1134 = tpu.vector_load %arg9[%get3A_1132, %get3A_1133] {strides = array<i32>} : memref<112x256xf32, #tpu.memory_space<vmem>>, vector<1x16xf32>,
        %get3A_1135 = vector.shape_cast %get3A_1134 : vector<1x16xf32> to vector<16xf32>
        %add3A_1136 = arith.addf %get3A_1023, %get3A_43 : vector<16xf32>
        %add3A_1137 = arith.constant 4 : i32
        %add3A_1138 = arith.addi %mul3A_116, %add3A_1137 : i32
        %swap3A_1139 = arith.index_cast %add3A_1138 : i32 to index
        %swap3A_1140 = arith.constant 208 : index
        %swap3A_1141 = tpu.vector_load %arg11[%swap3A_1139, %swap3A_1140] {strides = array<i32>} : memref<112x224xf32, #tpu.memory_space<vmem>>, vector<1x16xf32>,
        %swap3A_1142 = vector.shape_cast %swap3A_1141 : vector<1x16xf32> to vector<16xf32>
        %swap3A_1143 = vector.shape_cast %add3A_1136 : vector<16xf32> to vector<1x16xf32>
        tpu.vector_store %arg11[%swap3A_1139, %swap3A_1140], %swap3A_1143 {strides = array<i32>} : memref<112x224xf32, #tpu.memory_space<vmem>>, vector<1x16xf32>,
        %add3A_1144 = arith.constant 4 : i32
        %add3A_1145 = arith.addi %mul3A_114, %add3A_1144 : i32
        %get3A_1146 = arith.index_cast %add3A_1145 : i32 to index
        %get3A_1147 = arith.constant 224 : index
        %get3A_1148 = tpu.vector_load %arg9[%get3A_1146, %get3A_1147] {strides = array<i32>} : memref<112x256xf32, #tpu.memory_space<vmem>>, vector<1x16xf32>,
        %get3A_1149 = vector.shape_cast %get3A_1148 : vector<1x16xf32> to vector<16xf32>
        %add3A_1150 = arith.addf %get3A_1037, %get3A_43 : vector<16xf32>
        %add3A_1151 = arith.constant 5 : i32
        %add3A_1152 = arith.addi %mul3A_116, %add3A_1151 : i32
        %swap3A_1153 = arith.index_cast %add3A_1152 : i32 to index
        %swap3A_1154 = arith.constant 0 : index
        %swap3A_1155 = tpu.vector_load %arg11[%swap3A_1153, %swap3A_1154] {strides = array<i32>} : memref<112x224xf32, #tpu.memory_space<vmem>>, vector<1x16xf32>,
        %swap3A_1156 = vector.shape_cast %swap3A_1155 : vector<1x16xf32> to vector<16xf32>
        %swap3A_1157 = vector.shape_cast %add3A_1150 : vector<16xf32> to vector<1x16xf32>
        tpu.vector_store %arg11[%swap3A_1153, %swap3A_1154], %swap3A_1157 {strides = array<i32>} : memref<112x224xf32, #tpu.memory_space<vmem>>, vector<1x16xf32>,
        %add3A_1158 = arith.constant 4 : i32
        %add3A_1159 = arith.addi %mul3A_114, %add3A_1158 : i32
        %get3A_1160 = arith.index_cast %add3A_1159 : i32 to index
        %get3A_1161 = arith.constant 240 : index
        %get3A_1162 = tpu.vector_load %arg9[%get3A_1160, %get3A_1161] {strides = array<i32>} : memref<112x256xf32, #tpu.memory_space<vmem>>, vector<1x16xf32>,
        %get3A_1163 = vector.shape_cast %get3A_1162 : vector<1x16xf32> to vector<16xf32>
        %add3A_1164 = arith.addf %get3A_1051, %get3A_43 : vector<16xf32>
        %add3A_1165 = arith.constant 5 : i32
        %add3A_1166 = arith.addi %mul3A_116, %add3A_1165 : i32
        %swap3A_1167 = arith.index_cast %add3A_1166 : i32 to index
        %swap3A_1168 = arith.constant 16 : index
        %swap3A_1169 = tpu.vector_load %arg11[%swap3A_1167, %swap3A_1168] {strides = array<i32>} : memref<112x224xf32, #tpu.memory_space<vmem>>, vector<1x16xf32>,
        %swap3A_1170 = vector.shape_cast %swap3A_1169 : vector<1x16xf32> to vector<16xf32>
        %swap3A_1171 = vector.shape_cast %add3A_1164 : vector<16xf32> to vector<1x16xf32>
        tpu.vector_store %arg11[%swap3A_1167, %swap3A_1168], %swap3A_1171 {strides = array<i32>} : memref<112x224xf32, #tpu.memory_space<vmem>>, vector<1x16xf32>,
        %add3A_1172 = arith.constant 5 : i32
        %add3A_1173 = arith.addi %mul3A_114, %add3A_1172 : i32
        %get3A_1174 = arith.index_cast %add3A_1173 : i32 to index
        %get3A_1175 = arith.constant 0 : index
        %get3A_1176 = tpu.vector_load %arg9[%get3A_1174, %get3A_1175] {strides = array<i32>} : memref<112x256xf32, #tpu.memory_space<vmem>>, vector<1x16xf32>,
        %get3A_1177 = vector.shape_cast %get3A_1176 : vector<1x16xf32> to vector<16xf32>
        %add3A_1178 = arith.addf %get3A_1065, %get3A_43 : vector<16xf32>
        %add3A_1179 = arith.constant 5 : i32
        %add3A_1180 = arith.addi %mul3A_116, %add3A_1179 : i32
        %swap3A_1181 = arith.index_cast %add3A_1180 : i32 to index
        %swap3A_1182 = arith.constant 32 : index
        %swap3A_1183 = tpu.vector_load %arg11[%swap3A_1181, %swap3A_1182] {strides = array<i32>} : memref<112x224xf32, #tpu.memory_space<vmem>>, vector<1x16xf32>,
        %swap3A_1184 = vector.shape_cast %swap3A_1183 : vector<1x16xf32> to vector<16xf32>
        %swap3A_1185 = vector.shape_cast %add3A_1178 : vector<16xf32> to vector<1x16xf32>
        tpu.vector_store %arg11[%swap3A_1181, %swap3A_1182], %swap3A_1185 {strides = array<i32>} : memref<112x224xf32, #tpu.memory_space<vmem>>, vector<1x16xf32>,
        %add3A_1186 = arith.constant 5 : i32
        %add3A_1187 = arith.addi %mul3A_114, %add3A_1186 : i32
        %get3A_1188 = arith.index_cast %add3A_1187 : i32 to index
        %get3A_1189 = arith.constant 16 : index
        %get3A_1190 = tpu.vector_load %arg9[%get3A_1188, %get3A_1189] {strides = array<i32>} : memref<112x256xf32, #tpu.memory_space<vmem>>, vector<1x16xf32>,
        %get3A_1191 = vector.shape_cast %get3A_1190 : vector<1x16xf32> to vector<16xf32>
        %add3A_1192 = arith.addf %get3A_1079, %get3A_43 : vector<16xf32>
        %add3A_1193 = arith.constant 5 : i32
        %add3A_1194 = arith.addi %mul3A_116, %add3A_1193 : i32
        %swap3A_1195 = arith.index_cast %add3A_1194 : i32 to index
        %swap3A_1196 = arith.constant 48 : index
        %swap3A_1197 = tpu.vector_load %arg11[%swap3A_1195, %swap3A_1196] {strides = array<i32>} : memref<112x224xf32, #tpu.memory_space<vmem>>, vector<1x16xf32>,
        %swap3A_1198 = vector.shape_cast %swap3A_1197 : vector<1x16xf32> to vector<16xf32>
        %swap3A_1199 = vector.shape_cast %add3A_1192 : vector<16xf32> to vector<1x16xf32>
        tpu.vector_store %arg11[%swap3A_1195, %swap3A_1196], %swap3A_1199 {strides = array<i32>} : memref<112x224xf32, #tpu.memory_space<vmem>>, vector<1x16xf32>,
        %add3A_1200 = arith.constant 5 : i32
        %add3A_1201 = arith.addi %mul3A_114, %add3A_1200 : i32
        %get3A_1202 = arith.index_cast %add3A_1201 : i32 to index
        %get3A_1203 = arith.constant 32 : index
        %get3A_1204 = tpu.vector_load %arg9[%get3A_1202, %get3A_1203] {strides = array<i32>} : memref<112x256xf32, #tpu.memory_space<vmem>>, vector<1x16xf32>,
        %get3A_1205 = vector.shape_cast %get3A_1204 : vector<1x16xf32> to vector<16xf32>
        %add3A_1206 = arith.addf %get3A_1093, %get3A_43 : vector<16xf32>
        %add3A_1207 = arith.constant 5 : i32
        %add3A_1208 = arith.addi %mul3A_116, %add3A_1207 : i32
        %swap3A_1209 = arith.index_cast %add3A_1208 : i32 to index
        %swap3A_1210 = arith.constant 64 : index
        %swap3A_1211 = tpu.vector_load %arg11[%swap3A_1209, %swap3A_1210] {strides = array<i32>} : memref<112x224xf32, #tpu.memory_space<vmem>>, vector<1x16xf32>,
        %swap3A_1212 = vector.shape_cast %swap3A_1211 : vector<1x16xf32> to vector<16xf32>
        %swap3A_1213 = vector.shape_cast %add3A_1206 : vector<16xf32> to vector<1x16xf32>
        tpu.vector_store %arg11[%swap3A_1209, %swap3A_1210], %swap3A_1213 {strides = array<i32>} : memref<112x224xf32, #tpu.memory_space<vmem>>, vector<1x16xf32>,
        %add3A_1214 = arith.constant 5 : i32
        %add3A_1215 = arith.addi %mul3A_114, %add3A_1214 : i32
        %get3A_1216 = arith.index_cast %add3A_1215 : i32 to index
        %get3A_1217 = arith.constant 48 : index
        %get3A_1218 = tpu.vector_load %arg9[%get3A_1216, %get3A_1217] {strides = array<i32>} : memref<112x256xf32, #tpu.memory_space<vmem>>, vector<1x16xf32>,
        %get3A_1219 = vector.shape_cast %get3A_1218 : vector<1x16xf32> to vector<16xf32>
        %add3A_1220 = arith.addf %get3A_1107, %get3A_43 : vector<16xf32>
        %add3A_1221 = arith.constant 5 : i32
        %add3A_1222 = arith.addi %mul3A_116, %add3A_1221 : i32
        %swap3A_1223 = arith.index_cast %add3A_1222 : i32 to index
        %swap3A_1224 = arith.constant 80 : index
        %swap3A_1225 = tpu.vector_load %arg11[%swap3A_1223, %swap3A_1224] {strides = array<i32>} : memref<112x224xf32, #tpu.memory_space<vmem>>, vector<1x16xf32>,
        %swap3A_1226 = vector.shape_cast %swap3A_1225 : vector<1x16xf32> to vector<16xf32>
        %swap3A_1227 = vector.shape_cast %add3A_1220 : vector<16xf32> to vector<1x16xf32>
        tpu.vector_store %arg11[%swap3A_1223, %swap3A_1224], %swap3A_1227 {strides = array<i32>} : memref<112x224xf32, #tpu.memory_space<vmem>>, vector<1x16xf32>,
        %add3A_1228 = arith.constant 5 : i32
        %add3A_1229 = arith.addi %mul3A_114, %add3A_1228 : i32
        %get3A_1230 = arith.index_cast %add3A_1229 : i32 to index
        %get3A_1231 = arith.constant 64 : index
        %get3A_1232 = tpu.vector_load %arg9[%get3A_1230, %get3A_1231] {strides = array<i32>} : memref<112x256xf32, #tpu.memory_space<vmem>>, vector<1x16xf32>,
        %get3A_1233 = vector.shape_cast %get3A_1232 : vector<1x16xf32> to vector<16xf32>
        %add3A_1234 = arith.addf %get3A_1121, %get3A_43 : vector<16xf32>
        %add3A_1235 = arith.constant 5 : i32
        %add3A_1236 = arith.addi %mul3A_116, %add3A_1235 : i32
        %swap3A_1237 = arith.index_cast %add3A_1236 : i32 to index
        %swap3A_1238 = arith.constant 96 : index
        %swap3A_1239 = tpu.vector_load %arg11[%swap3A_1237, %swap3A_1238] {strides = array<i32>} : memref<112x224xf32, #tpu.memory_space<vmem>>, vector<1x16xf32>,
        %swap3A_1240 = vector.shape_cast %swap3A_1239 : vector<1x16xf32> to vector<16xf32>
        %swap3A_1241 = vector.shape_cast %add3A_1234 : vector<16xf32> to vector<1x16xf32>
        tpu.vector_store %arg11[%swap3A_1237, %swap3A_1238], %swap3A_1241 {strides = array<i32>} : memref<112x224xf32, #tpu.memory_space<vmem>>, vector<1x16xf32>,
        %add3A_1242 = arith.constant 5 : i32
        %add3A_1243 = arith.addi %mul3A_114, %add3A_1242 : i32
        %get3A_1244 = arith.index_cast %add3A_1243 : i32 to index
        %get3A_1245 = arith.constant 80 : index
        %get3A_1246 = tpu.vector_load %arg9[%get3A_1244, %get3A_1245] {strides = array<i32>} : memref<112x256xf32, #tpu.memory_space<vmem>>, vector<1x16xf32>,
        %get3A_1247 = vector.shape_cast %get3A_1246 : vector<1x16xf32> to vector<16xf32>
        %add3A_1248 = arith.addf %get3A_1135, %get3A_43 : vector<16xf32>
        %add3A_1249 = arith.constant 5 : i32
        %add3A_1250 = arith.addi %mul3A_116, %add3A_1249 : i32
        %swap3A_1251 = arith.index_cast %add3A_1250 : i32 to index
        %swap3A_1252 = arith.constant 112 : index
        %swap3A_1253 = tpu.vector_load %arg11[%swap3A_1251, %swap3A_1252] {strides = array<i32>} : memref<112x224xf32, #tpu.memory_space<vmem>>, vector<1x16xf32>,
        %swap3A_1254 = vector.shape_cast %swap3A_1253 : vector<1x16xf32> to vector<16xf32>
        %swap3A_1255 = vector.shape_cast %add3A_1248 : vector<16xf32> to vector<1x16xf32>
        tpu.vector_store %arg11[%swap3A_1251, %swap3A_1252], %swap3A_1255 {strides = array<i32>} : memref<112x224xf32, #tpu.memory_space<vmem>>, vector<1x16xf32>,
        %add3A_1256 = arith.constant 5 : i32
        %add3A_1257 = arith.addi %mul3A_114, %add3A_1256 : i32
        %get3A_1258 = arith.index_cast %add3A_1257 : i32 to index
        %get3A_1259 = arith.constant 96 : index
        %get3A_1260 = tpu.vector_load %arg9[%get3A_1258, %get3A_1259] {strides = array<i32>} : memref<112x256xf32, #tpu.memory_space<vmem>>, vector<1x16xf32>,
        %get3A_1261 = vector.shape_cast %get3A_1260 : vector<1x16xf32> to vector<16xf32>
        %add3A_1262 = arith.addf %get3A_1149, %get3A_43 : vector<16xf32>
        %add3A_1263 = arith.constant 5 : i32
        %add3A_1264 = arith.addi %mul3A_116, %add3A_1263 : i32
        %swap3A_1265 = arith.index_cast %add3A_1264 : i32 to index
        %swap3A_1266 = arith.constant 128 : index
        %swap3A_1267 = tpu.vector_load %arg11[%swap3A_1265, %swap3A_1266] {strides = array<i32>} : memref<112x224xf32, #tpu.memory_space<vmem>>, vector<1x16xf32>,
        %swap3A_1268 = vector.shape_cast %swap3A_1267 : vector<1x16xf32> to vector<16xf32>
        %swap3A_1269 = vector.shape_cast %add3A_1262 : vector<16xf32> to vector<1x16xf32>
        tpu.vector_store %arg11[%swap3A_1265, %swap3A_1266], %swap3A_1269 {strides = array<i32>} : memref<112x224xf32, #tpu.memory_space<vmem>>, vector<1x16xf32>,
        %add3A_1270 = arith.constant 5 : i32
        %add3A_1271 = arith.addi %mul3A_114, %add3A_1270 : i32
        %get3A_1272 = arith.index_cast %add3A_1271 : i32 to index
        %get3A_1273 = arith.constant 112 : index
        %get3A_1274 = tpu.vector_load %arg9[%get3A_1272, %get3A_1273] {strides = array<i32>} : memref<112x256xf32, #tpu.memory_space<vmem>>, vector<1x16xf32>,
        %get3A_1275 = vector.shape_cast %get3A_1274 : vector<1x16xf32> to vector<16xf32>
        %add3A_1276 = arith.addf %get3A_1163, %get3A_43 : vector<16xf32>
        %add3A_1277 = arith.constant 5 : i32
        %add3A_1278 = arith.addi %mul3A_116, %add3A_1277 : i32
        %swap3A_1279 = arith.index_cast %add3A_1278 : i32 to index
        %swap3A_1280 = arith.constant 144 : index
        %swap3A_1281 = tpu.vector_load %arg11[%swap3A_1279, %swap3A_1280] {strides = array<i32>} : memref<112x224xf32, #tpu.memory_space<vmem>>, vector<1x16xf32>,
        %swap3A_1282 = vector.shape_cast %swap3A_1281 : vector<1x16xf32> to vector<16xf32>
        %swap3A_1283 = vector.shape_cast %add3A_1276 : vector<16xf32> to vector<1x16xf32>
        tpu.vector_store %arg11[%swap3A_1279, %swap3A_1280], %swap3A_1283 {strides = array<i32>} : memref<112x224xf32, #tpu.memory_space<vmem>>, vector<1x16xf32>,
        %add3A_1284 = arith.constant 5 : i32
        %add3A_1285 = arith.addi %mul3A_114, %add3A_1284 : i32
        %get3A_1286 = arith.index_cast %add3A_1285 : i32 to index
        %get3A_1287 = arith.constant 128 : index
        %get3A_1288 = tpu.vector_load %arg9[%get3A_1286, %get3A_1287] {strides = array<i32>} : memref<112x256xf32, #tpu.memory_space<vmem>>, vector<1x16xf32>,
        %get3A_1289 = vector.shape_cast %get3A_1288 : vector<1x16xf32> to vector<16xf32>
        %add3A_1290 = arith.addf %get3A_1177, %get3A_43 : vector<16xf32>
        %add3A_1291 = arith.constant 5 : i32
        %add3A_1292 = arith.addi %mul3A_116, %add3A_1291 : i32
        %swap3A_1293 = arith.index_cast %add3A_1292 : i32 to index
        %swap3A_1294 = arith.constant 160 : index
        %swap3A_1295 = tpu.vector_load %arg11[%swap3A_1293, %swap3A_1294] {strides = array<i32>} : memref<112x224xf32, #tpu.memory_space<vmem>>, vector<1x16xf32>,
        %swap3A_1296 = vector.shape_cast %swap3A_1295 : vector<1x16xf32> to vector<16xf32>
        %swap3A_1297 = vector.shape_cast %add3A_1290 : vector<16xf32> to vector<1x16xf32>
        tpu.vector_store %arg11[%swap3A_1293, %swap3A_1294], %swap3A_1297 {strides = array<i32>} : memref<112x224xf32, #tpu.memory_space<vmem>>, vector<1x16xf32>,
        %add3A_1298 = arith.constant 5 : i32
        %add3A_1299 = arith.addi %mul3A_114, %add3A_1298 : i32
        %get3A_1300 = arith.index_cast %add3A_1299 : i32 to index
        %get3A_1301 = arith.constant 144 : index
        %get3A_1302 = tpu.vector_load %arg9[%get3A_1300, %get3A_1301] {strides = array<i32>} : memref<112x256xf32, #tpu.memory_space<vmem>>, vector<1x16xf32>,
        %get3A_1303 = vector.shape_cast %get3A_1302 : vector<1x16xf32> to vector<16xf32>
        %add3A_1304 = arith.addf %get3A_1191, %get3A_43 : vector<16xf32>
        %add3A_1305 = arith.constant 5 : i32
        %add3A_1306 = arith.addi %mul3A_116, %add3A_1305 : i32
        %swap3A_1307 = arith.index_cast %add3A_1306 : i32 to index
        %swap3A_1308 = arith.constant 176 : index
        %swap3A_1309 = tpu.vector_load %arg11[%swap3A_1307, %swap3A_1308] {strides = array<i32>} : memref<112x224xf32, #tpu.memory_space<vmem>>, vector<1x16xf32>,
        %swap3A_1310 = vector.shape_cast %swap3A_1309 : vector<1x16xf32> to vector<16xf32>
        %swap3A_1311 = vector.shape_cast %add3A_1304 : vector<16xf32> to vector<1x16xf32>
        tpu.vector_store %arg11[%swap3A_1307, %swap3A_1308], %swap3A_1311 {strides = array<i32>} : memref<112x224xf32, #tpu.memory_space<vmem>>, vector<1x16xf32>,
        %add3A_1312 = arith.constant 5 : i32
        %add3A_1313 = arith.addi %mul3A_114, %add3A_1312 : i32
        %get3A_1314 = arith.index_cast %add3A_1313 : i32 to index
        %get3A_1315 = arith.constant 160 : index
        %get3A_1316 = tpu.vector_load %arg9[%get3A_1314, %get3A_1315] {strides = array<i32>} : memref<112x256xf32, #tpu.memory_space<vmem>>, vector<1x16xf32>,
        %get3A_1317 = vector.shape_cast %get3A_1316 : vector<1x16xf32> to vector<16xf32>
        %add3A_1318 = arith.addf %get3A_1205, %get3A_43 : vector<16xf32>
        %add3A_1319 = arith.constant 5 : i32
        %add3A_1320 = arith.addi %mul3A_116, %add3A_1319 : i32
        %swap3A_1321 = arith.index_cast %add3A_1320 : i32 to index
        %swap3A_1322 = arith.constant 192 : index
        %swap3A_1323 = tpu.vector_load %arg11[%swap3A_1321, %swap3A_1322] {strides = array<i32>} : memref<112x224xf32, #tpu.memory_space<vmem>>, vector<1x16xf32>,
        %swap3A_1324 = vector.shape_cast %swap3A_1323 : vector<1x16xf32> to vector<16xf32>
        %swap3A_1325 = vector.shape_cast %add3A_1318 : vector<16xf32> to vector<1x16xf32>
        tpu.vector_store %arg11[%swap3A_1321, %swap3A_1322], %swap3A_1325 {strides = array<i32>} : memref<112x224xf32, #tpu.memory_space<vmem>>, vector<1x16xf32>,
        %add3A_1326 = arith.constant 5 : i32
        %add3A_1327 = arith.addi %mul3A_114, %add3A_1326 : i32
        %get3A_1328 = arith.index_cast %add3A_1327 : i32 to index
        %get3A_1329 = arith.constant 176 : index
        %get3A_1330 = tpu.vector_load %arg9[%get3A_1328, %get3A_1329] {strides = array<i32>} : memref<112x256xf32, #tpu.memory_space<vmem>>, vector<1x16xf32>,
        %get3A_1331 = vector.shape_cast %get3A_1330 : vector<1x16xf32> to vector<16xf32>
        %add3A_1332 = arith.addf %get3A_1219, %get3A_43 : vector<16xf32>
        %add3A_1333 = arith.constant 5 : i32
        %add3A_1334 = arith.addi %mul3A_116, %add3A_1333 : i32
        %swap3A_1335 = arith.index_cast %add3A_1334 : i32 to index
        %swap3A_1336 = arith.constant 208 : index
        %swap3A_1337 = tpu.vector_load %arg11[%swap3A_1335, %swap3A_1336] {strides = array<i32>} : memref<112x224xf32, #tpu.memory_space<vmem>>, vector<1x16xf32>,
        %swap3A_1338 = vector.shape_cast %swap3A_1337 : vector<1x16xf32> to vector<16xf32>
        %swap3A_1339 = vector.shape_cast %add3A_1332 : vector<16xf32> to vector<1x16xf32>
        tpu.vector_store %arg11[%swap3A_1335, %swap3A_1336], %swap3A_1339 {strides = array<i32>} : memref<112x224xf32, #tpu.memory_space<vmem>>, vector<1x16xf32>,
        %add3A_1340 = arith.constant 5 : i32
        %add3A_1341 = arith.addi %mul3A_114, %add3A_1340 : i32
        %get3A_1342 = arith.index_cast %add3A_1341 : i32 to index
        %get3A_1343 = arith.constant 192 : index
        %get3A_1344 = tpu.vector_load %arg9[%get3A_1342, %get3A_1343] {strides = array<i32>} : memref<112x256xf32, #tpu.memory_space<vmem>>, vector<1x16xf32>,
        %get3A_1345 = vector.shape_cast %get3A_1344 : vector<1x16xf32> to vector<16xf32>
        %add3A_1346 = arith.addf %get3A_1233, %get3A_43 : vector<16xf32>
        %add3A_1347 = arith.constant 6 : i32
        %add3A_1348 = arith.addi %mul3A_116, %add3A_1347 : i32
        %swap3A_1349 = arith.index_cast %add3A_1348 : i32 to index
        %swap3A_1350 = arith.constant 0 : index
        %swap3A_1351 = tpu.vector_load %arg11[%swap3A_1349, %swap3A_1350] {strides = array<i32>} : memref<112x224xf32, #tpu.memory_space<vmem>>, vector<1x16xf32>,
        %swap3A_1352 = vector.shape_cast %swap3A_1351 : vector<1x16xf32> to vector<16xf32>
        %swap3A_1353 = vector.shape_cast %add3A_1346 : vector<16xf32> to vector<1x16xf32>
        tpu.vector_store %arg11[%swap3A_1349, %swap3A_1350], %swap3A_1353 {strides = array<i32>} : memref<112x224xf32, #tpu.memory_space<vmem>>, vector<1x16xf32>,
        %add3A_1354 = arith.constant 5 : i32
        %add3A_1355 = arith.addi %mul3A_114, %add3A_1354 : i32
        %get3A_1356 = arith.index_cast %add3A_1355 : i32 to index
        %get3A_1357 = arith.constant 208 : index
        %get3A_1358 = tpu.vector_load %arg9[%get3A_1356, %get3A_1357] {strides = array<i32>} : memref<112x256xf32, #tpu.memory_space<vmem>>, vector<1x16xf32>,
        %get3A_1359 = vector.shape_cast %get3A_1358 : vector<1x16xf32> to vector<16xf32>
        %add3A_1360 = arith.addf %get3A_1247, %get3A_43 : vector<16xf32>
        %add3A_1361 = arith.constant 6 : i32
        %add3A_1362 = arith.addi %mul3A_116, %add3A_1361 : i32
        %swap3A_1363 = arith.index_cast %add3A_1362 : i32 to index
        %swap3A_1364 = arith.constant 16 : index
        %swap3A_1365 = tpu.vector_load %arg11[%swap3A_1363, %swap3A_1364] {strides = array<i32>} : memref<112x224xf32, #tpu.memory_space<vmem>>, vector<1x16xf32>,
        %swap3A_1366 = vector.shape_cast %swap3A_1365 : vector<1x16xf32> to vector<16xf32>
        %swap3A_1367 = vector.shape_cast %add3A_1360 : vector<16xf32> to vector<1x16xf32>
        tpu.vector_store %arg11[%swap3A_1363, %swap3A_1364], %swap3A_1367 {strides = array<i32>} : memref<112x224xf32, #tpu.memory_space<vmem>>, vector<1x16xf32>,
        %add3A_1368 = arith.constant 5 : i32
        %add3A_1369 = arith.addi %mul3A_114, %add3A_1368 : i32
        %get3A_1370 = arith.index_cast %add3A_1369 : i32 to index
        %get3A_1371 = arith.constant 224 : index
        %get3A_1372 = tpu.vector_load %arg9[%get3A_1370, %get3A_1371] {strides = array<i32>} : memref<112x256xf32, #tpu.memory_space<vmem>>, vector<1x16xf32>,
        %get3A_1373 = vector.shape_cast %get3A_1372 : vector<1x16xf32> to vector<16xf32>
        %add3A_1374 = arith.addf %get3A_1261, %get3A_43 : vector<16xf32>
        %add3A_1375 = arith.constant 6 : i32
        %add3A_1376 = arith.addi %mul3A_116, %add3A_1375 : i32
        %swap3A_1377 = arith.index_cast %add3A_1376 : i32 to index
        %swap3A_1378 = arith.constant 32 : index
        %swap3A_1379 = tpu.vector_load %arg11[%swap3A_1377, %swap3A_1378] {strides = array<i32>} : memref<112x224xf32, #tpu.memory_space<vmem>>, vector<1x16xf32>,
        %swap3A_1380 = vector.shape_cast %swap3A_1379 : vector<1x16xf32> to vector<16xf32>
        %swap3A_1381 = vector.shape_cast %add3A_1374 : vector<16xf32> to vector<1x16xf32>
        tpu.vector_store %arg11[%swap3A_1377, %swap3A_1378], %swap3A_1381 {strides = array<i32>} : memref<112x224xf32, #tpu.memory_space<vmem>>, vector<1x16xf32>,
        %add3A_1382 = arith.constant 5 : i32
        %add3A_1383 = arith.addi %mul3A_114, %add3A_1382 : i32
        %get3A_1384 = arith.index_cast %add3A_1383 : i32 to index
        %get3A_1385 = arith.constant 240 : index
        %get3A_1386 = tpu.vector_load %arg9[%get3A_1384, %get3A_1385] {strides = array<i32>} : memref<112x256xf32, #tpu.memory_space<vmem>>, vector<1x16xf32>,
        %get3A_1387 = vector.shape_cast %get3A_1386 : vector<1x16xf32> to vector<16xf32>
        %add3A_1388 = arith.addf %get3A_1275, %get3A_43 : vector<16xf32>
        %add3A_1389 = arith.constant 6 : i32
        %add3A_1390 = arith.addi %mul3A_116, %add3A_1389 : i32
        %swap3A_1391 = arith.index_cast %add3A_1390 : i32 to index
        %swap3A_1392 = arith.constant 48 : index
        %swap3A_1393 = tpu.vector_load %arg11[%swap3A_1391, %swap3A_1392] {strides = array<i32>} : memref<112x224xf32, #tpu.memory_space<vmem>>, vector<1x16xf32>,
        %swap3A_1394 = vector.shape_cast %swap3A_1393 : vector<1x16xf32> to vector<16xf32>
        %swap3A_1395 = vector.shape_cast %add3A_1388 : vector<16xf32> to vector<1x16xf32>
        tpu.vector_store %arg11[%swap3A_1391, %swap3A_1392], %swap3A_1395 {strides = array<i32>} : memref<112x224xf32, #tpu.memory_space<vmem>>, vector<1x16xf32>,
        %add3A_1396 = arith.constant 6 : i32
        %add3A_1397 = arith.addi %mul3A_114, %add3A_1396 : i32
        %get3A_1398 = arith.index_cast %add3A_1397 : i32 to index
        %get3A_1399 = arith.constant 0 : index
        %get3A_1400 = tpu.vector_load %arg9[%get3A_1398, %get3A_1399] {strides = array<i32>} : memref<112x256xf32, #tpu.memory_space<vmem>>, vector<1x16xf32>,
        %get3A_1401 = vector.shape_cast %get3A_1400 : vector<1x16xf32> to vector<16xf32>
        %add3A_1402 = arith.addf %get3A_1289, %get3A_43 : vector<16xf32>
        %add3A_1403 = arith.constant 6 : i32
        %add3A_1404 = arith.addi %mul3A_116, %add3A_1403 : i32
        %swap3A_1405 = arith.index_cast %add3A_1404 : i32 to index
        %swap3A_1406 = arith.constant 64 : index
        %swap3A_1407 = tpu.vector_load %arg11[%swap3A_1405, %swap3A_1406] {strides = array<i32>} : memref<112x224xf32, #tpu.memory_space<vmem>>, vector<1x16xf32>,
        %swap3A_1408 = vector.shape_cast %swap3A_1407 : vector<1x16xf32> to vector<16xf32>
        %swap3A_1409 = vector.shape_cast %add3A_1402 : vector<16xf32> to vector<1x16xf32>
        tpu.vector_store %arg11[%swap3A_1405, %swap3A_1406], %swap3A_1409 {strides = array<i32>} : memref<112x224xf32, #tpu.memory_space<vmem>>, vector<1x16xf32>,
        %add3A_1410 = arith.constant 6 : i32
        %add3A_1411 = arith.addi %mul3A_114, %add3A_1410 : i32
        %get3A_1412 = arith.index_cast %add3A_1411 : i32 to index
        %get3A_1413 = arith.constant 16 : index
        %get3A_1414 = tpu.vector_load %arg9[%get3A_1412, %get3A_1413] {strides = array<i32>} : memref<112x256xf32, #tpu.memory_space<vmem>>, vector<1x16xf32>,
        %get3A_1415 = vector.shape_cast %get3A_1414 : vector<1x16xf32> to vector<16xf32>
        %add3A_1416 = arith.addf %get3A_1303, %get3A_43 : vector<16xf32>
        %add3A_1417 = arith.constant 6 : i32
        %add3A_1418 = arith.addi %mul3A_116, %add3A_1417 : i32
        %swap3A_1419 = arith.index_cast %add3A_1418 : i32 to index
        %swap3A_1420 = arith.constant 80 : index
        %swap3A_1421 = tpu.vector_load %arg11[%swap3A_1419, %swap3A_1420] {strides = array<i32>} : memref<112x224xf32, #tpu.memory_space<vmem>>, vector<1x16xf32>,
        %swap3A_1422 = vector.shape_cast %swap3A_1421 : vector<1x16xf32> to vector<16xf32>
        %swap3A_1423 = vector.shape_cast %add3A_1416 : vector<16xf32> to vector<1x16xf32>
        tpu.vector_store %arg11[%swap3A_1419, %swap3A_1420], %swap3A_1423 {strides = array<i32>} : memref<112x224xf32, #tpu.memory_space<vmem>>, vector<1x16xf32>,
        %add3A_1424 = arith.constant 6 : i32
        %add3A_1425 = arith.addi %mul3A_114, %add3A_1424 : i32
        %get3A_1426 = arith.index_cast %add3A_1425 : i32 to index
        %get3A_1427 = arith.constant 32 : index
        %get3A_1428 = tpu.vector_load %arg9[%get3A_1426, %get3A_1427] {strides = array<i32>} : memref<112x256xf32, #tpu.memory_space<vmem>>, vector<1x16xf32>,
        %get3A_1429 = vector.shape_cast %get3A_1428 : vector<1x16xf32> to vector<16xf32>
        %add3A_1430 = arith.addf %get3A_1317, %get3A_43 : vector<16xf32>
        %add3A_1431 = arith.constant 6 : i32
        %add3A_1432 = arith.addi %mul3A_116, %add3A_1431 : i32
        %swap3A_1433 = arith.index_cast %add3A_1432 : i32 to index
        %swap3A_1434 = arith.constant 96 : index
        %swap3A_1435 = tpu.vector_load %arg11[%swap3A_1433, %swap3A_1434] {strides = array<i32>} : memref<112x224xf32, #tpu.memory_space<vmem>>, vector<1x16xf32>,
        %swap3A_1436 = vector.shape_cast %swap3A_1435 : vector<1x16xf32> to vector<16xf32>
        %swap3A_1437 = vector.shape_cast %add3A_1430 : vector<16xf32> to vector<1x16xf32>
        tpu.vector_store %arg11[%swap3A_1433, %swap3A_1434], %swap3A_1437 {strides = array<i32>} : memref<112x224xf32, #tpu.memory_space<vmem>>, vector<1x16xf32>,
        %add3A_1438 = arith.constant 6 : i32
        %add3A_1439 = arith.addi %mul3A_114, %add3A_1438 : i32
        %get3A_1440 = arith.index_cast %add3A_1439 : i32 to index
        %get3A_1441 = arith.constant 48 : index
        %get3A_1442 = tpu.vector_load %arg9[%get3A_1440, %get3A_1441] {strides = array<i32>} : memref<112x256xf32, #tpu.memory_space<vmem>>, vector<1x16xf32>,
        %get3A_1443 = vector.shape_cast %get3A_1442 : vector<1x16xf32> to vector<16xf32>
        %add3A_1444 = arith.addf %get3A_1331, %get3A_43 : vector<16xf32>
        %add3A_1445 = arith.constant 6 : i32
        %add3A_1446 = arith.addi %mul3A_116, %add3A_1445 : i32
        %swap3A_1447 = arith.index_cast %add3A_1446 : i32 to index
        %swap3A_1448 = arith.constant 112 : index
        %swap3A_1449 = tpu.vector_load %arg11[%swap3A_1447, %swap3A_1448] {strides = array<i32>} : memref<112x224xf32, #tpu.memory_space<vmem>>, vector<1x16xf32>,
        %swap3A_1450 = vector.shape_cast %swap3A_1449 : vector<1x16xf32> to vector<16xf32>
        %swap3A_1451 = vector.shape_cast %add3A_1444 : vector<16xf32> to vector<1x16xf32>
        tpu.vector_store %arg11[%swap3A_1447, %swap3A_1448], %swap3A_1451 {strides = array<i32>} : memref<112x224xf32, #tpu.memory_space<vmem>>, vector<1x16xf32>,
        %add3A_1452 = arith.constant 6 : i32
        %add3A_1453 = arith.addi %mul3A_114, %add3A_1452 : i32
        %get3A_1454 = arith.index_cast %add3A_1453 : i32 to index
        %get3A_1455 = arith.constant 64 : index
        %get3A_1456 = tpu.vector_load %arg9[%get3A_1454, %get3A_1455] {strides = array<i32>} : memref<112x256xf32, #tpu.memory_space<vmem>>, vector<1x16xf32>,
        %get3A_1457 = vector.shape_cast %get3A_1456 : vector<1x16xf32> to vector<16xf32>
        %add3A_1458 = arith.addf %get3A_1345, %get3A_43 : vector<16xf32>
        %add3A_1459 = arith.constant 6 : i32
        %add3A_1460 = arith.addi %mul3A_116, %add3A_1459 : i32
        %swap3A_1461 = arith.index_cast %add3A_1460 : i32 to index
        %swap3A_1462 = arith.constant 128 : index
        %swap3A_1463 = tpu.vector_load %arg11[%swap3A_1461, %swap3A_1462] {strides = array<i32>} : memref<112x224xf32, #tpu.memory_space<vmem>>, vector<1x16xf32>,
        %swap3A_1464 = vector.shape_cast %swap3A_1463 : vector<1x16xf32> to vector<16xf32>
        %swap3A_1465 = vector.shape_cast %add3A_1458 : vector<16xf32> to vector<1x16xf32>
        tpu.vector_store %arg11[%swap3A_1461, %swap3A_1462], %swap3A_1465 {strides = array<i32>} : memref<112x224xf32, #tpu.memory_space<vmem>>, vector<1x16xf32>,
        %add3A_1466 = arith.constant 6 : i32
        %add3A_1467 = arith.addi %mul3A_114, %add3A_1466 : i32
        %get3A_1468 = arith.index_cast %add3A_1467 : i32 to index
        %get3A_1469 = arith.constant 80 : index
        %get3A_1470 = tpu.vector_load %arg9[%get3A_1468, %get3A_1469] {strides = array<i32>} : memref<112x256xf32, #tpu.memory_space<vmem>>, vector<1x16xf32>,
        %get3A_1471 = vector.shape_cast %get3A_1470 : vector<1x16xf32> to vector<16xf32>
        %add3A_1472 = arith.addf %get3A_1359, %get3A_43 : vector<16xf32>
        %add3A_1473 = arith.constant 6 : i32
        %add3A_1474 = arith.addi %mul3A_116, %add3A_1473 : i32
        %swap3A_1475 = arith.index_cast %add3A_1474 : i32 to index
        %swap3A_1476 = arith.constant 144 : index
        %swap3A_1477 = tpu.vector_load %arg11[%swap3A_1475, %swap3A_1476] {strides = array<i32>} : memref<112x224xf32, #tpu.memory_space<vmem>>, vector<1x16xf32>,
        %swap3A_1478 = vector.shape_cast %swap3A_1477 : vector<1x16xf32> to vector<16xf32>
        %swap3A_1479 = vector.shape_cast %add3A_1472 : vector<16xf32> to vector<1x16xf32>
        tpu.vector_store %arg11[%swap3A_1475, %swap3A_1476], %swap3A_1479 {strides = array<i32>} : memref<112x224xf32, #tpu.memory_space<vmem>>, vector<1x16xf32>,
        %add3A_1480 = arith.constant 6 : i32
        %add3A_1481 = arith.addi %mul3A_114, %add3A_1480 : i32
        %get3A_1482 = arith.index_cast %add3A_1481 : i32 to index
        %get3A_1483 = arith.constant 96 : index
        %get3A_1484 = tpu.vector_load %arg9[%get3A_1482, %get3A_1483] {strides = array<i32>} : memref<112x256xf32, #tpu.memory_space<vmem>>, vector<1x16xf32>,
        %get3A_1485 = vector.shape_cast %get3A_1484 : vector<1x16xf32> to vector<16xf32>
        %add3A_1486 = arith.addf %get3A_1373, %get3A_43 : vector<16xf32>
        %add3A_1487 = arith.constant 6 : i32
        %add3A_1488 = arith.addi %mul3A_116, %add3A_1487 : i32
        %swap3A_1489 = arith.index_cast %add3A_1488 : i32 to index
        %swap3A_1490 = arith.constant 160 : index
        %swap3A_1491 = tpu.vector_load %arg11[%swap3A_1489, %swap3A_1490] {strides = array<i32>} : memref<112x224xf32, #tpu.memory_space<vmem>>, vector<1x16xf32>,
        %swap3A_1492 = vector.shape_cast %swap3A_1491 : vector<1x16xf32> to vector<16xf32>
        %swap3A_1493 = vector.shape_cast %add3A_1486 : vector<16xf32> to vector<1x16xf32>
        tpu.vector_store %arg11[%swap3A_1489, %swap3A_1490], %swap3A_1493 {strides = array<i32>} : memref<112x224xf32, #tpu.memory_space<vmem>>, vector<1x16xf32>,
        %add3A_1494 = arith.constant 6 : i32
        %add3A_1495 = arith.addi %mul3A_114, %add3A_1494 : i32
        %get3A_1496 = arith.index_cast %add3A_1495 : i32 to index
        %get3A_1497 = arith.constant 112 : index
        %get3A_1498 = tpu.vector_load %arg9[%get3A_1496, %get3A_1497] {strides = array<i32>} : memref<112x256xf32, #tpu.memory_space<vmem>>, vector<1x16xf32>,
        %get3A_1499 = vector.shape_cast %get3A_1498 : vector<1x16xf32> to vector<16xf32>
        %add3A_1500 = arith.addf %get3A_1387, %get3A_43 : vector<16xf32>
        %add3A_1501 = arith.constant 6 : i32
        %add3A_1502 = arith.addi %mul3A_116, %add3A_1501 : i32
        %swap3A_1503 = arith.index_cast %add3A_1502 : i32 to index
        %swap3A_1504 = arith.constant 176 : index
        %swap3A_1505 = tpu.vector_load %arg11[%swap3A_1503, %swap3A_1504] {strides = array<i32>} : memref<112x224xf32, #tpu.memory_space<vmem>>, vector<1x16xf32>,
        %swap3A_1506 = vector.shape_cast %swap3A_1505 : vector<1x16xf32> to vector<16xf32>
        %swap3A_1507 = vector.shape_cast %add3A_1500 : vector<16xf32> to vector<1x16xf32>
        tpu.vector_store %arg11[%swap3A_1503, %swap3A_1504], %swap3A_1507 {strides = array<i32>} : memref<112x224xf32, #tpu.memory_space<vmem>>, vector<1x16xf32>,
        %add3A_1508 = arith.constant 6 : i32
        %add3A_1509 = arith.addi %mul3A_114, %add3A_1508 : i32
        %get3A_1510 = arith.index_cast %add3A_1509 : i32 to index
        %get3A_1511 = arith.constant 128 : index
        %get3A_1512 = tpu.vector_load %arg9[%get3A_1510, %get3A_1511] {strides = array<i32>} : memref<112x256xf32, #tpu.memory_space<vmem>>, vector<1x16xf32>,
        %get3A_1513 = vector.shape_cast %get3A_1512 : vector<1x16xf32> to vector<16xf32>
        %add3A_1514 = arith.addf %get3A_1401, %get3A_43 : vector<16xf32>
        %add3A_1515 = arith.constant 6 : i32
        %add3A_1516 = arith.addi %mul3A_116, %add3A_1515 : i32
        %swap3A_1517 = arith.index_cast %add3A_1516 : i32 to index
        %swap3A_1518 = arith.constant 192 : index
        %swap3A_1519 = tpu.vector_load %arg11[%swap3A_1517, %swap3A_1518] {strides = array<i32>} : memref<112x224xf32, #tpu.memory_space<vmem>>, vector<1x16xf32>,
        %swap3A_1520 = vector.shape_cast %swap3A_1519 : vector<1x16xf32> to vector<16xf32>
        %swap3A_1521 = vector.shape_cast %add3A_1514 : vector<16xf32> to vector<1x16xf32>
        tpu.vector_store %arg11[%swap3A_1517, %swap3A_1518], %swap3A_1521 {strides = array<i32>} : memref<112x224xf32, #tpu.memory_space<vmem>>, vector<1x16xf32>,
        %add3A_1522 = arith.constant 6 : i32
        %add3A_1523 = arith.addi %mul3A_114, %add3A_1522 : i32
        %get3A_1524 = arith.index_cast %add3A_1523 : i32 to index
        %get3A_1525 = arith.constant 144 : index
        %get3A_1526 = tpu.vector_load %arg9[%get3A_1524, %get3A_1525] {strides = array<i32>} : memref<112x256xf32, #tpu.memory_space<vmem>>, vector<1x16xf32>,
        %get3A_1527 = vector.shape_cast %get3A_1526 : vector<1x16xf32> to vector<16xf32>
        %add3A_1528 = arith.addf %get3A_1415, %get3A_43 : vector<16xf32>
        %add3A_1529 = arith.constant 6 : i32
        %add3A_1530 = arith.addi %mul3A_116, %add3A_1529 : i32
        %swap3A_1531 = arith.index_cast %add3A_1530 : i32 to index
        %swap3A_1532 = arith.constant 208 : index
        %swap3A_1533 = tpu.vector_load %arg11[%swap3A_1531, %swap3A_1532] {strides = array<i32>} : memref<112x224xf32, #tpu.memory_space<vmem>>, vector<1x16xf32>,
        %swap3A_1534 = vector.shape_cast %swap3A_1533 : vector<1x16xf32> to vector<16xf32>
        %swap3A_1535 = vector.shape_cast %add3A_1528 : vector<16xf32> to vector<1x16xf32>
        tpu.vector_store %arg11[%swap3A_1531, %swap3A_1532], %swap3A_1535 {strides = array<i32>} : memref<112x224xf32, #tpu.memory_space<vmem>>, vector<1x16xf32>,
        %add3A_1536 = arith.constant 6 : i32
        %add3A_1537 = arith.addi %mul3A_114, %add3A_1536 : i32
        %get3A_1538 = arith.index_cast %add3A_1537 : i32 to index
        %get3A_1539 = arith.constant 160 : index
        %get3A_1540 = tpu.vector_load %arg9[%get3A_1538, %get3A_1539] {strides = array<i32>} : memref<112x256xf32, #tpu.memory_space<vmem>>, vector<1x16xf32>,
        %get3A_1541 = vector.shape_cast %get3A_1540 : vector<1x16xf32> to vector<16xf32>
        %add3A_1542 = arith.addf %get3A_1429, %get3A_43 : vector<16xf32>
        %add3A_1543 = arith.constant 7 : i32
        %add3A_1544 = arith.addi %mul3A_116, %add3A_1543 : i32
        %swap3A_1545 = arith.index_cast %add3A_1544 : i32 to index
        %swap3A_1546 = arith.constant 0 : index
        %swap3A_1547 = tpu.vector_load %arg11[%swap3A_1545, %swap3A_1546] {strides = array<i32>} : memref<112x224xf32, #tpu.memory_space<vmem>>, vector<1x16xf32>,
        %swap3A_1548 = vector.shape_cast %swap3A_1547 : vector<1x16xf32> to vector<16xf32>
        %swap3A_1549 = vector.shape_cast %add3A_1542 : vector<16xf32> to vector<1x16xf32>
        tpu.vector_store %arg11[%swap3A_1545, %swap3A_1546], %swap3A_1549 {strides = array<i32>} : memref<112x224xf32, #tpu.memory_space<vmem>>, vector<1x16xf32>,
        %add3A_1550 = arith.constant 6 : i32
        %add3A_1551 = arith.addi %mul3A_114, %add3A_1550 : i32
        %get3A_1552 = arith.index_cast %add3A_1551 : i32 to index
        %get3A_1553 = arith.constant 176 : index
        %get3A_1554 = tpu.vector_load %arg9[%get3A_1552, %get3A_1553] {strides = array<i32>} : memref<112x256xf32, #tpu.memory_space<vmem>>, vector<1x16xf32>,
        %get3A_1555 = vector.shape_cast %get3A_1554 : vector<1x16xf32> to vector<16xf32>
        %add3A_1556 = arith.addf %get3A_1443, %get3A_43 : vector<16xf32>
        %add3A_1557 = arith.constant 7 : i32
        %add3A_1558 = arith.addi %mul3A_116, %add3A_1557 : i32
        %swap3A_1559 = arith.index_cast %add3A_1558 : i32 to index
        %swap3A_1560 = arith.constant 16 : index
        %swap3A_1561 = tpu.vector_load %arg11[%swap3A_1559, %swap3A_1560] {strides = array<i32>} : memref<112x224xf32, #tpu.memory_space<vmem>>, vector<1x16xf32>,
        %swap3A_1562 = vector.shape_cast %swap3A_1561 : vector<1x16xf32> to vector<16xf32>
        %swap3A_1563 = vector.shape_cast %add3A_1556 : vector<16xf32> to vector<1x16xf32>
        tpu.vector_store %arg11[%swap3A_1559, %swap3A_1560], %swap3A_1563 {strides = array<i32>} : memref<112x224xf32, #tpu.memory_space<vmem>>, vector<1x16xf32>,
        %add3A_1564 = arith.constant 6 : i32
        %add3A_1565 = arith.addi %mul3A_114, %add3A_1564 : i32
        %get3A_1566 = arith.index_cast %add3A_1565 : i32 to index
        %get3A_1567 = arith.constant 192 : index
        %get3A_1568 = tpu.vector_load %arg9[%get3A_1566, %get3A_1567] {strides = array<i32>} : memref<112x256xf32, #tpu.memory_space<vmem>>, vector<1x16xf32>,
        %get3A_1569 = vector.shape_cast %get3A_1568 : vector<1x16xf32> to vector<16xf32>
        %add3A_1570 = arith.addf %get3A_1457, %get3A_43 : vector<16xf32>
        %add3A_1571 = arith.constant 7 : i32
        %add3A_1572 = arith.addi %mul3A_116, %add3A_1571 : i32
        %swap3A_1573 = arith.index_cast %add3A_1572 : i32 to index
        %swap3A_1574 = arith.constant 32 : index
        %swap3A_1575 = tpu.vector_load %arg11[%swap3A_1573, %swap3A_1574] {strides = array<i32>} : memref<112x224xf32, #tpu.memory_space<vmem>>, vector<1x16xf32>,
        %swap3A_1576 = vector.shape_cast %swap3A_1575 : vector<1x16xf32> to vector<16xf32>
        %swap3A_1577 = vector.shape_cast %add3A_1570 : vector<16xf32> to vector<1x16xf32>
        tpu.vector_store %arg11[%swap3A_1573, %swap3A_1574], %swap3A_1577 {strides = array<i32>} : memref<112x224xf32, #tpu.memory_space<vmem>>, vector<1x16xf32>,
        %add3A_1578 = arith.constant 6 : i32
        %add3A_1579 = arith.addi %mul3A_114, %add3A_1578 : i32
        %get3A_1580 = arith.index_cast %add3A_1579 : i32 to index
        %get3A_1581 = arith.constant 208 : index
        %get3A_1582 = tpu.vector_load %arg9[%get3A_1580, %get3A_1581] {strides = array<i32>} : memref<112x256xf32, #tpu.memory_space<vmem>>, vector<1x16xf32>,
        %get3A_1583 = vector.shape_cast %get3A_1582 : vector<1x16xf32> to vector<16xf32>
        %add3A_1584 = arith.addf %get3A_1471, %get3A_43 : vector<16xf32>
        %add3A_1585 = arith.constant 7 : i32
        %add3A_1586 = arith.addi %mul3A_116, %add3A_1585 : i32
        %swap3A_1587 = arith.index_cast %add3A_1586 : i32 to index
        %swap3A_1588 = arith.constant 48 : index
        %swap3A_1589 = tpu.vector_load %arg11[%swap3A_1587, %swap3A_1588] {strides = array<i32>} : memref<112x224xf32, #tpu.memory_space<vmem>>, vector<1x16xf32>,
        %swap3A_1590 = vector.shape_cast %swap3A_1589 : vector<1x16xf32> to vector<16xf32>
        %swap3A_1591 = vector.shape_cast %add3A_1584 : vector<16xf32> to vector<1x16xf32>
        tpu.vector_store %arg11[%swap3A_1587, %swap3A_1588], %swap3A_1591 {strides = array<i32>} : memref<112x224xf32, #tpu.memory_space<vmem>>, vector<1x16xf32>,
        %add3A_1592 = arith.constant 6 : i32
        %add3A_1593 = arith.addi %mul3A_114, %add3A_1592 : i32
        %get3A_1594 = arith.index_cast %add3A_1593 : i32 to index
        %get3A_1595 = arith.constant 224 : index
        %get3A_1596 = tpu.vector_load %arg9[%get3A_1594, %get3A_1595] {strides = array<i32>} : memref<112x256xf32, #tpu.memory_space<vmem>>, vector<1x16xf32>,
        %get3A_1597 = vector.shape_cast %get3A_1596 : vector<1x16xf32> to vector<16xf32>
        %add3A_1598 = arith.addf %get3A_1485, %get3A_43 : vector<16xf32>
        %add3A_1599 = arith.constant 7 : i32
        %add3A_1600 = arith.addi %mul3A_116, %add3A_1599 : i32
        %swap3A_1601 = arith.index_cast %add3A_1600 : i32 to index
        %swap3A_1602 = arith.constant 64 : index
        %swap3A_1603 = tpu.vector_load %arg11[%swap3A_1601, %swap3A_1602] {strides = array<i32>} : memref<112x224xf32, #tpu.memory_space<vmem>>, vector<1x16xf32>,
        %swap3A_1604 = vector.shape_cast %swap3A_1603 : vector<1x16xf32> to vector<16xf32>
        %swap3A_1605 = vector.shape_cast %add3A_1598 : vector<16xf32> to vector<1x16xf32>
        tpu.vector_store %arg11[%swap3A_1601, %swap3A_1602], %swap3A_1605 {strides = array<i32>} : memref<112x224xf32, #tpu.memory_space<vmem>>, vector<1x16xf32>,
        %add3A_1606 = arith.constant 6 : i32
        %add3A_1607 = arith.addi %mul3A_114, %add3A_1606 : i32
        %get3A_1608 = arith.index_cast %add3A_1607 : i32 to index
        %get3A_1609 = arith.constant 240 : index
        %get3A_1610 = tpu.vector_load %arg9[%get3A_1608, %get3A_1609] {strides = array<i32>} : memref<112x256xf32, #tpu.memory_space<vmem>>, vector<1x16xf32>,
        %get3A_1611 = vector.shape_cast %get3A_1610 : vector<1x16xf32> to vector<16xf32>
        %add3A_1612 = arith.addf %get3A_1499, %get3A_43 : vector<16xf32>
        %add3A_1613 = arith.constant 7 : i32
        %add3A_1614 = arith.addi %mul3A_116, %add3A_1613 : i32
        %swap3A_1615 = arith.index_cast %add3A_1614 : i32 to index
        %swap3A_1616 = arith.constant 80 : index
        %swap3A_1617 = tpu.vector_load %arg11[%swap3A_1615, %swap3A_1616] {strides = array<i32>} : memref<112x224xf32, #tpu.memory_space<vmem>>, vector<1x16xf32>,
        %swap3A_1618 = vector.shape_cast %swap3A_1617 : vector<1x16xf32> to vector<16xf32>
        %swap3A_1619 = vector.shape_cast %add3A_1612 : vector<16xf32> to vector<1x16xf32>
        tpu.vector_store %arg11[%swap3A_1615, %swap3A_1616], %swap3A_1619 {strides = array<i32>} : memref<112x224xf32, #tpu.memory_space<vmem>>, vector<1x16xf32>,
        %add3A_1620 = arith.addf %get3A_1513, %get3A_43 : vector<16xf32>
        %add3A_1621 = arith.constant 7 : i32
        %add3A_1622 = arith.addi %mul3A_116, %add3A_1621 : i32
        %swap3A_1623 = arith.index_cast %add3A_1622 : i32 to index
        %swap3A_1624 = arith.constant 96 : index
        %swap3A_1625 = tpu.vector_load %arg11[%swap3A_1623, %swap3A_1624] {strides = array<i32>} : memref<112x224xf32, #tpu.memory_space<vmem>>, vector<1x16xf32>,
        %swap3A_1626 = vector.shape_cast %swap3A_1625 : vector<1x16xf32> to vector<16xf32>
        %swap3A_1627 = vector.shape_cast %add3A_1620 : vector<16xf32> to vector<1x16xf32>
        tpu.vector_store %arg11[%swap3A_1623, %swap3A_1624], %swap3A_1627 {strides = array<i32>} : memref<112x224xf32, #tpu.memory_space<vmem>>, vector<1x16xf32>,
        %add3A_1628 = arith.addf %get3A_1527, %get3A_43 : vector<16xf32>
        %add3A_1629 = arith.constant 7 : i32
        %add3A_1630 = arith.addi %mul3A_116, %add3A_1629 : i32
        %swap3A_1631 = arith.index_cast %add3A_1630 : i32 to index
        %swap3A_1632 = arith.constant 112 : index
        %swap3A_1633 = tpu.vector_load %arg11[%swap3A_1631, %swap3A_1632] {strides = array<i32>} : memref<112x224xf32, #tpu.memory_space<vmem>>, vector<1x16xf32>,
        %swap3A_1634 = vector.shape_cast %swap3A_1633 : vector<1x16xf32> to vector<16xf32>
        %swap3A_1635 = vector.shape_cast %add3A_1628 : vector<16xf32> to vector<1x16xf32>
        tpu.vector_store %arg11[%swap3A_1631, %swap3A_1632], %swap3A_1635 {strides = array<i32>} : memref<112x224xf32, #tpu.memory_space<vmem>>, vector<1x16xf32>,
        %add3A_1636 = arith.addf %get3A_1541, %get3A_43 : vector<16xf32>
        %add3A_1637 = arith.constant 7 : i32
        %add3A_1638 = arith.addi %mul3A_116, %add3A_1637 : i32
        %swap3A_1639 = arith.index_cast %add3A_1638 : i32 to index
        %swap3A_1640 = arith.constant 128 : index
        %swap3A_1641 = tpu.vector_load %arg11[%swap3A_1639, %swap3A_1640] {strides = array<i32>} : memref<112x224xf32, #tpu.memory_space<vmem>>, vector<1x16xf32>,
        %swap3A_1642 = vector.shape_cast %swap3A_1641 : vector<1x16xf32> to vector<16xf32>
        %swap3A_1643 = vector.shape_cast %add3A_1636 : vector<16xf32> to vector<1x16xf32>
        tpu.vector_store %arg11[%swap3A_1639, %swap3A_1640], %swap3A_1643 {strides = array<i32>} : memref<112x224xf32, #tpu.memory_space<vmem>>, vector<1x16xf32>,
        %add3A_1644 = arith.addf %get3A_1555, %get3A_43 : vector<16xf32>
        %add3A_1645 = arith.constant 7 : i32
        %add3A_1646 = arith.addi %mul3A_116, %add3A_1645 : i32
        %swap3A_1647 = arith.index_cast %add3A_1646 : i32 to index
        %swap3A_1648 = arith.constant 144 : index
        %swap3A_1649 = tpu.vector_load %arg11[%swap3A_1647, %swap3A_1648] {strides = array<i32>} : memref<112x224xf32, #tpu.memory_space<vmem>>, vector<1x16xf32>,
        %swap3A_1650 = vector.shape_cast %swap3A_1649 : vector<1x16xf32> to vector<16xf32>
        %swap3A_1651 = vector.shape_cast %add3A_1644 : vector<16xf32> to vector<1x16xf32>
        tpu.vector_store %arg11[%swap3A_1647, %swap3A_1648], %swap3A_1651 {strides = array<i32>} : memref<112x224xf32, #tpu.memory_space<vmem>>, vector<1x16xf32>,
        %add3A_1652 = arith.addf %get3A_1569, %get3A_43 : vector<16xf32>
        %add3A_1653 = arith.constant 7 : i32
        %add3A_1654 = arith.addi %mul3A_116, %add3A_1653 : i32
        %swap3A_1655 = arith.index_cast %add3A_1654 : i32 to index
        %swap3A_1656 = arith.constant 160 : index
        %swap3A_1657 = tpu.vector_load %arg11[%swap3A_1655, %swap3A_1656] {strides = array<i32>} : memref<112x224xf32, #tpu.memory_space<vmem>>, vector<1x16xf32>,
        %swap3A_1658 = vector.shape_cast %swap3A_1657 : vector<1x16xf32> to vector<16xf32>
        %swap3A_1659 = vector.shape_cast %add3A_1652 : vector<16xf32> to vector<1x16xf32>
        tpu.vector_store %arg11[%swap3A_1655, %swap3A_1656], %swap3A_1659 {strides = array<i32>} : memref<112x224xf32, #tpu.memory_space<vmem>>, vector<1x16xf32>,
        %add3A_1660 = arith.addf %get3A_1583, %get3A_43 : vector<16xf32>
        %add3A_1661 = arith.constant 7 : i32
        %add3A_1662 = arith.addi %mul3A_116, %add3A_1661 : i32
        %swap3A_1663 = arith.index_cast %add3A_1662 : i32 to index
        %swap3A_1664 = arith.constant 176 : index
        %swap3A_1665 = tpu.vector_load %arg11[%swap3A_1663, %swap3A_1664] {strides = array<i32>} : memref<112x224xf32, #tpu.memory_space<vmem>>, vector<1x16xf32>,
        %swap3A_1666 = vector.shape_cast %swap3A_1665 : vector<1x16xf32> to vector<16xf32>
        %swap3A_1667 = vector.shape_cast %add3A_1660 : vector<16xf32> to vector<1x16xf32>
        tpu.vector_store %arg11[%swap3A_1663, %swap3A_1664], %swap3A_1667 {strides = array<i32>} : memref<112x224xf32, #tpu.memory_space<vmem>>, vector<1x16xf32>,
        %add3A_1668 = arith.addf %get3A_1597, %get3A_43 : vector<16xf32>
        %add3A_1669 = arith.constant 7 : i32
        %add3A_1670 = arith.addi %mul3A_116, %add3A_1669 : i32
        %swap3A_1671 = arith.index_cast %add3A_1670 : i32 to index
        %swap3A_1672 = arith.constant 192 : index
        %swap3A_1673 = tpu.vector_load %arg11[%swap3A_1671, %swap3A_1672] {strides = array<i32>} : memref<112x224xf32, #tpu.memory_space<vmem>>, vector<1x16xf32>,
        %swap3A_1674 = vector.shape_cast %swap3A_1673 : vector<1x16xf32> to vector<16xf32>
        %swap3A_1675 = vector.shape_cast %add3A_1668 : vector<16xf32> to vector<1x16xf32>
        tpu.vector_store %arg11[%swap3A_1671, %swap3A_1672], %swap3A_1675 {strides = array<i32>} : memref<112x224xf32, #tpu.memory_space<vmem>>, vector<1x16xf32>,
        %add3A_1676 = arith.addf %get3A_1611, %get3A_43 : vector<16xf32>
        %add3A_1677 = arith.constant 7 : i32
        %add3A_1678 = arith.addi %mul3A_116, %add3A_1677 : i32
        %swap3A_1679 = arith.index_cast %add3A_1678 : i32 to index
        %swap3A_1680 = arith.constant 208 : index
        %swap3A_1681 = tpu.vector_load %arg11[%swap3A_1679, %swap3A_1680] {strides = array<i32>} : memref<112x224xf32, #tpu.memory_space<vmem>>, vector<1x16xf32>,
        %swap3A_1682 = vector.shape_cast %swap3A_1681 : vector<1x16xf32> to vector<16xf32>
        %swap3A_1683 = vector.shape_cast %add3A_1676 : vector<16xf32> to vector<1x16xf32>
        tpu.vector_store %arg11[%swap3A_1679, %swap3A_1680], %swap3A_1683 {strides = array<i32>} : memref<112x224xf32, #tpu.memory_space<vmem>>, vector<1x16xf32>,
      }
      %scan3A_103 = arith.constant 14 : i32
      %dma_start3A_104 = arith.constant 112 : i32
      %dma_start3A_105 = arith.constant 0 : i32
      %dma_start3A_106 = tpu.memref_slice %arg5[%shift_right_arithmetic3A_39, %and3A_40, %dma_start3A_104, %dma_start3A_105] : memref<4x256x224x224xf32, #tpu.memory_space<hbm>> -> memref<1x1x112x224xf32, #tpu.memory_space<hbm>>
      %dma_start3A_107 = tpu.memref_squeeze %dma_start3A_106 : memref<1x1x112x224xf32, #tpu.memory_space<hbm>> -> memref<112x224xf32, #tpu.memory_space<hbm>>
      %dma_start3A_108 = arith.constant 112 : i32
      %dma_start3A_109 = arith.constant 0 : i32
      %dma_start3A_110 = tpu.memref_slice %arg5[%shift_right_arithmetic3A_39, %and3A_40, %dma_start3A_108, %dma_start3A_109] : memref<4x256x224x224xf32, #tpu.memory_space<hbm>> -> memref<1x1x112x224xf32, #tpu.memory_space<hbm>>
      %dma_start3A_111 = tpu.memref_squeeze %dma_start3A_110 : memref<1x1x112x224xf32, #tpu.memory_space<hbm>> -> memref<112x224xf32, #tpu.memory_space<hbm>>
      tpu.enqueue_dma source(%arg11 : memref<112x224xf32, #tpu.memory_space<vmem>>) target(%dma_start3A_111 : memref<112x224xf32, #tpu.memory_space<hbm>>) target_semaphore(%arg15 : memref<!tpu.dma_semaphore, #tpu.memory_space<semaphore_mem>>)
    }
    %scan3A_15 = arith.constant 32 : i32
    %dma_wait3A = arith.constant 0 : i32
    %dma_wait3A_16 = arith.constant 0 : i32
    %dma_wait3A_17 = arith.constant 0 : i32
    %dma_wait3A_18 = arith.constant 0 : i32
    %dma_wait3A_19 = tpu.memref_slice %arg5[%dma_wait3A, %dma_wait3A_16, %dma_wait3A_17, %dma_wait3A_18] : memref<4x256x224x224xf32, #tpu.memory_space<hbm>> -> memref<1x1x112x224xf32, #tpu.memory_space<hbm>>
    %dma_wait3A_20 = tpu.memref_squeeze %dma_wait3A_19 : memref<1x1x112x224xf32, #tpu.memory_space<hbm>> -> memref<112x224xf32, #tpu.memory_space<hbm>>
    %dma_wait3A_21 = arith.constant 0 : i32
    %dma_wait3A_22 = arith.constant 0 : i32
    %dma_wait3A_23 = tpu.memref_slice %arg5[%dma_wait3A, %dma_wait3A_16, %dma_wait3A_21, %dma_wait3A_22] : memref<4x256x224x224xf32, #tpu.memory_space<hbm>> -> memref<1x1x112x224xf32, #tpu.memory_space<hbm>>
    %dma_wait3A_24 = tpu.memref_squeeze %dma_wait3A_23 : memref<1x1x112x224xf32, #tpu.memory_space<hbm>> -> memref<112x224xf32, #tpu.memory_space<hbm>>
    tpu.wait_dma2 semaphore(%arg14 : memref<!tpu.dma_semaphore, #tpu.memory_space<semaphore_mem>>) src(%dma_wait3A_24 : memref<112x224xf32, #tpu.memory_space<hbm>>) dst(%arg10 : memref<112x224xf32, #tpu.memory_space<vmem>>)
    %dma_wait3A_25 = arith.constant 0 : i32
    %dma_wait3A_26 = arith.constant 0 : i32
    %dma_wait3A_27 = arith.constant 0 : i32
    %dma_wait3A_28 = arith.constant 0 : i32
    %dma_wait3A_29 = tpu.memref_slice %arg5[%dma_wait3A_25, %dma_wait3A_26, %dma_wait3A_27, %dma_wait3A_28] : memref<4x256x224x224xf32, #tpu.memory_space<hbm>> -> memref<1x1x112x224xf32, #tpu.memory_space<hbm>>
    %dma_wait3A_30 = tpu.memref_squeeze %dma_wait3A_29 : memref<1x1x112x224xf32, #tpu.memory_space<hbm>> -> memref<112x224xf32, #tpu.memory_space<hbm>>
    %dma_wait3A_31 = arith.constant 0 : i32
    %dma_wait3A_32 = arith.constant 0 : i32
    %dma_wait3A_33 = tpu.memref_slice %arg5[%dma_wait3A_25, %dma_wait3A_26, %dma_wait3A_31, %dma_wait3A_32] : memref<4x256x224x224xf32, #tpu.memory_space<hbm>> -> memref<1x1x112x224xf32, #tpu.memory_space<hbm>>
    %dma_wait3A_34 = tpu.memref_squeeze %dma_wait3A_33 : memref<1x1x112x224xf32, #tpu.memory_space<hbm>> -> memref<112x224xf32, #tpu.memory_space<hbm>>
    tpu.wait_dma2 semaphore(%arg15 : memref<!tpu.dma_semaphore, #tpu.memory_space<semaphore_mem>>) src(%dma_wait3A_34 : memref<112x224xf32, #tpu.memory_space<hbm>>) dst(%arg11 : memref<112x224xf32, #tpu.memory_space<vmem>>)
    return
  }
}

module attributes {stable_mosaic.version = 14 : i64} {
  func.func @_cond2d_body(%arg0: memref<4xi32, #tpu.memory_space<smem>>, %arg1: memref<4xi32, #tpu.memory_space<smem>>, %arg2: memref<1000x256xf32, #tpu.memory_space<vmem>>, %arg3: memref<256x256xf32, #tpu.memory_space<vmem>>, %arg4: memref<1x256xf32, #tpu.memory_space<vmem>>, %arg5: memref<1000x256xf32, #tpu.memory_space<vmem>>, %arg6: memref<4x256xf32, #tpu.memory_space<vmem>>) attributes {dimension_semantics = [], scalar_prefetch = 0 : i64, scratch_operands = 0 : i64, tpu.core_type = #tpu.core_type<tc>} {
    %get3A = arith.constant 0 : index
    %get3A_0 = memref.load %arg0[%get3A] : memref<4xi32, #tpu.memory_space<smem>>
    %get3A_1 = arith.index_cast %get3A_0 : i32 to index
    %get3A_2 = arith.constant 0 : index
    %get3A_3 = vector.load %arg2[%get3A_1, %get3A_2] : memref<1000x256xf32, #tpu.memory_space<vmem>>, vector<1x256xf32>
    %get3A_4 = arith.constant 1 : index
    %get3A_5 = memref.load %arg0[%get3A_4] : memref<4xi32, #tpu.memory_space<smem>>
    %get3A_6 = arith.index_cast %get3A_5 : i32 to index
    %get3A_7 = arith.constant 0 : index
    %get3A_8 = vector.load %arg2[%get3A_6, %get3A_7] : memref<1000x256xf32, #tpu.memory_space<vmem>>, vector<1x256xf32>
    %get3A_9 = arith.constant 2 : index
    %get3A_10 = memref.load %arg0[%get3A_9] : memref<4xi32, #tpu.memory_space<smem>>
    %get3A_11 = arith.index_cast %get3A_10 : i32 to index
    %get3A_12 = arith.constant 0 : index
    %get3A_13 = vector.load %arg2[%get3A_11, %get3A_12] : memref<1000x256xf32, #tpu.memory_space<vmem>>, vector<1x256xf32>
    %get3A_14 = arith.constant 3 : index
    %get3A_15 = memref.load %arg0[%get3A_14] : memref<4xi32, #tpu.memory_space<smem>>
    %get3A_16 = arith.index_cast %get3A_15 : i32 to index
    %get3A_17 = arith.constant 0 : index
    %get3A_18 = vector.load %arg2[%get3A_16, %get3A_17] : memref<1000x256xf32, #tpu.memory_space<vmem>>, vector<1x256xf32>
    %concatenate3A = tpu.concatenate %get3A_3, %get3A_8, %get3A_13, %get3A_18 in 0 : vector<1x256xf32>, vector<1x256xf32>, vector<1x256xf32>, vector<1x256xf32> -> vector<4x256xf32>
    %get3A_19 = arith.constant 0 : index
    %get3A_20 = memref.load %arg1[%get3A_19] : memref<4xi32, #tpu.memory_space<smem>>
    %get3A_21 = arith.index_cast %get3A_20 : i32 to index
    %get3A_22 = arith.constant 0 : index
    %get3A_23 = vector.load %arg5[%get3A_21, %get3A_22] : memref<1000x256xf32, #tpu.memory_space<vmem>>, vector<1x256xf32>
    %get3A_24 = arith.constant 1 : index
    %get3A_25 = memref.load %arg1[%get3A_24] : memref<4xi32, #tpu.memory_space<smem>>
    %get3A_26 = arith.index_cast %get3A_25 : i32 to index
    %get3A_27 = arith.constant 0 : index
    %get3A_28 = vector.load %arg5[%get3A_26, %get3A_27] : memref<1000x256xf32, #tpu.memory_space<vmem>>, vector<1x256xf32>
    %get3A_29 = arith.constant 2 : index
    %get3A_30 = memref.load %arg1[%get3A_29] : memref<4xi32, #tpu.memory_space<smem>>
    %get3A_31 = arith.index_cast %get3A_30 : i32 to index
    %get3A_32 = arith.constant 0 : index
    %get3A_33 = vector.load %arg5[%get3A_31, %get3A_32] : memref<1000x256xf32, #tpu.memory_space<vmem>>, vector<1x256xf32>
    %get3A_34 = arith.constant 3 : index
    %get3A_35 = memref.load %arg1[%get3A_34] : memref<4xi32, #tpu.memory_space<smem>>
    %get3A_36 = arith.index_cast %get3A_35 : i32 to index
    %get3A_37 = arith.constant 0 : index
    %get3A_38 = vector.load %arg5[%get3A_36, %get3A_37] : memref<1000x256xf32, #tpu.memory_space<vmem>>, vector<1x256xf32>
    %concatenate3A_39 = tpu.concatenate %get3A_23, %get3A_28, %get3A_33, %get3A_38 in 0 : vector<1x256xf32>, vector<1x256xf32>, vector<1x256xf32>, vector<1x256xf32> -> vector<4x256xf32>
    %get3A_40 = arith.constant 0 : index
    %get3A_41 = arith.constant 0 : index
    %get3A_42 = vector.load %arg3[%get3A_40, %get3A_41] : memref<256x256xf32, #tpu.memory_space<vmem>>, vector<256x256xf32>
    %dot_general3A = arith.constant dense<0.000000e+00> : vector<4x256xf32>
    %dot_general3A_43 = tpu.matmul %concatenate3A, %get3A_42, %dot_general3A {dimension_numbers = #tpu.dot_dimension_numbers<[1], [0], [0], [1], [0, 0, 1, 1], [], []>, transpose_lhs_hint = false} : vector<4x256xf32>, vector<256x256xf32>, vector<4x256xf32> -> vector<4x256xf32>
    %get3A_44 = arith.constant 0 : index
    %get3A_45 = arith.constant 0 : index
    %get3A_46 = vector.load %arg4[%get3A_44, %get3A_45] : memref<1x256xf32, #tpu.memory_space<vmem>>, vector<1x256xf32>
    %add3A = vector.broadcast %get3A_46 : vector<1x256xf32> to vector<4x256xf32>
    %add3A_47 = arith.addf %dot_general3A_43, %add3A : vector<4x256xf32>
    %add3A_48 = arith.addf %add3A_47, %concatenate3A_39 : vector<4x256xf32>
    %swap3A = arith.constant 0 : index
    %swap3A_49 = arith.constant 0 : index
    %swap3A_50 = vector.load %arg6[%swap3A, %swap3A_49] : memref<4x256xf32, #tpu.memory_space<vmem>>, vector<4x256xf32>
    tpu.vector_store %arg6[%swap3A, %swap3A_49], %add3A_48 {strides = array<i32>} : memref<4x256xf32, #tpu.memory_space<vmem>>, vector<4x256xf32>,
    return
  }
}

</mosaic_0001>

<sc_bundles>
// kernel: kernel.4.cloned.1.call-start
scs
__scs_entry_jumppad:
0x0: {  	(pc) =	sbr.rel $0x88, $3  }
0x1: {  	(tag) =	ssettag $0x0;
	lr =	simm.s32 $0x1  }
0x2: {  	[smem:$0x3F9A] =	sst lr;
	_ =	strace $0xD0000000  }
0x3: {  	_ = 	snop  }
0x4: {  	_ = 	snop  }
0x5: {  	_ = 	snop  }
0x6: {  	_ = 	snop  }
0x7: {  	_ = 	snop  }
__scs_overlays_trampoline_lowered:
0x8: {  	[smem:$0x3FA9] =	sst s0  }
0x9: {  	[smem:$0x3FAA] =	sst s1  }
0xa: {  	[smem:$0x3FAB] =	sst s2  }
0xb: {  	[smem:$0x3FAC] =	sst s3  }
0xc: {  	[smem:$0x3FAD] =	sst s4  }
0xd: {  	[smem:$0x3FAE] =	sst s5  }
0xe: {  	[smem:$0x3FAF] =	sst s6  }
0xf: {  	[smem:$0x3FB0] =	sst s7  }
0x10: {  	[smem:$0x3FB1] =	sst s8  }
0x11: {  	[smem:$0x3FB2] =	sst s9;
	s0 =	simm.s32 @!p0 $0x0  }
0x12: {  	s1 =	sld [smem:$0x3F98];
	s0 =	simm.s32 @p0 $0x1  }
0x13: {  	[smem:$0x3FB3] =	sst s0;
	s0 =	simm.s32 @!p1 $0x0  }
0x14: {  	s2 =	sld [smem:$0x3F97];
	s0 =	simm.s32 @p1 $0x1  }
0x15: {  	[smem:$0x3FB4] =	sst s0;
	s0 =	simm.s32 @!p2 $0x0  }
0x16: {  	s3 =	sld [smem:$0x3FDB];
	s0 =	simm.s32 @p2 $0x1  }
0x17: {  	s4 =	simm.s32 $0x1BF5;
	[smem:$0x3FB6] =	sst s0  }
0x18: {  	s0 =	sld [smem:$0x3F99];
	_ =	swait.ge [sflag:s4], $0x0  }
0x19: {  	s7 =	sld [smem:$0x3F9A]  }
0x1a: {  	s8 =	sadd.s32 $0xFFFFE003, lr  }
0x1b: {  	s9 =	sadd.s32 $0xFFFFFEF7, lr;
	s5 =	simm.s32 $0xFFFFFFFF;
	p2 =	slt.u32 s8, $0xFFFFF086  }
0x1c: {  	p1 =	slt.u32 s9, $0xF7A;
	s5 =	simm.s32 @!p2 $0x0  }
0x1d: {  	s5 =	simm.s32 @p1 $0x1;
	p0 =	seq.s32 s7, s2  }
0x1e: {  	s7 =	smul.u32 @!p0 $0xF7A, s2;
	p2 =	seq.s32 @!p0 s5, $0x0  }
0x1f: {  	s9 =	smul.u32 $0xF7A, s1;
	s8 =	simm.s32 @!p0 $0x1BF5;
	p2 =	por !p2, p0  }
0x20: {  	[sflag:s8] =	ssyncset.s32 @!p0 $0xFFFFF086;
	s6 =	sadd.s32 @!p0 s3, s7;
	s7 =	simm.s32 @!p0 $0x108  }
0x21: {  	s3 =	sadd.s32 s3, s9;
	s6 =	sadd.s32 @!p0 $0x88, s6;
	s7 =	simm.s32 @p2 $0x1082  }
0x22: {  	[simem:s7], [sflag:s8] =	dma.local @!p0 [hbm:s6], $0xF7A  }
0x23: {  	s9 =	sor.u32 $0xD0000000, s2;
	s6 =	simm.s32 $0x108;
	_ =	swait.ge @!p0 [sflag:s8], $0x0  }
0x24: {  	s3 =	sadd.s32 $0x88, s3;
	s6 =	simm.s32 @!p1 $0x1082;
	[sflag:s4] =	ssyncset.s32 $0xFFFFF086  }
0x25: {  	[simem:s6], [sflag:s4] =	dma.local [hbm:s3], $0xF7A  }
0x26: {  	[smem:$0x3F9A] =	sst s1;
	(tag) =	ssettag s2;
	_ =	strace s9  }
0x27: {  	s1 =	sld [smem:$0x3FAA]  }
0x28: {  	s2 =	sld [smem:$0x3FAB]  }
0x29: {  	s4 =	sld [smem:$0x3FAD]  }
0x2a: {  	p0 =	seq.s32 s5, $0x0;
	s5 =	sld [smem:$0x3FAE]  }
0x2b: {  	s6 =	sld [smem:$0x3FAF]  }
0x2c: {  	s7 =	sld [smem:$0x3FB0]  }
0x2d: {  	s3 =	simm.s32 $0x108;
	s8 =	sld [smem:$0x3FB1]  }
0x2e: {  	s3 =	simm.s32 @!p0 $0x1082;
	s9 =	sld [smem:$0x3FB2]  }
0x2f: {  	lr =	sadd.s32 s0, s3;
	s0 =	sld [smem:$0x3FA9]  }
0x30: {  	s3 =	sld [smem:$0x3FAC]  }
0x31: {  	[smem:$0x3FB5] =	sst s10  }
0x32: {  	s10 =	sld [smem:$0x3FB3];
	_ =	sdelay $0x3  }
0x33: {  	p0 =	seq.s32 s10, $0x1;
	s10 =	sld [smem:$0x3FB5];
	_ =	sdelay $0x3  }
0x34: {  	[smem:$0x3FB5] =	sst s10  }
0x35: {  	s10 =	sld [smem:$0x3FB4];
	_ =	sdelay $0x3  }
0x36: {  	p1 =	seq.s32 s10, $0x1;
	s10 =	sld [smem:$0x3FB5];
	_ =	sdelay $0x3  }
0x37: {  	[smem:$0x3FB5] =	sst s10  }
0x38: {  	s10 =	sld [smem:$0x3FB6]  }
0x39: {  	_ = 	snop;
	(pc) =	sbr.ind lr, $3  }
0x3a: {  	_ = 	snop  }
0x3b: {  	_ = 	snop  }
0x3c: {  	p2 =	seq.s32 s10, $0x1;
	s10 =	sld [smem:$0x3FB5]  }
0x3d: {  	_ =	shalt  }
0x3e: {  	_ =	shalt  }
0x3f: {  	_ =	shalt  }
0x40: {  	_ =	shalt  }
0x41: {  	_ =	shalt  }
0x42: {  	_ =	shalt  }
0x43: {  	_ =	shalt  }
0x44: {  	_ =	shalt  }
0x45: {  	_ =	shalt  }
0x46: {  	_ =	shalt  }
0x47: {  	_ =	shalt  }
0x48: {  	_ =	shalt  }
0x49: {  	_ =	shalt  }
0x4a: {  	_ =	shalt  }
0x4b: {  	_ =	shalt  }
0x4c: {  	_ =	shalt  }
0x4d: {  	_ =	shalt  }
0x4e: {  	_ =	shalt  }
0x4f: {  	_ =	shalt  }
0x50: {  	_ =	shalt  }
0x51: {  	_ =	shalt  }
0x52: {  	_ =	shalt  }
0x53: {  	_ =	shalt  }
0x54: {  	_ =	shalt  }
0x55: {  	_ =	shalt  }
0x56: {  	_ =	shalt  }
0x57: {  	_ =	shalt  }
0x58: {  	_ =	shalt  }
0x59: {  	_ =	shalt  }
0x5a: {  	_ =	shalt  }
0x5b: {  	_ =	shalt  }
0x5c: {  	_ =	shalt  }
0x5d: {  	_ =	shalt  }
0x5e: {  	_ =	shalt  }
0x5f: {  	_ =	shalt  }
0x60: {  	_ =	shalt  }
0x61: {  	_ =	shalt  }
0x62: {  	_ =	shalt  }
0x63: {  	_ =	shalt  }
0x64: {  	_ =	shalt  }
0x65: {  	_ =	shalt  }
0x66: {  	_ =	shalt  }
0x67: {  	_ =	shalt  }
0x68: {  	_ =	shalt  }
0x69: {  	_ =	shalt  }
0x6a: {  	_ =	shalt  }
0x6b: {  	_ =	shalt  }
0x6c: {  	_ =	shalt  }
0x6d: {  	_ =	shalt  }
0x6e: {  	_ =	shalt  }
0x6f: {  	_ =	shalt  }
0x70: {  	_ =	shalt  }
0x71: {  	_ =	shalt  }
0x72: {  	_ =	shalt  }
0x73: {  	_ =	shalt  }
0x74: {  	_ =	shalt  }
0x75: {  	_ =	shalt  }
0x76: {  	_ =	shalt  }
0x77: {  	_ =	shalt  }
0x78: {  	_ =	shalt  }
0x79: {  	_ =	shalt  }
0x7a: {  	_ =	shalt  }
0x7b: {  	_ =	shalt  }
0x7c: {  	_ =	shalt  }
0x7d: {  	_ =	shalt  }
0x7e: {  	_ =	shalt  }
0x7f: {  	_ =	shalt  }
0x80: {  	_ =	shalt  }
0x81: {  	_ =	shalt  }
0x82: {  	_ =	shalt  }
0x83: {  	_ =	shalt  }
0x84: {  	_ =	shalt  }
0x85: {  	_ =	shalt  }
0x86: {  	_ =	shalt  }
0x87: {  	_ =	shalt  }
.Lfunc_end0:
.L_simem_size_0:
called_computation_lowered:
.L_overlay_start_0:
0x88: {  	s2 =	sld [smem:$0x3FD9]  }
0x89: {  	s3 =	sld [smem:$0x3FFE];
	_ =	sdelay $0x1  }
0x8a: {  	s1 =	srdreg.scid  }
0x8b: {  	s0 =	sand.u32 $0x1, s1  }
0x8c: {  	s17 =	sshll.u32 s0, $0xA;
	s2 =	sadd.s32 s3, s2  }
0x8d: {  	s2 =	sadd.s32 s2, s17  }
0x8e: {  	[smem:$0x3FC1] =	sst s2  }
0x8f: {  	_ = 	snop  }
0x90: {  	s2 =	sld [smem:$0x3FC3]  }
0x91: {  	s18 =	sld [smem:$0x3FD0];
	(tm) =	ssettm $0x1  }
0x92: {  	s4 =	sld [smem:$0x3FFB];
	_ =	sdelay $0x3  }
0x93: {  	_ =	strace s4  }
0x94: {  	s4 =	sld [smem:$0x3FFC];
	_ =	sdelay $0x3  }
0x95: {  	_ =	strace s4  }
0x96: {  	s4 =	sld [smem:$0x3FFD];
	_ =	sdelay $0x3  }
0x97: {  	_ =	strace s4  }
0x98: {  	_ =	strace $0x8FFFFFFF  }
0x99: {  	s19 =	sld [smem:$0x3FDB];
	_ =	sdelay $0x1  }
0x9a: {  	s5 =	simm.s32 $_scs_section_size  }
0x9b: {  	s6 =	simm.s32 $_size__tile_overlayer_lowered;
	s7 =	simm.s32 $_tile_overlayer_lowered  }
0x9c: {  	s22 =	simm.s32 $0x1BFF;
	s21 =	sshll.u32 s7, $0x1;
	s4 =	sadd.s32 s5, s19  }
0x9d: {  	s8 =	simm.s32 $0x0;
	s20 =	sshll.u32 s6, $0x1;
	s6 =	sadd.s32 s21, s4  }
0x9e: {  	[timem:s8], [sflag:s22] =	dma.local [hbm:s6], s20  }
0x9f: {  	_ =	swait.ge [sflag:s22], s20  }
0xa0: {  	s5 =	ssub.s32 $0x0, s20;
	[sflag:s22] =	ssyncset.done $0x0  }
0xa1: {  	[sflag:s22] =	ssyncadd.s32 s5;
	_ =	sdelay $0x1  }
0xa2: {  	s23 =	simm.s32 $0x1B8B  }
0xa3: {  	_ =	swait.ge [sflag:s23], $0x1  }
0xa4: {  	[sflag:s23] =	ssyncset.done $0x0  }
0xa5: {  	s25 =	simm.s32 $0x1B8E;
	s24 =	sld [smem:$0x3FFE];
	[sflag:s23] =	ssyncadd.s32 $0xFFFFFFFF  }
0xa6: {  	s26 =	simm.s32 $execute0_lowered;
	[smem:$0x3FD2] =	sst s25  }
0xa7: {  	s6 =	sshll.u32 s26, $0x1;
	_ =	strace $0x80000046;
	[dreg:$0x1] =	wrdreg $0xFFFFFFFF  }
0xa8: {  	s28 =	simm.s32 $_size_execute0_lowered;
	s4 =	sadd.s32 s4, s6;
	[dreg:$0x0] =	wrdreg $0x0  }
0xa9: {  	s6 =	sshll.u32 s28, $0x1;
	[dreg:$0x2] =	wrdreg s4  }
0xaa: {  	[dreg:$0x3] =	wrdreg s6  }
0xab: {  	[dreg:$0x4] =	wrdreg $0xC0  }
0xac: {  	_ =	task [dreg:s8], $0x5FFFF  }
0xad: {  	[dreg:$0x1] =	wrdreg $0xFFFFFFFF  }
0xae: {  	[dreg:$0x0] =	wrdreg $0x60  }
0xaf: {  	[dreg:$0x2] =	wrdreg s2  }
0xb0: {  	[dreg:$0x3] =	wrdreg s18  }
0xb1: {  	[dreg:$0x4] =	wrdreg s24  }
0xb2: {  	[dreg:$0x5] =	wrdreg $0x9  }
0xb3: {  	_ =	task.clear_ibuf [dreg:s8], $0x6FFFF;
	_ =	strace $0x90000046  }
0xb4: {  	s29 =	simm.s32 $0x9;
	_ =	strace $0x80000048  }
0xb5: {  	_ =	swait.ge [sflag:s29], $0x1  }
0xb6: {  	[sflag:s29] =	ssyncadd.s32 $0xFFFFFFFF  }
0xb7: {  	_ =	strace $0x90000048  }
0xb8: {  	_ =	sfence  }
0xb9: {  	s30 =	sld [smem:$0x0];
	_ =	sdelay $0x2  }
0xba: {  	s31 =	sshll.u32 s1, $0xD;
	s1 =	sshrl.u32 s1, $0x2  }
0xbb: {  	s3 =	sand.u32 $0x4000, s31;
	s1 =	sadd.s32 s1, s30  }
0xbc: {  	s0 =	sor.u32 s3, s0;
	s1 =	sshll.u32 s1, $0x11  }
0xbd: {  	s0 =	sor.u32 s1, s0  }
0xbe: {  	s0 =	sadd.s32 $0x8F2B, s0  }
0xbf: {  	[sflag:s0] =	ssyncadd.remote.s32 $0x1  }
0xc0: {  	_ =	sfence.sel $0xFFFF  }
0xc1: {  	[dreg:$0x0] =	wrdreg $0xFFFFFFFF;
	(pc) =	sbr.abs _section_cstart, $3  }
0xc2: {  	[dreg:$0x1] =	wrdreg $0xFFFFFFFF  }
0xc3: {  	_ =	task.clear_ibuf [dreg:s8], $0x2FFFF;
	_ =	strace $0x9FFFFFFF  }
0xc4: {  	(tm) =	ssettm $0x7FFFFFFF  }
0xc5: {  	_ =	shalt  }
tec
execute0_lowered:
.L_overlay_start_1:
0x0: {  	(tag) =	ssettag $0x1  }
0x1: {  	s1 =	rddreg [dreg:$0x0]  }
0x2: {  	s0 =	rddreg [dreg:$0x1];
	s2 =	srdreg.scid  }
0x3: {  	s9 =	stileid.u32;
	s4 =	rddreg [dreg:$0x2];
	s3 =	simm.s32 $0x0  }
0x4: {  	s31 =	simm.s32 $0xB800;
	s11 =	simm.s32 $0xD000;
	s12 =	simm.s32 $0xD800  }
0x5: {  	s13 =	simm.s32 $0xE000;
	s14 =	simm.s32 $0xE800;
	s15 =	simm.s32 $0xF000  }
0x6: {  	s16 =	simm.s32 $0xF800;
	s17 =	simm.s32 $0x10000;
	s18 =	simm.s32 $0x10800  }
0x7: {  	s19 =	simm.s32 $0x11000;
	s20 =	simm.s32 $0x2;
	s21 =	simm.s32 $0x18000  }
0x8: {  	s23 =	simm.s32 $0x4;
	s2 =	sand.u32 $0x1, s2;
	s5 =	sshll.u32 s9, $0x1  }
0x9: {  	[smem:$0x7FF] =	sst s3;
	s29 =	sshrl.u32 s9, $0x2;
	s5 =	sor.u32 s2, s5  }
0xa: {  	_ =	strace $0x80000047;
	s2 =	ssub.s32 $0x2, s2;
	s6 =	sshll.u32 s5, $0x9  }
0xb: {  	s7 =	sshrl.u32 s2, $0x1;
	s8 =	sshll.u32 s5, $0xA;
	s26 =	sshll.u32 s5, $0x5  }
0xc: {  	s6 =	sadd.s32 s6, s4;
	s4 =	sadd.s32 $0x5000, s4;
	s2 =	ssub.s32 s2, s7  }
0xd: {  	s0 =	sadd.s32 s0, s8;
	s7 =	sand.u32 $0xE0, s26;
	s8 =	smul.u32 $0xE00000, s29  }
0xe: {  	v2 =	vlaneseq.u32;
	s26 =	simm.s32 $0x1;
	[dreg:$0x4] =	wrdreg s0;
	s28 =	sadd.s32 $0x1000, s6  }
0xf: {  	vm0 =	vmmov $0xffff;
	v1 =	vshrl.u32 v2, $0x3;
	s30 =	smax.u32 s2, $0x1;
	s2 =	simm.s32 $0xC000;
	[dreg:$0x5] =	wrdreg s28  }
0x10: {  	v0 =	vand.u32 $0x7, v2;
	v2 =	vor.u32 $0x8, v2;
	v1 =	vmul.u32 $0x8, v1;
	s0 =	simm.s32 $0xC800;
	s6 =	simm.s32 $0x0;
	[dreg:$0x6] =	wrdreg s30  }
.LBB2_1:
0x11: {  	[dreg:$0x7] =	wrdreg s6  }
0x12: {  	s5 =	rddreg [dreg:$0x4];
	s10 =	simm.s32 $0x5  }
0x13: {  	[tilespmem:s3], [sflag:$0x5] =	stream.linear.gather [hbm4b:s5+s3], $0x2000, $0x38;
	[tilespmem:$0x1F000] =	vst v63  }
0x14: {  	_ =	swait.ge [sflag:s10], $0x2000  }
0x15: {  	[sflag:s10] =	ssyncset.done $0x0  }
0x16: {  	s9 =	simm.s32 $0x2000;
	s22 =	rddreg [dreg:$0x5];
	[sflag:s10] =	ssyncadd.s32 $0xFFFFE000  }
0x17: {  	[tilespmem:s9], [sflag:$0x5] =	stream.linear.gather [hbm4b:s22+s3], $0x1000, $0x38;
	[tilespmem:$0x1F000] =	vst v63  }
0x18: {  	_ =	swait.ge [sflag:s10], $0x1000  }
0x19: {  	[sflag:s10] =	ssyncset.done $0x0  }
0x1a: {  	[sflag:s10] =	ssyncadd.s32 $0xFFFFF000  }
0x1b: {  	v3 =	vld [tilespmem:$0x0];
	_ =	sdelay $0x4  }
0x1c: {  	v4 =	vshll.u32 v3, $0x1  }
0x1d: {  	v3 =	vand.u32 $0x7, v3;
	v4 =	vand.u32 $0xFFFFFFF0, v4  }
0x1e: {  	v3 =	vor.u32 v3, v4  }
0x1f: {  	v4 =	vperm.xlane v3, v0;
	_ =	sdelay $0x1  }
0x20: {  	v3 =	vperm.xlane v3, v2;
	v4 =	vadd.s32 v1, v4;
	_ =	sdelay $0x1  }
0x21: {  	v3 =	vadd.s32 v1, v3;
	_ =	sdelay $0x1  }
0x22: {  	s24 =	simm.s32 $0x3000  }
0x23: {  	[tilespmem:s24], [sflag:$0x1] =	stream.indirect_vreg.gather [hbm4b:s1+s3], $0x80, v4, vm0, $0xb8;
	[tilespmem:$0x1F000] =	vst v63  }
0x24: {  	s25 =	simm.s32 $0x3800  }
0x25: {  	[tilespmem:s25], [sflag:$0x1] =	stream.indirect_vreg.gather [hbm4b:s1+s3], $0x80, v3, vm0, $0xb8;
	[tilespmem:$0x1F000] =	vst v63  }
0x26: {  	v3 =	vld [tilespmem:$0x10];
	_ =	sdelay $0x4  }
0x27: {  	v58 =	vshll.u32 v3, $0x1  }
0x28: {  	v3 =	vand.u32 $0x7, v3;
	v4 =	vand.u32 $0xFFFFFFF0, v58  }
0x29: {  	v3 =	vor.u32 v3, v4  }
0x2a: {  	v4 =	vperm.xlane v3, v0;
	_ =	sdelay $0x1  }
0x2b: {  	v3 =	vperm.xlane v3, v2;
	v4 =	vadd.s32 v1, v4;
	_ =	sdelay $0x1  }
0x2c: {  	v3 =	vadd.s32 v1, v3;
	_ =	sdelay $0x1  }
0x2d: {  	s28 =	simm.s32 $0x4000  }
0x2e: {  	[tilespmem:s28], [sflag:$0x1] =	stream.indirect_vreg.gather [hbm4b:s1+s3], $0x80, v4, vm0, $0xb8;
	[tilespmem:$0x1F000] =	vst v63  }
0x2f: {  	s29 =	simm.s32 $0x4800  }
0x30: {  	[tilespmem:s29], [sflag:$0x1] =	stream.indirect_vreg.gather [hbm4b:s1+s3], $0x80, v3, vm0, $0xb8;
	[tilespmem:$0x1F000] =	vst v63  }
0x31: {  	v3 =	vld [tilespmem:$0x20];
	_ =	sdelay $0x4  }
0x32: {  	v59 =	vshll.u32 v3, $0x1  }
0x33: {  	v3 =	vand.u32 $0x7, v3;
	v4 =	vand.u32 $0xFFFFFFF0, v59  }
0x34: {  	v3 =	vor.u32 v3, v4  }
0x35: {  	v4 =	vperm.xlane v3, v0;
	_ =	sdelay $0x1  }
0x36: {  	v3 =	vperm.xlane v3, v2;
	v4 =	vadd.s32 v1, v4;
	_ =	sdelay $0x1  }
0x37: {  	v3 =	vadd.s32 v1, v3;
	_ =	sdelay $0x1  }
0x38: {  	s30 =	simm.s32 $0x5000  }
0x39: {  	[tilespmem:s30], [sflag:$0x1] =	stream.indirect_vreg.gather [hbm4b:s1+s3], $0x80, v4, vm0, $0xb8;
	[tilespmem:$0x1F000] =	vst v63  }
0x3a: {  	s6 =	simm.s32 $0x5800  }
0x3b: {  	[tilespmem:s6], [sflag:$0x1] =	stream.indirect_vreg.gather [hbm4b:s1+s3], $0x80, v3, vm0, $0xb8;
	[tilespmem:$0x1F000] =	vst v63  }
0x3c: {  	v3 =	vld [tilespmem:$0x30];
	_ =	sdelay $0x4  }
0x3d: {  	v60 =	vshll.u32 v3, $0x1  }
0x3e: {  	v3 =	vand.u32 $0x7, v3;
	v4 =	vand.u32 $0xFFFFFFF0, v60  }
0x3f: {  	v3 =	vor.u32 v3, v4  }
0x40: {  	v4 =	vperm.xlane v3, v0;
	_ =	sdelay $0x1  }
0x41: {  	v3 =	vperm.xlane v3, v2;
	v4 =	vadd.s32 v1, v4;
	_ =	sdelay $0x1  }
0x42: {  	v3 =	vadd.s32 v1, v3;
	_ =	sdelay $0x1  }
0x43: {  	s9 =	simm.s32 $0x6000  }
0x44: {  	[tilespmem:s9], [sflag:$0x1] =	stream.indirect_vreg.gather [hbm4b:s1+s3], $0x80, v4, vm0, $0xb8;
	[tilespmem:$0x1F000] =	vst v63  }
0x45: {  	s10 =	simm.s32 $0x6800  }
0x46: {  	[tilespmem:s10], [sflag:$0x1] =	stream.indirect_vreg.gather [hbm4b:s1+s3], $0x80, v3, vm0, $0xb8;
	[tilespmem:$0x1F000] =	vst v63  }
0x47: {  	v3 =	vld [tilespmem:$0x40];
	_ =	sdelay $0x4  }
0x48: {  	v61 =	vshll.u32 v3, $0x1  }
0x49: {  	v3 =	vand.u32 $0x7, v3;
	v4 =	vand.u32 $0xFFFFFFF0, v61  }
0x4a: {  	v3 =	vor.u32 v3, v4  }
0x4b: {  	v4 =	vperm.xlane v3, v0;
	_ =	sdelay $0x1  }
0x4c: {  	v3 =	vperm.xlane v3, v2;
	v4 =	vadd.s32 v1, v4;
	_ =	sdelay $0x1  }
0x4d: {  	v3 =	vadd.s32 v1, v3;
	_ =	sdelay $0x1  }
0x4e: {  	s22 =	simm.s32 $0x7000  }
0x4f: {  	[tilespmem:s22], [sflag:$0x1] =	stream.indirect_vreg.gather [hbm4b:s1+s3], $0x80, v4, vm0, $0xb8;
	[tilespmem:$0x1F000] =	vst v63  }
0x50: {  	s24 =	simm.s32 $0x7800  }
0x51: {  	[tilespmem:s24], [sflag:$0x1] =	stream.indirect_vreg.gather [hbm4b:s1+s3], $0x80, v3, vm0, $0xb8;
	[tilespmem:$0x1F000] =	vst v63  }
0x52: {  	v3 =	vld [tilespmem:$0x50];
	_ =	sdelay $0x4  }
0x53: {  	v62 =	vshll.u32 v3, $0x1  }
0x54: {  	v3 =	vand.u32 $0x7, v3;
	v4 =	vand.u32 $0xFFFFFFF0, v62  }
0x55: {  	v3 =	vor.u32 v3, v4  }
0x56: {  	v4 =	vperm.xlane v3, v0;
	_ =	sdelay $0x1  }
0x57: {  	v3 =	vperm.xlane v3, v2;
	v4 =	vadd.s32 v1, v4;
	_ =	sdelay $0x1  }
0x58: {  	v3 =	vadd.s32 v1, v3;
	_ =	sdelay $0x1  }
0x59: {  	s25 =	simm.s32 $0x8000  }
0x5a: {  	[tilespmem:s25], [sflag:$0x1] =	stream.indirect_vreg.gather [hbm4b:s1+s3], $0x80, v4, vm0, $0xb8;
	[tilespmem:$0x1F000] =	vst v63  }
0x5b: {  	s28 =	simm.s32 $0x8800  }
0x5c: {  	[tilespmem:s28], [sflag:$0x1] =	stream.indirect_vreg.gather [hbm4b:s1+s3], $0x80, v3, vm0, $0xb8;
	[tilespmem:$0x1F000] =	vst v63  }
0x5d: {  	v3 =	vld [tilespmem:$0x60];
	_ =	sdelay $0x4  }
0x5e: {  	v63 =	vshll.u32 v3, $0x1  }
0x5f: {  	v3 =	vand.u32 $0x7, v3;
	v4 =	vand.u32 $0xFFFFFFF0, v63  }
0x60: {  	v3 =	vor.u32 v3, v4  }
0x61: {  	v4 =	vperm.xlane v3, v0;
	_ =	sdelay $0x1  }
0x62: {  	v3 =	vperm.xlane v3, v2;
	v4 =	vadd.s32 v1, v4;
	_ =	sdelay $0x1  }
0x63: {  	v3 =	vadd.s32 v1, v3;
	_ =	sdelay $0x1  }
0x64: {  	s29 =	simm.s32 $0x9000  }
0x65: {  	[tilespmem:s29], [sflag:$0x1] =	stream.indirect_vreg.gather [hbm4b:s1+s3], $0x80, v4, vm0, $0xb8;
	[tilespmem:$0x1F000] =	vst v63  }
0x66: {  	s30 =	simm.s32 $0x9800;
	s25 =	simm.s32 $0x0  }
0x67: {  	[tilespmem:s30], [sflag:$0x1] =	stream.indirect_vreg.gather [hbm4b:s1+s3], $0x80, v3, vm0, $0xb8;
	[tilespmem:$0x1F000] =	vst v63  }
.LBB2_2:
0x68: {  	s5 =	sshll.u32 s25, $0x7  }
0x69: {  	s5 =	sand.u32 $0x3FFFFF80, s5  }
0x6a: {  	v3 =	vld [tilespmem:s5+$0x2000];
	_ =	swait.ge [sflag:s26], $0x7000  }
0x6b: {  	s10 =	sshll.u32 s25, $0x8;
	[sflag:s26] =	ssyncset.done $0x0  }
0x6c: {  	s5 =	sand.u32 $0x3FFFFF00, s10;
	[sflag:s26] =	ssyncadd.s32 $0xFFFF9000  }
0x6d: {  	v4 =	vld [tilespmem:s5+$0x80];
	_ =	sdelay $0x4  }
0x6e: {  	v5 =	vshll.u32 v4, $0x1  }
0x6f: {  	v4 =	vand.u32 $0x7, v4;
	v5 =	vand.u32 $0xFFFFFFF0, v5  }
0x70: {  	v4 =	vor.u32 v4, v5  }
0x71: {  	v5 =	vperm.xlane v4, v0;
	_ =	sdelay $0x1  }
0x72: {  	v4 =	vperm.xlane v4, v2;
	v5 =	vadd.s32 v1, v5;
	_ =	sdelay $0x1  }
0x73: {  	v4 =	vadd.s32 v1, v4;
	_ =	sdelay $0x1  }
0x74: {  	s6 =	simm.s32 $0xA000  }
0x75: {  	[tilespmem:s6], [sflag:$0x2] =	stream.indirect_vreg.gather [hbm4b:s1+s3], $0x80, v5, vm0, $0xb8;
	[tilespmem:$0x1F000] =	vst v63  }
0x76: {  	s22 =	simm.s32 $0xA800  }
0x77: {  	[tilespmem:s22], [sflag:$0x2] =	stream.indirect_vreg.gather [hbm4b:s1+s3], $0x80, v4, vm0, $0xb8;
	[tilespmem:$0x1F000] =	vst v63  }
0x78: {  	v4 =	vld [tilespmem:s5+$0x90];
	_ =	sdelay $0x4  }
0x79: {  	v5 =	vshll.u32 v4, $0x1  }
0x7a: {  	v4 =	vand.u32 $0x7, v4;
	v5 =	vand.u32 $0xFFFFFFF0, v5  }
0x7b: {  	v4 =	vor.u32 v4, v5  }
0x7c: {  	v5 =	vperm.xlane v4, v0;
	_ =	sdelay $0x1  }
0x7d: {  	v4 =	vperm.xlane v4, v2;
	v5 =	vadd.s32 v1, v5;
	_ =	sdelay $0x1  }
0x7e: {  	v4 =	vadd.s32 v1, v4;
	_ =	sdelay $0x1  }
0x7f: {  	s24 =	simm.s32 $0xB000  }
0x80: {  	[tilespmem:s24], [sflag:$0x2] =	stream.indirect_vreg.gather [hbm4b:s1+s3], $0x80, v5, vm0, $0xb8;
	[tilespmem:$0x1F000] =	vst v63  }
0x81: {  	_ = 	snop  }
0x82: {  	[tilespmem:s31], [sflag:$0x2] =	stream.indirect_vreg.gather [hbm4b:s1+s3], $0x80, v4, vm0, $0xb8;
	[tilespmem:$0x1F000] =	vst v63  }
0x83: {  	v4 =	vld [tilespmem:s5+$0xA0];
	_ =	sdelay $0x4  }
0x84: {  	v5 =	vshll.u32 v4, $0x1  }
0x85: {  	v4 =	vand.u32 $0x7, v4;
	v5 =	vand.u32 $0xFFFFFFF0, v5  }
0x86: {  	v4 =	vor.u32 v4, v5  }
0x87: {  	v5 =	vperm.xlane v4, v0;
	_ =	sdelay $0x1  }
0x88: {  	v4 =	vperm.xlane v4, v2;
	v5 =	vadd.s32 v1, v5;
	_ =	sdelay $0x1  }
0x89: {  	v4 =	vadd.s32 v1, v4;
	_ =	sdelay $0x2  }
0x8a: {  	[tilespmem:s2], [sflag:$0x2] =	stream.indirect_vreg.gather [hbm4b:s1+s3], $0x80, v5, vm0, $0xb8;
	[tilespmem:$0x1F000] =	vst v63  }
0x8b: {  	_ = 	snop  }
0x8c: {  	[tilespmem:s0], [sflag:$0x2] =	stream.indirect_vreg.gather [hbm4b:s1+s3], $0x80, v4, vm0, $0xb8;
	[tilespmem:$0x1F000] =	vst v63  }
0x8d: {  	v4 =	vld [tilespmem:s5+$0xB0];
	_ =	sdelay $0x4  }
0x8e: {  	v5 =	vshll.u32 v4, $0x1  }
0x8f: {  	v4 =	vand.u32 $0x7, v4;
	v5 =	vand.u32 $0xFFFFFFF0, v5  }
0x90: {  	v4 =	vor.u32 v4, v5  }
0x91: {  	v5 =	vperm.xlane v4, v0;
	_ =	sdelay $0x1  }
0x92: {  	v4 =	vperm.xlane v4, v2;
	v5 =	vadd.s32 v1, v5;
	_ =	sdelay $0x1  }
0x93: {  	v4 =	vadd.s32 v1, v4;
	_ =	sdelay $0x2  }
0x94: {  	[tilespmem:s11], [sflag:$0x2] =	stream.indirect_vreg.gather [hbm4b:s1+s3], $0x80, v5, vm0, $0xb8;
	[tilespmem:$0x1F000] =	vst v63  }
0x95: {  	_ = 	snop  }
0x96: {  	[tilespmem:s12], [sflag:$0x2] =	stream.indirect_vreg.gather [hbm4b:s1+s3], $0x80, v4, vm0, $0xb8;
	[tilespmem:$0x1F000] =	vst v63  }
0x97: {  	v4 =	vld [tilespmem:s5+$0xC0];
	_ =	sdelay $0x4  }
0x98: {  	v5 =	vshll.u32 v4, $0x1  }
0x99: {  	v4 =	vand.u32 $0x7, v4;
	v5 =	vand.u32 $0xFFFFFFF0, v5  }
0x9a: {  	v4 =	vor.u32 v4, v5  }
0x9b: {  	v5 =	vperm.xlane v4, v0;
	_ =	sdelay $0x1  }
0x9c: {  	v4 =	vperm.xlane v4, v2;
	v5 =	vadd.s32 v1, v5;
	_ =	sdelay $0x1  }
0x9d: {  	v4 =	vadd.s32 v1, v4;
	_ =	sdelay $0x2  }
0x9e: {  	[tilespmem:s13], [sflag:$0x2] =	stream.indirect_vreg.gather [hbm4b:s1+s3], $0x80, v5, vm0, $0xb8;
	[tilespmem:$0x1F000] =	vst v63  }
0x9f: {  	_ = 	snop  }
0xa0: {  	[tilespmem:s14], [sflag:$0x2] =	stream.indirect_vreg.gather [hbm4b:s1+s3], $0x80, v4, vm0, $0xb8;
	[tilespmem:$0x1F000] =	vst v63  }
0xa1: {  	v4 =	vld [tilespmem:s5+$0xD0];
	_ =	sdelay $0x4  }
0xa2: {  	v5 =	vshll.u32 v4, $0x1  }
0xa3: {  	v4 =	vand.u32 $0x7, v4;
	v5 =	vand.u32 $0xFFFFFFF0, v5  }
0xa4: {  	v4 =	vor.u32 v4, v5  }
0xa5: {  	v5 =	vperm.xlane v4, v0;
	_ =	sdelay $0x1  }
0xa6: {  	v4 =	vperm.xlane v4, v2;
	v5 =	vadd.s32 v1, v5;
	_ =	sdelay $0x1  }
0xa7: {  	v4 =	vadd.s32 v1, v4;
	_ =	sdelay $0x2  }
0xa8: {  	[tilespmem:s15], [sflag:$0x2] =	stream.indirect_vreg.gather [hbm4b:s1+s3], $0x80, v5, vm0, $0xb8;
	[tilespmem:$0x1F000] =	vst v63  }
0xa9: {  	_ = 	snop  }
0xaa: {  	[tilespmem:s16], [sflag:$0x2] =	stream.indirect_vreg.gather [hbm4b:s1+s3], $0x80, v4, vm0, $0xb8;
	[tilespmem:$0x1F000] =	vst v63  }
0xab: {  	v4 =	vld [tilespmem:s5+$0xE0];
	_ =	sdelay $0x4  }
0xac: {  	v5 =	vshll.u32 v4, $0x1  }
0xad: {  	v4 =	vand.u32 $0x7, v4;
	v5 =	vand.u32 $0xFFFFFFF0, v5  }
0xae: {  	v4 =	vor.u32 v4, v5  }
0xaf: {  	v5 =	vperm.xlane v4, v0;
	_ =	sdelay $0x1  }
0xb0: {  	v4 =	vperm.xlane v4, v2;
	v5 =	vadd.s32 v1, v5;
	_ =	sdelay $0x1  }
0xb1: {  	v4 =	vadd.s32 v1, v4;
	_ =	sdelay $0x1  }
0xb2: {  	p0 =	seq.s32 s25, $0x0  }
0xb3: {  	[tilespmem:s17], [sflag:$0x2] =	stream.indirect_vreg.gather [hbm4b:s1+s3], $0x80, v5, vm0, $0xb8;
	[tilespmem:$0x1F000] =	vst v63  }
0xb4: {  	s6 =	simm.s32 @!p0 $0x3  }
0xb5: {  	[tilespmem:s18], [sflag:$0x2] =	stream.indirect_vreg.gather [hbm4b:s1+s3], $0x80, v4, vm0, $0xb8;
	[tilespmem:$0x1F000] =	vst v63  }
0xb6: {  	s9 =	simm.s32 $0x0;
	_ =	swait.ge @!p0 [sflag:s6], $0x7000  }
0xb7: {  	s10 =	sand.u32 $0x7800, s9;
	s9 =	sand.u32 $0x380, s9;
	[sflag:s6] =	ssyncset.done @!p0 $0x0  }
0xb8: {  	s9 =	sor.u32 s9, s10;
	[sflag:s6] =	ssyncadd.s32 @!p0 $0xFFFF9000  }
0xb9: {  	v4 =	vld [tilespmem:s9+$0x3070]  }
0xba: {  	v5 =	vld [tilespmem:s9+$0x3000]  }
0xbb: {  	v6 =	vld [tilespmem:s9+$0x3010]  }
0xbc: {  	v7 =	vld [tilespmem:s9+$0x3020]  }
0xbd: {  	v8 =	vld [tilespmem:s9+$0x3030]  }
0xbe: {  	v9 =	vld [tilespmem:s9+$0x3040]  }
0xbf: {  	v10 =	vld [tilespmem:s9+$0x3050];
	v5 =	vadd.f32 v5, v3  }
0xc0: {  	s6 =	simm.s32 $0x113F0;
	v11 =	vld [tilespmem:s9+$0x3060];
	v6 =	vadd.f32 v6, v3  }
0xc1: {  	v12 =	vld [tilespmem:s9+$0x3400];
	v7 =	vadd.f32 v7, v3;
	[tilespmem:s6+$0xFFFFFC10] =	vst v5  }
0xc2: {  	v8 =	vadd.f32 v8, v3;
	v5 =	vld [tilespmem:s9+$0x3410];
	[tilespmem:s6+$0xFFFFFC20] =	vst v6  }
0xc3: {  	v9 =	vadd.f32 v9, v3;
	v6 =	vld [tilespmem:s9+$0x3420];
	[tilespmem:s6+$0xFFFFFC30] =	vst v7  }
0xc4: {  	v10 =	vadd.f32 v10, v3;
	v7 =	vld [tilespmem:s9+$0x3430];
	[tilespmem:s6+$0xFFFFFC40] =	vst v8  }
0xc5: {  	v11 =	vadd.f32 v11, v3;
	v8 =	vld [tilespmem:s9+$0x3440];
	[tilespmem:s6+$0xFFFFFC50] =	vst v9  }
0xc6: {  	s29 =	simm.s32 $0x100;
	s22 =	simm.s32 $0x80;
	v4 =	vadd.f32 v4, v3;
	v9 =	vld [tilespmem:s9+$0x3450];
	[tilespmem:s6+$0xFFFFFC60] =	vst v10  }
0xc7: {  	s10 =	sand.u32 $0xF800, s29;
	s22 =	sand.u32 $0x380, s22;
	v12 =	vadd.f32 v12, v3;
	v10 =	vld [tilespmem:s9+$0x3460];
	[tilespmem:s6+$0xFFFFFC70] =	vst v11  }
0xc8: {  	s30 =	sor.u32 s22, s10;
	v5 =	vadd.f32 v5, v3;
	v11 =	vld [tilespmem:s9+$0x3470];
	[tilespmem:s6+$0xFFFFFC80] =	vst v4  }
0xc9: {  	v6 =	vadd.f32 v6, v3;
	v4 =	vld [tilespmem:s30+$0x3000];
	[tilespmem:s6+$0x10] =	vst v12  }
0xca: {  	v7 =	vadd.f32 v7, v3;
	v12 =	vld [tilespmem:s30+$0x3010];
	[tilespmem:s6+$0x20] =	vst v5  }
0xcb: {  	v8 =	vadd.f32 v8, v3;
	v5 =	vld [tilespmem:s30+$0x3020];
	[tilespmem:s6+$0x30] =	vst v6  }
0xcc: {  	v9 =	vadd.f32 v9, v3;
	v6 =	vld [tilespmem:s30+$0x3030];
	[tilespmem:s6+$0x40] =	vst v7  }
0xcd: {  	v10 =	vadd.f32 v10, v3;
	v7 =	vld [tilespmem:s30+$0x3040];
	[tilespmem:s6+$0x50] =	vst v8  }
0xce: {  	v11 =	vadd.f32 v11, v3;
	v8 =	vld [tilespmem:s30+$0x3050];
	[tilespmem:s6+$0x60] =	vst v9  }
0xcf: {  	v4 =	vadd.f32 v4, v3;
	v9 =	vld [tilespmem:s30+$0x3060];
	[tilespmem:s6+$0xFFFFFC90] =	vst v10  }
0xd0: {  	v12 =	vadd.f32 v12, v3;
	v10 =	vld [tilespmem:s30+$0x3070];
	[tilespmem:s6+$0xFFFFFCA0] =	vst v11  }
0xd1: {  	v5 =	vadd.f32 v5, v3;
	v11 =	vld [tilespmem:s30+$0x3400];
	[tilespmem:s6+$0xFFFFFCB0] =	vst v4  }
0xd2: {  	v6 =	vadd.f32 v6, v3;
	v4 =	vld [tilespmem:s30+$0x3410];
	[tilespmem:s6+$0xFFFFFCC0] =	vst v12  }
0xd3: {  	v7 =	vadd.f32 v7, v3;
	v12 =	vld [tilespmem:s30+$0x3420];
	[tilespmem:s6+$0xFFFFFCD0] =	vst v5  }
0xd4: {  	v8 =	vadd.f32 v8, v3;
	v5 =	vld [tilespmem:s30+$0x3430];
	[tilespmem:s6+$0xFFFFFCE0] =	vst v6  }
0xd5: {  	v9 =	vadd.f32 v9, v3;
	v6 =	vld [tilespmem:s30+$0x3440];
	[tilespmem:s6+$0xFFFFFCF0] =	vst v7  }
0xd6: {  	s29 =	simm.s32 $0x100;
	s24 =	simm.s32 $0x200;
	v10 =	vadd.f32 v10, v3;
	v7 =	vld [tilespmem:s30+$0x3450];
	[tilespmem:s6+$0xFFFFFD00] =	vst v8  }
0xd7: {  	s22 =	sand.u32 $0x380, s29;
	s10 =	sand.u32 $0xF800, s24;
	v11 =	vadd.f32 v11, v3;
	v8 =	vld [tilespmem:s30+$0x3460];
	[tilespmem:s6+$0x90] =	vst v9  }
0xd8: {  	v4 =	vadd.f32 v4, v3;
	v9 =	vld [tilespmem:s30+$0x3470];
	[tilespmem:s6+$0xA0] =	vst v10;
	s30 =	sor.u32 s22, s10  }
0xd9: {  	v12 =	vadd.f32 v12, v3;
	v10 =	vld [tilespmem:s30+$0x3000];
	[tilespmem:s6+$0xB0] =	vst v11  }
0xda: {  	v5 =	vadd.f32 v5, v3;
	v11 =	vld [tilespmem:s30+$0x3010];
	[tilespmem:s6+$0xC0] =	vst v4  }
0xdb: {  	v6 =	vadd.f32 v6, v3;
	v4 =	vld [tilespmem:s30+$0x3020];
	[tilespmem:s6+$0xD0] =	vst v12  }
0xdc: {  	v7 =	vadd.f32 v7, v3;
	v12 =	vld [tilespmem:s30+$0x3030];
	[tilespmem:s6+$0xE0] =	vst v5  }
0xdd: {  	v8 =	vadd.f32 v8, v3;
	v5 =	vld [tilespmem:s30+$0x3040];
	[tilespmem:s6+$0xFFFFFD10] =	vst v6  }
0xde: {  	v9 =	vadd.f32 v9, v3;
	v6 =	vld [tilespmem:s30+$0x3050];
	[tilespmem:s6+$0xFFFFFD20] =	vst v7  }
0xdf: {  	v10 =	vadd.f32 v10, v3;
	v7 =	vld [tilespmem:s30+$0x3060];
	[tilespmem:s6+$0xFFFFFD30] =	vst v8  }
0xe0: {  	v11 =	vadd.f32 v11, v3;
	v8 =	vld [tilespmem:s30+$0x3070];
	[tilespmem:s6+$0xFFFFFD40] =	vst v9  }
0xe1: {  	v4 =	vadd.f32 v4, v3;
	v9 =	vld [tilespmem:s30+$0x3400];
	[tilespmem:s6+$0xFFFFFD50] =	vst v10  }
0xe2: {  	v12 =	vadd.f32 v12, v3;
	v10 =	vld [tilespmem:s30+$0x3410];
	[tilespmem:s6+$0xFFFFFD60] =	vst v11  }
0xe3: {  	v5 =	vadd.f32 v5, v3;
	v11 =	vld [tilespmem:s30+$0x3420];
	[tilespmem:s6+$0xFFFFFD70] =	vst v4  }
0xe4: {  	v6 =	vadd.f32 v6, v3;
	v4 =	vld [tilespmem:s30+$0x3430];
	[tilespmem:s6+$0xFFFFFD80] =	vst v12  }
0xe5: {  	v7 =	vadd.f32 v7, v3;
	v12 =	vld [tilespmem:s30+$0x3440];
	[tilespmem:s6+$0x110] =	vst v5  }
0xe6: {  	s29 =	simm.s32 $0x180;
	s24 =	simm.s32 $0x300;
	v8 =	vadd.f32 v8, v3;
	v5 =	vld [tilespmem:s30+$0x3450];
	[tilespmem:s6+$0x120] =	vst v6  }
0xe7: {  	s10 =	sand.u32 $0xF800, s24;
	s22 =	sand.u32 $0x380, s29;
	v9 =	vadd.f32 v9, v3;
	v6 =	vld [tilespmem:s30+$0x3460];
	[tilespmem:s6+$0x130] =	vst v7  }
0xe8: {  	v10 =	vadd.f32 v10, v3;
	v7 =	vld [tilespmem:s30+$0x3470];
	[tilespmem:s6+$0x140] =	vst v8;
	s30 =	sor.u32 s22, s10  }
0xe9: {  	v11 =	vadd.f32 v11, v3;
	v8 =	vld [tilespmem:s30+$0x3000];
	[tilespmem:s6+$0x150] =	vst v9  }
0xea: {  	v4 =	vadd.f32 v4, v3;
	v9 =	vld [tilespmem:s30+$0x3010];
	[tilespmem:s6+$0x160] =	vst v10  }
0xeb: {  	v12 =	vadd.f32 v12, v3;
	v10 =	vld [tilespmem:s30+$0x3020];
	[tilespmem:s6+$0xFFFFFD90] =	vst v11  }
0xec: {  	v5 =	vadd.f32 v5, v3;
	v11 =	vld [tilespmem:s30+$0x3030];
	[tilespmem:s6+$0xFFFFFDA0] =	vst v4  }
0xed: {  	v6 =	vadd.f32 v6, v3;
	v4 =	vld [tilespmem:s30+$0x3040];
	[tilespmem:s6+$0xFFFFFDB0] =	vst v12  }
0xee: {  	v7 =	vadd.f32 v7, v3;
	v12 =	vld [tilespmem:s30+$0x3050];
	[tilespmem:s6+$0xFFFFFDC0] =	vst v5  }
0xef: {  	v8 =	vadd.f32 v8, v3;
	v5 =	vld [tilespmem:s30+$0x3060];
	[tilespmem:s6+$0xFFFFFDD0] =	vst v6  }
0xf0: {  	v9 =	vadd.f32 v9, v3;
	v6 =	vld [tilespmem:s30+$0x3070];
	[tilespmem:s6+$0xFFFFFDE0] =	vst v7  }
0xf1: {  	v10 =	vadd.f32 v10, v3;
	v7 =	vld [tilespmem:s30+$0x3400];
	[tilespmem:s6+$0xFFFFFDF0] =	vst v8  }
0xf2: {  	v11 =	vadd.f32 v11, v3;
	v8 =	vld [tilespmem:s30+$0x3410];
	[tilespmem:s6+$0xFFFFFE00] =	vst v9  }
0xf3: {  	v4 =	vadd.f32 v4, v3;
	v9 =	vld [tilespmem:s30+$0x3420];
	[tilespmem:s6+$0x190] =	vst v10  }
0xf4: {  	v12 =	vadd.f32 v12, v3;
	v10 =	vld [tilespmem:s30+$0x3430];
	[tilespmem:s6+$0x1A0] =	vst v11  }
0xf5: {  	v5 =	vadd.f32 v5, v3;
	v11 =	vld [tilespmem:s30+$0x3440];
	[tilespmem:s6+$0x1B0] =	vst v4  }
0xf6: {  	s24 =	simm.s32 $0x400;
	s29 =	simm.s32 $0x200;
	v6 =	vadd.f32 v6, v3;
	v4 =	vld [tilespmem:s30+$0x3450];
	[tilespmem:s6+$0x1C0] =	vst v12  }
0xf7: {  	s10 =	sand.u32 $0xF800, s24;
	s22 =	sand.u32 $0x380, s29;
	v7 =	vadd.f32 v7, v3;
	v12 =	vld [tilespmem:s30+$0x3460];
	[tilespmem:s6+$0x1D0] =	vst v5  }
0xf8: {  	v8 =	vadd.f32 v8, v3;
	v5 =	vld [tilespmem:s30+$0x3470];
	[tilespmem:s6+$0x1E0] =	vst v6;
	s30 =	sor.u32 s22, s10  }
0xf9: {  	v9 =	vadd.f32 v9, v3;
	v6 =	vld [tilespmem:s30+$0x3000];
	[tilespmem:s6+$0xFFFFFE10] =	vst v7  }
0xfa: {  	v10 =	vadd.f32 v10, v3;
	v7 =	vld [tilespmem:s30+$0x3010];
	[tilespmem:s6+$0xFFFFFE20] =	vst v8  }
0xfb: {  	v11 =	vadd.f32 v11, v3;
	v8 =	vld [tilespmem:s30+$0x3020];
	[tilespmem:s6+$0xFFFFFE30] =	vst v9  }
0xfc: {  	v4 =	vadd.f32 v4, v3;
	v9 =	vld [tilespmem:s30+$0x3030];
	[tilespmem:s6+$0xFFFFFE40] =	vst v10  }
0xfd: {  	v12 =	vadd.f32 v12, v3;
	v10 =	vld [tilespmem:s30+$0x3040];
	[tilespmem:s6+$0xFFFFFE50] =	vst v11  }
0xfe: {  	v5 =	vadd.f32 v5, v3;
	v11 =	vld [tilespmem:s30+$0x3050];
	[tilespmem:s6+$0xFFFFFE60] =	vst v4  }
0xff: {  	v6 =	vadd.f32 v6, v3;
	v4 =	vld [tilespmem:s30+$0x3060];
	[tilespmem:s6+$0xFFFFFE70] =	vst v12  }
0x100: {  	v7 =	vadd.f32 v7, v3;
	v12 =	vld [tilespmem:s30+$0x3070];
	[tilespmem:s6+$0xFFFFFE80] =	vst v5  }
0x101: {  	v8 =	vadd.f32 v8, v3;
	v5 =	vld [tilespmem:s30+$0x3400];
	[tilespmem:s6+$0x210] =	vst v6  }
0x102: {  	v9 =	vadd.f32 v9, v3;
	v6 =	vld [tilespmem:s30+$0x3410];
	[tilespmem:s6+$0x220] =	vst v7  }
0x103: {  	v10 =	vadd.f32 v10, v3;
	v7 =	vld [tilespmem:s30+$0x3420];
	[tilespmem:s6+$0x230] =	vst v8  }
0x104: {  	v11 =	vadd.f32 v11, v3;
	v8 =	vld [tilespmem:s30+$0x3430];
	[tilespmem:s6+$0x240] =	vst v9  }
0x105: {  	v4 =	vadd.f32 v4, v3;
	v9 =	vld [tilespmem:s30+$0x3440];
	[tilespmem:s6+$0x250] =	vst v10  }
0x106: {  	s24 =	simm.s32 $0x500;
	s29 =	simm.s32 $0x280;
	v12 =	vadd.f32 v12, v3;
	v10 =	vld [tilespmem:s30+$0x3450];
	[tilespmem:s6+$0x260] =	vst v11  }
0x107: {  	s10 =	sand.u32 $0xF800, s24;
	s22 =	sand.u32 $0x380, s29;
	v5 =	vadd.f32 v5, v3;
	v11 =	vld [tilespmem:s30+$0x3460];
	[tilespmem:s6+$0xFFFFFE90] =	vst v4  }
0x108: {  	v6 =	vadd.f32 v6, v3;
	v4 =	vld [tilespmem:s30+$0x3470];
	[tilespmem:s6+$0xFFFFFEA0] =	vst v12;
	s30 =	sor.u32 s22, s10  }
0x109: {  	v7 =	vadd.f32 v7, v3;
	v12 =	vld [tilespmem:s30+$0x3000];
	[tilespmem:s6+$0xFFFFFEB0] =	vst v5  }
0x10a: {  	v8 =	vadd.f32 v8, v3;
	v5 =	vld [tilespmem:s30+$0x3010];
	[tilespmem:s6+$0xFFFFFEC0] =	vst v6  }
0x10b: {  	v9 =	vadd.f32 v9, v3;
	v6 =	vld [tilespmem:s30+$0x3020];
	[tilespmem:s6+$0xFFFFFED0] =	vst v7  }
0x10c: {  	v10 =	vadd.f32 v10, v3;
	v7 =	vld [tilespmem:s30+$0x3030];
	[tilespmem:s6+$0xFFFFFEE0] =	vst v8  }
0x10d: {  	v11 =	vadd.f32 v11, v3;
	v8 =	vld [tilespmem:s30+$0x3040];
	[tilespmem:s6+$0xFFFFFEF0] =	vst v9  }
0x10e: {  	v4 =	vadd.f32 v4, v3;
	v9 =	vld [tilespmem:s30+$0x3050];
	[tilespmem:s6+$0xFFFFFF00] =	vst v10  }
0x10f: {  	v12 =	vadd.f32 v12, v3;
	v10 =	vld [tilespmem:s30+$0x3060];
	[tilespmem:s6+$0x290] =	vst v11  }
0x110: {  	v5 =	vadd.f32 v5, v3;
	v11 =	vld [tilespmem:s30+$0x3070];
	[tilespmem:s6+$0x2A0] =	vst v4  }
0x111: {  	v6 =	vadd.f32 v6, v3;
	v4 =	vld [tilespmem:s30+$0x3400];
	[tilespmem:s6+$0x2B0] =	vst v12  }
0x112: {  	v7 =	vadd.f32 v7, v3;
	v12 =	vld [tilespmem:s30+$0x3410];
	[tilespmem:s6+$0x2C0] =	vst v5  }
0x113: {  	v8 =	vadd.f32 v8, v3;
	v5 =	vld [tilespmem:s30+$0x3420];
	[tilespmem:s6+$0x2D0] =	vst v6  }
0x114: {  	v9 =	vadd.f32 v9, v3;
	v6 =	vld [tilespmem:s30+$0x3430];
	[tilespmem:s6+$0x2E0] =	vst v7  }
0x115: {  	v10 =	vadd.f32 v10, v3;
	v7 =	vld [tilespmem:s30+$0x3440];
	[tilespmem:s6+$0xFFFFFF10] =	vst v8  }
0x116: {  	s24 =	simm.s32 $0x600;
	s29 =	simm.s32 $0x300;
	v11 =	vadd.f32 v11, v3;
	v8 =	vld [tilespmem:s30+$0x3450];
	[tilespmem:s6+$0xFFFFFF20] =	vst v9  }
0x117: {  	s10 =	sand.u32 $0xF800, s24;
	s22 =	sand.u32 $0x380, s29;
	v4 =	vadd.f32 v4, v3;
	v9 =	vld [tilespmem:s30+$0x3460];
	[tilespmem:s6+$0xFFFFFF30] =	vst v10  }
0x118: {  	v12 =	vadd.f32 v12, v3;
	v10 =	vld [tilespmem:s30+$0x3470];
	[tilespmem:s6+$0xFFFFFF40] =	vst v11;
	s30 =	sor.u32 s22, s10  }
0x119: {  	v5 =	vadd.f32 v5, v3;
	v11 =	vld [tilespmem:s30+$0x3000];
	[tilespmem:s6+$0xFFFFFF50] =	vst v4  }
0x11a: {  	v6 =	vadd.f32 v6, v3;
	v4 =	vld [tilespmem:s30+$0x3010];
	[tilespmem:s6+$0xFFFFFF60] =	vst v12  }
0x11b: {  	v7 =	vadd.f32 v7, v3;
	v12 =	vld [tilespmem:s30+$0x3020];
	[tilespmem:s6+$0xFFFFFF70] =	vst v5  }
0x11c: {  	v8 =	vadd.f32 v8, v3;
	v5 =	vld [tilespmem:s30+$0x3030];
	[tilespmem:s6+$0xFFFFFF80] =	vst v6  }
0x11d: {  	v9 =	vadd.f32 v9, v3;
	v6 =	vld [tilespmem:s30+$0x3040];
	[tilespmem:s6+$0x310] =	vst v7  }
0x11e: {  	v10 =	vadd.f32 v10, v3;
	v7 =	vld [tilespmem:s30+$0x3050];
	[tilespmem:s6+$0x320] =	vst v8  }
0x11f: {  	v11 =	vadd.f32 v11, v3;
	v8 =	vld [tilespmem:s30+$0x3060];
	[tilespmem:s6+$0x330] =	vst v9  }
0x120: {  	v4 =	vadd.f32 v4, v3;
	v9 =	vld [tilespmem:s30+$0x3070];
	[tilespmem:s6+$0x340] =	vst v10  }
0x121: {  	v12 =	vadd.f32 v12, v3;
	v10 =	vld [tilespmem:s30+$0x3400];
	[tilespmem:s6+$0x350] =	vst v11  }
0x122: {  	v5 =	vadd.f32 v5, v3;
	v11 =	vld [tilespmem:s30+$0x3410];
	[tilespmem:s6+$0x360] =	vst v4  }
0x123: {  	v6 =	vadd.f32 v6, v3;
	v4 =	vld [tilespmem:s30+$0x3420];
	[tilespmem:s6+$0xFFFFFF90] =	vst v12  }
0x124: {  	v7 =	vadd.f32 v7, v3;
	v12 =	vld [tilespmem:s30+$0x3430];
	[tilespmem:s6+$0xFFFFFFA0] =	vst v5  }
0x125: {  	v8 =	vadd.f32 v8, v3;
	v5 =	vld [tilespmem:s30+$0x3440];
	[tilespmem:s6+$0xFFFFFFB0] =	vst v6  }
0x126: {  	v9 =	vadd.f32 v9, v3;
	v6 =	vld [tilespmem:s30+$0x3450];
	[tilespmem:s6+$0xFFFFFFC0] =	vst v7  }
0x127: {  	v63 =	vadd.f32 v10, v3;
	v7 =	vld [tilespmem:s30+$0x3460];
	[tilespmem:s6+$0xFFFFFFD0] =	vst v8  }
0x128: {  	v60 =	vadd.f32 v11, v3;
	v61 =	vld [tilespmem:s30+$0x3470];
	[tilespmem:s6+$0xFFFFFFE0] =	vst v9  }
0x129: {  	v4 =	vadd.f32 v4, v3;
	[tilespmem:s6+$0xFFFFFFF0] =	vst v63  }
0x12a: {  	[tilespmem:s6+$0x0] =	vst v60;
	v62 =	vadd.f32 v12, v3  }
0x12b: {  	[tilespmem:s6+$0x390] =	vst v4;
	v4 =	vadd.f32 v5, v3  }
0x12c: {  	[tilespmem:s6+$0x3A0] =	vst v62;
	v5 =	vadd.f32 v6, v3  }
0x12d: {  	[tilespmem:s6+$0x3B0] =	vst v4;
	v4 =	vadd.f32 v7, v3  }
0x12e: {  	s22 =	simm.s32 $0x380;
	s10 =	simm.s32 $0x700;
	[tilespmem:s6+$0x3C0] =	vst v5;
	v5 =	vadd.f32 v61, v3  }
0x12f: {  	s24 =	sand.u32 $0x7800, s10;
	s28 =	sand.u32 $0x380, s22;
	[tilespmem:s6+$0x3D0] =	vst v4  }
0x130: {  	s9 =	sadd.s32 s7, s25;
	s28 =	sor.u32 s28, s24;
	s24 =	simm.s32 $0x700;
	[tilespmem:s6+$0x3E0] =	vst v5  }
.LBB2_3:
0x131: {  	p0 =	sne.s32 s24, $0x2D80;
	v4 =	vld [tilespmem:s28+$0x3070]  }
0x132: {  	v5 =	vld [tilespmem:s28+$0x3000]  }
0x133: {  	v6 =	vld [tilespmem:s28+$0x3010]  }
0x134: {  	v7 =	vld [tilespmem:s28+$0x3020]  }
0x135: {  	v8 =	vld [tilespmem:s28+$0x3030]  }
0x136: {  	v9 =	vld [tilespmem:s28+$0x3040]  }
0x137: {  	v10 =	vld [tilespmem:s28+$0x3050];
	v5 =	vadd.f32 v5, v3  }
0x138: {  	s6 =	sadd.s32 $0x800, s6;
	v11 =	vld [tilespmem:s28+$0x3060];
	v6 =	vadd.f32 v6, v3  }
0x139: {  	v12 =	vld [tilespmem:s28+$0x3400];
	[tilespmem:s6+$0xFFFFFC10] =	vst v5;
	v5 =	vadd.f32 v7, v3  }
0x13a: {  	v7 =	vld [tilespmem:s28+$0x3410];
	[tilespmem:s6+$0xFFFFFC20] =	vst v6;
	v6 =	vadd.f32 v8, v3  }
0x13b: {  	v8 =	vld [tilespmem:s28+$0x3420];
	[tilespmem:s6+$0xFFFFFC30] =	vst v5;
	v5 =	vadd.f32 v9, v3  }
0x13c: {  	v9 =	vld [tilespmem:s28+$0x3430];
	[tilespmem:s6+$0xFFFFFC40] =	vst v6;
	v6 =	vadd.f32 v10, v3  }
0x13d: {  	v10 =	vld [tilespmem:s28+$0x3440];
	[tilespmem:s6+$0xFFFFFC50] =	vst v5;
	v5 =	vadd.f32 v11, v3  }
0x13e: {  	s29 =	sadd.s32 $0x100, s10;
	s30 =	sadd.s32 $0x80, s22;
	v4 =	vadd.f32 v4, v3;
	v11 =	vld [tilespmem:s28+$0x3450];
	[tilespmem:s6+$0xFFFFFC60] =	vst v6  }
0x13f: {  	s29 =	sand.u32 $0xF800, s29;
	s30 =	sand.u32 $0x380, s30;
	v6 =	vld [tilespmem:s28+$0x3460];
	[tilespmem:s6+$0xFFFFFC70] =	vst v5;
	v5 =	vadd.f32 v12, v3  }
0x140: {  	v12 =	vld [tilespmem:s28+$0x3470];
	[tilespmem:s6+$0xFFFFFC80] =	vst v4;
	s28 =	sor.u32 s30, s29;
	v4 =	vadd.f32 v7, v3  }
0x141: {  	v7 =	vld [tilespmem:s28+$0x3000];
	[tilespmem:s6+$0x10] =	vst v5;
	v5 =	vadd.f32 v8, v3  }
0x142: {  	v8 =	vld [tilespmem:s28+$0x3010];
	[tilespmem:s6+$0x20] =	vst v4;
	v4 =	vadd.f32 v9, v3  }
0x143: {  	v9 =	vld [tilespmem:s28+$0x3020];
	[tilespmem:s6+$0x30] =	vst v5;
	v5 =	vadd.f32 v10, v3  }
0x144: {  	v10 =	vld [tilespmem:s28+$0x3030];
	[tilespmem:s6+$0x40] =	vst v4;
	v4 =	vadd.f32 v11, v3  }
0x145: {  	v11 =	vld [tilespmem:s28+$0x3040];
	[tilespmem:s6+$0x50] =	vst v5;
	v5 =	vadd.f32 v6, v3  }
0x146: {  	v6 =	vld [tilespmem:s28+$0x3050];
	[tilespmem:s6+$0x60] =	vst v4;
	v4 =	vadd.f32 v12, v3  }
0x147: {  	v12 =	vld [tilespmem:s28+$0x3060];
	[tilespmem:s6+$0xFFFFFC90] =	vst v5;
	v5 =	vadd.f32 v7, v3  }
0x148: {  	v7 =	vld [tilespmem:s28+$0x3070];
	[tilespmem:s6+$0xFFFFFCA0] =	vst v4;
	v4 =	vadd.f32 v8, v3  }
0x149: {  	v8 =	vld [tilespmem:s28+$0x3400];
	[tilespmem:s6+$0xFFFFFCB0] =	vst v5;
	v5 =	vadd.f32 v9, v3  }
0x14a: {  	v9 =	vld [tilespmem:s28+$0x3410];
	[tilespmem:s6+$0xFFFFFCC0] =	vst v4;
	v4 =	vadd.f32 v10, v3  }
0x14b: {  	v10 =	vld [tilespmem:s28+$0x3420];
	[tilespmem:s6+$0xFFFFFCD0] =	vst v5;
	v5 =	vadd.f32 v11, v3  }
0x14c: {  	v11 =	vld [tilespmem:s28+$0x3430];
	[tilespmem:s6+$0xFFFFFCE0] =	vst v4;
	v4 =	vadd.f32 v6, v3  }
0x14d: {  	v6 =	vld [tilespmem:s28+$0x3440];
	[tilespmem:s6+$0xFFFFFCF0] =	vst v5;
	v5 =	vadd.f32 v12, v3  }
0x14e: {  	s29 =	sadd.s32 $0x200, s10;
	s30 =	sadd.s32 $0x100, s22;
	v12 =	vld [tilespmem:s28+$0x3450];
	[tilespmem:s6+$0xFFFFFD00] =	vst v4;
	v4 =	vadd.f32 v7, v3  }
0x14f: {  	s29 =	sand.u32 $0xF800, s29;
	s30 =	sand.u32 $0x380, s30;
	v7 =	vld [tilespmem:s28+$0x3460];
	[tilespmem:s6+$0x90] =	vst v5;
	v5 =	vadd.f32 v8, v3  }
0x150: {  	v8 =	vld [tilespmem:s28+$0x3470];
	[tilespmem:s6+$0xA0] =	vst v4;
	s28 =	sor.u32 s30, s29;
	v4 =	vadd.f32 v9, v3  }
0x151: {  	v9 =	vld [tilespmem:s28+$0x3000];
	[tilespmem:s6+$0xB0] =	vst v5;
	v5 =	vadd.f32 v10, v3  }
0x152: {  	v10 =	vld [tilespmem:s28+$0x3010];
	[tilespmem:s6+$0xC0] =	vst v4;
	v4 =	vadd.f32 v11, v3  }
0x153: {  	v11 =	vld [tilespmem:s28+$0x3020];
	[tilespmem:s6+$0xD0] =	vst v5;
	v5 =	vadd.f32 v6, v3  }
0x154: {  	v6 =	vld [tilespmem:s28+$0x3030];
	[tilespmem:s6+$0xE0] =	vst v4;
	v4 =	vadd.f32 v12, v3  }
0x155: {  	v12 =	vld [tilespmem:s28+$0x3040];
	[tilespmem:s6+$0xFFFFFD10] =	vst v5;
	v5 =	vadd.f32 v7, v3  }
0x156: {  	v7 =	vld [tilespmem:s28+$0x3050];
	[tilespmem:s6+$0xFFFFFD20] =	vst v4;
	v4 =	vadd.f32 v8, v3  }
0x157: {  	v8 =	vld [tilespmem:s28+$0x3060];
	[tilespmem:s6+$0xFFFFFD30] =	vst v5;
	v5 =	vadd.f32 v9, v3  }
0x158: {  	v9 =	vld [tilespmem:s28+$0x3070];
	[tilespmem:s6+$0xFFFFFD40] =	vst v4;
	v4 =	vadd.f32 v10, v3  }
0x159: {  	v10 =	vld [tilespmem:s28+$0x3400];
	[tilespmem:s6+$0xFFFFFD50] =	vst v5;
	v5 =	vadd.f32 v11, v3  }
0x15a: {  	v11 =	vld [tilespmem:s28+$0x3410];
	[tilespmem:s6+$0xFFFFFD60] =	vst v4;
	v4 =	vadd.f32 v6, v3  }
0x15b: {  	v6 =	vld [tilespmem:s28+$0x3420];
	[tilespmem:s6+$0xFFFFFD70] =	vst v5;
	v5 =	vadd.f32 v12, v3  }
0x15c: {  	v12 =	vld [tilespmem:s28+$0x3430];
	[tilespmem:s6+$0xFFFFFD80] =	vst v4;
	v4 =	vadd.f32 v7, v3  }
0x15d: {  	v7 =	vld [tilespmem:s28+$0x3440];
	[tilespmem:s6+$0x110] =	vst v5;
	v5 =	vadd.f32 v8, v3  }
0x15e: {  	s29 =	sadd.s32 $0x300, s10;
	s30 =	sadd.s32 $0x180, s22;
	v8 =	vld [tilespmem:s28+$0x3450];
	[tilespmem:s6+$0x120] =	vst v4;
	v4 =	vadd.f32 v9, v3  }
0x15f: {  	s29 =	sand.u32 $0xF800, s29;
	s30 =	sand.u32 $0x380, s30;
	v9 =	vld [tilespmem:s28+$0x3460];
	[tilespmem:s6+$0x130] =	vst v5;
	v5 =	vadd.f32 v10, v3  }
0x160: {  	v10 =	vld [tilespmem:s28+$0x3470];
	[tilespmem:s6+$0x140] =	vst v4;
	s28 =	sor.u32 s30, s29;
	v4 =	vadd.f32 v11, v3  }
0x161: {  	v11 =	vld [tilespmem:s28+$0x3000];
	[tilespmem:s6+$0x150] =	vst v5;
	v5 =	vadd.f32 v6, v3  }
0x162: {  	v6 =	vld [tilespmem:s28+$0x3010];
	[tilespmem:s6+$0x160] =	vst v4;
	v4 =	vadd.f32 v12, v3  }
0x163: {  	v12 =	vld [tilespmem:s28+$0x3020];
	[tilespmem:s6+$0xFFFFFD90] =	vst v5;
	v5 =	vadd.f32 v7, v3  }
0x164: {  	v7 =	vld [tilespmem:s28+$0x3030];
	[tilespmem:s6+$0xFFFFFDA0] =	vst v4;
	v4 =	vadd.f32 v8, v3  }
0x165: {  	v8 =	vld [tilespmem:s28+$0x3040];
	[tilespmem:s6+$0xFFFFFDB0] =	vst v5;
	v5 =	vadd.f32 v9, v3  }
0x166: {  	v9 =	vld [tilespmem:s28+$0x3050];
	[tilespmem:s6+$0xFFFFFDC0] =	vst v4;
	v4 =	vadd.f32 v10, v3  }
0x167: {  	v10 =	vld [tilespmem:s28+$0x3060];
	[tilespmem:s6+$0xFFFFFDD0] =	vst v5;
	v5 =	vadd.f32 v11, v3  }
0x168: {  	v11 =	vld [tilespmem:s28+$0x3070];
	[tilespmem:s6+$0xFFFFFDE0] =	vst v4;
	v4 =	vadd.f32 v6, v3  }
0x169: {  	v6 =	vld [tilespmem:s28+$0x3400];
	[tilespmem:s6+$0xFFFFFDF0] =	vst v5;
	v5 =	vadd.f32 v12, v3  }
0x16a: {  	v12 =	vld [tilespmem:s28+$0x3410];
	[tilespmem:s6+$0xFFFFFE00] =	vst v4;
	v4 =	vadd.f32 v7, v3  }
0x16b: {  	v7 =	vld [tilespmem:s28+$0x3420];
	[tilespmem:s6+$0x190] =	vst v5;
	v5 =	vadd.f32 v8, v3  }
0x16c: {  	v8 =	vld [tilespmem:s28+$0x3430];
	[tilespmem:s6+$0x1A0] =	vst v4;
	v4 =	vadd.f32 v9, v3  }
0x16d: {  	v9 =	vld [tilespmem:s28+$0x3440];
	[tilespmem:s6+$0x1B0] =	vst v5;
	v5 =	vadd.f32 v10, v3  }
0x16e: {  	s29 =	sadd.s32 $0x400, s10;
	s30 =	sadd.s32 $0x200, s22;
	v10 =	vld [tilespmem:s28+$0x3450];
	[tilespmem:s6+$0x1C0] =	vst v4;
	v4 =	vadd.f32 v11, v3  }
0x16f: {  	s29 =	sand.u32 $0xF800, s29;
	s30 =	sand.u32 $0x380, s30;
	v11 =	vld [tilespmem:s28+$0x3460];
	[tilespmem:s6+$0x1D0] =	vst v5;
	v5 =	vadd.f32 v6, v3  }
0x170: {  	v6 =	vld [tilespmem:s28+$0x3470];
	[tilespmem:s6+$0x1E0] =	vst v4;
	s28 =	sor.u32 s30, s29;
	v4 =	vadd.f32 v12, v3  }
0x171: {  	v12 =	vld [tilespmem:s28+$0x3000];
	[tilespmem:s6+$0xFFFFFE10] =	vst v5;
	v5 =	vadd.f32 v7, v3  }
0x172: {  	v7 =	vld [tilespmem:s28+$0x3010];
	[tilespmem:s6+$0xFFFFFE20] =	vst v4;
	v4 =	vadd.f32 v8, v3  }
0x173: {  	v8 =	vld [tilespmem:s28+$0x3020];
	[tilespmem:s6+$0xFFFFFE30] =	vst v5;
	v5 =	vadd.f32 v9, v3  }
0x174: {  	v9 =	vld [tilespmem:s28+$0x3030];
	[tilespmem:s6+$0xFFFFFE40] =	vst v4;
	v4 =	vadd.f32 v10, v3  }
0x175: {  	v10 =	vld [tilespmem:s28+$0x3040];
	[tilespmem:s6+$0xFFFFFE50] =	vst v5;
	v5 =	vadd.f32 v11, v3  }
0x176: {  	v11 =	vld [tilespmem:s28+$0x3050];
	[tilespmem:s6+$0xFFFFFE60] =	vst v4;
	v4 =	vadd.f32 v6, v3  }
0x177: {  	v6 =	vld [tilespmem:s28+$0x3060];
	[tilespmem:s6+$0xFFFFFE70] =	vst v5;
	v5 =	vadd.f32 v12, v3  }
0x178: {  	v12 =	vld [tilespmem:s28+$0x3070];
	[tilespmem:s6+$0xFFFFFE80] =	vst v4;
	v4 =	vadd.f32 v7, v3  }
0x179: {  	v7 =	vld [tilespmem:s28+$0x3400];
	[tilespmem:s6+$0x210] =	vst v5;
	v5 =	vadd.f32 v8, v3  }
0x17a: {  	v8 =	vld [tilespmem:s28+$0x3410];
	[tilespmem:s6+$0x220] =	vst v4;
	v4 =	vadd.f32 v9, v3  }
0x17b: {  	v9 =	vld [tilespmem:s28+$0x3420];
	[tilespmem:s6+$0x230] =	vst v5;
	v5 =	vadd.f32 v10, v3  }
0x17c: {  	v10 =	vld [tilespmem:s28+$0x3430];
	[tilespmem:s6+$0x240] =	vst v4;
	v4 =	vadd.f32 v11, v3  }
0x17d: {  	v11 =	vld [tilespmem:s28+$0x3440];
	[tilespmem:s6+$0x250] =	vst v5;
	v5 =	vadd.f32 v6, v3  }
0x17e: {  	s29 =	sadd.s32 $0x500, s10;
	s30 =	sadd.s32 $0x280, s22;
	v6 =	vld [tilespmem:s28+$0x3450];
	[tilespmem:s6+$0x260] =	vst v4;
	v4 =	vadd.f32 v12, v3  }
0x17f: {  	s29 =	sand.u32 $0xF800, s29;
	s30 =	sand.u32 $0x380, s30;
	v12 =	vld [tilespmem:s28+$0x3460];
	[tilespmem:s6+$0xFFFFFE90] =	vst v5;
	v5 =	vadd.f32 v7, v3  }
0x180: {  	v7 =	vld [tilespmem:s28+$0x3470];
	[tilespmem:s6+$0xFFFFFEA0] =	vst v4;
	s28 =	sor.u32 s30, s29;
	v4 =	vadd.f32 v8, v3  }
0x181: {  	v8 =	vld [tilespmem:s28+$0x3000];
	[tilespmem:s6+$0xFFFFFEB0] =	vst v5;
	v5 =	vadd.f32 v9, v3  }
0x182: {  	v9 =	vld [tilespmem:s28+$0x3010];
	[tilespmem:s6+$0xFFFFFEC0] =	vst v4;
	v4 =	vadd.f32 v10, v3  }
0x183: {  	v10 =	vld [tilespmem:s28+$0x3020];
	[tilespmem:s6+$0xFFFFFED0] =	vst v5;
	v5 =	vadd.f32 v11, v3  }
0x184: {  	v11 =	vld [tilespmem:s28+$0x3030];
	[tilespmem:s6+$0xFFFFFEE0] =	vst v4;
	v4 =	vadd.f32 v6, v3  }
0x185: {  	v6 =	vld [tilespmem:s28+$0x3040];
	[tilespmem:s6+$0xFFFFFEF0] =	vst v5;
	v5 =	vadd.f32 v12, v3  }
0x186: {  	v12 =	vld [tilespmem:s28+$0x3050];
	[tilespmem:s6+$0xFFFFFF00] =	vst v4;
	v4 =	vadd.f32 v7, v3  }
0x187: {  	v7 =	vld [tilespmem:s28+$0x3060];
	[tilespmem:s6+$0x290] =	vst v5;
	v5 =	vadd.f32 v8, v3  }
0x188: {  	v8 =	vld [tilespmem:s28+$0x3070];
	[tilespmem:s6+$0x2A0] =	vst v4;
	v4 =	vadd.f32 v9, v3  }
0x189: {  	v9 =	vld [tilespmem:s28+$0x3400];
	[tilespmem:s6+$0x2B0] =	vst v5;
	v5 =	vadd.f32 v10, v3  }
0x18a: {  	v10 =	vld [tilespmem:s28+$0x3410];
	[tilespmem:s6+$0x2C0] =	vst v4;
	v4 =	vadd.f32 v11, v3  }
0x18b: {  	v11 =	vld [tilespmem:s28+$0x3420];
	[tilespmem:s6+$0x2D0] =	vst v5;
	v5 =	vadd.f32 v6, v3  }
0x18c: {  	v6 =	vld [tilespmem:s28+$0x3430];
	[tilespmem:s6+$0x2E0] =	vst v4;
	v4 =	vadd.f32 v12, v3  }
0x18d: {  	v12 =	vld [tilespmem:s28+$0x3440];
	[tilespmem:s6+$0xFFFFFF10] =	vst v5;
	v5 =	vadd.f32 v7, v3  }
0x18e: {  	s29 =	sadd.s32 $0x600, s10;
	s30 =	sadd.s32 $0x300, s22;
	s22 =	smov.u32 s24;
	v7 =	vld [tilespmem:s28+$0x3450];
	[tilespmem:s6+$0xFFFFFF20] =	vst v4;
	v4 =	vadd.f32 v8, v3  }
0x18f: {  	s29 =	sand.u32 $0xF800, s29;
	s30 =	sand.u32 $0x380, s30;
	v8 =	vld [tilespmem:s28+$0x3460];
	[tilespmem:s6+$0xFFFFFF30] =	vst v5;
	v5 =	vadd.f32 v9, v3  }
0x190: {  	v9 =	vld [tilespmem:s28+$0x3470];
	[tilespmem:s6+$0xFFFFFF40] =	vst v4;
	s28 =	sor.u32 s30, s29;
	v4 =	vadd.f32 v10, v3  }
0x191: {  	v10 =	vld [tilespmem:s28+$0x3000];
	[tilespmem:s6+$0xFFFFFF50] =	vst v5;
	v5 =	vadd.f32 v11, v3  }
0x192: {  	v11 =	vld [tilespmem:s28+$0x3010];
	[tilespmem:s6+$0xFFFFFF60] =	vst v4;
	v4 =	vadd.f32 v6, v3  }
0x193: {  	v6 =	vld [tilespmem:s28+$0x3020];
	[tilespmem:s6+$0xFFFFFF70] =	vst v5;
	v5 =	vadd.f32 v12, v3  }
0x194: {  	v12 =	vld [tilespmem:s28+$0x3030];
	[tilespmem:s6+$0xFFFFFF80] =	vst v4;
	v4 =	vadd.f32 v7, v3  }
0x195: {  	v7 =	vld [tilespmem:s28+$0x3040];
	[tilespmem:s6+$0x310] =	vst v5;
	v5 =	vadd.f32 v8, v3  }
0x196: {  	v8 =	vld [tilespmem:s28+$0x3050];
	[tilespmem:s6+$0x320] =	vst v4;
	v4 =	vadd.f32 v9, v3  }
0x197: {  	v9 =	vld [tilespmem:s28+$0x3060];
	[tilespmem:s6+$0x330] =	vst v5;
	v5 =	vadd.f32 v10, v3  }
0x198: {  	v10 =	vld [tilespmem:s28+$0x3070];
	[tilespmem:s6+$0x340] =	vst v4;
	v4 =	vadd.f32 v11, v3  }
0x199: {  	v11 =	vld [tilespmem:s28+$0x3400];
	[tilespmem:s6+$0x350] =	vst v5;
	v5 =	vadd.f32 v6, v3  }
0x19a: {  	v6 =	vld [tilespmem:s28+$0x3410];
	[tilespmem:s6+$0x360] =	vst v4;
	v4 =	vadd.f32 v12, v3  }
0x19b: {  	v12 =	vld [tilespmem:s28+$0x3420];
	[tilespmem:s6+$0xFFFFFF90] =	vst v5;
	v5 =	vadd.f32 v7, v3  }
0x19c: {  	v7 =	vld [tilespmem:s28+$0x3430];
	[tilespmem:s6+$0xFFFFFFA0] =	vst v4;
	v4 =	vadd.f32 v8, v3  }
0x19d: {  	v8 =	vld [tilespmem:s28+$0x3440];
	[tilespmem:s6+$0xFFFFFFB0] =	vst v5;
	v5 =	vadd.f32 v9, v3;
	v9 =	vadd.f32 v10, v3  }
0x19e: {  	v10 =	vld [tilespmem:s28+$0x3450];
	[tilespmem:s6+$0xFFFFFFC0] =	vst v4;
	v4 =	vadd.f32 v11, v3  }
0x19f: {  	v11 =	vld [tilespmem:s28+$0x3460];
	[tilespmem:s6+$0xFFFFFFD0] =	vst v5;
	v5 =	vadd.f32 v6, v3  }
0x1a0: {  	v6 =	vld [tilespmem:s28+$0x3470];
	[tilespmem:s6+$0xFFFFFFE0] =	vst v9;
	v9 =	vadd.f32 v12, v3  }
0x1a1: {  	[tilespmem:s6+$0x0] =	vst v5;
	v5 =	vadd.f32 v7, v3  }
0x1a2: {  	[tilespmem:s6+$0x390] =	vst v9;
	v7 =	vadd.f32 v8, v3  }
0x1a3: {  	[tilespmem:s6+$0x3A0] =	vst v5;
	v5 =	vadd.f32 v10, v3  }
.Ltmp0:
0x1a4: {  	[tilespmem:s6+$0x3B0] =	vst v7;
	v7 =	vadd.f32 v11, v3;
	(pc) =	sbr.rel @p0 .LBB2_3-.Ltmp0, $4  }
0x1a5: {  	[tilespmem:s6+$0x3C0] =	vst v5;
	v5 =	vadd.f32 v6, v3  }
0x1a6: {  	s10 =	sadd.s32 $0x700, s10;
	[tilespmem:s6+$0x3D0] =	vst v7  }
0x1a7: {  	s29 =	sand.u32 $0x380, s24;
	s28 =	sand.u32 $0x7800, s10;
	[tilespmem:s6+$0x3E0] =	vst v5  }
0x1a8: {  	s24 =	sadd.s32 $0x380, s24;
	s28 =	sor.u32 s29, s28;
	[tilespmem:s6+$0xFFFFFFF0] =	vst v4  }
0x1a9: {  	v4 =	vld [tilespmem:s28+$0x3070]  }
0x1aa: {  	v5 =	vld [tilespmem:s28+$0x3000]  }
0x1ab: {  	v6 =	vld [tilespmem:s28+$0x3010]  }
0x1ac: {  	v7 =	vld [tilespmem:s28+$0x3020]  }
0x1ad: {  	v8 =	vld [tilespmem:s28+$0x3030]  }
0x1ae: {  	v9 =	vld [tilespmem:s28+$0x3040]  }
0x1af: {  	v10 =	vld [tilespmem:s28+$0x3050];
	v5 =	vadd.f32 v5, v3  }
0x1b0: {  	v11 =	vld [tilespmem:s28+$0x3060];
	s6 =	sadd.s32 $0x800, s6;
	v6 =	vadd.f32 v6, v3  }
0x1b1: {  	v12 =	vld [tilespmem:s28+$0x3400];
	v7 =	vadd.f32 v7, v3;
	[tilespmem:s6+$0xFFFFFC10] =	vst v5  }
0x1b2: {  	v8 =	vadd.f32 v8, v3;
	v5 =	vld [tilespmem:s28+$0x3410];
	[tilespmem:s6+$0xFFFFFC20] =	vst v6  }
0x1b3: {  	v9 =	vadd.f32 v9, v3;
	v6 =	vld [tilespmem:s28+$0x3420];
	[tilespmem:s6+$0xFFFFFC30] =	vst v7  }
0x1b4: {  	v10 =	vadd.f32 v10, v3;
	v7 =	vld [tilespmem:s28+$0x3430];
	[tilespmem:s6+$0xFFFFFC40] =	vst v8  }
0x1b5: {  	v11 =	vadd.f32 v11, v3;
	v8 =	vld [tilespmem:s28+$0x3440];
	[tilespmem:s6+$0xFFFFFC50] =	vst v9  }
0x1b6: {  	s24 =	sadd.s32 $0x100, s10;
	s29 =	sadd.s32 $0x80, s22;
	v4 =	vadd.f32 v4, v3;
	v9 =	vld [tilespmem:s28+$0x3450];
	[tilespmem:s6+$0xFFFFFC60] =	vst v10  }
0x1b7: {  	s24 =	sand.u32 $0xF800, s24;
	s29 =	sand.u32 $0x380, s29;
	v12 =	vadd.f32 v12, v3;
	v10 =	vld [tilespmem:s28+$0x3460];
	[tilespmem:s6+$0xFFFFFC70] =	vst v11  }
0x1b8: {  	s24 =	sor.u32 s29, s24;
	v5 =	vadd.f32 v5, v3;
	v11 =	vld [tilespmem:s28+$0x3470];
	[tilespmem:s6+$0xFFFFFC80] =	vst v4  }
0x1b9: {  	v6 =	vadd.f32 v6, v3;
	v4 =	vld [tilespmem:s24+$0x3000];
	[tilespmem:s6+$0x10] =	vst v12  }
0x1ba: {  	v7 =	vadd.f32 v7, v3;
	v12 =	vld [tilespmem:s24+$0x3010];
	[tilespmem:s6+$0x20] =	vst v5  }
0x1bb: {  	v8 =	vadd.f32 v8, v3;
	v5 =	vld [tilespmem:s24+$0x3020];
	[tilespmem:s6+$0x30] =	vst v6  }
0x1bc: {  	v9 =	vadd.f32 v9, v3;
	v6 =	vld [tilespmem:s24+$0x3030];
	[tilespmem:s6+$0x40] =	vst v7  }
0x1bd: {  	v10 =	vadd.f32 v10, v3;
	v7 =	vld [tilespmem:s24+$0x3040];
	[tilespmem:s6+$0x50] =	vst v8  }
0x1be: {  	v11 =	vadd.f32 v11, v3;
	v8 =	vld [tilespmem:s24+$0x3050];
	[tilespmem:s6+$0x60] =	vst v9  }
0x1bf: {  	v4 =	vadd.f32 v4, v3;
	v9 =	vld [tilespmem:s24+$0x3060];
	[tilespmem:s6+$0xFFFFFC90] =	vst v10  }
0x1c0: {  	v12 =	vadd.f32 v12, v3;
	v10 =	vld [tilespmem:s24+$0x3070];
	[tilespmem:s6+$0xFFFFFCA0] =	vst v11  }
0x1c1: {  	v5 =	vadd.f32 v5, v3;
	v11 =	vld [tilespmem:s24+$0x3400];
	[tilespmem:s6+$0xFFFFFCB0] =	vst v4  }
0x1c2: {  	v6 =	vadd.f32 v6, v3;
	v4 =	vld [tilespmem:s24+$0x3410];
	[tilespmem:s6+$0xFFFFFCC0] =	vst v12  }
0x1c3: {  	v7 =	vadd.f32 v7, v3;
	v12 =	vld [tilespmem:s24+$0x3420];
	[tilespmem:s6+$0xFFFFFCD0] =	vst v5  }
0x1c4: {  	v8 =	vadd.f32 v8, v3;
	v5 =	vld [tilespmem:s24+$0x3430];
	[tilespmem:s6+$0xFFFFFCE0] =	vst v6  }
0x1c5: {  	v9 =	vadd.f32 v9, v3;
	v6 =	vld [tilespmem:s24+$0x3440];
	[tilespmem:s6+$0xFFFFFCF0] =	vst v7  }
0x1c6: {  	s30 =	sadd.s32 $0x100, s22;
	s28 =	sadd.s32 $0x200, s10;
	v10 =	vadd.f32 v10, v3;
	v7 =	vld [tilespmem:s24+$0x3450];
	[tilespmem:s6+$0xFFFFFD00] =	vst v8  }
0x1c7: {  	s29 =	sand.u32 $0x380, s30;
	s28 =	sand.u32 $0xF800, s28;
	v11 =	vadd.f32 v11, v3;
	v8 =	vld [tilespmem:s24+$0x3460];
	[tilespmem:s6+$0x90] =	vst v9  }
0x1c8: {  	v4 =	vadd.f32 v4, v3;
	v9 =	vld [tilespmem:s24+$0x3470];
	[tilespmem:s6+$0xA0] =	vst v10;
	s24 =	sor.u32 s29, s28  }
0x1c9: {  	v12 =	vadd.f32 v12, v3;
	v10 =	vld [tilespmem:s24+$0x3000];
	[tilespmem:s6+$0xB0] =	vst v11  }
0x1ca: {  	v5 =	vadd.f32 v5, v3;
	v11 =	vld [tilespmem:s24+$0x3010];
	[tilespmem:s6+$0xC0] =	vst v4  }
0x1cb: {  	v6 =	vadd.f32 v6, v3;
	v4 =	vld [tilespmem:s24+$0x3020];
	[tilespmem:s6+$0xD0] =	vst v12  }
0x1cc: {  	v7 =	vadd.f32 v7, v3;
	v12 =	vld [tilespmem:s24+$0x3030];
	[tilespmem:s6+$0xE0] =	vst v5  }
0x1cd: {  	v8 =	vadd.f32 v8, v3;
	v5 =	vld [tilespmem:s24+$0x3040];
	[tilespmem:s6+$0xFFFFFD10] =	vst v6  }
0x1ce: {  	v9 =	vadd.f32 v9, v3;
	v6 =	vld [tilespmem:s24+$0x3050];
	[tilespmem:s6+$0xFFFFFD20] =	vst v7  }
0x1cf: {  	v10 =	vadd.f32 v10, v3;
	v7 =	vld [tilespmem:s24+$0x3060];
	[tilespmem:s6+$0xFFFFFD30] =	vst v8  }
0x1d0: {  	v11 =	vadd.f32 v11, v3;
	v8 =	vld [tilespmem:s24+$0x3070];
	[tilespmem:s6+$0xFFFFFD40] =	vst v9  }
0x1d1: {  	v4 =	vadd.f32 v4, v3;
	v9 =	vld [tilespmem:s24+$0x3400];
	[tilespmem:s6+$0xFFFFFD50] =	vst v10  }
0x1d2: {  	v12 =	vadd.f32 v12, v3;
	v10 =	vld [tilespmem:s24+$0x3410];
	[tilespmem:s6+$0xFFFFFD60] =	vst v11  }
0x1d3: {  	v5 =	vadd.f32 v5, v3;
	v11 =	vld [tilespmem:s24+$0x3420];
	[tilespmem:s6+$0xFFFFFD70] =	vst v4  }
0x1d4: {  	v6 =	vadd.f32 v6, v3;
	v4 =	vld [tilespmem:s24+$0x3430];
	[tilespmem:s6+$0xFFFFFD80] =	vst v12  }
0x1d5: {  	v7 =	vadd.f32 v7, v3;
	v12 =	vld [tilespmem:s24+$0x3440];
	[tilespmem:s6+$0x110] =	vst v5  }
0x1d6: {  	s30 =	sadd.s32 $0x180, s22;
	s28 =	sadd.s32 $0x300, s10;
	v8 =	vadd.f32 v8, v3;
	v5 =	vld [tilespmem:s24+$0x3450];
	[tilespmem:s6+$0x120] =	vst v6  }
0x1d7: {  	s29 =	sand.u32 $0x380, s30;
	s28 =	sand.u32 $0xF800, s28;
	v9 =	vadd.f32 v9, v3;
	v6 =	vld [tilespmem:s24+$0x3460];
	[tilespmem:s6+$0x130] =	vst v7  }
0x1d8: {  	v10 =	vadd.f32 v10, v3;
	v7 =	vld [tilespmem:s24+$0x3470];
	[tilespmem:s6+$0x140] =	vst v8;
	s24 =	sor.u32 s29, s28  }
0x1d9: {  	v11 =	vadd.f32 v11, v3;
	v8 =	vld [tilespmem:s24+$0x3000];
	[tilespmem:s6+$0x150] =	vst v9  }
0x1da: {  	v4 =	vadd.f32 v4, v3;
	v9 =	vld [tilespmem:s24+$0x3010];
	[tilespmem:s6+$0x160] =	vst v10  }
0x1db: {  	v12 =	vadd.f32 v12, v3;
	v10 =	vld [tilespmem:s24+$0x3020];
	[tilespmem:s6+$0xFFFFFD90] =	vst v11  }
0x1dc: {  	v5 =	vadd.f32 v5, v3;
	v11 =	vld [tilespmem:s24+$0x3030];
	[tilespmem:s6+$0xFFFFFDA0] =	vst v4  }
0x1dd: {  	v6 =	vadd.f32 v6, v3;
	v4 =	vld [tilespmem:s24+$0x3040];
	[tilespmem:s6+$0xFFFFFDB0] =	vst v12  }
0x1de: {  	v7 =	vadd.f32 v7, v3;
	v12 =	vld [tilespmem:s24+$0x3050];
	[tilespmem:s6+$0xFFFFFDC0] =	vst v5  }
0x1df: {  	v8 =	vadd.f32 v8, v3;
	v5 =	vld [tilespmem:s24+$0x3060];
	[tilespmem:s6+$0xFFFFFDD0] =	vst v6  }
0x1e0: {  	v9 =	vadd.f32 v9, v3;
	v6 =	vld [tilespmem:s24+$0x3070];
	[tilespmem:s6+$0xFFFFFDE0] =	vst v7  }
0x1e1: {  	v10 =	vadd.f32 v10, v3;
	v7 =	vld [tilespmem:s24+$0x3400];
	[tilespmem:s6+$0xFFFFFDF0] =	vst v8  }
0x1e2: {  	v11 =	vadd.f32 v11, v3;
	v8 =	vld [tilespmem:s24+$0x3410];
	[tilespmem:s6+$0xFFFFFE00] =	vst v9  }
0x1e3: {  	v4 =	vadd.f32 v4, v3;
	v9 =	vld [tilespmem:s24+$0x3420];
	[tilespmem:s6+$0x190] =	vst v10  }
0x1e4: {  	v12 =	vadd.f32 v12, v3;
	v10 =	vld [tilespmem:s24+$0x3430];
	[tilespmem:s6+$0x1A0] =	vst v11  }
0x1e5: {  	v5 =	vadd.f32 v5, v3;
	v11 =	vld [tilespmem:s24+$0x3440];
	[tilespmem:s6+$0x1B0] =	vst v4  }
0x1e6: {  	s30 =	sadd.s32 $0x200, s22;
	s28 =	sadd.s32 $0x400, s10;
	v6 =	vadd.f32 v6, v3;
	v4 =	vld [tilespmem:s24+$0x3450];
	[tilespmem:s6+$0x1C0] =	vst v12  }
0x1e7: {  	s29 =	sand.u32 $0x380, s30;
	s28 =	sand.u32 $0xF800, s28;
	v7 =	vadd.f32 v7, v3;
	v12 =	vld [tilespmem:s24+$0x3460];
	[tilespmem:s6+$0x1D0] =	vst v5  }
0x1e8: {  	v8 =	vadd.f32 v8, v3;
	v5 =	vld [tilespmem:s24+$0x3470];
	[tilespmem:s6+$0x1E0] =	vst v6;
	s24 =	sor.u32 s29, s28  }
0x1e9: {  	v9 =	vadd.f32 v9, v3;
	v6 =	vld [tilespmem:s24+$0x3000];
	[tilespmem:s6+$0xFFFFFE10] =	vst v7  }
0x1ea: {  	v10 =	vadd.f32 v10, v3;
	v7 =	vld [tilespmem:s24+$0x3010];
	[tilespmem:s6+$0xFFFFFE20] =	vst v8  }
0x1eb: {  	v11 =	vadd.f32 v11, v3;
	v8 =	vld [tilespmem:s24+$0x3020];
	[tilespmem:s6+$0xFFFFFE30] =	vst v9  }
0x1ec: {  	v4 =	vadd.f32 v4, v3;
	v9 =	vld [tilespmem:s24+$0x3030];
	[tilespmem:s6+$0xFFFFFE40] =	vst v10  }
0x1ed: {  	v12 =	vadd.f32 v12, v3;
	v10 =	vld [tilespmem:s24+$0x3040];
	[tilespmem:s6+$0xFFFFFE50] =	vst v11  }
0x1ee: {  	v5 =	vadd.f32 v5, v3;
	v11 =	vld [tilespmem:s24+$0x3050];
	[tilespmem:s6+$0xFFFFFE60] =	vst v4  }
0x1ef: {  	v6 =	vadd.f32 v6, v3;
	v4 =	vld [tilespmem:s24+$0x3060];
	[tilespmem:s6+$0xFFFFFE70] =	vst v12  }
0x1f0: {  	v7 =	vadd.f32 v7, v3;
	v12 =	vld [tilespmem:s24+$0x3070];
	[tilespmem:s6+$0xFFFFFE80] =	vst v5  }
0x1f1: {  	v8 =	vadd.f32 v8, v3;
	v5 =	vld [tilespmem:s24+$0x3400];
	[tilespmem:s6+$0x210] =	vst v6  }
0x1f2: {  	v9 =	vadd.f32 v9, v3;
	v6 =	vld [tilespmem:s24+$0x3410];
	[tilespmem:s6+$0x220] =	vst v7  }
0x1f3: {  	v10 =	vadd.f32 v10, v3;
	v7 =	vld [tilespmem:s24+$0x3420];
	[tilespmem:s6+$0x230] =	vst v8  }
0x1f4: {  	v11 =	vadd.f32 v11, v3;
	v8 =	vld [tilespmem:s24+$0x3430];
	[tilespmem:s6+$0x240] =	vst v9  }
0x1f5: {  	v4 =	vadd.f32 v4, v3;
	v9 =	vld [tilespmem:s24+$0x3440];
	[tilespmem:s6+$0x250] =	vst v10  }
0x1f6: {  	s30 =	sadd.s32 $0x280, s22;
	s28 =	sadd.s32 $0x500, s10;
	v12 =	vadd.f32 v12, v3;
	v10 =	vld [tilespmem:s24+$0x3450];
	[tilespmem:s6+$0x260] =	vst v11  }
0x1f7: {  	s29 =	sand.u32 $0x380, s30;
	s28 =	sand.u32 $0xF800, s28;
	v5 =	vadd.f32 v5, v3;
	v11 =	vld [tilespmem:s24+$0x3460];
	[tilespmem:s6+$0xFFFFFE90] =	vst v4  }
0x1f8: {  	s28 =	sor.u32 s29, s28;
	v6 =	vadd.f32 v6, v3;
	v4 =	vld [tilespmem:s24+$0x3470];
	[tilespmem:s6+$0xFFFFFEA0] =	vst v12  }
0x1f9: {  	v7 =	vadd.f32 v7, v3;
	v12 =	vld [tilespmem:s28+$0x3000];
	[tilespmem:s6+$0xFFFFFEB0] =	vst v5  }
0x1fa: {  	v8 =	vadd.f32 v8, v3;
	v5 =	vld [tilespmem:s28+$0x3010];
	[tilespmem:s6+$0xFFFFFEC0] =	vst v6  }
0x1fb: {  	v9 =	vadd.f32 v9, v3;
	v6 =	vld [tilespmem:s28+$0x3020];
	[tilespmem:s6+$0xFFFFFED0] =	vst v7  }
0x1fc: {  	v10 =	vadd.f32 v10, v3;
	v7 =	vld [tilespmem:s28+$0x3030];
	[tilespmem:s6+$0xFFFFFEE0] =	vst v8  }
0x1fd: {  	v11 =	vadd.f32 v11, v3;
	v8 =	vld [tilespmem:s28+$0x3040];
	[tilespmem:s6+$0xFFFFFEF0] =	vst v9  }
0x1fe: {  	v4 =	vadd.f32 v4, v3;
	v9 =	vld [tilespmem:s28+$0x3050];
	[tilespmem:s6+$0xFFFFFF00] =	vst v10  }
0x1ff: {  	v12 =	vadd.f32 v12, v3;
	v10 =	vld [tilespmem:s28+$0x3060];
	[tilespmem:s6+$0x290] =	vst v11  }
0x200: {  	v5 =	vadd.f32 v5, v3;
	v11 =	vld [tilespmem:s28+$0x3070];
	[tilespmem:s6+$0x2A0] =	vst v4  }
0x201: {  	v6 =	vadd.f32 v6, v3;
	v4 =	vld [tilespmem:s28+$0x3400];
	[tilespmem:s6+$0x2B0] =	vst v12  }
0x202: {  	v7 =	vadd.f32 v7, v3;
	v12 =	vld [tilespmem:s28+$0x3410];
	[tilespmem:s6+$0x2C0] =	vst v5  }
0x203: {  	v8 =	vadd.f32 v8, v3;
	v5 =	vld [tilespmem:s28+$0x3420];
	[tilespmem:s6+$0x2D0] =	vst v6  }
0x204: {  	v9 =	vadd.f32 v9, v3;
	v6 =	vld [tilespmem:s28+$0x3430];
	[tilespmem:s6+$0x2E0] =	vst v7  }
0x205: {  	v10 =	vadd.f32 v10, v3;
	v7 =	vld [tilespmem:s28+$0x3440];
	[tilespmem:s6+$0xFFFFFF10] =	vst v8  }
0x206: {  	s30 =	sadd.s32 $0x300, s22;
	s29 =	sadd.s32 $0x600, s10;
	v11 =	vadd.f32 v11, v3;
	v8 =	vld [tilespmem:s28+$0x3450];
	[tilespmem:s6+$0xFFFFFF20] =	vst v9  }
0x207: {  	s22 =	sand.u32 $0x380, s30;
	s10 =	sand.u32 $0xF800, s29;
	v4 =	vadd.f32 v4, v3;
	v9 =	vld [tilespmem:s28+$0x3460];
	[tilespmem:s6+$0xFFFFFF30] =	vst v10  }
0x208: {  	s10 =	sor.u32 s22, s10;
	v12 =	vadd.f32 v12, v3;
	v10 =	vld [tilespmem:s28+$0x3470];
	[tilespmem:s6+$0xFFFFFF40] =	vst v11  }
0x209: {  	v5 =	vadd.f32 v5, v3;
	v11 =	vld [tilespmem:s10+$0x3000];
	[tilespmem:s6+$0xFFFFFF50] =	vst v4  }
0x20a: {  	v6 =	vadd.f32 v6, v3;
	v4 =	vld [tilespmem:s10+$0x3010];
	[tilespmem:s6+$0xFFFFFF60] =	vst v12  }
0x20b: {  	v7 =	vadd.f32 v7, v3;
	v12 =	vld [tilespmem:s10+$0x3020];
	[tilespmem:s6+$0xFFFFFF70] =	vst v5  }
0x20c: {  	v8 =	vadd.f32 v8, v3;
	v5 =	vld [tilespmem:s10+$0x3030];
	[tilespmem:s6+$0xFFFFFF80] =	vst v6  }
0x20d: {  	v9 =	vadd.f32 v9, v3;
	v6 =	vld [tilespmem:s10+$0x3040];
	[tilespmem:s6+$0x310] =	vst v7  }
0x20e: {  	v10 =	vadd.f32 v10, v3;
	v7 =	vld [tilespmem:s10+$0x3050];
	[tilespmem:s6+$0x320] =	vst v8  }
0x20f: {  	v11 =	vadd.f32 v11, v3;
	v8 =	vld [tilespmem:s10+$0x3060];
	[tilespmem:s6+$0x330] =	vst v9  }
0x210: {  	v4 =	vadd.f32 v4, v3;
	v9 =	vld [tilespmem:s10+$0x3070];
	[tilespmem:s6+$0x340] =	vst v10  }
0x211: {  	v12 =	vadd.f32 v12, v3;
	v10 =	vld [tilespmem:s10+$0x3400];
	[tilespmem:s6+$0x350] =	vst v11  }
0x212: {  	v5 =	vadd.f32 v5, v3;
	v11 =	vld [tilespmem:s10+$0x3410];
	[tilespmem:s6+$0x360] =	vst v4  }
0x213: {  	v6 =	vadd.f32 v6, v3;
	v4 =	vld [tilespmem:s10+$0x3420];
	[tilespmem:s6+$0xFFFFFF90] =	vst v12  }
0x214: {  	v7 =	vadd.f32 v7, v3;
	v12 =	vld [tilespmem:s10+$0x3430];
	[tilespmem:s6+$0xFFFFFFA0] =	vst v5  }
0x215: {  	v8 =	vadd.f32 v8, v3;
	v5 =	vld [tilespmem:s10+$0x3440];
	[tilespmem:s6+$0xFFFFFFB0] =	vst v6  }
0x216: {  	v9 =	vadd.f32 v9, v3;
	v6 =	vld [tilespmem:s10+$0x3450];
	[tilespmem:s6+$0xFFFFFFC0] =	vst v7  }
0x217: {  	v52 =	vadd.f32 v10, v3;
	v7 =	vld [tilespmem:s10+$0x3460];
	[tilespmem:s6+$0xFFFFFFD0] =	vst v8  }
0x218: {  	v49 =	vadd.f32 v11, v3;
	v50 =	vld [tilespmem:s10+$0x3470];
	[tilespmem:s6+$0xFFFFFFE0] =	vst v9  }
0x219: {  	v4 =	vadd.f32 v4, v3;
	[tilespmem:s6+$0xFFFFFFF0] =	vst v52  }
0x21a: {  	[tilespmem:s6+$0x0] =	vst v49;
	v51 =	vadd.f32 v12, v3  }
0x21b: {  	[tilespmem:s6+$0x390] =	vst v4;
	v4 =	vadd.f32 v5, v3  }
0x21c: {  	s9 =	smul.u32 $0xE000, s9;
	[tilespmem:s6+$0x3A0] =	vst v51;
	v5 =	vadd.f32 v6, v3  }
0x21d: {  	[tilespmem:s6+$0x3B0] =	vst v4;
	v4 =	vadd.f32 v7, v3  }
0x21e: {  	s9 =	sadd.s32 s8, s9;
	[tilespmem:s6+$0x3C0] =	vst v5;
	v5 =	vadd.f32 v50, v3  }
0x21f: {  	s9 =	sshrl.u32 s9, $0x3;
	[tilespmem:s6+$0x3D0] =	vst v4  }
0x220: {  	[tilespmem:s6+$0x3E0] =	vst v5;
	s6 =	sadd.s32 s4, s9  }
0x221: {  	[hbm4b:s6+s3] =	stream.linear.scatter [tilespmem:s19], [sflag:$0x3], $0x7000, $0x38;
	[tilespmem:$0x1F000] =	vst v63  }
0x222: {  	_ =	swait.ge [sflag:s20], $0x7000  }
0x223: {  	[sflag:s20] =	ssyncset.done $0x0  }
0x224: {  	p0 =	seq.s32 s25, $0x1F;
	[sflag:s20] =	ssyncadd.s32 $0xFFFF9000  }
0x225: {  	v4 =	vld @!p0 [tilespmem:s5+$0x100];
	_ =	sdelay $0x4  }
0x226: {  	v5 =	vshll.u32 @!p0 v4, $0x1  }
0x227: {  	v6 =	vlaneseq.u32 @!p0;
	v4 =	vand.u32 @!p0 $0x7, v4;
	v5 =	vand.u32 @!p0 $0xFFFFFFF0, v5  }
0x228: {  	v7 =	vshrl.u32 @!p0 v6, $0x3;
	v4 =	vor.u32 @!p0 v4, v5;
	v5 =	vand.u32 @!p0 $0x7, v6  }
0x229: {  	v7 =	vmul.u32 @!p0 $0x8, v7;
	v8 =	vperm.xlane @!p0 v4, v5  }
0x22a: {  	v6 =	vor.u32 @!p0 $0x8, v6  }
0x22b: {  	v4 =	vperm.xlane @!p0 v4, v6;
	v8 =	vadd.s32 @!p0 v7, v8;
	_ =	sdelay $0x1  }
0x22c: {  	v4 =	vadd.s32 @!p0 v7, v4;
	_ =	sdelay $0x1  }
0x22d: {  	vm1 =	vmmov @!p0 $0xffff;
	s10 =	simm.s32 @!p0 $0x3000;
	s9 =	simm.s32 @!p0 $0x0  }
0x22e: {  	[tilespmem:s10], [sflag:$0x1] =	stream.indirect_vreg.gather @!p0 [hbm4b:s1+s9], $0x80, v8, vm1, $0xb8;
	[tilespmem:$0x1F000] =	vst v63  }
0x22f: {  	s10 =	simm.s32 @!p0 $0x3800  }
0x230: {  	[tilespmem:s10], [sflag:$0x1] =	stream.indirect_vreg.gather @!p0 [hbm4b:s1+s9], $0x80, v4, vm1, $0xb8;
	[tilespmem:$0x1F000] =	vst v63  }
0x231: {  	v4 =	vld @!p0 [tilespmem:s5+$0x110];
	_ =	sdelay $0x4  }
0x232: {  	v8 =	vshll.u32 @!p0 v4, $0x1  }
0x233: {  	v4 =	vand.u32 @!p0 $0x7, v4;
	v8 =	vand.u32 @!p0 $0xFFFFFFF0, v8  }
0x234: {  	v4 =	vor.u32 @!p0 v4, v8  }
0x235: {  	v8 =	vperm.xlane @!p0 v4, v5;
	_ =	sdelay $0x1  }
0x236: {  	v4 =	vperm.xlane @!p0 v4, v6;
	v8 =	vadd.s32 @!p0 v7, v8;
	_ =	sdelay $0x1  }
0x237: {  	v4 =	vadd.s32 @!p0 v7, v4;
	_ =	sdelay $0x1  }
0x238: {  	s10 =	simm.s32 @!p0 $0x4000  }
0x239: {  	[tilespmem:s10], [sflag:$0x1] =	stream.indirect_vreg.gather @!p0 [hbm4b:s1+s9], $0x80, v8, vm1, $0xb8;
	[tilespmem:$0x1F000] =	vst v63  }
0x23a: {  	s10 =	simm.s32 @!p0 $0x4800  }
0x23b: {  	[tilespmem:s10], [sflag:$0x1] =	stream.indirect_vreg.gather @!p0 [hbm4b:s1+s9], $0x80, v4, vm1, $0xb8;
	[tilespmem:$0x1F000] =	vst v63  }
0x23c: {  	v4 =	vld @!p0 [tilespmem:s5+$0x120];
	_ =	sdelay $0x4  }
0x23d: {  	v8 =	vshll.u32 @!p0 v4, $0x1  }
0x23e: {  	v4 =	vand.u32 @!p0 $0x7, v4;
	v8 =	vand.u32 @!p0 $0xFFFFFFF0, v8  }
0x23f: {  	v4 =	vor.u32 @!p0 v4, v8  }
0x240: {  	v8 =	vperm.xlane @!p0 v4, v5;
	_ =	sdelay $0x1  }
0x241: {  	v4 =	vperm.xlane @!p0 v4, v6;
	v8 =	vadd.s32 @!p0 v7, v8;
	_ =	sdelay $0x1  }
0x242: {  	v4 =	vadd.s32 @!p0 v7, v4;
	_ =	sdelay $0x1  }
0x243: {  	s10 =	simm.s32 @!p0 $0x5000  }
0x244: {  	[tilespmem:s10], [sflag:$0x1] =	stream.indirect_vreg.gather @!p0 [hbm4b:s1+s9], $0x80, v8, vm1, $0xb8;
	[tilespmem:$0x1F000] =	vst v63  }
0x245: {  	s10 =	simm.s32 @!p0 $0x5800  }
0x246: {  	[tilespmem:s10], [sflag:$0x1] =	stream.indirect_vreg.gather @!p0 [hbm4b:s1+s9], $0x80, v4, vm1, $0xb8;
	[tilespmem:$0x1F000] =	vst v63  }
0x247: {  	v4 =	vld @!p0 [tilespmem:s5+$0x130];
	_ =	sdelay $0x4  }
0x248: {  	v8 =	vshll.u32 @!p0 v4, $0x1  }
0x249: {  	v4 =	vand.u32 @!p0 $0x7, v4;
	v8 =	vand.u32 @!p0 $0xFFFFFFF0, v8  }
0x24a: {  	v4 =	vor.u32 @!p0 v4, v8  }
0x24b: {  	v8 =	vperm.xlane @!p0 v4, v5;
	_ =	sdelay $0x1  }
0x24c: {  	v4 =	vperm.xlane @!p0 v4, v6;
	v8 =	vadd.s32 @!p0 v7, v8;
	_ =	sdelay $0x1  }
0x24d: {  	v4 =	vadd.s32 @!p0 v7, v4;
	_ =	sdelay $0x1  }
0x24e: {  	s10 =	simm.s32 @!p0 $0x6000  }
0x24f: {  	[tilespmem:s10], [sflag:$0x1] =	stream.indirect_vreg.gather @!p0 [hbm4b:s1+s9], $0x80, v8, vm1, $0xb8;
	[tilespmem:$0x1F000] =	vst v63  }
0x250: {  	s10 =	simm.s32 @!p0 $0x6800  }
0x251: {  	[tilespmem:s10], [sflag:$0x1] =	stream.indirect_vreg.gather @!p0 [hbm4b:s1+s9], $0x80, v4, vm1, $0xb8;
	[tilespmem:$0x1F000] =	vst v63  }
0x252: {  	v4 =	vld @!p0 [tilespmem:s5+$0x140];
	_ =	sdelay $0x4  }
0x253: {  	v8 =	vshll.u32 @!p0 v4, $0x1  }
0x254: {  	v4 =	vand.u32 @!p0 $0x7, v4;
	v8 =	vand.u32 @!p0 $0xFFFFFFF0, v8  }
0x255: {  	v4 =	vor.u32 @!p0 v4, v8  }
0x256: {  	v8 =	vperm.xlane @!p0 v4, v5;
	_ =	sdelay $0x1  }
0x257: {  	v4 =	vperm.xlane @!p0 v4, v6;
	v8 =	vadd.s32 @!p0 v7, v8;
	_ =	sdelay $0x1  }
0x258: {  	v4 =	vadd.s32 @!p0 v7, v4;
	_ =	sdelay $0x1  }
0x259: {  	s10 =	simm.s32 @!p0 $0x7000  }
0x25a: {  	[tilespmem:s10], [sflag:$0x1] =	stream.indirect_vreg.gather @!p0 [hbm4b:s1+s9], $0x80, v8, vm1, $0xb8;
	[tilespmem:$0x1F000] =	vst v63  }
0x25b: {  	s10 =	simm.s32 @!p0 $0x7800  }
0x25c: {  	[tilespmem:s10], [sflag:$0x1] =	stream.indirect_vreg.gather @!p0 [hbm4b:s1+s9], $0x80, v4, vm1, $0xb8;
	[tilespmem:$0x1F000] =	vst v63  }
0x25d: {  	v4 =	vld @!p0 [tilespmem:s5+$0x150];
	_ =	sdelay $0x4  }
0x25e: {  	v8 =	vshll.u32 @!p0 v4, $0x1  }
0x25f: {  	v4 =	vand.u32 @!p0 $0x7, v4;
	v8 =	vand.u32 @!p0 $0xFFFFFFF0, v8  }
0x260: {  	v4 =	vor.u32 @!p0 v4, v8  }
0x261: {  	v8 =	vperm.xlane @!p0 v4, v5;
	_ =	sdelay $0x1  }
0x262: {  	v4 =	vperm.xlane @!p0 v4, v6;
	v8 =	vadd.s32 @!p0 v7, v8;
	_ =	sdelay $0x1  }
0x263: {  	v4 =	vadd.s32 @!p0 v7, v4;
	_ =	sdelay $0x1  }
0x264: {  	s10 =	simm.s32 @!p0 $0x8000  }
0x265: {  	[tilespmem:s10], [sflag:$0x1] =	stream.indirect_vreg.gather @!p0 [hbm4b:s1+s9], $0x80, v8, vm1, $0xb8;
	[tilespmem:$0x1F000] =	vst v63  }
0x266: {  	s10 =	simm.s32 @!p0 $0x8800  }
0x267: {  	[tilespmem:s10], [sflag:$0x1] =	stream.indirect_vreg.gather @!p0 [hbm4b:s1+s9], $0x80, v4, vm1, $0xb8;
	[tilespmem:$0x1F000] =	vst v63  }
0x268: {  	v4 =	vld @!p0 [tilespmem:s5+$0x160];
	_ =	sdelay $0x4  }
0x269: {  	v8 =	vshll.u32 @!p0 v4, $0x1  }
0x26a: {  	v4 =	vand.u32 @!p0 $0x7, v4;
	v8 =	vand.u32 @!p0 $0xFFFFFFF0, v8  }
0x26b: {  	v4 =	vor.u32 @!p0 v4, v8  }
0x26c: {  	v5 =	vperm.xlane @!p0 v4, v5;
	_ =	sdelay $0x1  }
0x26d: {  	v4 =	vperm.xlane @!p0 v4, v6;
	v5 =	vadd.s32 @!p0 v7, v5;
	_ =	sdelay $0x1  }
0x26e: {  	v4 =	vadd.s32 @!p0 v7, v4;
	_ =	sdelay $0x1  }
0x26f: {  	s5 =	simm.s32 @!p0 $0x9000  }
0x270: {  	[tilespmem:s5], [sflag:$0x1] =	stream.indirect_vreg.gather @!p0 [hbm4b:s1+s9], $0x80, v5, vm1, $0xb8;
	[tilespmem:$0x1F000] =	vst v63  }
0x271: {  	p1 =	seq.s32 @!p0 s25, $0x0;
	s5 =	simm.s32 @!p0 $0x9800  }
0x272: {  	[tilespmem:s5], [sflag:$0x1] =	stream.indirect_vreg.gather @!p0 [hbm4b:s1+s9], $0x80, v4, vm1, $0xb8;
	[tilespmem:$0x1F000] =	vst v63  }
0x273: {  	p0 =	por p0, !p1  }
0x274: {  	s24 =	simm.s32 $0x0;
	_ =	swait.ge @p0 [sflag:s23], $0x7000  }
0x275: {  	s28 =	sand.u32 $0x7800, s24;
	s5 =	sand.u32 $0x380, s24;
	[sflag:s23] =	ssyncset.done @p0 $0x0  }
0x276: {  	s9 =	sor.u32 s5, s28;
	[sflag:s23] =	ssyncadd.s32 @p0 $0xFFFF9000  }
0x277: {  	v4 =	vld [tilespmem:s9+$0xA070]  }
0x278: {  	v5 =	vld [tilespmem:s9+$0xA000]  }
0x279: {  	v53 =	vld [tilespmem:s9+$0xA010]  }
0x27a: {  	v54 =	vld [tilespmem:s9+$0xA020]  }
0x27b: {  	v55 =	vld [tilespmem:s9+$0xA030]  }
0x27c: {  	v56 =	vld [tilespmem:s9+$0xA040]  }
0x27d: {  	v57 =	vld [tilespmem:s9+$0xA050];
	v5 =	vadd.f32 v5, v3  }
0x27e: {  	s5 =	simm.s32 $0x183F0;
	v58 =	vld [tilespmem:s9+$0xA060];
	v6 =	vadd.f32 v53, v3  }
0x27f: {  	v59 =	vld [tilespmem:s9+$0xA400];
	v7 =	vadd.f32 v54, v3;
	[tilespmem:s5+$0xFFFFFC10] =	vst v5  }
0x280: {  	v8 =	vadd.f32 v55, v3;
	v5 =	vld [tilespmem:s9+$0xA410];
	[tilespmem:s5+$0xFFFFFC20] =	vst v6  }
0x281: {  	v9 =	vadd.f32 v56, v3;
	v6 =	vld [tilespmem:s9+$0xA420];
	[tilespmem:s5+$0xFFFFFC30] =	vst v7  }
0x282: {  	v10 =	vadd.f32 v57, v3;
	v7 =	vld [tilespmem:s9+$0xA430];
	[tilespmem:s5+$0xFFFFFC40] =	vst v8  }
0x283: {  	v11 =	vadd.f32 v58, v3;
	v8 =	vld [tilespmem:s9+$0xA440];
	[tilespmem:s5+$0xFFFFFC50] =	vst v9  }
0x284: {  	s30 =	simm.s32 $0x80;
	s29 =	simm.s32 $0x100;
	v4 =	vadd.f32 v4, v3;
	v9 =	vld [tilespmem:s9+$0xA450];
	[tilespmem:s5+$0xFFFFFC60] =	vst v10  }
0x285: {  	s22 =	sand.u32 $0x380, s30;
	s10 =	sand.u32 $0xF800, s29;
	v12 =	vadd.f32 v59, v3;
	v10 =	vld [tilespmem:s9+$0xA460];
	[tilespmem:s5+$0xFFFFFC70] =	vst v11  }
0x286: {  	s24 =	sor.u32 s22, s10;
	v5 =	vadd.f32 v5, v3;
	v11 =	vld [tilespmem:s9+$0xA470];
	[tilespmem:s5+$0xFFFFFC80] =	vst v4  }
0x287: {  	v6 =	vadd.f32 v6, v3;
	v4 =	vld [tilespmem:s24+$0xA000];
	[tilespmem:s5+$0x10] =	vst v12  }
0x288: {  	v7 =	vadd.f32 v7, v3;
	v12 =	vld [tilespmem:s24+$0xA010];
	[tilespmem:s5+$0x20] =	vst v5  }
0x289: {  	v8 =	vadd.f32 v8, v3;
	v5 =	vld [tilespmem:s24+$0xA020];
	[tilespmem:s5+$0x30] =	vst v6  }
0x28a: {  	v9 =	vadd.f32 v9, v3;
	v6 =	vld [tilespmem:s24+$0xA030];
	[tilespmem:s5+$0x40] =	vst v7  }
0x28b: {  	v10 =	vadd.f32 v10, v3;
	v7 =	vld [tilespmem:s24+$0xA040];
	[tilespmem:s5+$0x50] =	vst v8  }
0x28c: {  	v11 =	vadd.f32 v11, v3;
	v8 =	vld [tilespmem:s24+$0xA050];
	[tilespmem:s5+$0x60] =	vst v9  }
0x28d: {  	v4 =	vadd.f32 v4, v3;
	v9 =	vld [tilespmem:s24+$0xA060];
	[tilespmem:s5+$0xFFFFFC90] =	vst v10  }
0x28e: {  	v12 =	vadd.f32 v12, v3;
	v10 =	vld [tilespmem:s24+$0xA070];
	[tilespmem:s5+$0xFFFFFCA0] =	vst v11  }
0x28f: {  	v5 =	vadd.f32 v5, v3;
	v11 =	vld [tilespmem:s24+$0xA400];
	[tilespmem:s5+$0xFFFFFCB0] =	vst v4  }
0x290: {  	v6 =	vadd.f32 v6, v3;
	v4 =	vld [tilespmem:s24+$0xA410];
	[tilespmem:s5+$0xFFFFFCC0] =	vst v12  }
0x291: {  	v7 =	vadd.f32 v7, v3;
	v12 =	vld [tilespmem:s24+$0xA420];
	[tilespmem:s5+$0xFFFFFCD0] =	vst v5  }
0x292: {  	v8 =	vadd.f32 v8, v3;
	v5 =	vld [tilespmem:s24+$0xA430];
	[tilespmem:s5+$0xFFFFFCE0] =	vst v6  }
0x293: {  	v9 =	vadd.f32 v9, v3;
	v6 =	vld [tilespmem:s24+$0xA440];
	[tilespmem:s5+$0xFFFFFCF0] =	vst v7  }
0x294: {  	s29 =	simm.s32 $0x100;
	s28 =	simm.s32 $0x200;
	v10 =	vadd.f32 v10, v3;
	v7 =	vld [tilespmem:s24+$0xA450];
	[tilespmem:s5+$0xFFFFFD00] =	vst v8  }
0x295: {  	s22 =	sand.u32 $0x380, s29;
	s10 =	sand.u32 $0xF800, s28;
	v11 =	vadd.f32 v11, v3;
	v8 =	vld [tilespmem:s24+$0xA460];
	[tilespmem:s5+$0x90] =	vst v9  }
0x296: {  	s30 =	sor.u32 s22, s10;
	v4 =	vadd.f32 v4, v3;
	v9 =	vld [tilespmem:s24+$0xA470];
	[tilespmem:s5+$0xA0] =	vst v10  }
0x297: {  	v12 =	vadd.f32 v12, v3;
	v10 =	vld [tilespmem:s30+$0xA000];
	[tilespmem:s5+$0xB0] =	vst v11  }
0x298: {  	v5 =	vadd.f32 v5, v3;
	v11 =	vld [tilespmem:s30+$0xA010];
	[tilespmem:s5+$0xC0] =	vst v4  }
0x299: {  	v6 =	vadd.f32 v6, v3;
	v4 =	vld [tilespmem:s30+$0xA020];
	[tilespmem:s5+$0xD0] =	vst v12  }
0x29a: {  	v7 =	vadd.f32 v7, v3;
	v12 =	vld [tilespmem:s30+$0xA030];
	[tilespmem:s5+$0xE0] =	vst v5  }
0x29b: {  	v8 =	vadd.f32 v8, v3;
	v5 =	vld [tilespmem:s30+$0xA040];
	[tilespmem:s5+$0xFFFFFD10] =	vst v6  }
0x29c: {  	v9 =	vadd.f32 v9, v3;
	v6 =	vld [tilespmem:s30+$0xA050];
	[tilespmem:s5+$0xFFFFFD20] =	vst v7  }
0x29d: {  	v10 =	vadd.f32 v10, v3;
	v7 =	vld [tilespmem:s30+$0xA060];
	[tilespmem:s5+$0xFFFFFD30] =	vst v8  }
0x29e: {  	v11 =	vadd.f32 v11, v3;
	v8 =	vld [tilespmem:s30+$0xA070];
	[tilespmem:s5+$0xFFFFFD40] =	vst v9  }
0x29f: {  	v4 =	vadd.f32 v4, v3;
	v9 =	vld [tilespmem:s30+$0xA400];
	[tilespmem:s5+$0xFFFFFD50] =	vst v10  }
0x2a0: {  	v12 =	vadd.f32 v12, v3;
	v10 =	vld [tilespmem:s30+$0xA410];
	[tilespmem:s5+$0xFFFFFD60] =	vst v11  }
0x2a1: {  	v5 =	vadd.f32 v5, v3;
	v11 =	vld [tilespmem:s30+$0xA420];
	[tilespmem:s5+$0xFFFFFD70] =	vst v4  }
0x2a2: {  	v6 =	vadd.f32 v6, v3;
	v4 =	vld [tilespmem:s30+$0xA430];
	[tilespmem:s5+$0xFFFFFD80] =	vst v12  }
0x2a3: {  	v7 =	vadd.f32 v7, v3;
	v12 =	vld [tilespmem:s30+$0xA440];
	[tilespmem:s5+$0x110] =	vst v5  }
0x2a4: {  	s22 =	simm.s32 $0x300;
	s24 =	simm.s32 $0x180;
	v8 =	vadd.f32 v8, v3;
	v5 =	vld [tilespmem:s30+$0xA450];
	[tilespmem:s5+$0x120] =	vst v6  }
0x2a5: {  	s10 =	sand.u32 $0xF800, s22;
	s22 =	sand.u32 $0x380, s24;
	v9 =	vadd.f32 v9, v3;
	v6 =	vld [tilespmem:s30+$0xA460];
	[tilespmem:s5+$0x130] =	vst v7  }
0x2a6: {  	s28 =	sor.u32 s22, s10;
	v10 =	vadd.f32 v10, v3;
	v7 =	vld [tilespmem:s30+$0xA470];
	[tilespmem:s5+$0x140] =	vst v8  }
0x2a7: {  	v11 =	vadd.f32 v11, v3;
	v8 =	vld [tilespmem:s28+$0xA000];
	[tilespmem:s5+$0x150] =	vst v9  }
0x2a8: {  	v4 =	vadd.f32 v4, v3;
	v9 =	vld [tilespmem:s28+$0xA010];
	[tilespmem:s5+$0x160] =	vst v10  }
0x2a9: {  	v12 =	vadd.f32 v12, v3;
	v10 =	vld [tilespmem:s28+$0xA020];
	[tilespmem:s5+$0xFFFFFD90] =	vst v11  }
0x2aa: {  	v5 =	vadd.f32 v5, v3;
	v11 =	vld [tilespmem:s28+$0xA030];
	[tilespmem:s5+$0xFFFFFDA0] =	vst v4  }
0x2ab: {  	v6 =	vadd.f32 v6, v3;
	v4 =	vld [tilespmem:s28+$0xA040];
	[tilespmem:s5+$0xFFFFFDB0] =	vst v12  }
0x2ac: {  	v7 =	vadd.f32 v7, v3;
	v12 =	vld [tilespmem:s28+$0xA050];
	[tilespmem:s5+$0xFFFFFDC0] =	vst v5  }
0x2ad: {  	v8 =	vadd.f32 v8, v3;
	v5 =	vld [tilespmem:s28+$0xA060];
	[tilespmem:s5+$0xFFFFFDD0] =	vst v6  }
0x2ae: {  	v9 =	vadd.f32 v9, v3;
	v6 =	vld [tilespmem:s28+$0xA070];
	[tilespmem:s5+$0xFFFFFDE0] =	vst v7  }
0x2af: {  	v10 =	vadd.f32 v10, v3;
	v7 =	vld [tilespmem:s28+$0xA400];
	[tilespmem:s5+$0xFFFFFDF0] =	vst v8  }
0x2b0: {  	v11 =	vadd.f32 v11, v3;
	v8 =	vld [tilespmem:s28+$0xA410];
	[tilespmem:s5+$0xFFFFFE00] =	vst v9  }
0x2b1: {  	v4 =	vadd.f32 v4, v3;
	v9 =	vld [tilespmem:s28+$0xA420];
	[tilespmem:s5+$0x190] =	vst v10  }
0x2b2: {  	v12 =	vadd.f32 v12, v3;
	v10 =	vld [tilespmem:s28+$0xA430];
	[tilespmem:s5+$0x1A0] =	vst v11  }
0x2b3: {  	v5 =	vadd.f32 v5, v3;
	v11 =	vld [tilespmem:s28+$0xA440];
	[tilespmem:s5+$0x1B0] =	vst v4  }
0x2b4: {  	s29 =	simm.s32 $0x400;
	s30 =	simm.s32 $0x200;
	v6 =	vadd.f32 v6, v3;
	v4 =	vld [tilespmem:s28+$0xA450];
	[tilespmem:s5+$0x1C0] =	vst v12  }
0x2b5: {  	s10 =	sand.u32 $0xF800, s29;
	s22 =	sand.u32 $0x380, s30;
	v7 =	vadd.f32 v7, v3;
	v12 =	vld [tilespmem:s28+$0xA460];
	[tilespmem:s5+$0x1D0] =	vst v5  }
0x2b6: {  	s24 =	sor.u32 s22, s10;
	v8 =	vadd.f32 v8, v3;
	v5 =	vld [tilespmem:s28+$0xA470];
	[tilespmem:s5+$0x1E0] =	vst v6  }
0x2b7: {  	v9 =	vadd.f32 v9, v3;
	v6 =	vld [tilespmem:s24+$0xA000];
	[tilespmem:s5+$0xFFFFFE10] =	vst v7  }
0x2b8: {  	v10 =	vadd.f32 v10, v3;
	v7 =	vld [tilespmem:s24+$0xA010];
	[tilespmem:s5+$0xFFFFFE20] =	vst v8  }
0x2b9: {  	v11 =	vadd.f32 v11, v3;
	v8 =	vld [tilespmem:s24+$0xA020];
	[tilespmem:s5+$0xFFFFFE30] =	vst v9  }
0x2ba: {  	v4 =	vadd.f32 v4, v3;
	v9 =	vld [tilespmem:s24+$0xA030];
	[tilespmem:s5+$0xFFFFFE40] =	vst v10  }
0x2bb: {  	v12 =	vadd.f32 v12, v3;
	v10 =	vld [tilespmem:s24+$0xA040];
	[tilespmem:s5+$0xFFFFFE50] =	vst v11  }
0x2bc: {  	v5 =	vadd.f32 v5, v3;
	v11 =	vld [tilespmem:s24+$0xA050];
	[tilespmem:s5+$0xFFFFFE60] =	vst v4  }
0x2bd: {  	v6 =	vadd.f32 v6, v3;
	v4 =	vld [tilespmem:s24+$0xA060];
	[tilespmem:s5+$0xFFFFFE70] =	vst v12  }
0x2be: {  	v7 =	vadd.f32 v7, v3;
	v12 =	vld [tilespmem:s24+$0xA070];
	[tilespmem:s5+$0xFFFFFE80] =	vst v5  }
0x2bf: {  	v8 =	vadd.f32 v8, v3;
	v5 =	vld [tilespmem:s24+$0xA400];
	[tilespmem:s5+$0x210] =	vst v6  }
0x2c0: {  	v9 =	vadd.f32 v9, v3;
	v6 =	vld [tilespmem:s24+$0xA410];
	[tilespmem:s5+$0x220] =	vst v7  }
0x2c1: {  	v10 =	vadd.f32 v10, v3;
	v7 =	vld [tilespmem:s24+$0xA420];
	[tilespmem:s5+$0x230] =	vst v8  }
0x2c2: {  	v11 =	vadd.f32 v11, v3;
	v8 =	vld [tilespmem:s24+$0xA430];
	[tilespmem:s5+$0x240] =	vst v9  }
0x2c3: {  	v4 =	vadd.f32 v4, v3;
	v9 =	vld [tilespmem:s24+$0xA440];
	[tilespmem:s5+$0x250] =	vst v10  }
0x2c4: {  	s29 =	simm.s32 $0x280;
	s28 =	simm.s32 $0x500;
	v12 =	vadd.f32 v12, v3;
	v10 =	vld [tilespmem:s24+$0xA450];
	[tilespmem:s5+$0x260] =	vst v11  }
0x2c5: {  	s22 =	sand.u32 $0x380, s29;
	s10 =	sand.u32 $0xF800, s28;
	v5 =	vadd.f32 v5, v3;
	v11 =	vld [tilespmem:s24+$0xA460];
	[tilespmem:s5+$0xFFFFFE90] =	vst v4  }
0x2c6: {  	s30 =	sor.u32 s22, s10;
	v6 =	vadd.f32 v6, v3;
	v4 =	vld [tilespmem:s24+$0xA470];
	[tilespmem:s5+$0xFFFFFEA0] =	vst v12  }
0x2c7: {  	v7 =	vadd.f32 v7, v3;
	v12 =	vld [tilespmem:s30+$0xA000];
	[tilespmem:s5+$0xFFFFFEB0] =	vst v5  }
0x2c8: {  	v8 =	vadd.f32 v8, v3;
	v5 =	vld [tilespmem:s30+$0xA010];
	[tilespmem:s5+$0xFFFFFEC0] =	vst v6  }
0x2c9: {  	v9 =	vadd.f32 v9, v3;
	v6 =	vld [tilespmem:s30+$0xA020];
	[tilespmem:s5+$0xFFFFFED0] =	vst v7  }
0x2ca: {  	v10 =	vadd.f32 v10, v3;
	v7 =	vld [tilespmem:s30+$0xA030];
	[tilespmem:s5+$0xFFFFFEE0] =	vst v8  }
0x2cb: {  	v11 =	vadd.f32 v11, v3;
	v8 =	vld [tilespmem:s30+$0xA040];
	[tilespmem:s5+$0xFFFFFEF0] =	vst v9  }
0x2cc: {  	v4 =	vadd.f32 v4, v3;
	v9 =	vld [tilespmem:s30+$0xA050];
	[tilespmem:s5+$0xFFFFFF00] =	vst v10  }
0x2cd: {  	v12 =	vadd.f32 v12, v3;
	v10 =	vld [tilespmem:s30+$0xA060];
	[tilespmem:s5+$0x290] =	vst v11  }
0x2ce: {  	v5 =	vadd.f32 v5, v3;
	v11 =	vld [tilespmem:s30+$0xA070];
	[tilespmem:s5+$0x2A0] =	vst v4  }
0x2cf: {  	v6 =	vadd.f32 v6, v3;
	v4 =	vld [tilespmem:s30+$0xA400];
	[tilespmem:s5+$0x2B0] =	vst v12  }
0x2d0: {  	v7 =	vadd.f32 v7, v3;
	v12 =	vld [tilespmem:s30+$0xA410];
	[tilespmem:s5+$0x2C0] =	vst v5  }
0x2d1: {  	v8 =	vadd.f32 v8, v3;
	v5 =	vld [tilespmem:s30+$0xA420];
	[tilespmem:s5+$0x2D0] =	vst v6  }
0x2d2: {  	v9 =	vadd.f32 v9, v3;
	v6 =	vld [tilespmem:s30+$0xA430];
	[tilespmem:s5+$0x2E0] =	vst v7  }
0x2d3: {  	v10 =	vadd.f32 v10, v3;
	v7 =	vld [tilespmem:s30+$0xA440];
	[tilespmem:s5+$0xFFFFFF10] =	vst v8  }
0x2d4: {  	s22 =	simm.s32 $0x600;
	s24 =	simm.s32 $0x300;
	v11 =	vadd.f32 v11, v3;
	v8 =	vld [tilespmem:s30+$0xA450];
	[tilespmem:s5+$0xFFFFFF20] =	vst v9  }
0x2d5: {  	s10 =	sand.u32 $0xF800, s22;
	s22 =	sand.u32 $0x380, s24;
	v4 =	vadd.f32 v4, v3;
	v9 =	vld [tilespmem:s30+$0xA460];
	[tilespmem:s5+$0xFFFFFF30] =	vst v10  }
0x2d6: {  	s28 =	sor.u32 s22, s10;
	v12 =	vadd.f32 v12, v3;
	v10 =	vld [tilespmem:s30+$0xA470];
	[tilespmem:s5+$0xFFFFFF40] =	vst v11  }
0x2d7: {  	v5 =	vadd.f32 v5, v3;
	v11 =	vld [tilespmem:s28+$0xA000];
	[tilespmem:s5+$0xFFFFFF50] =	vst v4  }
0x2d8: {  	v6 =	vadd.f32 v6, v3;
	v4 =	vld [tilespmem:s28+$0xA010];
	[tilespmem:s5+$0xFFFFFF60] =	vst v12  }
0x2d9: {  	v7 =	vadd.f32 v7, v3;
	v12 =	vld [tilespmem:s28+$0xA020];
	[tilespmem:s5+$0xFFFFFF70] =	vst v5  }
0x2da: {  	v8 =	vadd.f32 v8, v3;
	v5 =	vld [tilespmem:s28+$0xA030];
	[tilespmem:s5+$0xFFFFFF80] =	vst v6  }
0x2db: {  	v9 =	vadd.f32 v9, v3;
	v6 =	vld [tilespmem:s28+$0xA040];
	[tilespmem:s5+$0x310] =	vst v7  }
0x2dc: {  	v10 =	vadd.f32 v10, v3;
	v7 =	vld [tilespmem:s28+$0xA050];
	[tilespmem:s5+$0x320] =	vst v8  }
0x2dd: {  	v11 =	vadd.f32 v11, v3;
	v8 =	vld [tilespmem:s28+$0xA060];
	[tilespmem:s5+$0x330] =	vst v9  }
0x2de: {  	v4 =	vadd.f32 v4, v3;
	v9 =	vld [tilespmem:s28+$0xA070];
	[tilespmem:s5+$0x340] =	vst v10  }
0x2df: {  	v12 =	vadd.f32 v12, v3;
	v10 =	vld [tilespmem:s28+$0xA400];
	[tilespmem:s5+$0x350] =	vst v11  }
0x2e0: {  	v5 =	vadd.f32 v5, v3;
	v11 =	vld [tilespmem:s28+$0xA410];
	[tilespmem:s5+$0x360] =	vst v4  }
0x2e1: {  	v6 =	vadd.f32 v6, v3;
	v4 =	vld [tilespmem:s28+$0xA420];
	[tilespmem:s5+$0xFFFFFF90] =	vst v12  }
0x2e2: {  	v7 =	vadd.f32 v7, v3;
	v12 =	vld [tilespmem:s28+$0xA430];
	[tilespmem:s5+$0xFFFFFFA0] =	vst v5  }
0x2e3: {  	v8 =	vadd.f32 v8, v3;
	v5 =	vld [tilespmem:s28+$0xA440];
	[tilespmem:s5+$0xFFFFFFB0] =	vst v6  }
0x2e4: {  	v9 =	vadd.f32 v9, v3;
	v6 =	vld [tilespmem:s28+$0xA450];
	[tilespmem:s5+$0xFFFFFFC0] =	vst v7  }
0x2e5: {  	v63 =	vadd.f32 v10, v3;
	v7 =	vld [tilespmem:s28+$0xA460];
	[tilespmem:s5+$0xFFFFFFD0] =	vst v8  }
0x2e6: {  	v60 =	vadd.f32 v11, v3;
	v61 =	vld [tilespmem:s28+$0xA470];
	[tilespmem:s5+$0xFFFFFFE0] =	vst v9  }
0x2e7: {  	v4 =	vadd.f32 v4, v3;
	[tilespmem:s5+$0xFFFFFFF0] =	vst v63  }
0x2e8: {  	[tilespmem:s5+$0x0] =	vst v60;
	v62 =	vadd.f32 v12, v3  }
0x2e9: {  	[tilespmem:s5+$0x390] =	vst v4;
	v4 =	vadd.f32 v5, v3  }
0x2ea: {  	[tilespmem:s5+$0x3A0] =	vst v62;
	v5 =	vadd.f32 v6, v3  }
0x2eb: {  	[tilespmem:s5+$0x3B0] =	vst v4;
	v4 =	vadd.f32 v7, v3  }
0x2ec: {  	s9 =	simm.s32 $0x380;
	s10 =	simm.s32 $0x700;
	[tilespmem:s5+$0x3C0] =	vst v5;
	v5 =	vadd.f32 v61, v3  }
0x2ed: {  	s29 =	sand.u32 $0x7800, s10;
	s30 =	sand.u32 $0x380, s9;
	[tilespmem:s5+$0x3D0] =	vst v4  }
0x2ee: {  	s22 =	simm.s32 $0x700;
	s24 =	sor.u32 s30, s29;
	[tilespmem:s5+$0x3E0] =	vst v5  }
.LBB2_5:
0x2ef: {  	p0 =	sne.s32 s22, $0x2D80;
	v4 =	vld [tilespmem:s24+$0xA070]  }
0x2f0: {  	v5 =	vld [tilespmem:s24+$0xA000]  }
0x2f1: {  	v6 =	vld [tilespmem:s24+$0xA010]  }
0x2f2: {  	v7 =	vld [tilespmem:s24+$0xA020]  }
0x2f3: {  	v8 =	vld [tilespmem:s24+$0xA030]  }
0x2f4: {  	v9 =	vld [tilespmem:s24+$0xA040]  }
0x2f5: {  	v10 =	vld [tilespmem:s24+$0xA050];
	v5 =	vadd.f32 v5, v3  }
0x2f6: {  	s5 =	sadd.s32 $0x800, s5;
	v11 =	vld [tilespmem:s24+$0xA060];
	v6 =	vadd.f32 v6, v3  }
0x2f7: {  	v12 =	vld [tilespmem:s24+$0xA400];
	[tilespmem:s5+$0xFFFFFC10] =	vst v5;
	v5 =	vadd.f32 v7, v3  }
0x2f8: {  	v7 =	vld [tilespmem:s24+$0xA410];
	[tilespmem:s5+$0xFFFFFC20] =	vst v6;
	v6 =	vadd.f32 v8, v3  }
0x2f9: {  	v8 =	vld [tilespmem:s24+$0xA420];
	[tilespmem:s5+$0xFFFFFC30] =	vst v5;
	v5 =	vadd.f32 v9, v3  }
0x2fa: {  	v9 =	vld [tilespmem:s24+$0xA430];
	[tilespmem:s5+$0xFFFFFC40] =	vst v6;
	v6 =	vadd.f32 v10, v3  }
0x2fb: {  	v10 =	vld [tilespmem:s24+$0xA440];
	[tilespmem:s5+$0xFFFFFC50] =	vst v5;
	v5 =	vadd.f32 v11, v3  }
0x2fc: {  	s28 =	sadd.s32 $0x100, s10;
	s29 =	sadd.s32 $0x80, s9;
	v4 =	vadd.f32 v4, v3;
	v11 =	vld [tilespmem:s24+$0xA450];
	[tilespmem:s5+$0xFFFFFC60] =	vst v6  }
0x2fd: {  	s28 =	sand.u32 $0xF800, s28;
	s29 =	sand.u32 $0x380, s29;
	v6 =	vld [tilespmem:s24+$0xA460];
	[tilespmem:s5+$0xFFFFFC70] =	vst v5;
	v5 =	vadd.f32 v12, v3  }
0x2fe: {  	v12 =	vld [tilespmem:s24+$0xA470];
	[tilespmem:s5+$0xFFFFFC80] =	vst v4;
	s24 =	sor.u32 s29, s28;
	v4 =	vadd.f32 v7, v3  }
0x2ff: {  	v7 =	vld [tilespmem:s24+$0xA000];
	[tilespmem:s5+$0x10] =	vst v5;
	v5 =	vadd.f32 v8, v3  }
0x300: {  	v8 =	vld [tilespmem:s24+$0xA010];
	[tilespmem:s5+$0x20] =	vst v4;
	v4 =	vadd.f32 v9, v3  }
0x301: {  	v9 =	vld [tilespmem:s24+$0xA020];
	[tilespmem:s5+$0x30] =	vst v5;
	v5 =	vadd.f32 v10, v3  }
0x302: {  	v10 =	vld [tilespmem:s24+$0xA030];
	[tilespmem:s5+$0x40] =	vst v4;
	v4 =	vadd.f32 v11, v3  }
0x303: {  	v11 =	vld [tilespmem:s24+$0xA040];
	[tilespmem:s5+$0x50] =	vst v5;
	v5 =	vadd.f32 v6, v3  }
0x304: {  	v6 =	vld [tilespmem:s24+$0xA050];
	[tilespmem:s5+$0x60] =	vst v4;
	v4 =	vadd.f32 v12, v3  }
0x305: {  	v12 =	vld [tilespmem:s24+$0xA060];
	[tilespmem:s5+$0xFFFFFC90] =	vst v5;
	v5 =	vadd.f32 v7, v3  }
0x306: {  	v7 =	vld [tilespmem:s24+$0xA070];
	[tilespmem:s5+$0xFFFFFCA0] =	vst v4;
	v4 =	vadd.f32 v8, v3  }
0x307: {  	v8 =	vld [tilespmem:s24+$0xA400];
	[tilespmem:s5+$0xFFFFFCB0] =	vst v5;
	v5 =	vadd.f32 v9, v3  }
0x308: {  	v9 =	vld [tilespmem:s24+$0xA410];
	[tilespmem:s5+$0xFFFFFCC0] =	vst v4;
	v4 =	vadd.f32 v10, v3  }
0x309: {  	v10 =	vld [tilespmem:s24+$0xA420];
	[tilespmem:s5+$0xFFFFFCD0] =	vst v5;
	v5 =	vadd.f32 v11, v3  }
0x30a: {  	v11 =	vld [tilespmem:s24+$0xA430];
	[tilespmem:s5+$0xFFFFFCE0] =	vst v4;
	v4 =	vadd.f32 v6, v3  }
0x30b: {  	v6 =	vld [tilespmem:s24+$0xA440];
	[tilespmem:s5+$0xFFFFFCF0] =	vst v5;
	v5 =	vadd.f32 v12, v3  }
0x30c: {  	s28 =	sadd.s32 $0x200, s10;
	s29 =	sadd.s32 $0x100, s9;
	v12 =	vld [tilespmem:s24+$0xA450];
	[tilespmem:s5+$0xFFFFFD00] =	vst v4;
	v4 =	vadd.f32 v7, v3  }
0x30d: {  	s28 =	sand.u32 $0xF800, s28;
	s29 =	sand.u32 $0x380, s29;
	v7 =	vld [tilespmem:s24+$0xA460];
	[tilespmem:s5+$0x90] =	vst v5;
	v5 =	vadd.f32 v8, v3  }
0x30e: {  	v8 =	vld [tilespmem:s24+$0xA470];
	[tilespmem:s5+$0xA0] =	vst v4;
	s24 =	sor.u32 s29, s28;
	v4 =	vadd.f32 v9, v3  }
0x30f: {  	v9 =	vld [tilespmem:s24+$0xA000];
	[tilespmem:s5+$0xB0] =	vst v5;
	v5 =	vadd.f32 v10, v3  }
0x310: {  	v10 =	vld [tilespmem:s24+$0xA010];
	[tilespmem:s5+$0xC0] =	vst v4;
	v4 =	vadd.f32 v11, v3  }
0x311: {  	v11 =	vld [tilespmem:s24+$0xA020];
	[tilespmem:s5+$0xD0] =	vst v5;
	v5 =	vadd.f32 v6, v3  }
0x312: {  	v6 =	vld [tilespmem:s24+$0xA030];
	[tilespmem:s5+$0xE0] =	vst v4;
	v4 =	vadd.f32 v12, v3  }
0x313: {  	v12 =	vld [tilespmem:s24+$0xA040];
	[tilespmem:s5+$0xFFFFFD10] =	vst v5;
	v5 =	vadd.f32 v7, v3  }
0x314: {  	v7 =	vld [tilespmem:s24+$0xA050];
	[tilespmem:s5+$0xFFFFFD20] =	vst v4;
	v4 =	vadd.f32 v8, v3  }
0x315: {  	v8 =	vld [tilespmem:s24+$0xA060];
	[tilespmem:s5+$0xFFFFFD30] =	vst v5;
	v5 =	vadd.f32 v9, v3  }
0x316: {  	v9 =	vld [tilespmem:s24+$0xA070];
	[tilespmem:s5+$0xFFFFFD40] =	vst v4;
	v4 =	vadd.f32 v10, v3  }
0x317: {  	v10 =	vld [tilespmem:s24+$0xA400];
	[tilespmem:s5+$0xFFFFFD50] =	vst v5;
	v5 =	vadd.f32 v11, v3  }
0x318: {  	v11 =	vld [tilespmem:s24+$0xA410];
	[tilespmem:s5+$0xFFFFFD60] =	vst v4;
	v4 =	vadd.f32 v6, v3  }
0x319: {  	v6 =	vld [tilespmem:s24+$0xA420];
	[tilespmem:s5+$0xFFFFFD70] =	vst v5;
	v5 =	vadd.f32 v12, v3  }
0x31a: {  	v12 =	vld [tilespmem:s24+$0xA430];
	[tilespmem:s5+$0xFFFFFD80] =	vst v4;
	v4 =	vadd.f32 v7, v3  }
0x31b: {  	v7 =	vld [tilespmem:s24+$0xA440];
	[tilespmem:s5+$0x110] =	vst v5;
	v5 =	vadd.f32 v8, v3  }
0x31c: {  	s28 =	sadd.s32 $0x300, s10;
	s29 =	sadd.s32 $0x180, s9;
	v8 =	vld [tilespmem:s24+$0xA450];
	[tilespmem:s5+$0x120] =	vst v4;
	v4 =	vadd.f32 v9, v3  }
0x31d: {  	s28 =	sand.u32 $0xF800, s28;
	s29 =	sand.u32 $0x380, s29;
	v9 =	vld [tilespmem:s24+$0xA460];
	[tilespmem:s5+$0x130] =	vst v5;
	v5 =	vadd.f32 v10, v3  }
0x31e: {  	v10 =	vld [tilespmem:s24+$0xA470];
	[tilespmem:s5+$0x140] =	vst v4;
	s24 =	sor.u32 s29, s28;
	v4 =	vadd.f32 v11, v3  }
0x31f: {  	v11 =	vld [tilespmem:s24+$0xA000];
	[tilespmem:s5+$0x150] =	vst v5;
	v5 =	vadd.f32 v6, v3  }
0x320: {  	v6 =	vld [tilespmem:s24+$0xA010];
	[tilespmem:s5+$0x160] =	vst v4;
	v4 =	vadd.f32 v12, v3  }
0x321: {  	v12 =	vld [tilespmem:s24+$0xA020];
	[tilespmem:s5+$0xFFFFFD90] =	vst v5;
	v5 =	vadd.f32 v7, v3  }
0x322: {  	v7 =	vld [tilespmem:s24+$0xA030];
	[tilespmem:s5+$0xFFFFFDA0] =	vst v4;
	v4 =	vadd.f32 v8, v3  }
0x323: {  	v8 =	vld [tilespmem:s24+$0xA040];
	[tilespmem:s5+$0xFFFFFDB0] =	vst v5;
	v5 =	vadd.f32 v9, v3  }
0x324: {  	v9 =	vld [tilespmem:s24+$0xA050];
	[tilespmem:s5+$0xFFFFFDC0] =	vst v4;
	v4 =	vadd.f32 v10, v3  }
0x325: {  	v10 =	vld [tilespmem:s24+$0xA060];
	[tilespmem:s5+$0xFFFFFDD0] =	vst v5;
	v5 =	vadd.f32 v11, v3  }
0x326: {  	v11 =	vld [tilespmem:s24+$0xA070];
	[tilespmem:s5+$0xFFFFFDE0] =	vst v4;
	v4 =	vadd.f32 v6, v3  }
0x327: {  	v6 =	vld [tilespmem:s24+$0xA400];
	[tilespmem:s5+$0xFFFFFDF0] =	vst v5;
	v5 =	vadd.f32 v12, v3  }
0x328: {  	v12 =	vld [tilespmem:s24+$0xA410];
	[tilespmem:s5+$0xFFFFFE00] =	vst v4;
	v4 =	vadd.f32 v7, v3  }
0x329: {  	v7 =	vld [tilespmem:s24+$0xA420];
	[tilespmem:s5+$0x190] =	vst v5;
	v5 =	vadd.f32 v8, v3  }
0x32a: {  	v8 =	vld [tilespmem:s24+$0xA430];
	[tilespmem:s5+$0x1A0] =	vst v4;
	v4 =	vadd.f32 v9, v3  }
0x32b: {  	v9 =	vld [tilespmem:s24+$0xA440];
	[tilespmem:s5+$0x1B0] =	vst v5;
	v5 =	vadd.f32 v10, v3  }
0x32c: {  	s28 =	sadd.s32 $0x400, s10;
	s29 =	sadd.s32 $0x200, s9;
	v10 =	vld [tilespmem:s24+$0xA450];
	[tilespmem:s5+$0x1C0] =	vst v4;
	v4 =	vadd.f32 v11, v3  }
0x32d: {  	s28 =	sand.u32 $0xF800, s28;
	s29 =	sand.u32 $0x380, s29;
	v11 =	vld [tilespmem:s24+$0xA460];
	[tilespmem:s5+$0x1D0] =	vst v5;
	v5 =	vadd.f32 v6, v3  }
0x32e: {  	v6 =	vld [tilespmem:s24+$0xA470];
	[tilespmem:s5+$0x1E0] =	vst v4;
	s24 =	sor.u32 s29, s28;
	v4 =	vadd.f32 v12, v3  }
0x32f: {  	v12 =	vld [tilespmem:s24+$0xA000];
	[tilespmem:s5+$0xFFFFFE10] =	vst v5;
	v5 =	vadd.f32 v7, v3  }
0x330: {  	v7 =	vld [tilespmem:s24+$0xA010];
	[tilespmem:s5+$0xFFFFFE20] =	vst v4;
	v4 =	vadd.f32 v8, v3  }
0x331: {  	v8 =	vld [tilespmem:s24+$0xA020];
	[tilespmem:s5+$0xFFFFFE30] =	vst v5;
	v5 =	vadd.f32 v9, v3  }
0x332: {  	v9 =	vld [tilespmem:s24+$0xA030];
	[tilespmem:s5+$0xFFFFFE40] =	vst v4;
	v4 =	vadd.f32 v10, v3  }
0x333: {  	v10 =	vld [tilespmem:s24+$0xA040];
	[tilespmem:s5+$0xFFFFFE50] =	vst v5;
	v5 =	vadd.f32 v11, v3  }
0x334: {  	v11 =	vld [tilespmem:s24+$0xA050];
	[tilespmem:s5+$0xFFFFFE60] =	vst v4;
	v4 =	vadd.f32 v6, v3  }
0x335: {  	v6 =	vld [tilespmem:s24+$0xA060];
	[tilespmem:s5+$0xFFFFFE70] =	vst v5;
	v5 =	vadd.f32 v12, v3  }
0x336: {  	v12 =	vld [tilespmem:s24+$0xA070];
	[tilespmem:s5+$0xFFFFFE80] =	vst v4;
	v4 =	vadd.f32 v7, v3  }
0x337: {  	v7 =	vld [tilespmem:s24+$0xA400];
	[tilespmem:s5+$0x210] =	vst v5;
	v5 =	vadd.f32 v8, v3  }
0x338: {  	v8 =	vld [tilespmem:s24+$0xA410];
	[tilespmem:s5+$0x220] =	vst v4;
	v4 =	vadd.f32 v9, v3  }
0x339: {  	v9 =	vld [tilespmem:s24+$0xA420];
	[tilespmem:s5+$0x230] =	vst v5;
	v5 =	vadd.f32 v10, v3  }
0x33a: {  	v10 =	vld [tilespmem:s24+$0xA430];
	[tilespmem:s5+$0x240] =	vst v4;
	v4 =	vadd.f32 v11, v3  }
0x33b: {  	v11 =	vld [tilespmem:s24+$0xA440];
	[tilespmem:s5+$0x250] =	vst v5;
	v5 =	vadd.f32 v6, v3  }
0x33c: {  	s28 =	sadd.s32 $0x500, s10;
	s29 =	sadd.s32 $0x280, s9;
	v6 =	vld [tilespmem:s24+$0xA450];
	[tilespmem:s5+$0x260] =	vst v4;
	v4 =	vadd.f32 v12, v3  }
0x33d: {  	s28 =	sand.u32 $0xF800, s28;
	s29 =	sand.u32 $0x380, s29;
	v12 =	vld [tilespmem:s24+$0xA460];
	[tilespmem:s5+$0xFFFFFE90] =	vst v5;
	v5 =	vadd.f32 v7, v3  }
0x33e: {  	v7 =	vld [tilespmem:s24+$0xA470];
	[tilespmem:s5+$0xFFFFFEA0] =	vst v4;
	s24 =	sor.u32 s29, s28;
	v4 =	vadd.f32 v8, v3  }
0x33f: {  	v8 =	vld [tilespmem:s24+$0xA000];
	[tilespmem:s5+$0xFFFFFEB0] =	vst v5;
	v5 =	vadd.f32 v9, v3  }
0x340: {  	v9 =	vld [tilespmem:s24+$0xA010];
	[tilespmem:s5+$0xFFFFFEC0] =	vst v4;
	v4 =	vadd.f32 v10, v3  }
0x341: {  	v10 =	vld [tilespmem:s24+$0xA020];
	[tilespmem:s5+$0xFFFFFED0] =	vst v5;
	v5 =	vadd.f32 v11, v3  }
0x342: {  	v11 =	vld [tilespmem:s24+$0xA030];
	[tilespmem:s5+$0xFFFFFEE0] =	vst v4;
	v4 =	vadd.f32 v6, v3  }
0x343: {  	v6 =	vld [tilespmem:s24+$0xA040];
	[tilespmem:s5+$0xFFFFFEF0] =	vst v5;
	v5 =	vadd.f32 v12, v3  }
0x344: {  	v12 =	vld [tilespmem:s24+$0xA050];
	[tilespmem:s5+$0xFFFFFF00] =	vst v4;
	v4 =	vadd.f32 v7, v3  }
0x345: {  	v7 =	vld [tilespmem:s24+$0xA060];
	[tilespmem:s5+$0x290] =	vst v5;
	v5 =	vadd.f32 v8, v3  }
0x346: {  	v8 =	vld [tilespmem:s24+$0xA070];
	[tilespmem:s5+$0x2A0] =	vst v4;
	v4 =	vadd.f32 v9, v3  }
0x347: {  	v9 =	vld [tilespmem:s24+$0xA400];
	[tilespmem:s5+$0x2B0] =	vst v5;
	v5 =	vadd.f32 v10, v3  }
0x348: {  	v10 =	vld [tilespmem:s24+$0xA410];
	[tilespmem:s5+$0x2C0] =	vst v4;
	v4 =	vadd.f32 v11, v3  }
0x349: {  	v11 =	vld [tilespmem:s24+$0xA420];
	[tilespmem:s5+$0x2D0] =	vst v5;
	v5 =	vadd.f32 v6, v3  }
0x34a: {  	v6 =	vld [tilespmem:s24+$0xA430];
	[tilespmem:s5+$0x2E0] =	vst v4;
	v4 =	vadd.f32 v12, v3  }
0x34b: {  	v12 =	vld [tilespmem:s24+$0xA440];
	[tilespmem:s5+$0xFFFFFF10] =	vst v5;
	v5 =	vadd.f32 v7, v3  }
0x34c: {  	s28 =	sadd.s32 $0x600, s10;
	s29 =	sadd.s32 $0x300, s9;
	s9 =	smov.u32 s22;
	v7 =	vld [tilespmem:s24+$0xA450];
	[tilespmem:s5+$0xFFFFFF20] =	vst v4;
	v4 =	vadd.f32 v8, v3  }
0x34d: {  	s28 =	sand.u32 $0xF800, s28;
	s29 =	sand.u32 $0x380, s29;
	v8 =	vld [tilespmem:s24+$0xA460];
	[tilespmem:s5+$0xFFFFFF30] =	vst v5;
	v5 =	vadd.f32 v9, v3  }
0x34e: {  	v9 =	vld [tilespmem:s24+$0xA470];
	[tilespmem:s5+$0xFFFFFF40] =	vst v4;
	s24 =	sor.u32 s29, s28;
	v4 =	vadd.f32 v10, v3  }
0x34f: {  	v10 =	vld [tilespmem:s24+$0xA000];
	[tilespmem:s5+$0xFFFFFF50] =	vst v5;
	v5 =	vadd.f32 v11, v3  }
0x350: {  	v11 =	vld [tilespmem:s24+$0xA010];
	[tilespmem:s5+$0xFFFFFF60] =	vst v4;
	v4 =	vadd.f32 v6, v3  }
0x351: {  	v6 =	vld [tilespmem:s24+$0xA020];
	[tilespmem:s5+$0xFFFFFF70] =	vst v5;
	v5 =	vadd.f32 v12, v3  }
0x352: {  	v12 =	vld [tilespmem:s24+$0xA030];
	[tilespmem:s5+$0xFFFFFF80] =	vst v4;
	v4 =	vadd.f32 v7, v3  }
0x353: {  	v7 =	vld [tilespmem:s24+$0xA040];
	[tilespmem:s5+$0x310] =	vst v5;
	v5 =	vadd.f32 v8, v3  }
0x354: {  	v8 =	vld [tilespmem:s24+$0xA050];
	[tilespmem:s5+$0x320] =	vst v4;
	v4 =	vadd.f32 v9, v3  }
0x355: {  	v9 =	vld [tilespmem:s24+$0xA060];
	[tilespmem:s5+$0x330] =	vst v5;
	v5 =	vadd.f32 v10, v3  }
0x356: {  	v10 =	vld [tilespmem:s24+$0xA070];
	[tilespmem:s5+$0x340] =	vst v4;
	v4 =	vadd.f32 v11, v3  }
0x357: {  	v11 =	vld [tilespmem:s24+$0xA400];
	[tilespmem:s5+$0x350] =	vst v5;
	v5 =	vadd.f32 v6, v3  }
0x358: {  	v6 =	vld [tilespmem:s24+$0xA410];
	[tilespmem:s5+$0x360] =	vst v4;
	v4 =	vadd.f32 v12, v3  }
0x359: {  	v12 =	vld [tilespmem:s24+$0xA420];
	[tilespmem:s5+$0xFFFFFF90] =	vst v5;
	v5 =	vadd.f32 v7, v3  }
0x35a: {  	v7 =	vld [tilespmem:s24+$0xA430];
	[tilespmem:s5+$0xFFFFFFA0] =	vst v4;
	v4 =	vadd.f32 v8, v3  }
0x35b: {  	v8 =	vld [tilespmem:s24+$0xA440];
	[tilespmem:s5+$0xFFFFFFB0] =	vst v5;
	v5 =	vadd.f32 v9, v3;
	v9 =	vadd.f32 v10, v3  }
0x35c: {  	v10 =	vld [tilespmem:s24+$0xA450];
	[tilespmem:s5+$0xFFFFFFC0] =	vst v4;
	v4 =	vadd.f32 v11, v3  }
0x35d: {  	v11 =	vld [tilespmem:s24+$0xA460];
	[tilespmem:s5+$0xFFFFFFD0] =	vst v5;
	v5 =	vadd.f32 v6, v3  }
0x35e: {  	v6 =	vld [tilespmem:s24+$0xA470];
	[tilespmem:s5+$0xFFFFFFE0] =	vst v9;
	v9 =	vadd.f32 v12, v3  }
0x35f: {  	[tilespmem:s5+$0x0] =	vst v5;
	v5 =	vadd.f32 v7, v3  }
0x360: {  	[tilespmem:s5+$0x390] =	vst v9;
	v7 =	vadd.f32 v8, v3  }
0x361: {  	[tilespmem:s5+$0x3A0] =	vst v5;
	v5 =	vadd.f32 v10, v3  }
.Ltmp1:
0x362: {  	[tilespmem:s5+$0x3B0] =	vst v7;
	v7 =	vadd.f32 v11, v3;
	(pc) =	sbr.rel @p0 .LBB2_5-.Ltmp1, $4  }
0x363: {  	[tilespmem:s5+$0x3C0] =	vst v5;
	v5 =	vadd.f32 v6, v3  }
0x364: {  	s10 =	sadd.s32 $0x700, s10;
	[tilespmem:s5+$0x3D0] =	vst v7  }
0x365: {  	s28 =	sand.u32 $0x380, s22;
	s24 =	sand.u32 $0x7800, s10;
	[tilespmem:s5+$0x3E0] =	vst v5  }
0x366: {  	s22 =	sadd.s32 $0x380, s22;
	s24 =	sor.u32 s28, s24;
	[tilespmem:s5+$0xFFFFFFF0] =	vst v4  }
0x367: {  	v4 =	vld [tilespmem:s24+$0xA070]  }
0x368: {  	v5 =	vld [tilespmem:s24+$0xA000]  }
0x369: {  	v6 =	vld [tilespmem:s24+$0xA010]  }
0x36a: {  	v7 =	vld [tilespmem:s24+$0xA020]  }
0x36b: {  	v8 =	vld [tilespmem:s24+$0xA030]  }
0x36c: {  	v9 =	vld [tilespmem:s24+$0xA040]  }
0x36d: {  	v10 =	vld [tilespmem:s24+$0xA050];
	v5 =	vadd.f32 v5, v3  }
0x36e: {  	v11 =	vld [tilespmem:s24+$0xA060];
	s5 =	sadd.s32 $0x800, s5;
	v6 =	vadd.f32 v6, v3  }
0x36f: {  	v12 =	vld [tilespmem:s24+$0xA400];
	v7 =	vadd.f32 v7, v3;
	[tilespmem:s5+$0xFFFFFC10] =	vst v5  }
0x370: {  	v8 =	vadd.f32 v8, v3;
	v5 =	vld [tilespmem:s24+$0xA410];
	[tilespmem:s5+$0xFFFFFC20] =	vst v6  }
0x371: {  	v9 =	vadd.f32 v9, v3;
	v6 =	vld [tilespmem:s24+$0xA420];
	[tilespmem:s5+$0xFFFFFC30] =	vst v7  }
0x372: {  	v10 =	vadd.f32 v10, v3;
	v7 =	vld [tilespmem:s24+$0xA430];
	[tilespmem:s5+$0xFFFFFC40] =	vst v8  }
0x373: {  	v11 =	vadd.f32 v11, v3;
	v8 =	vld [tilespmem:s24+$0xA440];
	[tilespmem:s5+$0xFFFFFC50] =	vst v9  }
0x374: {  	s22 =	sadd.s32 $0x100, s10;
	s28 =	sadd.s32 $0x80, s9;
	v4 =	vadd.f32 v4, v3;
	v9 =	vld [tilespmem:s24+$0xA450];
	[tilespmem:s5+$0xFFFFFC60] =	vst v10  }
0x375: {  	s22 =	sand.u32 $0xF800, s22;
	s28 =	sand.u32 $0x380, s28;
	v12 =	vadd.f32 v12, v3;
	v10 =	vld [tilespmem:s24+$0xA460];
	[tilespmem:s5+$0xFFFFFC70] =	vst v11  }
0x376: {  	s22 =	sor.u32 s28, s22;
	v5 =	vadd.f32 v5, v3;
	v11 =	vld [tilespmem:s24+$0xA470];
	[tilespmem:s5+$0xFFFFFC80] =	vst v4  }
0x377: {  	v6 =	vadd.f32 v6, v3;
	v4 =	vld [tilespmem:s22+$0xA000];
	[tilespmem:s5+$0x10] =	vst v12  }
0x378: {  	v7 =	vadd.f32 v7, v3;
	v12 =	vld [tilespmem:s22+$0xA010];
	[tilespmem:s5+$0x20] =	vst v5  }
0x379: {  	v8 =	vadd.f32 v8, v3;
	v5 =	vld [tilespmem:s22+$0xA020];
	[tilespmem:s5+$0x30] =	vst v6  }
0x37a: {  	v9 =	vadd.f32 v9, v3;
	v6 =	vld [tilespmem:s22+$0xA030];
	[tilespmem:s5+$0x40] =	vst v7  }
0x37b: {  	v10 =	vadd.f32 v10, v3;
	v7 =	vld [tilespmem:s22+$0xA040];
	[tilespmem:s5+$0x50] =	vst v8  }
0x37c: {  	v11 =	vadd.f32 v11, v3;
	v8 =	vld [tilespmem:s22+$0xA050];
	[tilespmem:s5+$0x60] =	vst v9  }
0x37d: {  	v4 =	vadd.f32 v4, v3;
	v9 =	vld [tilespmem:s22+$0xA060];
	[tilespmem:s5+$0xFFFFFC90] =	vst v10  }
0x37e: {  	v12 =	vadd.f32 v12, v3;
	v10 =	vld [tilespmem:s22+$0xA070];
	[tilespmem:s5+$0xFFFFFCA0] =	vst v11  }
0x37f: {  	v5 =	vadd.f32 v5, v3;
	v11 =	vld [tilespmem:s22+$0xA400];
	[tilespmem:s5+$0xFFFFFCB0] =	vst v4  }
0x380: {  	v6 =	vadd.f32 v6, v3;
	v4 =	vld [tilespmem:s22+$0xA410];
	[tilespmem:s5+$0xFFFFFCC0] =	vst v12  }
0x381: {  	v7 =	vadd.f32 v7, v3;
	v12 =	vld [tilespmem:s22+$0xA420];
	[tilespmem:s5+$0xFFFFFCD0] =	vst v5  }
0x382: {  	v8 =	vadd.f32 v8, v3;
	v5 =	vld [tilespmem:s22+$0xA430];
	[tilespmem:s5+$0xFFFFFCE0] =	vst v6  }
0x383: {  	v9 =	vadd.f32 v9, v3;
	v6 =	vld [tilespmem:s22+$0xA440];
	[tilespmem:s5+$0xFFFFFCF0] =	vst v7  }
0x384: {  	s29 =	sadd.s32 $0x200, s10;
	s30 =	sadd.s32 $0x100, s9;
	v10 =	vadd.f32 v10, v3;
	v7 =	vld [tilespmem:s22+$0xA450];
	[tilespmem:s5+$0xFFFFFD00] =	vst v8  }
0x385: {  	s28 =	sand.u32 $0x380, s30;
	s24 =	sand.u32 $0xF800, s29;
	v11 =	vadd.f32 v11, v3;
	v8 =	vld [tilespmem:s22+$0xA460];
	[tilespmem:s5+$0x90] =	vst v9  }
0x386: {  	v4 =	vadd.f32 v4, v3;
	v9 =	vld [tilespmem:s22+$0xA470];
	[tilespmem:s5+$0xA0] =	vst v10;
	s22 =	sor.u32 s28, s24  }
0x387: {  	v12 =	vadd.f32 v12, v3;
	v10 =	vld [tilespmem:s22+$0xA000];
	[tilespmem:s5+$0xB0] =	vst v11  }
0x388: {  	v5 =	vadd.f32 v5, v3;
	v11 =	vld [tilespmem:s22+$0xA010];
	[tilespmem:s5+$0xC0] =	vst v4  }
0x389: {  	v6 =	vadd.f32 v6, v3;
	v4 =	vld [tilespmem:s22+$0xA020];
	[tilespmem:s5+$0xD0] =	vst v12  }
0x38a: {  	v7 =	vadd.f32 v7, v3;
	v12 =	vld [tilespmem:s22+$0xA030];
	[tilespmem:s5+$0xE0] =	vst v5  }
0x38b: {  	v8 =	vadd.f32 v8, v3;
	v5 =	vld [tilespmem:s22+$0xA040];
	[tilespmem:s5+$0xFFFFFD10] =	vst v6  }
0x38c: {  	v9 =	vadd.f32 v9, v3;
	v6 =	vld [tilespmem:s22+$0xA050];
	[tilespmem:s5+$0xFFFFFD20] =	vst v7  }
0x38d: {  	v10 =	vadd.f32 v10, v3;
	v7 =	vld [tilespmem:s22+$0xA060];
	[tilespmem:s5+$0xFFFFFD30] =	vst v8  }
0x38e: {  	v11 =	vadd.f32 v11, v3;
	v8 =	vld [tilespmem:s22+$0xA070];
	[tilespmem:s5+$0xFFFFFD40] =	vst v9  }
0x38f: {  	v4 =	vadd.f32 v4, v3;
	v9 =	vld [tilespmem:s22+$0xA400];
	[tilespmem:s5+$0xFFFFFD50] =	vst v10  }
0x390: {  	v12 =	vadd.f32 v12, v3;
	v10 =	vld [tilespmem:s22+$0xA410];
	[tilespmem:s5+$0xFFFFFD60] =	vst v11  }
0x391: {  	v5 =	vadd.f32 v5, v3;
	v11 =	vld [tilespmem:s22+$0xA420];
	[tilespmem:s5+$0xFFFFFD70] =	vst v4  }
0x392: {  	v6 =	vadd.f32 v6, v3;
	v4 =	vld [tilespmem:s22+$0xA430];
	[tilespmem:s5+$0xFFFFFD80] =	vst v12  }
0x393: {  	v7 =	vadd.f32 v7, v3;
	v12 =	vld [tilespmem:s22+$0xA440];
	[tilespmem:s5+$0x110] =	vst v5  }
0x394: {  	s30 =	sadd.s32 $0x180, s9;
	s29 =	sadd.s32 $0x300, s10;
	v8 =	vadd.f32 v8, v3;
	v5 =	vld [tilespmem:s22+$0xA450];
	[tilespmem:s5+$0x120] =	vst v6  }
0x395: {  	s24 =	sand.u32 $0xF800, s29;
	s28 =	sand.u32 $0x380, s30;
	v9 =	vadd.f32 v9, v3;
	v6 =	vld [tilespmem:s22+$0xA460];
	[tilespmem:s5+$0x130] =	vst v7  }
0x396: {  	v10 =	vadd.f32 v10, v3;
	v7 =	vld [tilespmem:s22+$0xA470];
	[tilespmem:s5+$0x140] =	vst v8;
	s22 =	sor.u32 s28, s24  }
0x397: {  	v11 =	vadd.f32 v11, v3;
	v8 =	vld [tilespmem:s22+$0xA000];
	[tilespmem:s5+$0x150] =	vst v9  }
0x398: {  	v4 =	vadd.f32 v4, v3;
	v9 =	vld [tilespmem:s22+$0xA010];
	[tilespmem:s5+$0x160] =	vst v10  }
0x399: {  	v12 =	vadd.f32 v12, v3;
	v10 =	vld [tilespmem:s22+$0xA020];
	[tilespmem:s5+$0xFFFFFD90] =	vst v11  }
0x39a: {  	v5 =	vadd.f32 v5, v3;
	v11 =	vld [tilespmem:s22+$0xA030];
	[tilespmem:s5+$0xFFFFFDA0] =	vst v4  }
0x39b: {  	v6 =	vadd.f32 v6, v3;
	v4 =	vld [tilespmem:s22+$0xA040];
	[tilespmem:s5+$0xFFFFFDB0] =	vst v12  }
0x39c: {  	v7 =	vadd.f32 v7, v3;
	v12 =	vld [tilespmem:s22+$0xA050];
	[tilespmem:s5+$0xFFFFFDC0] =	vst v5  }
0x39d: {  	v8 =	vadd.f32 v8, v3;
	v5 =	vld [tilespmem:s22+$0xA060];
	[tilespmem:s5+$0xFFFFFDD0] =	vst v6  }
0x39e: {  	v9 =	vadd.f32 v9, v3;
	v6 =	vld [tilespmem:s22+$0xA070];
	[tilespmem:s5+$0xFFFFFDE0] =	vst v7  }
0x39f: {  	v10 =	vadd.f32 v10, v3;
	v7 =	vld [tilespmem:s22+$0xA400];
	[tilespmem:s5+$0xFFFFFDF0] =	vst v8  }
0x3a0: {  	v11 =	vadd.f32 v11, v3;
	v8 =	vld [tilespmem:s22+$0xA410];
	[tilespmem:s5+$0xFFFFFE00] =	vst v9  }
0x3a1: {  	v4 =	vadd.f32 v4, v3;
	v9 =	vld [tilespmem:s22+$0xA420];
	[tilespmem:s5+$0x190] =	vst v10  }
0x3a2: {  	v12 =	vadd.f32 v12, v3;
	v10 =	vld [tilespmem:s22+$0xA430];
	[tilespmem:s5+$0x1A0] =	vst v11  }
0x3a3: {  	v5 =	vadd.f32 v5, v3;
	v11 =	vld [tilespmem:s22+$0xA440];
	[tilespmem:s5+$0x1B0] =	vst v4  }
0x3a4: {  	s29 =	sadd.s32 $0x400, s10;
	s30 =	sadd.s32 $0x200, s9;
	v6 =	vadd.f32 v6, v3;
	v4 =	vld [tilespmem:s22+$0xA450];
	[tilespmem:s5+$0x1C0] =	vst v12  }
0x3a5: {  	s24 =	sand.u32 $0xF800, s29;
	s28 =	sand.u32 $0x380, s30;
	v7 =	vadd.f32 v7, v3;
	v12 =	vld [tilespmem:s22+$0xA460];
	[tilespmem:s5+$0x1D0] =	vst v5  }
0x3a6: {  	v8 =	vadd.f32 v8, v3;
	v5 =	vld [tilespmem:s22+$0xA470];
	[tilespmem:s5+$0x1E0] =	vst v6;
	s22 =	sor.u32 s28, s24  }
0x3a7: {  	v9 =	vadd.f32 v9, v3;
	v6 =	vld [tilespmem:s22+$0xA000];
	[tilespmem:s5+$0xFFFFFE10] =	vst v7  }
0x3a8: {  	v10 =	vadd.f32 v10, v3;
	v7 =	vld [tilespmem:s22+$0xA010];
	[tilespmem:s5+$0xFFFFFE20] =	vst v8  }
0x3a9: {  	v11 =	vadd.f32 v11, v3;
	v8 =	vld [tilespmem:s22+$0xA020];
	[tilespmem:s5+$0xFFFFFE30] =	vst v9  }
0x3aa: {  	v4 =	vadd.f32 v4, v3;
	v9 =	vld [tilespmem:s22+$0xA030];
	[tilespmem:s5+$0xFFFFFE40] =	vst v10  }
0x3ab: {  	v12 =	vadd.f32 v12, v3;
	v10 =	vld [tilespmem:s22+$0xA040];
	[tilespmem:s5+$0xFFFFFE50] =	vst v11  }
0x3ac: {  	v5 =	vadd.f32 v5, v3;
	v11 =	vld [tilespmem:s22+$0xA050];
	[tilespmem:s5+$0xFFFFFE60] =	vst v4  }
0x3ad: {  	v6 =	vadd.f32 v6, v3;
	v4 =	vld [tilespmem:s22+$0xA060];
	[tilespmem:s5+$0xFFFFFE70] =	vst v12  }
0x3ae: {  	v7 =	vadd.f32 v7, v3;
	v12 =	vld [tilespmem:s22+$0xA070];
	[tilespmem:s5+$0xFFFFFE80] =	vst v5  }
0x3af: {  	v8 =	vadd.f32 v8, v3;
	v5 =	vld [tilespmem:s22+$0xA400];
	[tilespmem:s5+$0x210] =	vst v6  }
0x3b0: {  	v9 =	vadd.f32 v9, v3;
	v6 =	vld [tilespmem:s22+$0xA410];
	[tilespmem:s5+$0x220] =	vst v7  }
0x3b1: {  	v10 =	vadd.f32 v10, v3;
	v7 =	vld [tilespmem:s22+$0xA420];
	[tilespmem:s5+$0x230] =	vst v8  }
0x3b2: {  	v11 =	vadd.f32 v11, v3;
	v8 =	vld [tilespmem:s22+$0xA430];
	[tilespmem:s5+$0x240] =	vst v9  }
0x3b3: {  	v4 =	vadd.f32 v4, v3;
	v9 =	vld [tilespmem:s22+$0xA440];
	[tilespmem:s5+$0x250] =	vst v10  }
0x3b4: {  	s29 =	sadd.s32 $0x500, s10;
	s30 =	sadd.s32 $0x280, s9;
	v12 =	vadd.f32 v12, v3;
	v10 =	vld [tilespmem:s22+$0xA450];
	[tilespmem:s5+$0x260] =	vst v11  }
0x3b5: {  	s24 =	sand.u32 $0xF800, s29;
	s28 =	sand.u32 $0x380, s30;
	v5 =	vadd.f32 v5, v3;
	v11 =	vld [tilespmem:s22+$0xA460];
	[tilespmem:s5+$0xFFFFFE90] =	vst v4  }
0x3b6: {  	s24 =	sor.u32 s28, s24;
	v6 =	vadd.f32 v6, v3;
	v4 =	vld [tilespmem:s22+$0xA470];
	[tilespmem:s5+$0xFFFFFEA0] =	vst v12  }
0x3b7: {  	v7 =	vadd.f32 v7, v3;
	v12 =	vld [tilespmem:s24+$0xA000];
	[tilespmem:s5+$0xFFFFFEB0] =	vst v5  }
0x3b8: {  	v8 =	vadd.f32 v8, v3;
	v5 =	vld [tilespmem:s24+$0xA010];
	[tilespmem:s5+$0xFFFFFEC0] =	vst v6  }
0x3b9: {  	v9 =	vadd.f32 v9, v3;
	v6 =	vld [tilespmem:s24+$0xA020];
	[tilespmem:s5+$0xFFFFFED0] =	vst v7  }
0x3ba: {  	v10 =	vadd.f32 v10, v3;
	v7 =	vld [tilespmem:s24+$0xA030];
	[tilespmem:s5+$0xFFFFFEE0] =	vst v8  }
0x3bb: {  	v11 =	vadd.f32 v11, v3;
	v8 =	vld [tilespmem:s24+$0xA040];
	[tilespmem:s5+$0xFFFFFEF0] =	vst v9  }
0x3bc: {  	v4 =	vadd.f32 v4, v3;
	v9 =	vld [tilespmem:s24+$0xA050];
	[tilespmem:s5+$0xFFFFFF00] =	vst v10  }
0x3bd: {  	v12 =	vadd.f32 v12, v3;
	v10 =	vld [tilespmem:s24+$0xA060];
	[tilespmem:s5+$0x290] =	vst v11  }
0x3be: {  	v5 =	vadd.f32 v5, v3;
	v11 =	vld [tilespmem:s24+$0xA070];
	[tilespmem:s5+$0x2A0] =	vst v4  }
0x3bf: {  	v6 =	vadd.f32 v6, v3;
	v4 =	vld [tilespmem:s24+$0xA400];
	[tilespmem:s5+$0x2B0] =	vst v12  }
0x3c0: {  	v7 =	vadd.f32 v7, v3;
	v12 =	vld [tilespmem:s24+$0xA410];
	[tilespmem:s5+$0x2C0] =	vst v5  }
0x3c1: {  	v8 =	vadd.f32 v8, v3;
	v5 =	vld [tilespmem:s24+$0xA420];
	[tilespmem:s5+$0x2D0] =	vst v6  }
0x3c2: {  	v9 =	vadd.f32 v9, v3;
	v6 =	vld [tilespmem:s24+$0xA430];
	[tilespmem:s5+$0x2E0] =	vst v7  }
0x3c3: {  	v10 =	vadd.f32 v10, v3;
	v7 =	vld [tilespmem:s24+$0xA440];
	[tilespmem:s5+$0xFFFFFF10] =	vst v8  }
0x3c4: {  	s29 =	sadd.s32 $0x300, s9;
	s28 =	sadd.s32 $0x600, s10;
	v11 =	vadd.f32 v11, v3;
	v8 =	vld [tilespmem:s24+$0xA450];
	[tilespmem:s5+$0xFFFFFF20] =	vst v9  }
0x3c5: {  	s9 =	sand.u32 $0x380, s29;
	s10 =	sand.u32 $0xF800, s28;
	v4 =	vadd.f32 v4, v3;
	v9 =	vld [tilespmem:s24+$0xA460];
	[tilespmem:s5+$0xFFFFFF30] =	vst v10  }
0x3c6: {  	s9 =	sor.u32 s9, s10;
	v12 =	vadd.f32 v12, v3;
	v10 =	vld [tilespmem:s24+$0xA470];
	[tilespmem:s5+$0xFFFFFF40] =	vst v11  }
0x3c7: {  	v5 =	vadd.f32 v5, v3;
	v11 =	vld [tilespmem:s9+$0xA000];
	[tilespmem:s5+$0xFFFFFF50] =	vst v4  }
0x3c8: {  	v6 =	vadd.f32 v6, v3;
	v4 =	vld [tilespmem:s9+$0xA010];
	[tilespmem:s5+$0xFFFFFF60] =	vst v12  }
0x3c9: {  	v7 =	vadd.f32 v7, v3;
	v12 =	vld [tilespmem:s9+$0xA020];
	[tilespmem:s5+$0xFFFFFF70] =	vst v5  }
0x3ca: {  	v8 =	vadd.f32 v8, v3;
	v5 =	vld [tilespmem:s9+$0xA030];
	[tilespmem:s5+$0xFFFFFF80] =	vst v6  }
0x3cb: {  	v9 =	vadd.f32 v9, v3;
	v6 =	vld [tilespmem:s9+$0xA040];
	[tilespmem:s5+$0x310] =	vst v7  }
0x3cc: {  	v10 =	vadd.f32 v10, v3;
	v7 =	vld [tilespmem:s9+$0xA050];
	[tilespmem:s5+$0x320] =	vst v8  }
0x3cd: {  	v11 =	vadd.f32 v11, v3;
	v8 =	vld [tilespmem:s9+$0xA060];
	[tilespmem:s5+$0x330] =	vst v9  }
0x3ce: {  	v4 =	vadd.f32 v4, v3;
	v9 =	vld [tilespmem:s9+$0xA070];
	[tilespmem:s5+$0x340] =	vst v10  }
0x3cf: {  	v12 =	vadd.f32 v12, v3;
	v10 =	vld [tilespmem:s9+$0xA400];
	[tilespmem:s5+$0x350] =	vst v11  }
0x3d0: {  	v5 =	vadd.f32 v5, v3;
	v11 =	vld [tilespmem:s9+$0xA410];
	[tilespmem:s5+$0x360] =	vst v4  }
0x3d1: {  	v6 =	vadd.f32 v6, v3;
	v4 =	vld [tilespmem:s9+$0xA420];
	[tilespmem:s5+$0xFFFFFF90] =	vst v12  }
0x3d2: {  	v7 =	vadd.f32 v7, v3;
	v12 =	vld [tilespmem:s9+$0xA430];
	[tilespmem:s5+$0xFFFFFFA0] =	vst v5  }
0x3d3: {  	v8 =	vadd.f32 v8, v3;
	v5 =	vld [tilespmem:s9+$0xA440];
	[tilespmem:s5+$0xFFFFFFB0] =	vst v6  }
0x3d4: {  	v9 =	vadd.f32 v9, v3;
	v6 =	vld [tilespmem:s9+$0xA450];
	[tilespmem:s5+$0xFFFFFFC0] =	vst v7  }
0x3d5: {  	v7 =	vld [tilespmem:s9+$0xA460];
	[tilespmem:s5+$0xFFFFFFD0] =	vst v8;
	v57 =	vadd.f32 v11, v3  }
0x3d6: {  	v58 =	vld [tilespmem:s9+$0xA470];
	[tilespmem:s5+$0xFFFFFFE0] =	vst v9;
	v4 =	vadd.f32 v4, v3  }
0x3d7: {  	[tilespmem:s5+$0x0] =	vst v57;
	v59 =	vadd.f32 v12, v3  }
0x3d8: {  	[tilespmem:s5+$0x390] =	vst v4;
	v60 =	vadd.f32 v5, v3  }
0x3d9: {  	s25 =	sadd.s32 $0x1, s25;
	[tilespmem:s5+$0x3A0] =	vst v59;
	v61 =	vadd.f32 v6, v3  }
0x3da: {  	p0 =	sne.s32 s25, $0x20;
	[tilespmem:s5+$0x3B0] =	vst v60;
	v62 =	vadd.f32 v7, v3  }
.Ltmp2:
0x3db: {  	[tilespmem:s5+$0x3C0] =	vst v61;
	v63 =	vadd.f32 v58, v3;
	(pc) =	sbr.rel @p0 .LBB2_2-.Ltmp2, $4  }
0x3dc: {  	v3 =	vadd.f32 v10, v3;
	[tilespmem:s5+$0x3D0] =	vst v62  }
0x3dd: {  	[tilespmem:s5+$0x3E0] =	vst v63  }
0x3de: {  	s30 =	sadd.s32 $0xE00, s6;
	[tilespmem:s5+$0xFFFFFFF0] =	vst v3  }
0x3df: {  	[hbm4b:s30+s3] =	stream.linear.scatter [tilespmem:s21], [sflag:$0x4], $0x7000, $0x38;
	[tilespmem:$0x1F000] =	vst v63  }
0x3e0: {  	s5 =	simm.s32 $0x3  }
0x3e1: {  	_ =	swait.ge [sflag:s5], $0x7000  }
0x3e2: {  	[sflag:s5] =	ssyncset.done $0x0  }
0x3e3: {  	[sflag:s5] =	ssyncadd.s32 $0xFFFF9000  }
0x3e4: {  	_ =	swait.ge [sflag:s23], $0x7000  }
0x3e5: {  	s6 =	rddreg [dreg:$0x7]  }
0x3e6: {  	s30 =	rddreg [dreg:$0x6];
	s6 =	sadd.s32 $0x1, s6  }
0x3e7: {  	p0 =	sne.s32 s6, s30  }
.Ltmp3:
0x3e8: {  	_ = 	snop;
	(pc) =	sbr.rel @p0 .LBB2_1-.Ltmp3, $3  }
0x3e9: {  	_ =	sdelay $0x1  }
0x3ea: {  	[sflag:s23] =	ssyncset.done $0x0  }
0x3eb: {  	[sflag:s23] =	ssyncadd.s32 $0xFFFF9000  }
0x3ec: {  	_ =	sfence.sel $0x180000  }
0x3ed: {  	[bflag:$0x0] =	sbarrier.arrive $0xFFFF  }
0x3ee: {  	_ =	strace $0x90000047  }
0x3ef: {  	s0 =	stileid.u32;
	[bflag:$0x2] =	sbarrier.arrive $0xFFFF  }
0x3f0: {  	p0 =	sne.s32 s0, $0x0;
	s0 =	rddreg [dreg:$0x3]  }
0x3f1: {  	s0 =	sadd.s32 @!p0 $0x100000, s0  }
0x3f2: {  	[sflag:s0] =	ssyncadd.tile.s32 @!p0 $0x1;
	_ =	shalt  }
.Lfunc_end2:
_tile_overlayer_lowered:
.L_overlay_start_2:
0x3f3: {  	(tag) =	ssettag $0x2  }
0x3f4: {  	s0 =	rddreg [dreg:$0x0];
	s2 =	stileid.u32  }
0x3f5: {  	s1 =	rddreg [dreg:$0x1];
	p0 =	sne.s32 s2, $0x0  }
0x3f6: {  	s3 =	rddreg [dreg:$0x2];
	[bflag:$0x3] =	sbarrier.arrive $0xFFFF;
	s2 =	simm.s32 @!p0 $0x1C05  }
0x3f7: {  	[timem:s3], [sflag:s2] =	dma.local @!p0 [hbm:s0], s1  }
0x3f8: {  	s0 =	simm.s32 @!p0 $0x5  }
0x3f9: {  	_ =	swait.ge @!p0 [sflag:s0], s1  }
0x3fa: {  	s1 =	ssub.s32 @!p0 $0x0, s1;
	[sflag:s0] =	ssyncset.done @!p0 $0x0  }
0x3fb: {  	[sflag:s0] =	ssyncadd.s32 @!p0 s1  }
0x3fc: {  	[bflag:$0x3] =	sbarrier.arrive $0xFFFF  }
0x3fd: {  	_ =	shalt  }

</sc_bundles>
